<compile_context>
chip_gen: v7x
topology: tpu7x:2x2x1
jax: 0.10.2.dev20260603
libtpu: 0.0.44.dev20260713+nightly
codegen_flags: <defaults>
</compile_context>

<pallas_src>
import functools

import jax
import jax.numpy as jnp
from jax import lax
from jax.experimental import pallas as pl
from jax.experimental.pallas import tpu as pltpu
from jax.experimental.pallas import tpu_sc as plsc

N_NODES = 10000
N_EDGES = 320000
D_IN = 128
D_HID = 128
N_CLS = 16

NC = 2
NS = 16
NP = NS * 640
RPT = NP // NS

CHUNK1 = 48
CH1_C0 = 316
CH1_C1 = 104
EP1 = NS * (CH1_C0 + CH1_C1) * CHUNK1

CHUNK2 = 128
CH2_C0 = 104
CH2_C1 = 56
EP2 = NS * (CH2_C0 + CH2_C1) * CHUNK2

EFLAT = 334080
M1 = EFLAT // CHUNK1
M2 = EFLAT // CHUNK2


def _make_agg(d, with_cnt, chunk, ch0, ch1):
  ch_max = max(ch0, ch1)
  assert ch0 % 4 == 0 and ch1 % 4 == 0 and chunk % 16 == 0
  out_type = [jax.ShapeDtypeStruct((NC, NP, d), jnp.float32)]
  if with_cnt:
    out_type.append(jax.ShapeDtypeStruct((NC, NP), jnp.float32))

  scratch = [
      pltpu.VMEM((4, chunk), jnp.int32),
      pltpu.VMEM((ch_max, chunk), jnp.int32),
      [pltpu.VMEM((chunk, d), jnp.float32)] * 4,
      pltpu.VMEM_SHARED((NP, d), jnp.float32),
      [pltpu.SemaphoreType.DMA] * 4,
      [pltpu.SemaphoreType.DMA] * 4,
      [pltpu.SemaphoreType.DMA] * 4,
  ]
  if with_cnt:
    scratch += [
        pltpu.VMEM((chunk,), jnp.float32),
        pltpu.VMEM((RPT,), jnp.float32),
        pltpu.VMEM_SHARED((NP,), jnp.float32),
        pltpu.SemaphoreType.DMA,
    ]

  mesh = plsc.VectorSubcoreMesh(core_axis_name="c", subcore_axis_name="s")

  @functools.partial(pl.kernel, mesh=mesh, out_type=out_type,
                     scratch_types=scratch,
                     compiler_params=pltpu.CompilerParams(
                         use_tc_tiling_on_sc=False))
  def body(feat_hbm, src_hbm, dst_hbm, *rest):
    if with_cnt:
      (agg_out, cnt_out, srr_v, dst_v, rows, agg_sh, isem, gsem, ssem,
       ones_v, zc_v, cnt_sh, csem) = rest
    else:
      (agg_out, srr_v, dst_v, rows, agg_sh, isem, gsem, ssem) = rest

    cid = lax.axis_index("c")
    sid = lax.axis_index("s")
    n_my = jnp.where(cid == 0, ch0, ch1)
    row0 = jnp.where(cid == 0, sid * ch0, NS * ch0 + sid * ch1)

    pltpu.sync_copy(dst_hbm.at[pl.ds(row0, ch_max)], dst_v)

    z16 = jnp.zeros((16,), jnp.float32)
    g = d // 16

    def zrow(i, c):
      rows[0][i // g, pl.ds((i % g) * 16, 16)] = z16
      return c
    lax.fori_loop(0, chunk * g, zrow, 0)
    full, rem = divmod(RPT, chunk)
    for k in range(full):
      pltpu.sync_copy(rows[0],
                      agg_sh.at[pl.ds(sid * RPT + k * chunk, chunk)])
    if rem:
      pltpu.sync_copy(rows[0].at[pl.ds(0, rem)],
                      agg_sh.at[pl.ds(sid * RPT + full * chunk, rem)])

    if with_cnt:
      one16 = jnp.ones((16,), jnp.float32)
      for k in range(chunk // 16):
        ones_v[pl.ds(k * 16, 16)] = one16

      def zcnt(i, c):
        zc_v[pl.ds(i * 16, 16)] = z16
        return c
      lax.fori_loop(0, RPT // 16, zcnt, 0)
      pltpu.sync_copy(zc_v, cnt_sh.at[pl.ds(sid * RPT, RPT)])

    plsc.subcore_barrier()

    def fire_src(jj, sl):
      pltpu.async_copy(src_hbm.at[pl.ds(row0 + jj, 1)],
                       srr_v.at[pl.ds(sl, 1)], isem[sl])

    def wait_src(sl):
      pltpu.make_async_copy(src_hbm.at[pl.ds(row0, 1)],
                            srr_v.at[pl.ds(sl, 1)], isem[sl]).wait()

    def fire_gather(b):
      pltpu.async_copy(feat_hbm.at[srr_v.at[b]], rows[b], gsem[b])

    def wait_gather(b):
      pltpu.make_async_copy(feat_hbm.at[srr_v.at[b]], rows[b],
                            gsem[b]).wait()

    def wait_scatter(b):
      pltpu.make_async_copy(rows[b], agg_sh.at[dst_v.at[0]],
                            ssem[b]).wait()

    def step(j, b, guarded):
      sl2 = (b + 2) % 4
      wait_src(sl2)
      wait_gather(b)
      pltpu.async_copy(rows[b], agg_sh.at[dst_v.at[j]], ssem[b], add=True)
      if with_cnt:
        pltpu.async_copy(ones_v, cnt_sh.at[dst_v.at[j]], csem, add=True)
      if not guarded:
        wait_scatter(sl2)
      fire_gather(sl2)
      fire_src(lax.rem(j + 4, n_my), b)

    for k in range(4):
      fire_src(jnp.int32(k), k)
    for k in range(2):
      wait_src(k)
      fire_gather(k)

    for b in range(4):
      step(jnp.int32(b), b, guarded=b < 2)

    def ring_pass(j4, c):
      for b in range(4):
        step(4 * j4 + b, b, guarded=False)
      return c
    lax.fori_loop(1, n_my // 4, ring_pass, 0)

    wait_gather(0)
    wait_gather(1)
    wait_scatter(2)
    wait_scatter(3)
    wait_src(2)
    wait_src(3)
    if with_cnt:
      def cnt_drain(j, c):
        pltpu.make_async_copy(ones_v, cnt_sh.at[dst_v.at[0]], csem).wait()
        return c
      lax.fori_loop(0, n_my, cnt_drain, 0)

    plsc.subcore_barrier()

    r0 = sid * RPT
    pltpu.sync_copy(agg_sh.at[pl.ds(r0, RPT)],
                    agg_out.at[cid, pl.ds(r0, RPT)])
    if with_cnt:
      pltpu.sync_copy(cnt_sh.at[pl.ds(r0, RPT)],
                      cnt_out.at[cid, pl.ds(r0, RPT)])

  return body


_agg_l1 = _make_agg(D_IN, True, CHUNK1, CH1_C0, CH1_C1)
_agg_l2 = _make_agg(N_CLS, False, CHUNK2, CH2_C0, CH2_C1)

BLK = 1024
GRID = NP // BLK


def _tc1_body(aggp, cnt_t, xp, w1l, w1r, b1, w2l, w2r, b2,
              h_out, y2_out, z2_out):
  agg = aggp[0] + aggp[1]
  cnt = cnt_t[:, 0] + cnt_t[:, 1]
  inv = 1.0 / jnp.maximum(cnt, 1.0)
  mean = agg * inv[:, None]
  h = mean @ w1l[...] + xp[...] @ w1r[...] + b1[...]
  h = jnp.maximum(h, 0.0)
  h_out[...] = h
  y2_out[...] = h @ w2l[...]
  z2_out[...] = h @ w2r[...] + b2[...]


_tc1 = pl.pallas_call(
    _tc1_body,
    grid=(GRID,),
    in_specs=[
        pl.BlockSpec((NC, BLK, D_IN), lambda i: (0, i, 0)),
        pl.BlockSpec((BLK, NC), lambda i: (i, 0)),
        pl.BlockSpec((BLK, D_IN), lambda i: (i, 0)),
        pl.BlockSpec((D_IN, D_HID), lambda i: (0, 0)),
        pl.BlockSpec((D_IN, D_HID), lambda i: (0, 0)),
        pl.BlockSpec((1, D_HID), lambda i: (0, 0)),
        pl.BlockSpec((D_HID, N_CLS), lambda i: (0, 0)),
        pl.BlockSpec((D_HID, N_CLS), lambda i: (0, 0)),
        pl.BlockSpec((1, N_CLS), lambda i: (0, 0)),
    ],
    out_specs=[
        pl.BlockSpec((BLK, D_HID), lambda i: (i, 0)),
        pl.BlockSpec((BLK, N_CLS), lambda i: (i, 0)),
        pl.BlockSpec((BLK, N_CLS), lambda i: (i, 0)),
    ],
    out_shape=[
        jax.ShapeDtypeStruct((NP, D_HID), jnp.float32),
        jax.ShapeDtypeStruct((NP, N_CLS), jnp.float32),
        jax.ShapeDtypeStruct((NP, N_CLS), jnp.float32),
    ],
)


def _tc2_body(agg2p, cnt_t, z2, out):
  s = agg2p[0] + agg2p[1]
  cnt = cnt_t[:, 0] + cnt_t[:, 1]
  inv = 1.0 / jnp.maximum(cnt, 1.0)
  out[...] = (s * inv[:, None] + z2[...])[:N_NODES]


_tc2 = pl.pallas_call(
    _tc2_body,
    in_specs=[
        pl.BlockSpec((NC, NP, N_CLS), lambda: (0, 0, 0)),
        pl.BlockSpec((NP, NC), lambda: (0, 0)),
        pl.BlockSpec((NP, N_CLS), lambda: (0, 0)),
    ],
    out_specs=pl.BlockSpec((N_NODES, N_CLS), lambda: (0, 0)),
    out_shape=jax.ShapeDtypeStruct((N_NODES, N_CLS), jnp.float32),
)


def kernel(x, edge_index, W1_l, W1_r, b1, W2_l, W2_r, b2):
  src = edge_index[0].astype(jnp.int32)
  dst = edge_index[1].astype(jnp.int32)
  pad = EFLAT - N_EDGES
  srcp = jnp.concatenate([src, jnp.zeros((pad,), jnp.int32)])
  dstp = jnp.concatenate([dst, jnp.full((pad,), NP - 1, jnp.int32)])

  aggp, cntp = _agg_l1(x, srcp.reshape(M1, CHUNK1), dstp.reshape(M1, CHUNK1))
  cnt_t = cntp.T
  xp = jnp.pad(x, ((0, NP - N_NODES), (0, 0)))

  h, y2, z2 = _tc1(aggp, cnt_t, xp, W1_l, W1_r, b1.reshape(1, -1),
                   W2_l, W2_r, b2.reshape(1, -1))

  (agg2p,) = _agg_l2(y2, srcp.reshape(M2, CHUNK2), dstp.reshape(M2, CHUNK2))
  return _tc2(agg2p, cnt_t, z2)

# --- scband reference (transcript-rebuilt; emitter-appended) ---
"""Pipeline reference for scband-gnnclassifier-8022998909728 (READ-ONLY COPY).

The authoritative reference and input builder live on the scoring server;
editing this copy changes nothing except your own understanding.
"""

import jax, jax.numpy as jnp
import numpy as np

N_NODES = 10000
N_EDGES = 320000
D_IN = 128
D_HID = 128
N_CLS = 16


def setup_inputs(seed: int = 0) -> dict:
    key = jax.random.key(seed)
    ks = jax.random.split(key, 8)
    x = jax.random.normal(ks[0], (N_NODES, D_IN), dtype=jnp.float32)
    edge_index = jax.random.randint(ks[1], (2, N_EDGES), 0, N_NODES, dtype=jnp.int64)
    # SAGEConv params: lin_l (applied to aggregated neighbors, carries bias), lin_r (root)
    def glorot(k, fan_in, fan_out):
        lim = (6.0 / (fan_in + fan_out)) ** 0.5
        return jax.random.uniform(k, (fan_in, fan_out), minval=-lim, maxval=lim, dtype=jnp.float32)
    W1_l = glorot(ks[2], D_IN, D_HID)
    W1_r = glorot(ks[3], D_IN, D_HID)
    b1 = jnp.zeros((D_HID,), dtype=jnp.float32)
    W2_l = glorot(ks[4], D_HID, N_CLS)
    W2_r = glorot(ks[5], D_HID, N_CLS)
    b2 = jnp.zeros((N_CLS,), dtype=jnp.float32)
    return {"x": x, "edge_index": edge_index, "W1_l": W1_l, "W1_r": W1_r, "b1": b1,
            "W2_l": W2_l, "W2_r": W2_r, "b2": b2}


def _sage_conv(x, src, dst, W_l, W_r, b, num_nodes):
    # mean aggregation of neighbor messages (source -> target)
    msg = jnp.take(x, src, axis=0)
    agg = jax.ops.segment_sum(msg, dst, num_segments=num_nodes)
    cnt = jax.ops.segment_sum(jnp.ones((src.shape[0],), dtype=x.dtype), dst, num_segments=num_nodes)
    mean = agg / jnp.maximum(cnt, 1.0)[:, None]
    return mean @ W_l + x @ W_r + b


def reference(x, edge_index, W1_l, W1_r, b1, W2_l, W2_r, b2):
    src = edge_index[0]
    dst = edge_index[1]
    h = _sage_conv(x, src, dst, W1_l, W1_r, b1, N_NODES)
    h = jax.nn.relu(h)
    # dropout is identity at inference
    out = _sage_conv(h, src, dst, W2_l, W2_r, b2, N_NODES)
    return out

if __name__ == "__main__":
    import jax
    _d = setup_inputs()
    print(jax.jit(kernel)(*tuple(_d.values())))

</pallas_src>

<mosaic_0001>
#map = affine_map<(d0, d1) -> (0, 0)>
#map1 = affine_map<(d0, d1) -> (0, 0, 0)>
module attributes {stable_mosaic.version = 14 : i64} {
  func.func @body(%arg0: i32, %arg1: i32, %arg2: memref<10000x128xf32, #tpu.memory_space<hbm>>, %arg3: memref<6960x48xi32, #tpu.memory_space<hbm>>, %arg4: memref<6960x48xi32, #tpu.memory_space<hbm>>, %arg5: memref<2x10240x128xf32, #tpu.memory_space<hbm>>, %arg6: memref<2x10240xf32, #tpu.memory_space<hbm>>, %arg7: memref<4x48xi32, #tpu.memory_space<vmem>>, %arg8: memref<316x48xi32, #tpu.memory_space<vmem>>, %arg9: memref<48x128xf32, #tpu.memory_space<vmem>>, %arg10: memref<48x128xf32, #tpu.memory_space<vmem>>, %arg11: memref<48x128xf32, #tpu.memory_space<vmem>>, %arg12: memref<48x128xf32, #tpu.memory_space<vmem>>, %arg13: memref<10240x128xf32, #tpu.memory_space<vmem_shared>>, %arg14: memref<!tpu.dma_semaphore, #tpu.memory_space<semaphore_mem>>, %arg15: memref<!tpu.dma_semaphore, #tpu.memory_space<semaphore_mem>>, %arg16: memref<!tpu.dma_semaphore, #tpu.memory_space<semaphore_mem>>, %arg17: memref<!tpu.dma_semaphore, #tpu.memory_space<semaphore_mem>>, %arg18: memref<!tpu.dma_semaphore, #tpu.memory_space<semaphore_mem>>, %arg19: memref<!tpu.dma_semaphore, #tpu.memory_space<semaphore_mem>>, %arg20: memref<!tpu.dma_semaphore, #tpu.memory_space<semaphore_mem>>, %arg21: memref<!tpu.dma_semaphore, #tpu.memory_space<semaphore_mem>>, %arg22: memref<!tpu.dma_semaphore, #tpu.memory_space<semaphore_mem>>, %arg23: memref<!tpu.dma_semaphore, #tpu.memory_space<semaphore_mem>>, %arg24: memref<!tpu.dma_semaphore, #tpu.memory_space<semaphore_mem>>, %arg25: memref<!tpu.dma_semaphore, #tpu.memory_space<semaphore_mem>>, %arg26: memref<48xf32, #tpu.memory_space<vmem>>, %arg27: memref<640xf32, #tpu.memory_space<vmem>>, %arg28: memref<10240xf32, #tpu.memory_space<vmem_shared>>, %arg29: memref<!tpu.dma_semaphore, #tpu.memory_space<semaphore_mem>>) attributes {dimension_semantics = [#tpu.dimension_semantics<core_parallel>, #tpu.dimension_semantics<subcore_parallel>], iteration_bounds = array<i64: 2, 16>, scalar_prefetch = 0 : i64, scratch_operands = 23 : i64, tpu.core_type = #tpu.core_type<sc_vector_subcore>, window_params = [{transform_indices = #map}, {transform_indices = #map}, {transform_indices = #map}, {transform_indices = #map1}, {transform_indices = #map}]} {
    %eq3A = arith.constant 0 : i32
    %eq3A_0 = arith.cmpi eq, %arg0, %eq3A : i32
    %jit3A = arith.constant 316 : i32
    %jit3A_1 = arith.constant 104 : i32
    %select_n3A = arith.select %eq3A_0, %jit3A, %jit3A_1 : i32
    %eq3A_2 = arith.constant 0 : i32
    %eq3A_3 = arith.cmpi eq, %arg0, %eq3A_2 : i32
    %mul3A = arith.constant 316 : i32
    %mul3A_4 = arith.muli %arg1, %mul3A : i32
    %mul3A_5 = arith.constant 104 : i32
    %mul3A_6 = arith.muli %arg1, %mul3A_5 : i32
    %add3A = arith.constant 5056 : i32
    %add3A_7 = arith.addi %add3A, %mul3A_6 : i32
    %select_n3A_8 = arith.select %eq3A_3, %mul3A_4, %add3A_7 : i32
    "tpu.region"() ({
      %run_scoped3A = tpu.sem_alloc : memref<!tpu.dma_semaphore, #tpu.memory_space<semaphore_mem>>
      %dma_start3A_482 = arith.constant 0 : i32
      %dma_start3A_483 = tpu.memref_slice %arg4[%select_n3A_8, %dma_start3A_482] : memref<6960x48xi32, #tpu.memory_space<hbm>> -> memref<316x48xi32, #tpu.memory_space<hbm>>
      %dma_start3A_484 = arith.constant 0 : i32
      %dma_start3A_485 = tpu.memref_slice %arg4[%select_n3A_8, %dma_start3A_484] : memref<6960x48xi32, #tpu.memory_space<hbm>> -> memref<316x48xi32, #tpu.memory_space<hbm>>
      tpu.enqueue_dma source(%dma_start3A_485 : memref<316x48xi32, #tpu.memory_space<hbm>>) target(%arg8 : memref<316x48xi32, #tpu.memory_space<vmem>>) target_semaphore(%run_scoped3A : memref<!tpu.dma_semaphore, #tpu.memory_space<semaphore_mem>>)
      %dma_wait3A_486 = arith.constant 0 : i32
      %dma_wait3A_487 = tpu.memref_slice %arg4[%select_n3A_8, %dma_wait3A_486] : memref<6960x48xi32, #tpu.memory_space<hbm>> -> memref<316x48xi32, #tpu.memory_space<hbm>>
      %dma_wait3A_488 = arith.constant 0 : i32
      %dma_wait3A_489 = tpu.memref_slice %arg4[%select_n3A_8, %dma_wait3A_488] : memref<6960x48xi32, #tpu.memory_space<hbm>> -> memref<316x48xi32, #tpu.memory_space<hbm>>
      tpu.wait_dma2 semaphore(%run_scoped3A : memref<!tpu.dma_semaphore, #tpu.memory_space<semaphore_mem>>) src(%dma_wait3A_489 : memref<316x48xi32, #tpu.memory_space<hbm>>) dst(%arg8 : memref<316x48xi32, #tpu.memory_space<vmem>>)
      tpu.yield
    }) : () -> ()
    %broadcast_in_dim3A = arith.constant 0.000000e+00 : f32
    %broadcast_in_dim3A_9 = vector.broadcast %broadcast_in_dim3A : f32 to vector<16xf32>
    %scan3A = arith.constant 0 : i32
    %scan3A_10 = arith.constant 0 : i32
    %scan3A_11 = arith.constant 384 : i32
    %scan3A_12 = arith.addi %scan3A_10, %scan3A_11 : i32
    %scan3A_13 = arith.constant 1 : i32
    scf.for %scan3A_482 = %scan3A_10 to %scan3A_12 step %scan3A_13  : i32 {
      %jit3A_483 = arith.constant 8 : i32
      %div3A_484 = arith.divsi %scan3A_482, %jit3A_483 : i32
      %sign3A_485 = arith.constant 0 : i32
      %sign3A_486 = arith.cmpi sgt, %scan3A_482, %sign3A_485 : i32
      %sign3A_487 = arith.extui %sign3A_486 : i1 to i32
      %sign3A_488 = arith.constant 0 : i32
      %sign3A_489 = arith.cmpi slt, %scan3A_482, %sign3A_488 : i32
      %sign3A_490 = arith.extui %sign3A_489 : i1 to i32
      %sign3A_491 = arith.subi %sign3A_487, %sign3A_490 : i32
      %sign3A_492 = arith.constant 0 : i32
      %sign3A_493 = arith.cmpi sgt, %jit3A_483, %sign3A_492 : i32
      %sign3A_494 = arith.extui %sign3A_493 : i1 to i32
      %sign3A_495 = arith.constant 0 : i32
      %sign3A_496 = arith.cmpi slt, %jit3A_483, %sign3A_495 : i32
      %sign3A_497 = arith.extui %sign3A_496 : i1 to i32
      %sign3A_498 = arith.subi %sign3A_494, %sign3A_497 : i32
      %ne3A_499 = arith.cmpi ne, %sign3A_491, %sign3A_498 : i32
      %rem3A_500 = arith.remsi %scan3A_482, %jit3A_483 : i32
      %ne3A_501 = arith.constant 0 : i32
      %ne3A_502 = arith.cmpi ne, %rem3A_500, %ne3A_501 : i32
      %and3A_503 = arith.andi %ne3A_499, %ne3A_502 : i1
      %sub3A_504 = arith.constant 1 : i32
      %sub3A_505 = arith.subi %div3A_484, %sub3A_504 : i32
      %select_n3A_506 = arith.select %and3A_503, %sub3A_505, %div3A_484 : i32
      %jit3A_507 = arith.constant 8 : i32
      %eq3A_508 = arith.constant 0 : i32
      %eq3A_509 = arith.cmpi eq, %jit3A_507, %eq3A_508 : i32
      %jit3A_510 = arith.constant 1 : i32
      %select_n3A_511 = arith.select %eq3A_509, %jit3A_510, %jit3A_507 : i32
      %rem3A_512 = arith.remsi %scan3A_482, %select_n3A_511 : i32
      %ne3A_513 = arith.constant 0 : i32
      %ne3A_514 = arith.cmpi ne, %rem3A_512, %ne3A_513 : i32
      %lt3A = arith.constant 0 : i32
      %lt3A_515 = arith.cmpi slt, %rem3A_512, %lt3A : i32
      %lt3A_516 = arith.constant 0 : i32
      %lt3A_517 = arith.cmpi slt, %select_n3A_511, %lt3A_516 : i32
      %ne3A_518 = arith.xori %lt3A_515, %lt3A_517 : i1
      %and3A_519 = arith.andi %ne3A_518, %ne3A_514 : i1
      %add3A_520 = arith.addi %rem3A_512, %select_n3A_511 : i32
      %select_n3A_521 = arith.select %and3A_519, %add3A_520, %rem3A_512 : i32
      %mul3A_522 = arith.constant 16 : i32
      %mul3A_523 = arith.muli %select_n3A_521, %mul3A_522 : i32
      %swap3A_524 = arith.index_cast %select_n3A_506 : i32 to index
      %swap3A_525 = arith.index_cast %mul3A_523 : i32 to index
      %swap3A_526 = tpu.vector_load %arg9[%swap3A_524, %swap3A_525] {strides = array<i32>} : memref<48x128xf32, #tpu.memory_space<vmem>>, vector<1x16xf32>,
      %swap3A_527 = vector.shape_cast %swap3A_526 : vector<1x16xf32> to vector<16xf32>
      %swap3A_528 = vector.shape_cast %broadcast_in_dim3A_9 : vector<16xf32> to vector<1x16xf32>
      tpu.vector_store %arg9[%swap3A_524, %swap3A_525], %swap3A_528 {strides = array<i32>} : memref<48x128xf32, #tpu.memory_space<vmem>>, vector<1x16xf32>,
    }
    %scan3A_14 = arith.constant 384 : i32
    %mul3A_15 = arith.constant 640 : i32
    %mul3A_16 = arith.muli %arg1, %mul3A_15 : i32
    %add3A_17 = arith.constant 0 : i32
    %add3A_18 = arith.addi %mul3A_16, %add3A_17 : i32
    "tpu.region"() ({
      %run_scoped3A = tpu.sem_alloc : memref<!tpu.dma_semaphore, #tpu.memory_space<semaphore_mem>>
      %dma_start3A_482 = arith.constant 0 : i32
      %dma_start3A_483 = tpu.memref_slice %arg13[%add3A_18, %dma_start3A_482] : memref<10240x128xf32, #tpu.memory_space<vmem_shared>> -> memref<48x128xf32, #tpu.memory_space<vmem_shared>>
      %dma_start3A_484 = arith.constant 0 : i32
      %dma_start3A_485 = tpu.memref_slice %arg13[%add3A_18, %dma_start3A_484] : memref<10240x128xf32, #tpu.memory_space<vmem_shared>> -> memref<48x128xf32, #tpu.memory_space<vmem_shared>>
      tpu.enqueue_dma source(%arg9 : memref<48x128xf32, #tpu.memory_space<vmem>>) target(%dma_start3A_485 : memref<48x128xf32, #tpu.memory_space<vmem_shared>>) target_semaphore(%run_scoped3A : memref<!tpu.dma_semaphore, #tpu.memory_space<semaphore_mem>>)
      %dma_wait3A_486 = arith.constant 0 : i32
      %dma_wait3A_487 = tpu.memref_slice %arg13[%add3A_18, %dma_wait3A_486] : memref<10240x128xf32, #tpu.memory_space<vmem_shared>> -> memref<48x128xf32, #tpu.memory_space<vmem_shared>>
      %dma_wait3A_488 = arith.constant 0 : i32
      %dma_wait3A_489 = tpu.memref_slice %arg13[%add3A_18, %dma_wait3A_488] : memref<10240x128xf32, #tpu.memory_space<vmem_shared>> -> memref<48x128xf32, #tpu.memory_space<vmem_shared>>
      tpu.wait_dma2 semaphore(%run_scoped3A : memref<!tpu.dma_semaphore, #tpu.memory_space<semaphore_mem>>) src(%arg9 : memref<48x128xf32, #tpu.memory_space<vmem>>) dst(%dma_wait3A_489 : memref<48x128xf32, #tpu.memory_space<vmem_shared>>)
      tpu.yield
    }) : () -> ()
    %mul3A_19 = arith.constant 640 : i32
    %mul3A_20 = arith.muli %arg1, %mul3A_19 : i32
    %add3A_21 = arith.constant 48 : i32
    %add3A_22 = arith.addi %mul3A_20, %add3A_21 : i32
    "tpu.region"() ({
      %run_scoped3A = tpu.sem_alloc : memref<!tpu.dma_semaphore, #tpu.memory_space<semaphore_mem>>
      %dma_start3A_482 = arith.constant 0 : i32
      %dma_start3A_483 = tpu.memref_slice %arg13[%add3A_22, %dma_start3A_482] : memref<10240x128xf32, #tpu.memory_space<vmem_shared>> -> memref<48x128xf32, #tpu.memory_space<vmem_shared>>
      %dma_start3A_484 = arith.constant 0 : i32
      %dma_start3A_485 = tpu.memref_slice %arg13[%add3A_22, %dma_start3A_484] : memref<10240x128xf32, #tpu.memory_space<vmem_shared>> -> memref<48x128xf32, #tpu.memory_space<vmem_shared>>
      tpu.enqueue_dma source(%arg9 : memref<48x128xf32, #tpu.memory_space<vmem>>) target(%dma_start3A_485 : memref<48x128xf32, #tpu.memory_space<vmem_shared>>) target_semaphore(%run_scoped3A : memref<!tpu.dma_semaphore, #tpu.memory_space<semaphore_mem>>)
      %dma_wait3A_486 = arith.constant 0 : i32
      %dma_wait3A_487 = tpu.memref_slice %arg13[%add3A_22, %dma_wait3A_486] : memref<10240x128xf32, #tpu.memory_space<vmem_shared>> -> memref<48x128xf32, #tpu.memory_space<vmem_shared>>
      %dma_wait3A_488 = arith.constant 0 : i32
      %dma_wait3A_489 = tpu.memref_slice %arg13[%add3A_22, %dma_wait3A_488] : memref<10240x128xf32, #tpu.memory_space<vmem_shared>> -> memref<48x128xf32, #tpu.memory_space<vmem_shared>>
      tpu.wait_dma2 semaphore(%run_scoped3A : memref<!tpu.dma_semaphore, #tpu.memory_space<semaphore_mem>>) src(%arg9 : memref<48x128xf32, #tpu.memory_space<vmem>>) dst(%dma_wait3A_489 : memref<48x128xf32, #tpu.memory_space<vmem_shared>>)
      tpu.yield
    }) : () -> ()
    %mul3A_23 = arith.constant 640 : i32
    %mul3A_24 = arith.muli %arg1, %mul3A_23 : i32
    %add3A_25 = arith.constant 96 : i32
    %add3A_26 = arith.addi %mul3A_24, %add3A_25 : i32
    "tpu.region"() ({
      %run_scoped3A = tpu.sem_alloc : memref<!tpu.dma_semaphore, #tpu.memory_space<semaphore_mem>>
      %dma_start3A_482 = arith.constant 0 : i32
      %dma_start3A_483 = tpu.memref_slice %arg13[%add3A_26, %dma_start3A_482] : memref<10240x128xf32, #tpu.memory_space<vmem_shared>> -> memref<48x128xf32, #tpu.memory_space<vmem_shared>>
      %dma_start3A_484 = arith.constant 0 : i32
      %dma_start3A_485 = tpu.memref_slice %arg13[%add3A_26, %dma_start3A_484] : memref<10240x128xf32, #tpu.memory_space<vmem_shared>> -> memref<48x128xf32, #tpu.memory_space<vmem_shared>>
      tpu.enqueue_dma source(%arg9 : memref<48x128xf32, #tpu.memory_space<vmem>>) target(%dma_start3A_485 : memref<48x128xf32, #tpu.memory_space<vmem_shared>>) target_semaphore(%run_scoped3A : memref<!tpu.dma_semaphore, #tpu.memory_space<semaphore_mem>>)
      %dma_wait3A_486 = arith.constant 0 : i32
      %dma_wait3A_487 = tpu.memref_slice %arg13[%add3A_26, %dma_wait3A_486] : memref<10240x128xf32, #tpu.memory_space<vmem_shared>> -> memref<48x128xf32, #tpu.memory_space<vmem_shared>>
      %dma_wait3A_488 = arith.constant 0 : i32
      %dma_wait3A_489 = tpu.memref_slice %arg13[%add3A_26, %dma_wait3A_488] : memref<10240x128xf32, #tpu.memory_space<vmem_shared>> -> memref<48x128xf32, #tpu.memory_space<vmem_shared>>
      tpu.wait_dma2 semaphore(%run_scoped3A : memref<!tpu.dma_semaphore, #tpu.memory_space<semaphore_mem>>) src(%arg9 : memref<48x128xf32, #tpu.memory_space<vmem>>) dst(%dma_wait3A_489 : memref<48x128xf32, #tpu.memory_space<vmem_shared>>)
      tpu.yield
    }) : () -> ()
    %mul3A_27 = arith.constant 640 : i32
    %mul3A_28 = arith.muli %arg1, %mul3A_27 : i32
    %add3A_29 = arith.constant 144 : i32
    %add3A_30 = arith.addi %mul3A_28, %add3A_29 : i32
    "tpu.region"() ({
      %run_scoped3A = tpu.sem_alloc : memref<!tpu.dma_semaphore, #tpu.memory_space<semaphore_mem>>
      %dma_start3A_482 = arith.constant 0 : i32
      %dma_start3A_483 = tpu.memref_slice %arg13[%add3A_30, %dma_start3A_482] : memref<10240x128xf32, #tpu.memory_space<vmem_shared>> -> memref<48x128xf32, #tpu.memory_space<vmem_shared>>
      %dma_start3A_484 = arith.constant 0 : i32
      %dma_start3A_485 = tpu.memref_slice %arg13[%add3A_30, %dma_start3A_484] : memref<10240x128xf32, #tpu.memory_space<vmem_shared>> -> memref<48x128xf32, #tpu.memory_space<vmem_shared>>
      tpu.enqueue_dma source(%arg9 : memref<48x128xf32, #tpu.memory_space<vmem>>) target(%dma_start3A_485 : memref<48x128xf32, #tpu.memory_space<vmem_shared>>) target_semaphore(%run_scoped3A : memref<!tpu.dma_semaphore, #tpu.memory_space<semaphore_mem>>)
      %dma_wait3A_486 = arith.constant 0 : i32
      %dma_wait3A_487 = tpu.memref_slice %arg13[%add3A_30, %dma_wait3A_486] : memref<10240x128xf32, #tpu.memory_space<vmem_shared>> -> memref<48x128xf32, #tpu.memory_space<vmem_shared>>
      %dma_wait3A_488 = arith.constant 0 : i32
      %dma_wait3A_489 = tpu.memref_slice %arg13[%add3A_30, %dma_wait3A_488] : memref<10240x128xf32, #tpu.memory_space<vmem_shared>> -> memref<48x128xf32, #tpu.memory_space<vmem_shared>>
      tpu.wait_dma2 semaphore(%run_scoped3A : memref<!tpu.dma_semaphore, #tpu.memory_space<semaphore_mem>>) src(%arg9 : memref<48x128xf32, #tpu.memory_space<vmem>>) dst(%dma_wait3A_489 : memref<48x128xf32, #tpu.memory_space<vmem_shared>>)
      tpu.yield
    }) : () -> ()
    %mul3A_31 = arith.constant 640 : i32
    %mul3A_32 = arith.muli %arg1, %mul3A_31 : i32
    %add3A_33 = arith.constant 192 : i32
    %add3A_34 = arith.addi %mul3A_32, %add3A_33 : i32
    "tpu.region"() ({
      %run_scoped3A = tpu.sem_alloc : memref<!tpu.dma_semaphore, #tpu.memory_space<semaphore_mem>>
      %dma_start3A_482 = arith.constant 0 : i32
      %dma_start3A_483 = tpu.memref_slice %arg13[%add3A_34, %dma_start3A_482] : memref<10240x128xf32, #tpu.memory_space<vmem_shared>> -> memref<48x128xf32, #tpu.memory_space<vmem_shared>>
      %dma_start3A_484 = arith.constant 0 : i32
      %dma_start3A_485 = tpu.memref_slice %arg13[%add3A_34, %dma_start3A_484] : memref<10240x128xf32, #tpu.memory_space<vmem_shared>> -> memref<48x128xf32, #tpu.memory_space<vmem_shared>>
      tpu.enqueue_dma source(%arg9 : memref<48x128xf32, #tpu.memory_space<vmem>>) target(%dma_start3A_485 : memref<48x128xf32, #tpu.memory_space<vmem_shared>>) target_semaphore(%run_scoped3A : memref<!tpu.dma_semaphore, #tpu.memory_space<semaphore_mem>>)
      %dma_wait3A_486 = arith.constant 0 : i32
      %dma_wait3A_487 = tpu.memref_slice %arg13[%add3A_34, %dma_wait3A_486] : memref<10240x128xf32, #tpu.memory_space<vmem_shared>> -> memref<48x128xf32, #tpu.memory_space<vmem_shared>>
      %dma_wait3A_488 = arith.constant 0 : i32
      %dma_wait3A_489 = tpu.memref_slice %arg13[%add3A_34, %dma_wait3A_488] : memref<10240x128xf32, #tpu.memory_space<vmem_shared>> -> memref<48x128xf32, #tpu.memory_space<vmem_shared>>
      tpu.wait_dma2 semaphore(%run_scoped3A : memref<!tpu.dma_semaphore, #tpu.memory_space<semaphore_mem>>) src(%arg9 : memref<48x128xf32, #tpu.memory_space<vmem>>) dst(%dma_wait3A_489 : memref<48x128xf32, #tpu.memory_space<vmem_shared>>)
      tpu.yield
    }) : () -> ()
    %mul3A_35 = arith.constant 640 : i32
    %mul3A_36 = arith.muli %arg1, %mul3A_35 : i32
    %add3A_37 = arith.constant 240 : i32
    %add3A_38 = arith.addi %mul3A_36, %add3A_37 : i32
    "tpu.region"() ({
      %run_scoped3A = tpu.sem_alloc : memref<!tpu.dma_semaphore, #tpu.memory_space<semaphore_mem>>
      %dma_start3A_482 = arith.constant 0 : i32
      %dma_start3A_483 = tpu.memref_slice %arg13[%add3A_38, %dma_start3A_482] : memref<10240x128xf32, #tpu.memory_space<vmem_shared>> -> memref<48x128xf32, #tpu.memory_space<vmem_shared>>
      %dma_start3A_484 = arith.constant 0 : i32
      %dma_start3A_485 = tpu.memref_slice %arg13[%add3A_38, %dma_start3A_484] : memref<10240x128xf32, #tpu.memory_space<vmem_shared>> -> memref<48x128xf32, #tpu.memory_space<vmem_shared>>
      tpu.enqueue_dma source(%arg9 : memref<48x128xf32, #tpu.memory_space<vmem>>) target(%dma_start3A_485 : memref<48x128xf32, #tpu.memory_space<vmem_shared>>) target_semaphore(%run_scoped3A : memref<!tpu.dma_semaphore, #tpu.memory_space<semaphore_mem>>)
      %dma_wait3A_486 = arith.constant 0 : i32
      %dma_wait3A_487 = tpu.memref_slice %arg13[%add3A_38, %dma_wait3A_486] : memref<10240x128xf32, #tpu.memory_space<vmem_shared>> -> memref<48x128xf32, #tpu.memory_space<vmem_shared>>
      %dma_wait3A_488 = arith.constant 0 : i32
      %dma_wait3A_489 = tpu.memref_slice %arg13[%add3A_38, %dma_wait3A_488] : memref<10240x128xf32, #tpu.memory_space<vmem_shared>> -> memref<48x128xf32, #tpu.memory_space<vmem_shared>>
      tpu.wait_dma2 semaphore(%run_scoped3A : memref<!tpu.dma_semaphore, #tpu.memory_space<semaphore_mem>>) src(%arg9 : memref<48x128xf32, #tpu.memory_space<vmem>>) dst(%dma_wait3A_489 : memref<48x128xf32, #tpu.memory_space<vmem_shared>>)
      tpu.yield
    }) : () -> ()
    %mul3A_39 = arith.constant 640 : i32
    %mul3A_40 = arith.muli %arg1, %mul3A_39 : i32
    %add3A_41 = arith.constant 288 : i32
    %add3A_42 = arith.addi %mul3A_40, %add3A_41 : i32
    "tpu.region"() ({
      %run_scoped3A = tpu.sem_alloc : memref<!tpu.dma_semaphore, #tpu.memory_space<semaphore_mem>>
      %dma_start3A_482 = arith.constant 0 : i32
      %dma_start3A_483 = tpu.memref_slice %arg13[%add3A_42, %dma_start3A_482] : memref<10240x128xf32, #tpu.memory_space<vmem_shared>> -> memref<48x128xf32, #tpu.memory_space<vmem_shared>>
      %dma_start3A_484 = arith.constant 0 : i32
      %dma_start3A_485 = tpu.memref_slice %arg13[%add3A_42, %dma_start3A_484] : memref<10240x128xf32, #tpu.memory_space<vmem_shared>> -> memref<48x128xf32, #tpu.memory_space<vmem_shared>>
      tpu.enqueue_dma source(%arg9 : memref<48x128xf32, #tpu.memory_space<vmem>>) target(%dma_start3A_485 : memref<48x128xf32, #tpu.memory_space<vmem_shared>>) target_semaphore(%run_scoped3A : memref<!tpu.dma_semaphore, #tpu.memory_space<semaphore_mem>>)
      %dma_wait3A_486 = arith.constant 0 : i32
      %dma_wait3A_487 = tpu.memref_slice %arg13[%add3A_42, %dma_wait3A_486] : memref<10240x128xf32, #tpu.memory_space<vmem_shared>> -> memref<48x128xf32, #tpu.memory_space<vmem_shared>>
      %dma_wait3A_488 = arith.constant 0 : i32
      %dma_wait3A_489 = tpu.memref_slice %arg13[%add3A_42, %dma_wait3A_488] : memref<10240x128xf32, #tpu.memory_space<vmem_shared>> -> memref<48x128xf32, #tpu.memory_space<vmem_shared>>
      tpu.wait_dma2 semaphore(%run_scoped3A : memref<!tpu.dma_semaphore, #tpu.memory_space<semaphore_mem>>) src(%arg9 : memref<48x128xf32, #tpu.memory_space<vmem>>) dst(%dma_wait3A_489 : memref<48x128xf32, #tpu.memory_space<vmem_shared>>)
      tpu.yield
    }) : () -> ()
    %mul3A_43 = arith.constant 640 : i32
    %mul3A_44 = arith.muli %arg1, %mul3A_43 : i32
    %add3A_45 = arith.constant 336 : i32
    %add3A_46 = arith.addi %mul3A_44, %add3A_45 : i32
    "tpu.region"() ({
      %run_scoped3A = tpu.sem_alloc : memref<!tpu.dma_semaphore, #tpu.memory_space<semaphore_mem>>
      %dma_start3A_482 = arith.constant 0 : i32
      %dma_start3A_483 = tpu.memref_slice %arg13[%add3A_46, %dma_start3A_482] : memref<10240x128xf32, #tpu.memory_space<vmem_shared>> -> memref<48x128xf32, #tpu.memory_space<vmem_shared>>
      %dma_start3A_484 = arith.constant 0 : i32
      %dma_start3A_485 = tpu.memref_slice %arg13[%add3A_46, %dma_start3A_484] : memref<10240x128xf32, #tpu.memory_space<vmem_shared>> -> memref<48x128xf32, #tpu.memory_space<vmem_shared>>
      tpu.enqueue_dma source(%arg9 : memref<48x128xf32, #tpu.memory_space<vmem>>) target(%dma_start3A_485 : memref<48x128xf32, #tpu.memory_space<vmem_shared>>) target_semaphore(%run_scoped3A : memref<!tpu.dma_semaphore, #tpu.memory_space<semaphore_mem>>)
      %dma_wait3A_486 = arith.constant 0 : i32
      %dma_wait3A_487 = tpu.memref_slice %arg13[%add3A_46, %dma_wait3A_486] : memref<10240x128xf32, #tpu.memory_space<vmem_shared>> -> memref<48x128xf32, #tpu.memory_space<vmem_shared>>
      %dma_wait3A_488 = arith.constant 0 : i32
      %dma_wait3A_489 = tpu.memref_slice %arg13[%add3A_46, %dma_wait3A_488] : memref<10240x128xf32, #tpu.memory_space<vmem_shared>> -> memref<48x128xf32, #tpu.memory_space<vmem_shared>>
      tpu.wait_dma2 semaphore(%run_scoped3A : memref<!tpu.dma_semaphore, #tpu.memory_space<semaphore_mem>>) src(%arg9 : memref<48x128xf32, #tpu.memory_space<vmem>>) dst(%dma_wait3A_489 : memref<48x128xf32, #tpu.memory_space<vmem_shared>>)
      tpu.yield
    }) : () -> ()
    %mul3A_47 = arith.constant 640 : i32
    %mul3A_48 = arith.muli %arg1, %mul3A_47 : i32
    %add3A_49 = arith.constant 384 : i32
    %add3A_50 = arith.addi %mul3A_48, %add3A_49 : i32
    "tpu.region"() ({
      %run_scoped3A = tpu.sem_alloc : memref<!tpu.dma_semaphore, #tpu.memory_space<semaphore_mem>>
      %dma_start3A_482 = arith.constant 0 : i32
      %dma_start3A_483 = tpu.memref_slice %arg13[%add3A_50, %dma_start3A_482] : memref<10240x128xf32, #tpu.memory_space<vmem_shared>> -> memref<48x128xf32, #tpu.memory_space<vmem_shared>>
      %dma_start3A_484 = arith.constant 0 : i32
      %dma_start3A_485 = tpu.memref_slice %arg13[%add3A_50, %dma_start3A_484] : memref<10240x128xf32, #tpu.memory_space<vmem_shared>> -> memref<48x128xf32, #tpu.memory_space<vmem_shared>>
      tpu.enqueue_dma source(%arg9 : memref<48x128xf32, #tpu.memory_space<vmem>>) target(%dma_start3A_485 : memref<48x128xf32, #tpu.memory_space<vmem_shared>>) target_semaphore(%run_scoped3A : memref<!tpu.dma_semaphore, #tpu.memory_space<semaphore_mem>>)
      %dma_wait3A_486 = arith.constant 0 : i32
      %dma_wait3A_487 = tpu.memref_slice %arg13[%add3A_50, %dma_wait3A_486] : memref<10240x128xf32, #tpu.memory_space<vmem_shared>> -> memref<48x128xf32, #tpu.memory_space<vmem_shared>>
      %dma_wait3A_488 = arith.constant 0 : i32
      %dma_wait3A_489 = tpu.memref_slice %arg13[%add3A_50, %dma_wait3A_488] : memref<10240x128xf32, #tpu.memory_space<vmem_shared>> -> memref<48x128xf32, #tpu.memory_space<vmem_shared>>
      tpu.wait_dma2 semaphore(%run_scoped3A : memref<!tpu.dma_semaphore, #tpu.memory_space<semaphore_mem>>) src(%arg9 : memref<48x128xf32, #tpu.memory_space<vmem>>) dst(%dma_wait3A_489 : memref<48x128xf32, #tpu.memory_space<vmem_shared>>)
      tpu.yield
    }) : () -> ()
    %mul3A_51 = arith.constant 640 : i32
    %mul3A_52 = arith.muli %arg1, %mul3A_51 : i32
    %add3A_53 = arith.constant 432 : i32
    %add3A_54 = arith.addi %mul3A_52, %add3A_53 : i32
    "tpu.region"() ({
      %run_scoped3A = tpu.sem_alloc : memref<!tpu.dma_semaphore, #tpu.memory_space<semaphore_mem>>
      %dma_start3A_482 = arith.constant 0 : i32
      %dma_start3A_483 = tpu.memref_slice %arg13[%add3A_54, %dma_start3A_482] : memref<10240x128xf32, #tpu.memory_space<vmem_shared>> -> memref<48x128xf32, #tpu.memory_space<vmem_shared>>
      %dma_start3A_484 = arith.constant 0 : i32
      %dma_start3A_485 = tpu.memref_slice %arg13[%add3A_54, %dma_start3A_484] : memref<10240x128xf32, #tpu.memory_space<vmem_shared>> -> memref<48x128xf32, #tpu.memory_space<vmem_shared>>
      tpu.enqueue_dma source(%arg9 : memref<48x128xf32, #tpu.memory_space<vmem>>) target(%dma_start3A_485 : memref<48x128xf32, #tpu.memory_space<vmem_shared>>) target_semaphore(%run_scoped3A : memref<!tpu.dma_semaphore, #tpu.memory_space<semaphore_mem>>)
      %dma_wait3A_486 = arith.constant 0 : i32
      %dma_wait3A_487 = tpu.memref_slice %arg13[%add3A_54, %dma_wait3A_486] : memref<10240x128xf32, #tpu.memory_space<vmem_shared>> -> memref<48x128xf32, #tpu.memory_space<vmem_shared>>
      %dma_wait3A_488 = arith.constant 0 : i32
      %dma_wait3A_489 = tpu.memref_slice %arg13[%add3A_54, %dma_wait3A_488] : memref<10240x128xf32, #tpu.memory_space<vmem_shared>> -> memref<48x128xf32, #tpu.memory_space<vmem_shared>>
      tpu.wait_dma2 semaphore(%run_scoped3A : memref<!tpu.dma_semaphore, #tpu.memory_space<semaphore_mem>>) src(%arg9 : memref<48x128xf32, #tpu.memory_space<vmem>>) dst(%dma_wait3A_489 : memref<48x128xf32, #tpu.memory_space<vmem_shared>>)
      tpu.yield
    }) : () -> ()
    %mul3A_55 = arith.constant 640 : i32
    %mul3A_56 = arith.muli %arg1, %mul3A_55 : i32
    %add3A_57 = arith.constant 480 : i32
    %add3A_58 = arith.addi %mul3A_56, %add3A_57 : i32
    "tpu.region"() ({
      %run_scoped3A = tpu.sem_alloc : memref<!tpu.dma_semaphore, #tpu.memory_space<semaphore_mem>>
      %dma_start3A_482 = arith.constant 0 : i32
      %dma_start3A_483 = tpu.memref_slice %arg13[%add3A_58, %dma_start3A_482] : memref<10240x128xf32, #tpu.memory_space<vmem_shared>> -> memref<48x128xf32, #tpu.memory_space<vmem_shared>>
      %dma_start3A_484 = arith.constant 0 : i32
      %dma_start3A_485 = tpu.memref_slice %arg13[%add3A_58, %dma_start3A_484] : memref<10240x128xf32, #tpu.memory_space<vmem_shared>> -> memref<48x128xf32, #tpu.memory_space<vmem_shared>>
      tpu.enqueue_dma source(%arg9 : memref<48x128xf32, #tpu.memory_space<vmem>>) target(%dma_start3A_485 : memref<48x128xf32, #tpu.memory_space<vmem_shared>>) target_semaphore(%run_scoped3A : memref<!tpu.dma_semaphore, #tpu.memory_space<semaphore_mem>>)
      %dma_wait3A_486 = arith.constant 0 : i32
      %dma_wait3A_487 = tpu.memref_slice %arg13[%add3A_58, %dma_wait3A_486] : memref<10240x128xf32, #tpu.memory_space<vmem_shared>> -> memref<48x128xf32, #tpu.memory_space<vmem_shared>>
      %dma_wait3A_488 = arith.constant 0 : i32
      %dma_wait3A_489 = tpu.memref_slice %arg13[%add3A_58, %dma_wait3A_488] : memref<10240x128xf32, #tpu.memory_space<vmem_shared>> -> memref<48x128xf32, #tpu.memory_space<vmem_shared>>
      tpu.wait_dma2 semaphore(%run_scoped3A : memref<!tpu.dma_semaphore, #tpu.memory_space<semaphore_mem>>) src(%arg9 : memref<48x128xf32, #tpu.memory_space<vmem>>) dst(%dma_wait3A_489 : memref<48x128xf32, #tpu.memory_space<vmem_shared>>)
      tpu.yield
    }) : () -> ()
    %mul3A_59 = arith.constant 640 : i32
    %mul3A_60 = arith.muli %arg1, %mul3A_59 : i32
    %add3A_61 = arith.constant 528 : i32
    %add3A_62 = arith.addi %mul3A_60, %add3A_61 : i32
    "tpu.region"() ({
      %run_scoped3A = tpu.sem_alloc : memref<!tpu.dma_semaphore, #tpu.memory_space<semaphore_mem>>
      %dma_start3A_482 = arith.constant 0 : i32
      %dma_start3A_483 = tpu.memref_slice %arg13[%add3A_62, %dma_start3A_482] : memref<10240x128xf32, #tpu.memory_space<vmem_shared>> -> memref<48x128xf32, #tpu.memory_space<vmem_shared>>
      %dma_start3A_484 = arith.constant 0 : i32
      %dma_start3A_485 = tpu.memref_slice %arg13[%add3A_62, %dma_start3A_484] : memref<10240x128xf32, #tpu.memory_space<vmem_shared>> -> memref<48x128xf32, #tpu.memory_space<vmem_shared>>
      tpu.enqueue_dma source(%arg9 : memref<48x128xf32, #tpu.memory_space<vmem>>) target(%dma_start3A_485 : memref<48x128xf32, #tpu.memory_space<vmem_shared>>) target_semaphore(%run_scoped3A : memref<!tpu.dma_semaphore, #tpu.memory_space<semaphore_mem>>)
      %dma_wait3A_486 = arith.constant 0 : i32
      %dma_wait3A_487 = tpu.memref_slice %arg13[%add3A_62, %dma_wait3A_486] : memref<10240x128xf32, #tpu.memory_space<vmem_shared>> -> memref<48x128xf32, #tpu.memory_space<vmem_shared>>
      %dma_wait3A_488 = arith.constant 0 : i32
      %dma_wait3A_489 = tpu.memref_slice %arg13[%add3A_62, %dma_wait3A_488] : memref<10240x128xf32, #tpu.memory_space<vmem_shared>> -> memref<48x128xf32, #tpu.memory_space<vmem_shared>>
      tpu.wait_dma2 semaphore(%run_scoped3A : memref<!tpu.dma_semaphore, #tpu.memory_space<semaphore_mem>>) src(%arg9 : memref<48x128xf32, #tpu.memory_space<vmem>>) dst(%dma_wait3A_489 : memref<48x128xf32, #tpu.memory_space<vmem_shared>>)
      tpu.yield
    }) : () -> ()
    %mul3A_63 = arith.constant 640 : i32
    %mul3A_64 = arith.muli %arg1, %mul3A_63 : i32
    %add3A_65 = arith.constant 576 : i32
    %add3A_66 = arith.addi %mul3A_64, %add3A_65 : i32
    "tpu.region"() ({
      %run_scoped3A = tpu.sem_alloc : memref<!tpu.dma_semaphore, #tpu.memory_space<semaphore_mem>>
      %dma_start3A_482 = arith.constant 0 : i32
      %dma_start3A_483 = tpu.memref_slice %arg13[%add3A_66, %dma_start3A_482] : memref<10240x128xf32, #tpu.memory_space<vmem_shared>> -> memref<48x128xf32, #tpu.memory_space<vmem_shared>>
      %dma_start3A_484 = arith.constant 0 : i32
      %dma_start3A_485 = tpu.memref_slice %arg13[%add3A_66, %dma_start3A_484] : memref<10240x128xf32, #tpu.memory_space<vmem_shared>> -> memref<48x128xf32, #tpu.memory_space<vmem_shared>>
      tpu.enqueue_dma source(%arg9 : memref<48x128xf32, #tpu.memory_space<vmem>>) target(%dma_start3A_485 : memref<48x128xf32, #tpu.memory_space<vmem_shared>>) target_semaphore(%run_scoped3A : memref<!tpu.dma_semaphore, #tpu.memory_space<semaphore_mem>>)
      %dma_wait3A_486 = arith.constant 0 : i32
      %dma_wait3A_487 = tpu.memref_slice %arg13[%add3A_66, %dma_wait3A_486] : memref<10240x128xf32, #tpu.memory_space<vmem_shared>> -> memref<48x128xf32, #tpu.memory_space<vmem_shared>>
      %dma_wait3A_488 = arith.constant 0 : i32
      %dma_wait3A_489 = tpu.memref_slice %arg13[%add3A_66, %dma_wait3A_488] : memref<10240x128xf32, #tpu.memory_space<vmem_shared>> -> memref<48x128xf32, #tpu.memory_space<vmem_shared>>
      tpu.wait_dma2 semaphore(%run_scoped3A : memref<!tpu.dma_semaphore, #tpu.memory_space<semaphore_mem>>) src(%arg9 : memref<48x128xf32, #tpu.memory_space<vmem>>) dst(%dma_wait3A_489 : memref<48x128xf32, #tpu.memory_space<vmem_shared>>)
      tpu.yield
    }) : () -> ()
    %mul3A_67 = arith.constant 640 : i32
    %mul3A_68 = arith.muli %arg1, %mul3A_67 : i32
    %add3A_69 = arith.constant 624 : i32
    %add3A_70 = arith.addi %mul3A_68, %add3A_69 : i32
    "tpu.region"() ({
      %run_scoped3A = tpu.sem_alloc : memref<!tpu.dma_semaphore, #tpu.memory_space<semaphore_mem>>
      %dma_start3A_482 = arith.constant 0 : i32
      %dma_start3A_483 = arith.constant 0 : i32
      %dma_start3A_484 = tpu.memref_slice %arg9[%dma_start3A_482, %dma_start3A_483] : memref<48x128xf32, #tpu.memory_space<vmem>> -> memref<16x128xf32, #tpu.memory_space<vmem>>
      %dma_start3A_485 = arith.constant 0 : i32
      %dma_start3A_486 = tpu.memref_slice %arg13[%add3A_70, %dma_start3A_485] : memref<10240x128xf32, #tpu.memory_space<vmem_shared>> -> memref<16x128xf32, #tpu.memory_space<vmem_shared>>
      %dma_start3A_487 = arith.constant 0 : i32
      %dma_start3A_488 = tpu.memref_slice %arg13[%add3A_70, %dma_start3A_487] : memref<10240x128xf32, #tpu.memory_space<vmem_shared>> -> memref<16x128xf32, #tpu.memory_space<vmem_shared>>
      %dma_start3A_489 = arith.constant 0 : i32
      %dma_start3A_490 = arith.constant 0 : i32
      %dma_start3A_491 = tpu.memref_slice %arg9[%dma_start3A_489, %dma_start3A_490] : memref<48x128xf32, #tpu.memory_space<vmem>> -> memref<16x128xf32, #tpu.memory_space<vmem>>
      tpu.enqueue_dma source(%dma_start3A_491 : memref<16x128xf32, #tpu.memory_space<vmem>>) target(%dma_start3A_488 : memref<16x128xf32, #tpu.memory_space<vmem_shared>>) target_semaphore(%run_scoped3A : memref<!tpu.dma_semaphore, #tpu.memory_space<semaphore_mem>>)
      %dma_wait3A_492 = arith.constant 0 : i32
      %dma_wait3A_493 = arith.constant 0 : i32
      %dma_wait3A_494 = tpu.memref_slice %arg9[%dma_wait3A_492, %dma_wait3A_493] : memref<48x128xf32, #tpu.memory_space<vmem>> -> memref<16x128xf32, #tpu.memory_space<vmem>>
      %dma_wait3A_495 = arith.constant 0 : i32
      %dma_wait3A_496 = tpu.memref_slice %arg13[%add3A_70, %dma_wait3A_495] : memref<10240x128xf32, #tpu.memory_space<vmem_shared>> -> memref<16x128xf32, #tpu.memory_space<vmem_shared>>
      %dma_wait3A_497 = arith.constant 0 : i32
      %dma_wait3A_498 = tpu.memref_slice %arg13[%add3A_70, %dma_wait3A_497] : memref<10240x128xf32, #tpu.memory_space<vmem_shared>> -> memref<16x128xf32, #tpu.memory_space<vmem_shared>>
      %dma_wait3A_499 = arith.constant 0 : i32
      %dma_wait3A_500 = arith.constant 0 : i32
      %dma_wait3A_501 = tpu.memref_slice %arg9[%dma_wait3A_499, %dma_wait3A_500] : memref<48x128xf32, #tpu.memory_space<vmem>> -> memref<16x128xf32, #tpu.memory_space<vmem>>
      tpu.wait_dma2 semaphore(%run_scoped3A : memref<!tpu.dma_semaphore, #tpu.memory_space<semaphore_mem>>) src(%dma_wait3A_501 : memref<16x128xf32, #tpu.memory_space<vmem>>) dst(%dma_wait3A_498 : memref<16x128xf32, #tpu.memory_space<vmem_shared>>)
      tpu.yield
    }) : () -> ()
    %broadcast_in_dim3A_71 = arith.constant 1.000000e+00 : f32
    %broadcast_in_dim3A_72 = vector.broadcast %broadcast_in_dim3A_71 : f32 to vector<16xf32>
    %swap3A = arith.constant 0 : index
    %swap3A_73 = tpu.vector_load %arg26[%swap3A] {strides = array<i32>} : memref<48xf32, #tpu.memory_space<vmem>>, vector<16xf32>,
    %swap3A_74 = vector.shape_cast %swap3A_73 : vector<16xf32> to vector<16xf32>
    %swap3A_75 = vector.shape_cast %broadcast_in_dim3A_72 : vector<16xf32> to vector<16xf32>
    tpu.vector_store %arg26[%swap3A], %swap3A_75 {strides = array<i32>} : memref<48xf32, #tpu.memory_space<vmem>>, vector<16xf32>,
    %swap3A_76 = arith.constant 16 : index
    %swap3A_77 = tpu.vector_load %arg26[%swap3A_76] {strides = array<i32>} : memref<48xf32, #tpu.memory_space<vmem>>, vector<16xf32>,
    %swap3A_78 = vector.shape_cast %swap3A_77 : vector<16xf32> to vector<16xf32>
    %swap3A_79 = vector.shape_cast %broadcast_in_dim3A_72 : vector<16xf32> to vector<16xf32>
    tpu.vector_store %arg26[%swap3A_76], %swap3A_79 {strides = array<i32>} : memref<48xf32, #tpu.memory_space<vmem>>, vector<16xf32>,
    %swap3A_80 = arith.constant 32 : index
    %swap3A_81 = tpu.vector_load %arg26[%swap3A_80] {strides = array<i32>} : memref<48xf32, #tpu.memory_space<vmem>>, vector<16xf32>,
    %swap3A_82 = vector.shape_cast %swap3A_81 : vector<16xf32> to vector<16xf32>
    %swap3A_83 = vector.shape_cast %broadcast_in_dim3A_72 : vector<16xf32> to vector<16xf32>
    tpu.vector_store %arg26[%swap3A_80], %swap3A_83 {strides = array<i32>} : memref<48xf32, #tpu.memory_space<vmem>>, vector<16xf32>,
    %scan3A_84 = arith.constant 0 : i32
    %scan3A_85 = arith.constant 0 : i32
    %scan3A_86 = arith.constant 40 : i32
    %scan3A_87 = arith.addi %scan3A_85, %scan3A_86 : i32
    %scan3A_88 = arith.constant 1 : i32
    scf.for %scan3A_482 = %scan3A_85 to %scan3A_87 step %scan3A_88  : i32 {
      %mul3A_483 = arith.constant 16 : i32
      %mul3A_484 = arith.muli %scan3A_482, %mul3A_483 : i32
      %swap3A_485 = arith.index_cast %mul3A_484 : i32 to index
      %swap3A_486 = tpu.vector_load %arg27[%swap3A_485] {strides = array<i32>} : memref<640xf32, #tpu.memory_space<vmem>>, vector<16xf32>,
      %swap3A_487 = vector.shape_cast %swap3A_486 : vector<16xf32> to vector<16xf32>
      %swap3A_488 = vector.shape_cast %broadcast_in_dim3A_9 : vector<16xf32> to vector<16xf32>
      tpu.vector_store %arg27[%swap3A_485], %swap3A_488 {strides = array<i32>} : memref<640xf32, #tpu.memory_space<vmem>>, vector<16xf32>,
    }
    %scan3A_89 = arith.constant 40 : i32
    %mul3A_90 = arith.constant 640 : i32
    %mul3A_91 = arith.muli %arg1, %mul3A_90 : i32
    "tpu.region"() ({
      %run_scoped3A = tpu.sem_alloc : memref<!tpu.dma_semaphore, #tpu.memory_space<semaphore_mem>>
      %dma_start3A_482 = tpu.memref_slice %arg28[%mul3A_91] : memref<10240xf32, #tpu.memory_space<vmem_shared>> -> memref<640xf32, #tpu.memory_space<vmem_shared>>
      %dma_start3A_483 = tpu.memref_slice %arg28[%mul3A_91] : memref<10240xf32, #tpu.memory_space<vmem_shared>> -> memref<640xf32, #tpu.memory_space<vmem_shared>>
      tpu.enqueue_dma source(%arg27 : memref<640xf32, #tpu.memory_space<vmem>>) target(%dma_start3A_483 : memref<640xf32, #tpu.memory_space<vmem_shared>>) target_semaphore(%run_scoped3A : memref<!tpu.dma_semaphore, #tpu.memory_space<semaphore_mem>>)
      %dma_wait3A_484 = tpu.memref_slice %arg28[%mul3A_91] : memref<10240xf32, #tpu.memory_space<vmem_shared>> -> memref<640xf32, #tpu.memory_space<vmem_shared>>
      %dma_wait3A_485 = tpu.memref_slice %arg28[%mul3A_91] : memref<10240xf32, #tpu.memory_space<vmem_shared>> -> memref<640xf32, #tpu.memory_space<vmem_shared>>
      tpu.wait_dma2 semaphore(%run_scoped3A : memref<!tpu.dma_semaphore, #tpu.memory_space<semaphore_mem>>) src(%arg27 : memref<640xf32, #tpu.memory_space<vmem>>) dst(%dma_wait3A_485 : memref<640xf32, #tpu.memory_space<vmem_shared>>)
      tpu.yield
    }) : () -> ()
    %barrier3A = arith.constant 0 : index
    tpu.barrier barrier_id(%barrier3A)
    %add3A_92 = arith.constant 0 : i32
    %add3A_93 = arith.addi %select_n3A_8, %add3A_92 : i32
    %dma_start3A = arith.constant 0 : i32
    %dma_start3A_94 = arith.constant 0 : i32
    %dma_start3A_95 = tpu.memref_slice %arg7[%dma_start3A, %dma_start3A_94] : memref<4x48xi32, #tpu.memory_space<vmem>> -> memref<1x48xi32, #tpu.memory_space<vmem>>
    %dma_start3A_96 = arith.constant 0 : i32
    %dma_start3A_97 = tpu.memref_slice %arg3[%add3A_93, %dma_start3A_96] : memref<6960x48xi32, #tpu.memory_space<hbm>> -> memref<1x48xi32, #tpu.memory_space<hbm>>
    %dma_start3A_98 = arith.constant 0 : i32
    %dma_start3A_99 = arith.constant 0 : i32
    %dma_start3A_100 = tpu.memref_slice %arg7[%dma_start3A_98, %dma_start3A_99] : memref<4x48xi32, #tpu.memory_space<vmem>> -> memref<1x48xi32, #tpu.memory_space<vmem>>
    %dma_start3A_101 = arith.constant 0 : i32
    %dma_start3A_102 = tpu.memref_slice %arg3[%add3A_93, %dma_start3A_101] : memref<6960x48xi32, #tpu.memory_space<hbm>> -> memref<1x48xi32, #tpu.memory_space<hbm>>
    tpu.enqueue_dma source(%dma_start3A_102 : memref<1x48xi32, #tpu.memory_space<hbm>>) target(%dma_start3A_100 : memref<1x48xi32, #tpu.memory_space<vmem>>) target_semaphore(%arg14 : memref<!tpu.dma_semaphore, #tpu.memory_space<semaphore_mem>>)
    %add3A_103 = arith.constant 1 : i32
    %add3A_104 = arith.addi %select_n3A_8, %add3A_103 : i32
    %dma_start3A_105 = arith.constant 1 : i32
    %dma_start3A_106 = arith.constant 0 : i32
    %dma_start3A_107 = tpu.memref_slice %arg7[%dma_start3A_105, %dma_start3A_106] : memref<4x48xi32, #tpu.memory_space<vmem>> -> memref<1x48xi32, #tpu.memory_space<vmem>>
    %dma_start3A_108 = arith.constant 0 : i32
    %dma_start3A_109 = tpu.memref_slice %arg3[%add3A_104, %dma_start3A_108] : memref<6960x48xi32, #tpu.memory_space<hbm>> -> memref<1x48xi32, #tpu.memory_space<hbm>>
    %dma_start3A_110 = arith.constant 1 : i32
    %dma_start3A_111 = arith.constant 0 : i32
    %dma_start3A_112 = tpu.memref_slice %arg7[%dma_start3A_110, %dma_start3A_111] : memref<4x48xi32, #tpu.memory_space<vmem>> -> memref<1x48xi32, #tpu.memory_space<vmem>>
    %dma_start3A_113 = arith.constant 0 : i32
    %dma_start3A_114 = tpu.memref_slice %arg3[%add3A_104, %dma_start3A_113] : memref<6960x48xi32, #tpu.memory_space<hbm>> -> memref<1x48xi32, #tpu.memory_space<hbm>>
    tpu.enqueue_dma source(%dma_start3A_114 : memref<1x48xi32, #tpu.memory_space<hbm>>) target(%dma_start3A_112 : memref<1x48xi32, #tpu.memory_space<vmem>>) target_semaphore(%arg15 : memref<!tpu.dma_semaphore, #tpu.memory_space<semaphore_mem>>)
    %add3A_115 = arith.constant 2 : i32
    %add3A_116 = arith.addi %select_n3A_8, %add3A_115 : i32
    %dma_start3A_117 = arith.constant 2 : i32
    %dma_start3A_118 = arith.constant 0 : i32
    %dma_start3A_119 = tpu.memref_slice %arg7[%dma_start3A_117, %dma_start3A_118] : memref<4x48xi32, #tpu.memory_space<vmem>> -> memref<1x48xi32, #tpu.memory_space<vmem>>
    %dma_start3A_120 = arith.constant 0 : i32
    %dma_start3A_121 = tpu.memref_slice %arg3[%add3A_116, %dma_start3A_120] : memref<6960x48xi32, #tpu.memory_space<hbm>> -> memref<1x48xi32, #tpu.memory_space<hbm>>
    %dma_start3A_122 = arith.constant 2 : i32
    %dma_start3A_123 = arith.constant 0 : i32
    %dma_start3A_124 = tpu.memref_slice %arg7[%dma_start3A_122, %dma_start3A_123] : memref<4x48xi32, #tpu.memory_space<vmem>> -> memref<1x48xi32, #tpu.memory_space<vmem>>
    %dma_start3A_125 = arith.constant 0 : i32
    %dma_start3A_126 = tpu.memref_slice %arg3[%add3A_116, %dma_start3A_125] : memref<6960x48xi32, #tpu.memory_space<hbm>> -> memref<1x48xi32, #tpu.memory_space<hbm>>
    tpu.enqueue_dma source(%dma_start3A_126 : memref<1x48xi32, #tpu.memory_space<hbm>>) target(%dma_start3A_124 : memref<1x48xi32, #tpu.memory_space<vmem>>) target_semaphore(%arg16 : memref<!tpu.dma_semaphore, #tpu.memory_space<semaphore_mem>>)
    %add3A_127 = arith.constant 3 : i32
    %add3A_128 = arith.addi %select_n3A_8, %add3A_127 : i32
    %dma_start3A_129 = arith.constant 3 : i32
    %dma_start3A_130 = arith.constant 0 : i32
    %dma_start3A_131 = tpu.memref_slice %arg7[%dma_start3A_129, %dma_start3A_130] : memref<4x48xi32, #tpu.memory_space<vmem>> -> memref<1x48xi32, #tpu.memory_space<vmem>>
    %dma_start3A_132 = arith.constant 0 : i32
    %dma_start3A_133 = tpu.memref_slice %arg3[%add3A_128, %dma_start3A_132] : memref<6960x48xi32, #tpu.memory_space<hbm>> -> memref<1x48xi32, #tpu.memory_space<hbm>>
    %dma_start3A_134 = arith.constant 3 : i32
    %dma_start3A_135 = arith.constant 0 : i32
    %dma_start3A_136 = tpu.memref_slice %arg7[%dma_start3A_134, %dma_start3A_135] : memref<4x48xi32, #tpu.memory_space<vmem>> -> memref<1x48xi32, #tpu.memory_space<vmem>>
    %dma_start3A_137 = arith.constant 0 : i32
    %dma_start3A_138 = tpu.memref_slice %arg3[%add3A_128, %dma_start3A_137] : memref<6960x48xi32, #tpu.memory_space<hbm>> -> memref<1x48xi32, #tpu.memory_space<hbm>>
    tpu.enqueue_dma source(%dma_start3A_138 : memref<1x48xi32, #tpu.memory_space<hbm>>) target(%dma_start3A_136 : memref<1x48xi32, #tpu.memory_space<vmem>>) target_semaphore(%arg17 : memref<!tpu.dma_semaphore, #tpu.memory_space<semaphore_mem>>)
    %dma_wait3A = arith.constant 0 : i32
    %dma_wait3A_139 = arith.constant 0 : i32
    %dma_wait3A_140 = tpu.memref_slice %arg7[%dma_wait3A, %dma_wait3A_139] : memref<4x48xi32, #tpu.memory_space<vmem>> -> memref<1x48xi32, #tpu.memory_space<vmem>>
    %dma_wait3A_141 = arith.constant 0 : i32
    %dma_wait3A_142 = tpu.memref_slice %arg3[%select_n3A_8, %dma_wait3A_141] : memref<6960x48xi32, #tpu.memory_space<hbm>> -> memref<1x48xi32, #tpu.memory_space<hbm>>
    %dma_wait3A_143 = arith.constant 0 : i32
    %dma_wait3A_144 = arith.constant 0 : i32
    %dma_wait3A_145 = tpu.memref_slice %arg7[%dma_wait3A_143, %dma_wait3A_144] : memref<4x48xi32, #tpu.memory_space<vmem>> -> memref<1x48xi32, #tpu.memory_space<vmem>>
    %dma_wait3A_146 = arith.constant 0 : i32
    %dma_wait3A_147 = tpu.memref_slice %arg3[%select_n3A_8, %dma_wait3A_146] : memref<6960x48xi32, #tpu.memory_space<hbm>> -> memref<1x48xi32, #tpu.memory_space<hbm>>
    tpu.wait_dma2 semaphore(%arg14 : memref<!tpu.dma_semaphore, #tpu.memory_space<semaphore_mem>>) src(%dma_wait3A_147 : memref<1x48xi32, #tpu.memory_space<hbm>>) dst(%dma_wait3A_145 : memref<1x48xi32, #tpu.memory_space<vmem>>)
    %dma_start3A_148 = arith.constant 0 : i32
    %dma_start3A_149 = arith.constant 0 : i32
    %dma_start3A_150 = tpu.memref_slice %arg7[%dma_start3A_148, %dma_start3A_149] : memref<4x48xi32, #tpu.memory_space<vmem>> -> memref<1x48xi32, #tpu.memory_space<vmem>>
    %dma_start3A_151 = tpu.memref_squeeze %dma_start3A_150 : memref<1x48xi32, #tpu.memory_space<vmem>> -> memref<48xi32, #tpu.memory_space<vmem>>
    %dma_start3A_152 = arith.constant 0 : i32
    %dma_start3A_153 = arith.constant 0 : i32
    %dma_start3A_154 = tpu.memref_slice %arg2[%dma_start3A_152, %dma_start3A_153] : memref<10000x128xf32, #tpu.memory_space<hbm>> -> memref<10000x128xf32, #tpu.memory_space<hbm>>
    tpu.enqueue_indirect_dma source(%dma_start3A_154 : memref<10000x128xf32, #tpu.memory_space<hbm>>) target(%arg9 : memref<48x128xf32, #tpu.memory_space<vmem>>) offsets(%dma_start3A_151 : memref<48xi32, #tpu.memory_space<vmem>>) semaphore(%arg18 : memref<!tpu.dma_semaphore, #tpu.memory_space<semaphore_mem>>)
    %dma_wait3A_155 = arith.constant 1 : i32
    %dma_wait3A_156 = arith.constant 0 : i32
    %dma_wait3A_157 = tpu.memref_slice %arg7[%dma_wait3A_155, %dma_wait3A_156] : memref<4x48xi32, #tpu.memory_space<vmem>> -> memref<1x48xi32, #tpu.memory_space<vmem>>
    %dma_wait3A_158 = arith.constant 0 : i32
    %dma_wait3A_159 = tpu.memref_slice %arg3[%select_n3A_8, %dma_wait3A_158] : memref<6960x48xi32, #tpu.memory_space<hbm>> -> memref<1x48xi32, #tpu.memory_space<hbm>>
    %dma_wait3A_160 = arith.constant 1 : i32
    %dma_wait3A_161 = arith.constant 0 : i32
    %dma_wait3A_162 = tpu.memref_slice %arg7[%dma_wait3A_160, %dma_wait3A_161] : memref<4x48xi32, #tpu.memory_space<vmem>> -> memref<1x48xi32, #tpu.memory_space<vmem>>
    %dma_wait3A_163 = arith.constant 0 : i32
    %dma_wait3A_164 = tpu.memref_slice %arg3[%select_n3A_8, %dma_wait3A_163] : memref<6960x48xi32, #tpu.memory_space<hbm>> -> memref<1x48xi32, #tpu.memory_space<hbm>>
    tpu.wait_dma2 semaphore(%arg15 : memref<!tpu.dma_semaphore, #tpu.memory_space<semaphore_mem>>) src(%dma_wait3A_164 : memref<1x48xi32, #tpu.memory_space<hbm>>) dst(%dma_wait3A_162 : memref<1x48xi32, #tpu.memory_space<vmem>>)
    %dma_start3A_165 = arith.constant 1 : i32
    %dma_start3A_166 = arith.constant 0 : i32
    %dma_start3A_167 = tpu.memref_slice %arg7[%dma_start3A_165, %dma_start3A_166] : memref<4x48xi32, #tpu.memory_space<vmem>> -> memref<1x48xi32, #tpu.memory_space<vmem>>
    %dma_start3A_168 = tpu.memref_squeeze %dma_start3A_167 : memref<1x48xi32, #tpu.memory_space<vmem>> -> memref<48xi32, #tpu.memory_space<vmem>>
    %dma_start3A_169 = arith.constant 0 : i32
    %dma_start3A_170 = arith.constant 0 : i32
    %dma_start3A_171 = tpu.memref_slice %arg2[%dma_start3A_169, %dma_start3A_170] : memref<10000x128xf32, #tpu.memory_space<hbm>> -> memref<10000x128xf32, #tpu.memory_space<hbm>>
    tpu.enqueue_indirect_dma source(%dma_start3A_171 : memref<10000x128xf32, #tpu.memory_space<hbm>>) target(%arg10 : memref<48x128xf32, #tpu.memory_space<vmem>>) offsets(%dma_start3A_168 : memref<48xi32, #tpu.memory_space<vmem>>) semaphore(%arg19 : memref<!tpu.dma_semaphore, #tpu.memory_space<semaphore_mem>>)
    %dma_wait3A_172 = arith.constant 2 : i32
    %dma_wait3A_173 = arith.constant 0 : i32
    %dma_wait3A_174 = tpu.memref_slice %arg7[%dma_wait3A_172, %dma_wait3A_173] : memref<4x48xi32, #tpu.memory_space<vmem>> -> memref<1x48xi32, #tpu.memory_space<vmem>>
    %dma_wait3A_175 = arith.constant 0 : i32
    %dma_wait3A_176 = tpu.memref_slice %arg3[%select_n3A_8, %dma_wait3A_175] : memref<6960x48xi32, #tpu.memory_space<hbm>> -> memref<1x48xi32, #tpu.memory_space<hbm>>
    %dma_wait3A_177 = arith.constant 2 : i32
    %dma_wait3A_178 = arith.constant 0 : i32
    %dma_wait3A_179 = tpu.memref_slice %arg7[%dma_wait3A_177, %dma_wait3A_178] : memref<4x48xi32, #tpu.memory_space<vmem>> -> memref<1x48xi32, #tpu.memory_space<vmem>>
    %dma_wait3A_180 = arith.constant 0 : i32
    %dma_wait3A_181 = tpu.memref_slice %arg3[%select_n3A_8, %dma_wait3A_180] : memref<6960x48xi32, #tpu.memory_space<hbm>> -> memref<1x48xi32, #tpu.memory_space<hbm>>
    tpu.wait_dma2 semaphore(%arg16 : memref<!tpu.dma_semaphore, #tpu.memory_space<semaphore_mem>>) src(%dma_wait3A_181 : memref<1x48xi32, #tpu.memory_space<hbm>>) dst(%dma_wait3A_179 : memref<1x48xi32, #tpu.memory_space<vmem>>)
    %dma_wait3A_182 = arith.constant 0 : i32
    %dma_wait3A_183 = arith.constant 0 : i32
    %dma_wait3A_184 = tpu.memref_slice %arg7[%dma_wait3A_182, %dma_wait3A_183] : memref<4x48xi32, #tpu.memory_space<vmem>> -> memref<1x48xi32, #tpu.memory_space<vmem>>
    %dma_wait3A_185 = tpu.memref_squeeze %dma_wait3A_184 : memref<1x48xi32, #tpu.memory_space<vmem>> -> memref<48xi32, #tpu.memory_space<vmem>>
    %dma_wait3A_186 = arith.constant 0 : i32
    %dma_wait3A_187 = arith.constant 0 : i32
    %dma_wait3A_188 = tpu.memref_slice %arg2[%dma_wait3A_186, %dma_wait3A_187] : memref<10000x128xf32, #tpu.memory_space<hbm>> -> memref<10000x128xf32, #tpu.memory_space<hbm>>
    tpu.wait_indirect_dma semaphore(%arg18 : memref<!tpu.dma_semaphore, #tpu.memory_space<semaphore_mem>>) src(%dma_wait3A_188 : memref<10000x128xf32, #tpu.memory_space<hbm>>) dst(%arg9 : memref<48x128xf32, #tpu.memory_space<vmem>>)
    %dma_start3A_189 = arith.constant 0 : i32
    %dma_start3A_190 = arith.constant 0 : i32
    %dma_start3A_191 = tpu.memref_slice %arg8[%dma_start3A_189, %dma_start3A_190] : memref<316x48xi32, #tpu.memory_space<vmem>> -> memref<1x48xi32, #tpu.memory_space<vmem>>
    %dma_start3A_192 = tpu.memref_squeeze %dma_start3A_191 : memref<1x48xi32, #tpu.memory_space<vmem>> -> memref<48xi32, #tpu.memory_space<vmem>>
    %dma_start3A_193 = arith.constant 0 : i32
    %dma_start3A_194 = arith.constant 0 : i32
    %dma_start3A_195 = tpu.memref_slice %arg13[%dma_start3A_193, %dma_start3A_194] : memref<10240x128xf32, #tpu.memory_space<vmem_shared>> -> memref<10240x128xf32, #tpu.memory_space<vmem_shared>>
    tpu.enqueue_indirect_dma source(%arg9 : memref<48x128xf32, #tpu.memory_space<vmem>>) target(%dma_start3A_195 : memref<10240x128xf32, #tpu.memory_space<vmem_shared>>) offsets(%dma_start3A_192 : memref<48xi32, #tpu.memory_space<vmem>>) semaphore(%arg22 : memref<!tpu.dma_semaphore, #tpu.memory_space<semaphore_mem>>) {add = true}
    %dma_start3A_196 = arith.constant 0 : i32
    %dma_start3A_197 = arith.constant 0 : i32
    %dma_start3A_198 = tpu.memref_slice %arg8[%dma_start3A_196, %dma_start3A_197] : memref<316x48xi32, #tpu.memory_space<vmem>> -> memref<1x48xi32, #tpu.memory_space<vmem>>
    %dma_start3A_199 = tpu.memref_squeeze %dma_start3A_198 : memref<1x48xi32, #tpu.memory_space<vmem>> -> memref<48xi32, #tpu.memory_space<vmem>>
    %dma_start3A_200 = arith.constant 0 : i32
    %dma_start3A_201 = tpu.memref_slice %arg28[%dma_start3A_200] : memref<10240xf32, #tpu.memory_space<vmem_shared>> -> memref<10240xf32, #tpu.memory_space<vmem_shared>>
    tpu.enqueue_indirect_dma source(%arg26 : memref<48xf32, #tpu.memory_space<vmem>>) target(%dma_start3A_201 : memref<10240xf32, #tpu.memory_space<vmem_shared>>) offsets(%dma_start3A_199 : memref<48xi32, #tpu.memory_space<vmem>>) semaphore(%arg29 : memref<!tpu.dma_semaphore, #tpu.memory_space<semaphore_mem>>) {add = true}
    %dma_start3A_202 = arith.constant 2 : i32
    %dma_start3A_203 = arith.constant 0 : i32
    %dma_start3A_204 = tpu.memref_slice %arg7[%dma_start3A_202, %dma_start3A_203] : memref<4x48xi32, #tpu.memory_space<vmem>> -> memref<1x48xi32, #tpu.memory_space<vmem>>
    %dma_start3A_205 = tpu.memref_squeeze %dma_start3A_204 : memref<1x48xi32, #tpu.memory_space<vmem>> -> memref<48xi32, #tpu.memory_space<vmem>>
    %dma_start3A_206 = arith.constant 0 : i32
    %dma_start3A_207 = arith.constant 0 : i32
    %dma_start3A_208 = tpu.memref_slice %arg2[%dma_start3A_206, %dma_start3A_207] : memref<10000x128xf32, #tpu.memory_space<hbm>> -> memref<10000x128xf32, #tpu.memory_space<hbm>>
    tpu.enqueue_indirect_dma source(%dma_start3A_208 : memref<10000x128xf32, #tpu.memory_space<hbm>>) target(%arg11 : memref<48x128xf32, #tpu.memory_space<vmem>>) offsets(%dma_start3A_205 : memref<48xi32, #tpu.memory_space<vmem>>) semaphore(%arg20 : memref<!tpu.dma_semaphore, #tpu.memory_space<semaphore_mem>>)
    %add3A_209 = arith.constant 0 : i32
    %add3A_210 = arith.constant 4 : i32
    %add3A_211 = arith.addi %add3A_209, %add3A_210 : i32
    %rem3A = arith.remsi %add3A_211, %select_n3A : i32
    %add3A_212 = arith.addi %select_n3A_8, %rem3A : i32
    %dma_start3A_213 = arith.constant 0 : i32
    %dma_start3A_214 = arith.constant 0 : i32
    %dma_start3A_215 = tpu.memref_slice %arg7[%dma_start3A_213, %dma_start3A_214] : memref<4x48xi32, #tpu.memory_space<vmem>> -> memref<1x48xi32, #tpu.memory_space<vmem>>
    %dma_start3A_216 = arith.constant 0 : i32
    %dma_start3A_217 = tpu.memref_slice %arg3[%add3A_212, %dma_start3A_216] : memref<6960x48xi32, #tpu.memory_space<hbm>> -> memref<1x48xi32, #tpu.memory_space<hbm>>
    %dma_start3A_218 = arith.constant 0 : i32
    %dma_start3A_219 = arith.constant 0 : i32
    %dma_start3A_220 = tpu.memref_slice %arg7[%dma_start3A_218, %dma_start3A_219] : memref<4x48xi32, #tpu.memory_space<vmem>> -> memref<1x48xi32, #tpu.memory_space<vmem>>
    %dma_start3A_221 = arith.constant 0 : i32
    %dma_start3A_222 = tpu.memref_slice %arg3[%add3A_212, %dma_start3A_221] : memref<6960x48xi32, #tpu.memory_space<hbm>> -> memref<1x48xi32, #tpu.memory_space<hbm>>
    tpu.enqueue_dma source(%dma_start3A_222 : memref<1x48xi32, #tpu.memory_space<hbm>>) target(%dma_start3A_220 : memref<1x48xi32, #tpu.memory_space<vmem>>) target_semaphore(%arg14 : memref<!tpu.dma_semaphore, #tpu.memory_space<semaphore_mem>>)
    %dma_wait3A_223 = arith.constant 3 : i32
    %dma_wait3A_224 = arith.constant 0 : i32
    %dma_wait3A_225 = tpu.memref_slice %arg7[%dma_wait3A_223, %dma_wait3A_224] : memref<4x48xi32, #tpu.memory_space<vmem>> -> memref<1x48xi32, #tpu.memory_space<vmem>>
    %dma_wait3A_226 = arith.constant 0 : i32
    %dma_wait3A_227 = tpu.memref_slice %arg3[%select_n3A_8, %dma_wait3A_226] : memref<6960x48xi32, #tpu.memory_space<hbm>> -> memref<1x48xi32, #tpu.memory_space<hbm>>
    %dma_wait3A_228 = arith.constant 3 : i32
    %dma_wait3A_229 = arith.constant 0 : i32
    %dma_wait3A_230 = tpu.memref_slice %arg7[%dma_wait3A_228, %dma_wait3A_229] : memref<4x48xi32, #tpu.memory_space<vmem>> -> memref<1x48xi32, #tpu.memory_space<vmem>>
    %dma_wait3A_231 = arith.constant 0 : i32
    %dma_wait3A_232 = tpu.memref_slice %arg3[%select_n3A_8, %dma_wait3A_231] : memref<6960x48xi32, #tpu.memory_space<hbm>> -> memref<1x48xi32, #tpu.memory_space<hbm>>
    tpu.wait_dma2 semaphore(%arg17 : memref<!tpu.dma_semaphore, #tpu.memory_space<semaphore_mem>>) src(%dma_wait3A_232 : memref<1x48xi32, #tpu.memory_space<hbm>>) dst(%dma_wait3A_230 : memref<1x48xi32, #tpu.memory_space<vmem>>)
    %dma_wait3A_233 = arith.constant 1 : i32
    %dma_wait3A_234 = arith.constant 0 : i32
    %dma_wait3A_235 = tpu.memref_slice %arg7[%dma_wait3A_233, %dma_wait3A_234] : memref<4x48xi32, #tpu.memory_space<vmem>> -> memref<1x48xi32, #tpu.memory_space<vmem>>
    %dma_wait3A_236 = tpu.memref_squeeze %dma_wait3A_235 : memref<1x48xi32, #tpu.memory_space<vmem>> -> memref<48xi32, #tpu.memory_space<vmem>>
    %dma_wait3A_237 = arith.constant 0 : i32
    %dma_wait3A_238 = arith.constant 0 : i32
    %dma_wait3A_239 = tpu.memref_slice %arg2[%dma_wait3A_237, %dma_wait3A_238] : memref<10000x128xf32, #tpu.memory_space<hbm>> -> memref<10000x128xf32, #tpu.memory_space<hbm>>
    tpu.wait_indirect_dma semaphore(%arg19 : memref<!tpu.dma_semaphore, #tpu.memory_space<semaphore_mem>>) src(%dma_wait3A_239 : memref<10000x128xf32, #tpu.memory_space<hbm>>) dst(%arg10 : memref<48x128xf32, #tpu.memory_space<vmem>>)
    %dma_start3A_240 = arith.constant 1 : i32
    %dma_start3A_241 = arith.constant 0 : i32
    %dma_start3A_242 = tpu.memref_slice %arg8[%dma_start3A_240, %dma_start3A_241] : memref<316x48xi32, #tpu.memory_space<vmem>> -> memref<1x48xi32, #tpu.memory_space<vmem>>
    %dma_start3A_243 = tpu.memref_squeeze %dma_start3A_242 : memref<1x48xi32, #tpu.memory_space<vmem>> -> memref<48xi32, #tpu.memory_space<vmem>>
    %dma_start3A_244 = arith.constant 0 : i32
    %dma_start3A_245 = arith.constant 0 : i32
    %dma_start3A_246 = tpu.memref_slice %arg13[%dma_start3A_244, %dma_start3A_245] : memref<10240x128xf32, #tpu.memory_space<vmem_shared>> -> memref<10240x128xf32, #tpu.memory_space<vmem_shared>>
    tpu.enqueue_indirect_dma source(%arg10 : memref<48x128xf32, #tpu.memory_space<vmem>>) target(%dma_start3A_246 : memref<10240x128xf32, #tpu.memory_space<vmem_shared>>) offsets(%dma_start3A_243 : memref<48xi32, #tpu.memory_space<vmem>>) semaphore(%arg23 : memref<!tpu.dma_semaphore, #tpu.memory_space<semaphore_mem>>) {add = true}
    %dma_start3A_247 = arith.constant 1 : i32
    %dma_start3A_248 = arith.constant 0 : i32
    %dma_start3A_249 = tpu.memref_slice %arg8[%dma_start3A_247, %dma_start3A_248] : memref<316x48xi32, #tpu.memory_space<vmem>> -> memref<1x48xi32, #tpu.memory_space<vmem>>
    %dma_start3A_250 = tpu.memref_squeeze %dma_start3A_249 : memref<1x48xi32, #tpu.memory_space<vmem>> -> memref<48xi32, #tpu.memory_space<vmem>>
    %dma_start3A_251 = arith.constant 0 : i32
    %dma_start3A_252 = tpu.memref_slice %arg28[%dma_start3A_251] : memref<10240xf32, #tpu.memory_space<vmem_shared>> -> memref<10240xf32, #tpu.memory_space<vmem_shared>>
    tpu.enqueue_indirect_dma source(%arg26 : memref<48xf32, #tpu.memory_space<vmem>>) target(%dma_start3A_252 : memref<10240xf32, #tpu.memory_space<vmem_shared>>) offsets(%dma_start3A_250 : memref<48xi32, #tpu.memory_space<vmem>>) semaphore(%arg29 : memref<!tpu.dma_semaphore, #tpu.memory_space<semaphore_mem>>) {add = true}
    %dma_start3A_253 = arith.constant 3 : i32
    %dma_start3A_254 = arith.constant 0 : i32
    %dma_start3A_255 = tpu.memref_slice %arg7[%dma_start3A_253, %dma_start3A_254] : memref<4x48xi32, #tpu.memory_space<vmem>> -> memref<1x48xi32, #tpu.memory_space<vmem>>
    %dma_start3A_256 = tpu.memref_squeeze %dma_start3A_255 : memref<1x48xi32, #tpu.memory_space<vmem>> -> memref<48xi32, #tpu.memory_space<vmem>>
    %dma_start3A_257 = arith.constant 0 : i32
    %dma_start3A_258 = arith.constant 0 : i32
    %dma_start3A_259 = tpu.memref_slice %arg2[%dma_start3A_257, %dma_start3A_258] : memref<10000x128xf32, #tpu.memory_space<hbm>> -> memref<10000x128xf32, #tpu.memory_space<hbm>>
    tpu.enqueue_indirect_dma source(%dma_start3A_259 : memref<10000x128xf32, #tpu.memory_space<hbm>>) target(%arg12 : memref<48x128xf32, #tpu.memory_space<vmem>>) offsets(%dma_start3A_256 : memref<48xi32, #tpu.memory_space<vmem>>) semaphore(%arg21 : memref<!tpu.dma_semaphore, #tpu.memory_space<semaphore_mem>>)
    %add3A_260 = arith.constant 1 : i32
    %add3A_261 = arith.constant 4 : i32
    %add3A_262 = arith.addi %add3A_260, %add3A_261 : i32
    %rem3A_263 = arith.remsi %add3A_262, %select_n3A : i32
    %add3A_264 = arith.addi %select_n3A_8, %rem3A_263 : i32
    %dma_start3A_265 = arith.constant 1 : i32
    %dma_start3A_266 = arith.constant 0 : i32
    %dma_start3A_267 = tpu.memref_slice %arg7[%dma_start3A_265, %dma_start3A_266] : memref<4x48xi32, #tpu.memory_space<vmem>> -> memref<1x48xi32, #tpu.memory_space<vmem>>
    %dma_start3A_268 = arith.constant 0 : i32
    %dma_start3A_269 = tpu.memref_slice %arg3[%add3A_264, %dma_start3A_268] : memref<6960x48xi32, #tpu.memory_space<hbm>> -> memref<1x48xi32, #tpu.memory_space<hbm>>
    %dma_start3A_270 = arith.constant 1 : i32
    %dma_start3A_271 = arith.constant 0 : i32
    %dma_start3A_272 = tpu.memref_slice %arg7[%dma_start3A_270, %dma_start3A_271] : memref<4x48xi32, #tpu.memory_space<vmem>> -> memref<1x48xi32, #tpu.memory_space<vmem>>
    %dma_start3A_273 = arith.constant 0 : i32
    %dma_start3A_274 = tpu.memref_slice %arg3[%add3A_264, %dma_start3A_273] : memref<6960x48xi32, #tpu.memory_space<hbm>> -> memref<1x48xi32, #tpu.memory_space<hbm>>
    tpu.enqueue_dma source(%dma_start3A_274 : memref<1x48xi32, #tpu.memory_space<hbm>>) target(%dma_start3A_272 : memref<1x48xi32, #tpu.memory_space<vmem>>) target_semaphore(%arg15 : memref<!tpu.dma_semaphore, #tpu.memory_space<semaphore_mem>>)
    %dma_wait3A_275 = arith.constant 0 : i32
    %dma_wait3A_276 = arith.constant 0 : i32
    %dma_wait3A_277 = tpu.memref_slice %arg7[%dma_wait3A_275, %dma_wait3A_276] : memref<4x48xi32, #tpu.memory_space<vmem>> -> memref<1x48xi32, #tpu.memory_space<vmem>>
    %dma_wait3A_278 = arith.constant 0 : i32
    %dma_wait3A_279 = tpu.memref_slice %arg3[%select_n3A_8, %dma_wait3A_278] : memref<6960x48xi32, #tpu.memory_space<hbm>> -> memref<1x48xi32, #tpu.memory_space<hbm>>
    %dma_wait3A_280 = arith.constant 0 : i32
    %dma_wait3A_281 = arith.constant 0 : i32
    %dma_wait3A_282 = tpu.memref_slice %arg7[%dma_wait3A_280, %dma_wait3A_281] : memref<4x48xi32, #tpu.memory_space<vmem>> -> memref<1x48xi32, #tpu.memory_space<vmem>>
    %dma_wait3A_283 = arith.constant 0 : i32
    %dma_wait3A_284 = tpu.memref_slice %arg3[%select_n3A_8, %dma_wait3A_283] : memref<6960x48xi32, #tpu.memory_space<hbm>> -> memref<1x48xi32, #tpu.memory_space<hbm>>
    tpu.wait_dma2 semaphore(%arg14 : memref<!tpu.dma_semaphore, #tpu.memory_space<semaphore_mem>>) src(%dma_wait3A_284 : memref<1x48xi32, #tpu.memory_space<hbm>>) dst(%dma_wait3A_282 : memref<1x48xi32, #tpu.memory_space<vmem>>)
    %dma_wait3A_285 = arith.constant 2 : i32
    %dma_wait3A_286 = arith.constant 0 : i32
    %dma_wait3A_287 = tpu.memref_slice %arg7[%dma_wait3A_285, %dma_wait3A_286] : memref<4x48xi32, #tpu.memory_space<vmem>> -> memref<1x48xi32, #tpu.memory_space<vmem>>
    %dma_wait3A_288 = tpu.memref_squeeze %dma_wait3A_287 : memref<1x48xi32, #tpu.memory_space<vmem>> -> memref<48xi32, #tpu.memory_space<vmem>>
    %dma_wait3A_289 = arith.constant 0 : i32
    %dma_wait3A_290 = arith.constant 0 : i32
    %dma_wait3A_291 = tpu.memref_slice %arg2[%dma_wait3A_289, %dma_wait3A_290] : memref<10000x128xf32, #tpu.memory_space<hbm>> -> memref<10000x128xf32, #tpu.memory_space<hbm>>
    tpu.wait_indirect_dma semaphore(%arg20 : memref<!tpu.dma_semaphore, #tpu.memory_space<semaphore_mem>>) src(%dma_wait3A_291 : memref<10000x128xf32, #tpu.memory_space<hbm>>) dst(%arg11 : memref<48x128xf32, #tpu.memory_space<vmem>>)
    %dma_start3A_292 = arith.constant 2 : i32
    %dma_start3A_293 = arith.constant 0 : i32
    %dma_start3A_294 = tpu.memref_slice %arg8[%dma_start3A_292, %dma_start3A_293] : memref<316x48xi32, #tpu.memory_space<vmem>> -> memref<1x48xi32, #tpu.memory_space<vmem>>
    %dma_start3A_295 = tpu.memref_squeeze %dma_start3A_294 : memref<1x48xi32, #tpu.memory_space<vmem>> -> memref<48xi32, #tpu.memory_space<vmem>>
    %dma_start3A_296 = arith.constant 0 : i32
    %dma_start3A_297 = arith.constant 0 : i32
    %dma_start3A_298 = tpu.memref_slice %arg13[%dma_start3A_296, %dma_start3A_297] : memref<10240x128xf32, #tpu.memory_space<vmem_shared>> -> memref<10240x128xf32, #tpu.memory_space<vmem_shared>>
    tpu.enqueue_indirect_dma source(%arg11 : memref<48x128xf32, #tpu.memory_space<vmem>>) target(%dma_start3A_298 : memref<10240x128xf32, #tpu.memory_space<vmem_shared>>) offsets(%dma_start3A_295 : memref<48xi32, #tpu.memory_space<vmem>>) semaphore(%arg24 : memref<!tpu.dma_semaphore, #tpu.memory_space<semaphore_mem>>) {add = true}
    %dma_start3A_299 = arith.constant 2 : i32
    %dma_start3A_300 = arith.constant 0 : i32
    %dma_start3A_301 = tpu.memref_slice %arg8[%dma_start3A_299, %dma_start3A_300] : memref<316x48xi32, #tpu.memory_space<vmem>> -> memref<1x48xi32, #tpu.memory_space<vmem>>
    %dma_start3A_302 = tpu.memref_squeeze %dma_start3A_301 : memref<1x48xi32, #tpu.memory_space<vmem>> -> memref<48xi32, #tpu.memory_space<vmem>>
    %dma_start3A_303 = arith.constant 0 : i32
    %dma_start3A_304 = tpu.memref_slice %arg28[%dma_start3A_303] : memref<10240xf32, #tpu.memory_space<vmem_shared>> -> memref<10240xf32, #tpu.memory_space<vmem_shared>>
    tpu.enqueue_indirect_dma source(%arg26 : memref<48xf32, #tpu.memory_space<vmem>>) target(%dma_start3A_304 : memref<10240xf32, #tpu.memory_space<vmem_shared>>) offsets(%dma_start3A_302 : memref<48xi32, #tpu.memory_space<vmem>>) semaphore(%arg29 : memref<!tpu.dma_semaphore, #tpu.memory_space<semaphore_mem>>) {add = true}
    %dma_wait3A_305 = arith.constant 0 : i32
    %dma_wait3A_306 = arith.constant 0 : i32
    %dma_wait3A_307 = tpu.memref_slice %arg8[%dma_wait3A_305, %dma_wait3A_306] : memref<316x48xi32, #tpu.memory_space<vmem>> -> memref<1x48xi32, #tpu.memory_space<vmem>>
    %dma_wait3A_308 = tpu.memref_squeeze %dma_wait3A_307 : memref<1x48xi32, #tpu.memory_space<vmem>> -> memref<48xi32, #tpu.memory_space<vmem>>
    %dma_wait3A_309 = arith.constant 0 : i32
    %dma_wait3A_310 = arith.constant 0 : i32
    %dma_wait3A_311 = tpu.memref_slice %arg13[%dma_wait3A_309, %dma_wait3A_310] : memref<10240x128xf32, #tpu.memory_space<vmem_shared>> -> memref<10240x128xf32, #tpu.memory_space<vmem_shared>>
    tpu.wait_indirect_dma semaphore(%arg22 : memref<!tpu.dma_semaphore, #tpu.memory_space<semaphore_mem>>) src(%arg9 : memref<48x128xf32, #tpu.memory_space<vmem>>) dst(%dma_wait3A_311 : memref<10240x128xf32, #tpu.memory_space<vmem_shared>>)
    %dma_start3A_312 = arith.constant 0 : i32
    %dma_start3A_313 = arith.constant 0 : i32
    %dma_start3A_314 = tpu.memref_slice %arg7[%dma_start3A_312, %dma_start3A_313] : memref<4x48xi32, #tpu.memory_space<vmem>> -> memref<1x48xi32, #tpu.memory_space<vmem>>
    %dma_start3A_315 = tpu.memref_squeeze %dma_start3A_314 : memref<1x48xi32, #tpu.memory_space<vmem>> -> memref<48xi32, #tpu.memory_space<vmem>>
    %dma_start3A_316 = arith.constant 0 : i32
    %dma_start3A_317 = arith.constant 0 : i32
    %dma_start3A_318 = tpu.memref_slice %arg2[%dma_start3A_316, %dma_start3A_317] : memref<10000x128xf32, #tpu.memory_space<hbm>> -> memref<10000x128xf32, #tpu.memory_space<hbm>>
    tpu.enqueue_indirect_dma source(%dma_start3A_318 : memref<10000x128xf32, #tpu.memory_space<hbm>>) target(%arg9 : memref<48x128xf32, #tpu.memory_space<vmem>>) offsets(%dma_start3A_315 : memref<48xi32, #tpu.memory_space<vmem>>) semaphore(%arg18 : memref<!tpu.dma_semaphore, #tpu.memory_space<semaphore_mem>>)
    %add3A_319 = arith.constant 2 : i32
    %add3A_320 = arith.constant 4 : i32
    %add3A_321 = arith.addi %add3A_319, %add3A_320 : i32
    %rem3A_322 = arith.remsi %add3A_321, %select_n3A : i32
    %add3A_323 = arith.addi %select_n3A_8, %rem3A_322 : i32
    %dma_start3A_324 = arith.constant 2 : i32
    %dma_start3A_325 = arith.constant 0 : i32
    %dma_start3A_326 = tpu.memref_slice %arg7[%dma_start3A_324, %dma_start3A_325] : memref<4x48xi32, #tpu.memory_space<vmem>> -> memref<1x48xi32, #tpu.memory_space<vmem>>
    %dma_start3A_327 = arith.constant 0 : i32
    %dma_start3A_328 = tpu.memref_slice %arg3[%add3A_323, %dma_start3A_327] : memref<6960x48xi32, #tpu.memory_space<hbm>> -> memref<1x48xi32, #tpu.memory_space<hbm>>
    %dma_start3A_329 = arith.constant 2 : i32
    %dma_start3A_330 = arith.constant 0 : i32
    %dma_start3A_331 = tpu.memref_slice %arg7[%dma_start3A_329, %dma_start3A_330] : memref<4x48xi32, #tpu.memory_space<vmem>> -> memref<1x48xi32, #tpu.memory_space<vmem>>
    %dma_start3A_332 = arith.constant 0 : i32
    %dma_start3A_333 = tpu.memref_slice %arg3[%add3A_323, %dma_start3A_332] : memref<6960x48xi32, #tpu.memory_space<hbm>> -> memref<1x48xi32, #tpu.memory_space<hbm>>
    tpu.enqueue_dma source(%dma_start3A_333 : memref<1x48xi32, #tpu.memory_space<hbm>>) target(%dma_start3A_331 : memref<1x48xi32, #tpu.memory_space<vmem>>) target_semaphore(%arg16 : memref<!tpu.dma_semaphore, #tpu.memory_space<semaphore_mem>>)
    %dma_wait3A_334 = arith.constant 1 : i32
    %dma_wait3A_335 = arith.constant 0 : i32
    %dma_wait3A_336 = tpu.memref_slice %arg7[%dma_wait3A_334, %dma_wait3A_335] : memref<4x48xi32, #tpu.memory_space<vmem>> -> memref<1x48xi32, #tpu.memory_space<vmem>>
    %dma_wait3A_337 = arith.constant 0 : i32
    %dma_wait3A_338 = tpu.memref_slice %arg3[%select_n3A_8, %dma_wait3A_337] : memref<6960x48xi32, #tpu.memory_space<hbm>> -> memref<1x48xi32, #tpu.memory_space<hbm>>
    %dma_wait3A_339 = arith.constant 1 : i32
    %dma_wait3A_340 = arith.constant 0 : i32
    %dma_wait3A_341 = tpu.memref_slice %arg7[%dma_wait3A_339, %dma_wait3A_340] : memref<4x48xi32, #tpu.memory_space<vmem>> -> memref<1x48xi32, #tpu.memory_space<vmem>>
    %dma_wait3A_342 = arith.constant 0 : i32
    %dma_wait3A_343 = tpu.memref_slice %arg3[%select_n3A_8, %dma_wait3A_342] : memref<6960x48xi32, #tpu.memory_space<hbm>> -> memref<1x48xi32, #tpu.memory_space<hbm>>
    tpu.wait_dma2 semaphore(%arg15 : memref<!tpu.dma_semaphore, #tpu.memory_space<semaphore_mem>>) src(%dma_wait3A_343 : memref<1x48xi32, #tpu.memory_space<hbm>>) dst(%dma_wait3A_341 : memref<1x48xi32, #tpu.memory_space<vmem>>)
    %dma_wait3A_344 = arith.constant 3 : i32
    %dma_wait3A_345 = arith.constant 0 : i32
    %dma_wait3A_346 = tpu.memref_slice %arg7[%dma_wait3A_344, %dma_wait3A_345] : memref<4x48xi32, #tpu.memory_space<vmem>> -> memref<1x48xi32, #tpu.memory_space<vmem>>
    %dma_wait3A_347 = tpu.memref_squeeze %dma_wait3A_346 : memref<1x48xi32, #tpu.memory_space<vmem>> -> memref<48xi32, #tpu.memory_space<vmem>>
    %dma_wait3A_348 = arith.constant 0 : i32
    %dma_wait3A_349 = arith.constant 0 : i32
    %dma_wait3A_350 = tpu.memref_slice %arg2[%dma_wait3A_348, %dma_wait3A_349] : memref<10000x128xf32, #tpu.memory_space<hbm>> -> memref<10000x128xf32, #tpu.memory_space<hbm>>
    tpu.wait_indirect_dma semaphore(%arg21 : memref<!tpu.dma_semaphore, #tpu.memory_space<semaphore_mem>>) src(%dma_wait3A_350 : memref<10000x128xf32, #tpu.memory_space<hbm>>) dst(%arg12 : memref<48x128xf32, #tpu.memory_space<vmem>>)
    %dma_start3A_351 = arith.constant 3 : i32
    %dma_start3A_352 = arith.constant 0 : i32
    %dma_start3A_353 = tpu.memref_slice %arg8[%dma_start3A_351, %dma_start3A_352] : memref<316x48xi32, #tpu.memory_space<vmem>> -> memref<1x48xi32, #tpu.memory_space<vmem>>
    %dma_start3A_354 = tpu.memref_squeeze %dma_start3A_353 : memref<1x48xi32, #tpu.memory_space<vmem>> -> memref<48xi32, #tpu.memory_space<vmem>>
    %dma_start3A_355 = arith.constant 0 : i32
    %dma_start3A_356 = arith.constant 0 : i32
    %dma_start3A_357 = tpu.memref_slice %arg13[%dma_start3A_355, %dma_start3A_356] : memref<10240x128xf32, #tpu.memory_space<vmem_shared>> -> memref<10240x128xf32, #tpu.memory_space<vmem_shared>>
    tpu.enqueue_indirect_dma source(%arg12 : memref<48x128xf32, #tpu.memory_space<vmem>>) target(%dma_start3A_357 : memref<10240x128xf32, #tpu.memory_space<vmem_shared>>) offsets(%dma_start3A_354 : memref<48xi32, #tpu.memory_space<vmem>>) semaphore(%arg25 : memref<!tpu.dma_semaphore, #tpu.memory_space<semaphore_mem>>) {add = true}
    %dma_start3A_358 = arith.constant 3 : i32
    %dma_start3A_359 = arith.constant 0 : i32
    %dma_start3A_360 = tpu.memref_slice %arg8[%dma_start3A_358, %dma_start3A_359] : memref<316x48xi32, #tpu.memory_space<vmem>> -> memref<1x48xi32, #tpu.memory_space<vmem>>
    %dma_start3A_361 = tpu.memref_squeeze %dma_start3A_360 : memref<1x48xi32, #tpu.memory_space<vmem>> -> memref<48xi32, #tpu.memory_space<vmem>>
    %dma_start3A_362 = arith.constant 0 : i32
    %dma_start3A_363 = tpu.memref_slice %arg28[%dma_start3A_362] : memref<10240xf32, #tpu.memory_space<vmem_shared>> -> memref<10240xf32, #tpu.memory_space<vmem_shared>>
    tpu.enqueue_indirect_dma source(%arg26 : memref<48xf32, #tpu.memory_space<vmem>>) target(%dma_start3A_363 : memref<10240xf32, #tpu.memory_space<vmem_shared>>) offsets(%dma_start3A_361 : memref<48xi32, #tpu.memory_space<vmem>>) semaphore(%arg29 : memref<!tpu.dma_semaphore, #tpu.memory_space<semaphore_mem>>) {add = true}
    %dma_wait3A_364 = arith.constant 0 : i32
    %dma_wait3A_365 = arith.constant 0 : i32
    %dma_wait3A_366 = tpu.memref_slice %arg8[%dma_wait3A_364, %dma_wait3A_365] : memref<316x48xi32, #tpu.memory_space<vmem>> -> memref<1x48xi32, #tpu.memory_space<vmem>>
    %dma_wait3A_367 = tpu.memref_squeeze %dma_wait3A_366 : memref<1x48xi32, #tpu.memory_space<vmem>> -> memref<48xi32, #tpu.memory_space<vmem>>
    %dma_wait3A_368 = arith.constant 0 : i32
    %dma_wait3A_369 = arith.constant 0 : i32
    %dma_wait3A_370 = tpu.memref_slice %arg13[%dma_wait3A_368, %dma_wait3A_369] : memref<10240x128xf32, #tpu.memory_space<vmem_shared>> -> memref<10240x128xf32, #tpu.memory_space<vmem_shared>>
    tpu.wait_indirect_dma semaphore(%arg23 : memref<!tpu.dma_semaphore, #tpu.memory_space<semaphore_mem>>) src(%arg10 : memref<48x128xf32, #tpu.memory_space<vmem>>) dst(%dma_wait3A_370 : memref<10240x128xf32, #tpu.memory_space<vmem_shared>>)
    %dma_start3A_371 = arith.constant 1 : i32
    %dma_start3A_372 = arith.constant 0 : i32
    %dma_start3A_373 = tpu.memref_slice %arg7[%dma_start3A_371, %dma_start3A_372] : memref<4x48xi32, #tpu.memory_space<vmem>> -> memref<1x48xi32, #tpu.memory_space<vmem>>
    %dma_start3A_374 = tpu.memref_squeeze %dma_start3A_373 : memref<1x48xi32, #tpu.memory_space<vmem>> -> memref<48xi32, #tpu.memory_space<vmem>>
    %dma_start3A_375 = arith.constant 0 : i32
    %dma_start3A_376 = arith.constant 0 : i32
    %dma_start3A_377 = tpu.memref_slice %arg2[%dma_start3A_375, %dma_start3A_376] : memref<10000x128xf32, #tpu.memory_space<hbm>> -> memref<10000x128xf32, #tpu.memory_space<hbm>>
    tpu.enqueue_indirect_dma source(%dma_start3A_377 : memref<10000x128xf32, #tpu.memory_space<hbm>>) target(%arg10 : memref<48x128xf32, #tpu.memory_space<vmem>>) offsets(%dma_start3A_374 : memref<48xi32, #tpu.memory_space<vmem>>) semaphore(%arg19 : memref<!tpu.dma_semaphore, #tpu.memory_space<semaphore_mem>>)
    %add3A_378 = arith.constant 3 : i32
    %add3A_379 = arith.constant 4 : i32
    %add3A_380 = arith.addi %add3A_378, %add3A_379 : i32
    %rem3A_381 = arith.remsi %add3A_380, %select_n3A : i32
    %add3A_382 = arith.addi %select_n3A_8, %rem3A_381 : i32
    %dma_start3A_383 = arith.constant 3 : i32
    %dma_start3A_384 = arith.constant 0 : i32
    %dma_start3A_385 = tpu.memref_slice %arg7[%dma_start3A_383, %dma_start3A_384] : memref<4x48xi32, #tpu.memory_space<vmem>> -> memref<1x48xi32, #tpu.memory_space<vmem>>
    %dma_start3A_386 = arith.constant 0 : i32
    %dma_start3A_387 = tpu.memref_slice %arg3[%add3A_382, %dma_start3A_386] : memref<6960x48xi32, #tpu.memory_space<hbm>> -> memref<1x48xi32, #tpu.memory_space<hbm>>
    %dma_start3A_388 = arith.constant 3 : i32
    %dma_start3A_389 = arith.constant 0 : i32
    %dma_start3A_390 = tpu.memref_slice %arg7[%dma_start3A_388, %dma_start3A_389] : memref<4x48xi32, #tpu.memory_space<vmem>> -> memref<1x48xi32, #tpu.memory_space<vmem>>
    %dma_start3A_391 = arith.constant 0 : i32
    %dma_start3A_392 = tpu.memref_slice %arg3[%add3A_382, %dma_start3A_391] : memref<6960x48xi32, #tpu.memory_space<hbm>> -> memref<1x48xi32, #tpu.memory_space<hbm>>
    tpu.enqueue_dma source(%dma_start3A_392 : memref<1x48xi32, #tpu.memory_space<hbm>>) target(%dma_start3A_390 : memref<1x48xi32, #tpu.memory_space<vmem>>) target_semaphore(%arg17 : memref<!tpu.dma_semaphore, #tpu.memory_space<semaphore_mem>>)
    %jit3A_393 = arith.constant 4 : i32
    %div3A = arith.divsi %select_n3A, %jit3A_393 : i32
    %sign3A = arith.constant 0 : i32
    %sign3A_394 = arith.cmpi sgt, %select_n3A, %sign3A : i32
    %sign3A_395 = arith.extui %sign3A_394 : i1 to i32
    %sign3A_396 = arith.constant 0 : i32
    %sign3A_397 = arith.cmpi slt, %select_n3A, %sign3A_396 : i32
    %sign3A_398 = arith.extui %sign3A_397 : i1 to i32
    %sign3A_399 = arith.subi %sign3A_395, %sign3A_398 : i32
    %sign3A_400 = arith.constant 0 : i32
    %sign3A_401 = arith.cmpi sgt, %jit3A_393, %sign3A_400 : i32
    %sign3A_402 = arith.extui %sign3A_401 : i1 to i32
    %sign3A_403 = arith.constant 0 : i32
    %sign3A_404 = arith.cmpi slt, %jit3A_393, %sign3A_403 : i32
    %sign3A_405 = arith.extui %sign3A_404 : i1 to i32
    %sign3A_406 = arith.subi %sign3A_402, %sign3A_405 : i32
    %ne3A = arith.cmpi ne, %sign3A_399, %sign3A_406 : i32
    %rem3A_407 = arith.remsi %select_n3A, %jit3A_393 : i32
    %ne3A_408 = arith.constant 0 : i32
    %ne3A_409 = arith.cmpi ne, %rem3A_407, %ne3A_408 : i32
    %and3A = arith.andi %ne3A, %ne3A_409 : i1
    %sub3A = arith.constant 1 : i32
    %sub3A_410 = arith.subi %div3A, %sub3A : i32
    %select_n3A_411 = arith.select %and3A, %sub3A_410, %div3A : i32
    %while3A = arith.constant 0 : i32
    %while3A_412 = arith.constant 1 : i32
    %while3A_413 = arith.subi %select_n3A_411, %while3A_412 : i32
    %while3A_414 = arith.addi %while3A_412, %while3A_413 : i32
    %while3A_415 = arith.constant 1 : i32
    %while3A_416 = arith.divsi %while3A_413, %while3A_415 : i32
    %while3A_417 = arith.muli %while3A_416, %while3A_415 : i32
    %while3A_418 = arith.addi %while3A_412, %while3A_417 : i32
    %while3A_419 = arith.constant 1 : i32
    scf.for %while3A_482 = %while3A_412 to %while3A_418 step %while3A_419  : i32 {
      %mul3A_483 = arith.constant 4 : i32
      %mul3A_484 = arith.muli %mul3A_483, %while3A_482 : i32
      %add3A_485 = arith.constant 0 : i32
      %add3A_486 = arith.addi %mul3A_484, %add3A_485 : i32
      %dma_wait3A_487 = arith.constant 2 : i32
      %dma_wait3A_488 = arith.constant 0 : i32
      %dma_wait3A_489 = tpu.memref_slice %arg7[%dma_wait3A_487, %dma_wait3A_488] : memref<4x48xi32, #tpu.memory_space<vmem>> -> memref<1x48xi32, #tpu.memory_space<vmem>>
      %dma_wait3A_490 = arith.constant 0 : i32
      %dma_wait3A_491 = tpu.memref_slice %arg3[%select_n3A_8, %dma_wait3A_490] : memref<6960x48xi32, #tpu.memory_space<hbm>> -> memref<1x48xi32, #tpu.memory_space<hbm>>
      %dma_wait3A_492 = arith.constant 2 : i32
      %dma_wait3A_493 = arith.constant 0 : i32
      %dma_wait3A_494 = tpu.memref_slice %arg7[%dma_wait3A_492, %dma_wait3A_493] : memref<4x48xi32, #tpu.memory_space<vmem>> -> memref<1x48xi32, #tpu.memory_space<vmem>>
      %dma_wait3A_495 = arith.constant 0 : i32
      %dma_wait3A_496 = tpu.memref_slice %arg3[%select_n3A_8, %dma_wait3A_495] : memref<6960x48xi32, #tpu.memory_space<hbm>> -> memref<1x48xi32, #tpu.memory_space<hbm>>
      tpu.wait_dma2 semaphore(%arg16 : memref<!tpu.dma_semaphore, #tpu.memory_space<semaphore_mem>>) src(%dma_wait3A_496 : memref<1x48xi32, #tpu.memory_space<hbm>>) dst(%dma_wait3A_494 : memref<1x48xi32, #tpu.memory_space<vmem>>)
      %dma_wait3A_497 = arith.constant 0 : i32
      %dma_wait3A_498 = arith.constant 0 : i32
      %dma_wait3A_499 = tpu.memref_slice %arg7[%dma_wait3A_497, %dma_wait3A_498] : memref<4x48xi32, #tpu.memory_space<vmem>> -> memref<1x48xi32, #tpu.memory_space<vmem>>
      %dma_wait3A_500 = tpu.memref_squeeze %dma_wait3A_499 : memref<1x48xi32, #tpu.memory_space<vmem>> -> memref<48xi32, #tpu.memory_space<vmem>>
      %dma_wait3A_501 = arith.constant 0 : i32
      %dma_wait3A_502 = arith.constant 0 : i32
      %dma_wait3A_503 = tpu.memref_slice %arg2[%dma_wait3A_501, %dma_wait3A_502] : memref<10000x128xf32, #tpu.memory_space<hbm>> -> memref<10000x128xf32, #tpu.memory_space<hbm>>
      tpu.wait_indirect_dma semaphore(%arg18 : memref<!tpu.dma_semaphore, #tpu.memory_space<semaphore_mem>>) src(%dma_wait3A_503 : memref<10000x128xf32, #tpu.memory_space<hbm>>) dst(%arg9 : memref<48x128xf32, #tpu.memory_space<vmem>>)
      %dma_start3A_504 = arith.constant 0 : i32
      %dma_start3A_505 = tpu.memref_slice %arg8[%add3A_486, %dma_start3A_504] : memref<316x48xi32, #tpu.memory_space<vmem>> -> memref<1x48xi32, #tpu.memory_space<vmem>>
      %dma_start3A_506 = tpu.memref_squeeze %dma_start3A_505 : memref<1x48xi32, #tpu.memory_space<vmem>> -> memref<48xi32, #tpu.memory_space<vmem>>
      %dma_start3A_507 = arith.constant 0 : i32
      %dma_start3A_508 = arith.constant 0 : i32
      %dma_start3A_509 = tpu.memref_slice %arg13[%dma_start3A_507, %dma_start3A_508] : memref<10240x128xf32, #tpu.memory_space<vmem_shared>> -> memref<10240x128xf32, #tpu.memory_space<vmem_shared>>
      tpu.enqueue_indirect_dma source(%arg9 : memref<48x128xf32, #tpu.memory_space<vmem>>) target(%dma_start3A_509 : memref<10240x128xf32, #tpu.memory_space<vmem_shared>>) offsets(%dma_start3A_506 : memref<48xi32, #tpu.memory_space<vmem>>) semaphore(%arg22 : memref<!tpu.dma_semaphore, #tpu.memory_space<semaphore_mem>>) {add = true}
      %dma_start3A_510 = arith.constant 0 : i32
      %dma_start3A_511 = tpu.memref_slice %arg8[%add3A_486, %dma_start3A_510] : memref<316x48xi32, #tpu.memory_space<vmem>> -> memref<1x48xi32, #tpu.memory_space<vmem>>
      %dma_start3A_512 = tpu.memref_squeeze %dma_start3A_511 : memref<1x48xi32, #tpu.memory_space<vmem>> -> memref<48xi32, #tpu.memory_space<vmem>>
      %dma_start3A_513 = arith.constant 0 : i32
      %dma_start3A_514 = tpu.memref_slice %arg28[%dma_start3A_513] : memref<10240xf32, #tpu.memory_space<vmem_shared>> -> memref<10240xf32, #tpu.memory_space<vmem_shared>>
      tpu.enqueue_indirect_dma source(%arg26 : memref<48xf32, #tpu.memory_space<vmem>>) target(%dma_start3A_514 : memref<10240xf32, #tpu.memory_space<vmem_shared>>) offsets(%dma_start3A_512 : memref<48xi32, #tpu.memory_space<vmem>>) semaphore(%arg29 : memref<!tpu.dma_semaphore, #tpu.memory_space<semaphore_mem>>) {add = true}
      %dma_wait3A_515 = arith.constant 0 : i32
      %dma_wait3A_516 = arith.constant 0 : i32
      %dma_wait3A_517 = tpu.memref_slice %arg8[%dma_wait3A_515, %dma_wait3A_516] : memref<316x48xi32, #tpu.memory_space<vmem>> -> memref<1x48xi32, #tpu.memory_space<vmem>>
      %dma_wait3A_518 = tpu.memref_squeeze %dma_wait3A_517 : memref<1x48xi32, #tpu.memory_space<vmem>> -> memref<48xi32, #tpu.memory_space<vmem>>
      %dma_wait3A_519 = arith.constant 0 : i32
      %dma_wait3A_520 = arith.constant 0 : i32
      %dma_wait3A_521 = tpu.memref_slice %arg13[%dma_wait3A_519, %dma_wait3A_520] : memref<10240x128xf32, #tpu.memory_space<vmem_shared>> -> memref<10240x128xf32, #tpu.memory_space<vmem_shared>>
      tpu.wait_indirect_dma semaphore(%arg24 : memref<!tpu.dma_semaphore, #tpu.memory_space<semaphore_mem>>) src(%arg11 : memref<48x128xf32, #tpu.memory_space<vmem>>) dst(%dma_wait3A_521 : memref<10240x128xf32, #tpu.memory_space<vmem_shared>>)
      %dma_start3A_522 = arith.constant 2 : i32
      %dma_start3A_523 = arith.constant 0 : i32
      %dma_start3A_524 = tpu.memref_slice %arg7[%dma_start3A_522, %dma_start3A_523] : memref<4x48xi32, #tpu.memory_space<vmem>> -> memref<1x48xi32, #tpu.memory_space<vmem>>
      %dma_start3A_525 = tpu.memref_squeeze %dma_start3A_524 : memref<1x48xi32, #tpu.memory_space<vmem>> -> memref<48xi32, #tpu.memory_space<vmem>>
      %dma_start3A_526 = arith.constant 0 : i32
      %dma_start3A_527 = arith.constant 0 : i32
      %dma_start3A_528 = tpu.memref_slice %arg2[%dma_start3A_526, %dma_start3A_527] : memref<10000x128xf32, #tpu.memory_space<hbm>> -> memref<10000x128xf32, #tpu.memory_space<hbm>>
      tpu.enqueue_indirect_dma source(%dma_start3A_528 : memref<10000x128xf32, #tpu.memory_space<hbm>>) target(%arg11 : memref<48x128xf32, #tpu.memory_space<vmem>>) offsets(%dma_start3A_525 : memref<48xi32, #tpu.memory_space<vmem>>) semaphore(%arg20 : memref<!tpu.dma_semaphore, #tpu.memory_space<semaphore_mem>>)
      %add3A_529 = arith.constant 4 : i32
      %add3A_530 = arith.addi %add3A_486, %add3A_529 : i32
      %rem3A_531 = arith.remsi %add3A_530, %select_n3A : i32
      %add3A_532 = arith.addi %select_n3A_8, %rem3A_531 : i32
      %dma_start3A_533 = arith.constant 0 : i32
      %dma_start3A_534 = arith.constant 0 : i32
      %dma_start3A_535 = tpu.memref_slice %arg7[%dma_start3A_533, %dma_start3A_534] : memref<4x48xi32, #tpu.memory_space<vmem>> -> memref<1x48xi32, #tpu.memory_space<vmem>>
      %dma_start3A_536 = arith.constant 0 : i32
      %dma_start3A_537 = tpu.memref_slice %arg3[%add3A_532, %dma_start3A_536] : memref<6960x48xi32, #tpu.memory_space<hbm>> -> memref<1x48xi32, #tpu.memory_space<hbm>>
      %dma_start3A_538 = arith.constant 0 : i32
      %dma_start3A_539 = arith.constant 0 : i32
      %dma_start3A_540 = tpu.memref_slice %arg7[%dma_start3A_538, %dma_start3A_539] : memref<4x48xi32, #tpu.memory_space<vmem>> -> memref<1x48xi32, #tpu.memory_space<vmem>>
      %dma_start3A_541 = arith.constant 0 : i32
      %dma_start3A_542 = tpu.memref_slice %arg3[%add3A_532, %dma_start3A_541] : memref<6960x48xi32, #tpu.memory_space<hbm>> -> memref<1x48xi32, #tpu.memory_space<hbm>>
      tpu.enqueue_dma source(%dma_start3A_542 : memref<1x48xi32, #tpu.memory_space<hbm>>) target(%dma_start3A_540 : memref<1x48xi32, #tpu.memory_space<vmem>>) target_semaphore(%arg14 : memref<!tpu.dma_semaphore, #tpu.memory_space<semaphore_mem>>)
      %mul3A_543 = arith.constant 4 : i32
      %mul3A_544 = arith.muli %mul3A_543, %while3A_482 : i32
      %add3A_545 = arith.constant 1 : i32
      %add3A_546 = arith.addi %mul3A_544, %add3A_545 : i32
      %dma_wait3A_547 = arith.constant 3 : i32
      %dma_wait3A_548 = arith.constant 0 : i32
      %dma_wait3A_549 = tpu.memref_slice %arg7[%dma_wait3A_547, %dma_wait3A_548] : memref<4x48xi32, #tpu.memory_space<vmem>> -> memref<1x48xi32, #tpu.memory_space<vmem>>
      %dma_wait3A_550 = arith.constant 0 : i32
      %dma_wait3A_551 = tpu.memref_slice %arg3[%select_n3A_8, %dma_wait3A_550] : memref<6960x48xi32, #tpu.memory_space<hbm>> -> memref<1x48xi32, #tpu.memory_space<hbm>>
      %dma_wait3A_552 = arith.constant 3 : i32
      %dma_wait3A_553 = arith.constant 0 : i32
      %dma_wait3A_554 = tpu.memref_slice %arg7[%dma_wait3A_552, %dma_wait3A_553] : memref<4x48xi32, #tpu.memory_space<vmem>> -> memref<1x48xi32, #tpu.memory_space<vmem>>
      %dma_wait3A_555 = arith.constant 0 : i32
      %dma_wait3A_556 = tpu.memref_slice %arg3[%select_n3A_8, %dma_wait3A_555] : memref<6960x48xi32, #tpu.memory_space<hbm>> -> memref<1x48xi32, #tpu.memory_space<hbm>>
      tpu.wait_dma2 semaphore(%arg17 : memref<!tpu.dma_semaphore, #tpu.memory_space<semaphore_mem>>) src(%dma_wait3A_556 : memref<1x48xi32, #tpu.memory_space<hbm>>) dst(%dma_wait3A_554 : memref<1x48xi32, #tpu.memory_space<vmem>>)
      %dma_wait3A_557 = arith.constant 1 : i32
      %dma_wait3A_558 = arith.constant 0 : i32
      %dma_wait3A_559 = tpu.memref_slice %arg7[%dma_wait3A_557, %dma_wait3A_558] : memref<4x48xi32, #tpu.memory_space<vmem>> -> memref<1x48xi32, #tpu.memory_space<vmem>>
      %dma_wait3A_560 = tpu.memref_squeeze %dma_wait3A_559 : memref<1x48xi32, #tpu.memory_space<vmem>> -> memref<48xi32, #tpu.memory_space<vmem>>
      %dma_wait3A_561 = arith.constant 0 : i32
      %dma_wait3A_562 = arith.constant 0 : i32
      %dma_wait3A_563 = tpu.memref_slice %arg2[%dma_wait3A_561, %dma_wait3A_562] : memref<10000x128xf32, #tpu.memory_space<hbm>> -> memref<10000x128xf32, #tpu.memory_space<hbm>>
      tpu.wait_indirect_dma semaphore(%arg19 : memref<!tpu.dma_semaphore, #tpu.memory_space<semaphore_mem>>) src(%dma_wait3A_563 : memref<10000x128xf32, #tpu.memory_space<hbm>>) dst(%arg10 : memref<48x128xf32, #tpu.memory_space<vmem>>)
      %dma_start3A_564 = arith.constant 0 : i32
      %dma_start3A_565 = tpu.memref_slice %arg8[%add3A_546, %dma_start3A_564] : memref<316x48xi32, #tpu.memory_space<vmem>> -> memref<1x48xi32, #tpu.memory_space<vmem>>
      %dma_start3A_566 = tpu.memref_squeeze %dma_start3A_565 : memref<1x48xi32, #tpu.memory_space<vmem>> -> memref<48xi32, #tpu.memory_space<vmem>>
      %dma_start3A_567 = arith.constant 0 : i32
      %dma_start3A_568 = arith.constant 0 : i32
      %dma_start3A_569 = tpu.memref_slice %arg13[%dma_start3A_567, %dma_start3A_568] : memref<10240x128xf32, #tpu.memory_space<vmem_shared>> -> memref<10240x128xf32, #tpu.memory_space<vmem_shared>>
      tpu.enqueue_indirect_dma source(%arg10 : memref<48x128xf32, #tpu.memory_space<vmem>>) target(%dma_start3A_569 : memref<10240x128xf32, #tpu.memory_space<vmem_shared>>) offsets(%dma_start3A_566 : memref<48xi32, #tpu.memory_space<vmem>>) semaphore(%arg23 : memref<!tpu.dma_semaphore, #tpu.memory_space<semaphore_mem>>) {add = true}
      %dma_start3A_570 = arith.constant 0 : i32
      %dma_start3A_571 = tpu.memref_slice %arg8[%add3A_546, %dma_start3A_570] : memref<316x48xi32, #tpu.memory_space<vmem>> -> memref<1x48xi32, #tpu.memory_space<vmem>>
      %dma_start3A_572 = tpu.memref_squeeze %dma_start3A_571 : memref<1x48xi32, #tpu.memory_space<vmem>> -> memref<48xi32, #tpu.memory_space<vmem>>
      %dma_start3A_573 = arith.constant 0 : i32
      %dma_start3A_574 = tpu.memref_slice %arg28[%dma_start3A_573] : memref<10240xf32, #tpu.memory_space<vmem_shared>> -> memref<10240xf32, #tpu.memory_space<vmem_shared>>
      tpu.enqueue_indirect_dma source(%arg26 : memref<48xf32, #tpu.memory_space<vmem>>) target(%dma_start3A_574 : memref<10240xf32, #tpu.memory_space<vmem_shared>>) offsets(%dma_start3A_572 : memref<48xi32, #tpu.memory_space<vmem>>) semaphore(%arg29 : memref<!tpu.dma_semaphore, #tpu.memory_space<semaphore_mem>>) {add = true}
      %dma_wait3A_575 = arith.constant 0 : i32
      %dma_wait3A_576 = arith.constant 0 : i32
      %dma_wait3A_577 = tpu.memref_slice %arg8[%dma_wait3A_575, %dma_wait3A_576] : memref<316x48xi32, #tpu.memory_space<vmem>> -> memref<1x48xi32, #tpu.memory_space<vmem>>
      %dma_wait3A_578 = tpu.memref_squeeze %dma_wait3A_577 : memref<1x48xi32, #tpu.memory_space<vmem>> -> memref<48xi32, #tpu.memory_space<vmem>>
      %dma_wait3A_579 = arith.constant 0 : i32
      %dma_wait3A_580 = arith.constant 0 : i32
      %dma_wait3A_581 = tpu.memref_slice %arg13[%dma_wait3A_579, %dma_wait3A_580] : memref<10240x128xf32, #tpu.memory_space<vmem_shared>> -> memref<10240x128xf32, #tpu.memory_space<vmem_shared>>
      tpu.wait_indirect_dma semaphore(%arg25 : memref<!tpu.dma_semaphore, #tpu.memory_space<semaphore_mem>>) src(%arg12 : memref<48x128xf32, #tpu.memory_space<vmem>>) dst(%dma_wait3A_581 : memref<10240x128xf32, #tpu.memory_space<vmem_shared>>)
      %dma_start3A_582 = arith.constant 3 : i32
      %dma_start3A_583 = arith.constant 0 : i32
      %dma_start3A_584 = tpu.memref_slice %arg7[%dma_start3A_582, %dma_start3A_583] : memref<4x48xi32, #tpu.memory_space<vmem>> -> memref<1x48xi32, #tpu.memory_space<vmem>>
      %dma_start3A_585 = tpu.memref_squeeze %dma_start3A_584 : memref<1x48xi32, #tpu.memory_space<vmem>> -> memref<48xi32, #tpu.memory_space<vmem>>
      %dma_start3A_586 = arith.constant 0 : i32
      %dma_start3A_587 = arith.constant 0 : i32
      %dma_start3A_588 = tpu.memref_slice %arg2[%dma_start3A_586, %dma_start3A_587] : memref<10000x128xf32, #tpu.memory_space<hbm>> -> memref<10000x128xf32, #tpu.memory_space<hbm>>
      tpu.enqueue_indirect_dma source(%dma_start3A_588 : memref<10000x128xf32, #tpu.memory_space<hbm>>) target(%arg12 : memref<48x128xf32, #tpu.memory_space<vmem>>) offsets(%dma_start3A_585 : memref<48xi32, #tpu.memory_space<vmem>>) semaphore(%arg21 : memref<!tpu.dma_semaphore, #tpu.memory_space<semaphore_mem>>)
      %add3A_589 = arith.constant 4 : i32
      %add3A_590 = arith.addi %add3A_546, %add3A_589 : i32
      %rem3A_591 = arith.remsi %add3A_590, %select_n3A : i32
      %add3A_592 = arith.addi %select_n3A_8, %rem3A_591 : i32
      %dma_start3A_593 = arith.constant 1 : i32
      %dma_start3A_594 = arith.constant 0 : i32
      %dma_start3A_595 = tpu.memref_slice %arg7[%dma_start3A_593, %dma_start3A_594] : memref<4x48xi32, #tpu.memory_space<vmem>> -> memref<1x48xi32, #tpu.memory_space<vmem>>
      %dma_start3A_596 = arith.constant 0 : i32
      %dma_start3A_597 = tpu.memref_slice %arg3[%add3A_592, %dma_start3A_596] : memref<6960x48xi32, #tpu.memory_space<hbm>> -> memref<1x48xi32, #tpu.memory_space<hbm>>
      %dma_start3A_598 = arith.constant 1 : i32
      %dma_start3A_599 = arith.constant 0 : i32
      %dma_start3A_600 = tpu.memref_slice %arg7[%dma_start3A_598, %dma_start3A_599] : memref<4x48xi32, #tpu.memory_space<vmem>> -> memref<1x48xi32, #tpu.memory_space<vmem>>
      %dma_start3A_601 = arith.constant 0 : i32
      %dma_start3A_602 = tpu.memref_slice %arg3[%add3A_592, %dma_start3A_601] : memref<6960x48xi32, #tpu.memory_space<hbm>> -> memref<1x48xi32, #tpu.memory_space<hbm>>
      tpu.enqueue_dma source(%dma_start3A_602 : memref<1x48xi32, #tpu.memory_space<hbm>>) target(%dma_start3A_600 : memref<1x48xi32, #tpu.memory_space<vmem>>) target_semaphore(%arg15 : memref<!tpu.dma_semaphore, #tpu.memory_space<semaphore_mem>>)
      %mul3A_603 = arith.constant 4 : i32
      %mul3A_604 = arith.muli %mul3A_603, %while3A_482 : i32
      %add3A_605 = arith.constant 2 : i32
      %add3A_606 = arith.addi %mul3A_604, %add3A_605 : i32
      %dma_wait3A_607 = arith.constant 0 : i32
      %dma_wait3A_608 = arith.constant 0 : i32
      %dma_wait3A_609 = tpu.memref_slice %arg7[%dma_wait3A_607, %dma_wait3A_608] : memref<4x48xi32, #tpu.memory_space<vmem>> -> memref<1x48xi32, #tpu.memory_space<vmem>>
      %dma_wait3A_610 = arith.constant 0 : i32
      %dma_wait3A_611 = tpu.memref_slice %arg3[%select_n3A_8, %dma_wait3A_610] : memref<6960x48xi32, #tpu.memory_space<hbm>> -> memref<1x48xi32, #tpu.memory_space<hbm>>
      %dma_wait3A_612 = arith.constant 0 : i32
      %dma_wait3A_613 = arith.constant 0 : i32
      %dma_wait3A_614 = tpu.memref_slice %arg7[%dma_wait3A_612, %dma_wait3A_613] : memref<4x48xi32, #tpu.memory_space<vmem>> -> memref<1x48xi32, #tpu.memory_space<vmem>>
      %dma_wait3A_615 = arith.constant 0 : i32
      %dma_wait3A_616 = tpu.memref_slice %arg3[%select_n3A_8, %dma_wait3A_615] : memref<6960x48xi32, #tpu.memory_space<hbm>> -> memref<1x48xi32, #tpu.memory_space<hbm>>
      tpu.wait_dma2 semaphore(%arg14 : memref<!tpu.dma_semaphore, #tpu.memory_space<semaphore_mem>>) src(%dma_wait3A_616 : memref<1x48xi32, #tpu.memory_space<hbm>>) dst(%dma_wait3A_614 : memref<1x48xi32, #tpu.memory_space<vmem>>)
      %dma_wait3A_617 = arith.constant 2 : i32
      %dma_wait3A_618 = arith.constant 0 : i32
      %dma_wait3A_619 = tpu.memref_slice %arg7[%dma_wait3A_617, %dma_wait3A_618] : memref<4x48xi32, #tpu.memory_space<vmem>> -> memref<1x48xi32, #tpu.memory_space<vmem>>
      %dma_wait3A_620 = tpu.memref_squeeze %dma_wait3A_619 : memref<1x48xi32, #tpu.memory_space<vmem>> -> memref<48xi32, #tpu.memory_space<vmem>>
      %dma_wait3A_621 = arith.constant 0 : i32
      %dma_wait3A_622 = arith.constant 0 : i32
      %dma_wait3A_623 = tpu.memref_slice %arg2[%dma_wait3A_621, %dma_wait3A_622] : memref<10000x128xf32, #tpu.memory_space<hbm>> -> memref<10000x128xf32, #tpu.memory_space<hbm>>
      tpu.wait_indirect_dma semaphore(%arg20 : memref<!tpu.dma_semaphore, #tpu.memory_space<semaphore_mem>>) src(%dma_wait3A_623 : memref<10000x128xf32, #tpu.memory_space<hbm>>) dst(%arg11 : memref<48x128xf32, #tpu.memory_space<vmem>>)
      %dma_start3A_624 = arith.constant 0 : i32
      %dma_start3A_625 = tpu.memref_slice %arg8[%add3A_606, %dma_start3A_624] : memref<316x48xi32, #tpu.memory_space<vmem>> -> memref<1x48xi32, #tpu.memory_space<vmem>>
      %dma_start3A_626 = tpu.memref_squeeze %dma_start3A_625 : memref<1x48xi32, #tpu.memory_space<vmem>> -> memref<48xi32, #tpu.memory_space<vmem>>
      %dma_start3A_627 = arith.constant 0 : i32
      %dma_start3A_628 = arith.constant 0 : i32
      %dma_start3A_629 = tpu.memref_slice %arg13[%dma_start3A_627, %dma_start3A_628] : memref<10240x128xf32, #tpu.memory_space<vmem_shared>> -> memref<10240x128xf32, #tpu.memory_space<vmem_shared>>
      tpu.enqueue_indirect_dma source(%arg11 : memref<48x128xf32, #tpu.memory_space<vmem>>) target(%dma_start3A_629 : memref<10240x128xf32, #tpu.memory_space<vmem_shared>>) offsets(%dma_start3A_626 : memref<48xi32, #tpu.memory_space<vmem>>) semaphore(%arg24 : memref<!tpu.dma_semaphore, #tpu.memory_space<semaphore_mem>>) {add = true}
      %dma_start3A_630 = arith.constant 0 : i32
      %dma_start3A_631 = tpu.memref_slice %arg8[%add3A_606, %dma_start3A_630] : memref<316x48xi32, #tpu.memory_space<vmem>> -> memref<1x48xi32, #tpu.memory_space<vmem>>
      %dma_start3A_632 = tpu.memref_squeeze %dma_start3A_631 : memref<1x48xi32, #tpu.memory_space<vmem>> -> memref<48xi32, #tpu.memory_space<vmem>>
      %dma_start3A_633 = arith.constant 0 : i32
      %dma_start3A_634 = tpu.memref_slice %arg28[%dma_start3A_633] : memref<10240xf32, #tpu.memory_space<vmem_shared>> -> memref<10240xf32, #tpu.memory_space<vmem_shared>>
      tpu.enqueue_indirect_dma source(%arg26 : memref<48xf32, #tpu.memory_space<vmem>>) target(%dma_start3A_634 : memref<10240xf32, #tpu.memory_space<vmem_shared>>) offsets(%dma_start3A_632 : memref<48xi32, #tpu.memory_space<vmem>>) semaphore(%arg29 : memref<!tpu.dma_semaphore, #tpu.memory_space<semaphore_mem>>) {add = true}
      %dma_wait3A_635 = arith.constant 0 : i32
      %dma_wait3A_636 = arith.constant 0 : i32
      %dma_wait3A_637 = tpu.memref_slice %arg8[%dma_wait3A_635, %dma_wait3A_636] : memref<316x48xi32, #tpu.memory_space<vmem>> -> memref<1x48xi32, #tpu.memory_space<vmem>>
      %dma_wait3A_638 = tpu.memref_squeeze %dma_wait3A_637 : memref<1x48xi32, #tpu.memory_space<vmem>> -> memref<48xi32, #tpu.memory_space<vmem>>
      %dma_wait3A_639 = arith.constant 0 : i32
      %dma_wait3A_640 = arith.constant 0 : i32
      %dma_wait3A_641 = tpu.memref_slice %arg13[%dma_wait3A_639, %dma_wait3A_640] : memref<10240x128xf32, #tpu.memory_space<vmem_shared>> -> memref<10240x128xf32, #tpu.memory_space<vmem_shared>>
      tpu.wait_indirect_dma semaphore(%arg22 : memref<!tpu.dma_semaphore, #tpu.memory_space<semaphore_mem>>) src(%arg9 : memref<48x128xf32, #tpu.memory_space<vmem>>) dst(%dma_wait3A_641 : memref<10240x128xf32, #tpu.memory_space<vmem_shared>>)
      %dma_start3A_642 = arith.constant 0 : i32
      %dma_start3A_643 = arith.constant 0 : i32
      %dma_start3A_644 = tpu.memref_slice %arg7[%dma_start3A_642, %dma_start3A_643] : memref<4x48xi32, #tpu.memory_space<vmem>> -> memref<1x48xi32, #tpu.memory_space<vmem>>
      %dma_start3A_645 = tpu.memref_squeeze %dma_start3A_644 : memref<1x48xi32, #tpu.memory_space<vmem>> -> memref<48xi32, #tpu.memory_space<vmem>>
      %dma_start3A_646 = arith.constant 0 : i32
      %dma_start3A_647 = arith.constant 0 : i32
      %dma_start3A_648 = tpu.memref_slice %arg2[%dma_start3A_646, %dma_start3A_647] : memref<10000x128xf32, #tpu.memory_space<hbm>> -> memref<10000x128xf32, #tpu.memory_space<hbm>>
      tpu.enqueue_indirect_dma source(%dma_start3A_648 : memref<10000x128xf32, #tpu.memory_space<hbm>>) target(%arg9 : memref<48x128xf32, #tpu.memory_space<vmem>>) offsets(%dma_start3A_645 : memref<48xi32, #tpu.memory_space<vmem>>) semaphore(%arg18 : memref<!tpu.dma_semaphore, #tpu.memory_space<semaphore_mem>>)
      %add3A_649 = arith.constant 4 : i32
      %add3A_650 = arith.addi %add3A_606, %add3A_649 : i32
      %rem3A_651 = arith.remsi %add3A_650, %select_n3A : i32
      %add3A_652 = arith.addi %select_n3A_8, %rem3A_651 : i32
      %dma_start3A_653 = arith.constant 2 : i32
      %dma_start3A_654 = arith.constant 0 : i32
      %dma_start3A_655 = tpu.memref_slice %arg7[%dma_start3A_653, %dma_start3A_654] : memref<4x48xi32, #tpu.memory_space<vmem>> -> memref<1x48xi32, #tpu.memory_space<vmem>>
      %dma_start3A_656 = arith.constant 0 : i32
      %dma_start3A_657 = tpu.memref_slice %arg3[%add3A_652, %dma_start3A_656] : memref<6960x48xi32, #tpu.memory_space<hbm>> -> memref<1x48xi32, #tpu.memory_space<hbm>>
      %dma_start3A_658 = arith.constant 2 : i32
      %dma_start3A_659 = arith.constant 0 : i32
      %dma_start3A_660 = tpu.memref_slice %arg7[%dma_start3A_658, %dma_start3A_659] : memref<4x48xi32, #tpu.memory_space<vmem>> -> memref<1x48xi32, #tpu.memory_space<vmem>>
      %dma_start3A_661 = arith.constant 0 : i32
      %dma_start3A_662 = tpu.memref_slice %arg3[%add3A_652, %dma_start3A_661] : memref<6960x48xi32, #tpu.memory_space<hbm>> -> memref<1x48xi32, #tpu.memory_space<hbm>>
      tpu.enqueue_dma source(%dma_start3A_662 : memref<1x48xi32, #tpu.memory_space<hbm>>) target(%dma_start3A_660 : memref<1x48xi32, #tpu.memory_space<vmem>>) target_semaphore(%arg16 : memref<!tpu.dma_semaphore, #tpu.memory_space<semaphore_mem>>)
      %mul3A_663 = arith.constant 4 : i32
      %mul3A_664 = arith.muli %mul3A_663, %while3A_482 : i32
      %add3A_665 = arith.constant 3 : i32
      %add3A_666 = arith.addi %mul3A_664, %add3A_665 : i32
      %dma_wait3A_667 = arith.constant 1 : i32
      %dma_wait3A_668 = arith.constant 0 : i32
      %dma_wait3A_669 = tpu.memref_slice %arg7[%dma_wait3A_667, %dma_wait3A_668] : memref<4x48xi32, #tpu.memory_space<vmem>> -> memref<1x48xi32, #tpu.memory_space<vmem>>
      %dma_wait3A_670 = arith.constant 0 : i32
      %dma_wait3A_671 = tpu.memref_slice %arg3[%select_n3A_8, %dma_wait3A_670] : memref<6960x48xi32, #tpu.memory_space<hbm>> -> memref<1x48xi32, #tpu.memory_space<hbm>>
      %dma_wait3A_672 = arith.constant 1 : i32
      %dma_wait3A_673 = arith.constant 0 : i32
      %dma_wait3A_674 = tpu.memref_slice %arg7[%dma_wait3A_672, %dma_wait3A_673] : memref<4x48xi32, #tpu.memory_space<vmem>> -> memref<1x48xi32, #tpu.memory_space<vmem>>
      %dma_wait3A_675 = arith.constant 0 : i32
      %dma_wait3A_676 = tpu.memref_slice %arg3[%select_n3A_8, %dma_wait3A_675] : memref<6960x48xi32, #tpu.memory_space<hbm>> -> memref<1x48xi32, #tpu.memory_space<hbm>>
      tpu.wait_dma2 semaphore(%arg15 : memref<!tpu.dma_semaphore, #tpu.memory_space<semaphore_mem>>) src(%dma_wait3A_676 : memref<1x48xi32, #tpu.memory_space<hbm>>) dst(%dma_wait3A_674 : memref<1x48xi32, #tpu.memory_space<vmem>>)
      %dma_wait3A_677 = arith.constant 3 : i32
      %dma_wait3A_678 = arith.constant 0 : i32
      %dma_wait3A_679 = tpu.memref_slice %arg7[%dma_wait3A_677, %dma_wait3A_678] : memref<4x48xi32, #tpu.memory_space<vmem>> -> memref<1x48xi32, #tpu.memory_space<vmem>>
      %dma_wait3A_680 = tpu.memref_squeeze %dma_wait3A_679 : memref<1x48xi32, #tpu.memory_space<vmem>> -> memref<48xi32, #tpu.memory_space<vmem>>
      %dma_wait3A_681 = arith.constant 0 : i32
      %dma_wait3A_682 = arith.constant 0 : i32
      %dma_wait3A_683 = tpu.memref_slice %arg2[%dma_wait3A_681, %dma_wait3A_682] : memref<10000x128xf32, #tpu.memory_space<hbm>> -> memref<10000x128xf32, #tpu.memory_space<hbm>>
      tpu.wait_indirect_dma semaphore(%arg21 : memref<!tpu.dma_semaphore, #tpu.memory_space<semaphore_mem>>) src(%dma_wait3A_683 : memref<10000x128xf32, #tpu.memory_space<hbm>>) dst(%arg12 : memref<48x128xf32, #tpu.memory_space<vmem>>)
      %dma_start3A_684 = arith.constant 0 : i32
      %dma_start3A_685 = tpu.memref_slice %arg8[%add3A_666, %dma_start3A_684] : memref<316x48xi32, #tpu.memory_space<vmem>> -> memref<1x48xi32, #tpu.memory_space<vmem>>
      %dma_start3A_686 = tpu.memref_squeeze %dma_start3A_685 : memref<1x48xi32, #tpu.memory_space<vmem>> -> memref<48xi32, #tpu.memory_space<vmem>>
      %dma_start3A_687 = arith.constant 0 : i32
      %dma_start3A_688 = arith.constant 0 : i32
      %dma_start3A_689 = tpu.memref_slice %arg13[%dma_start3A_687, %dma_start3A_688] : memref<10240x128xf32, #tpu.memory_space<vmem_shared>> -> memref<10240x128xf32, #tpu.memory_space<vmem_shared>>
      tpu.enqueue_indirect_dma source(%arg12 : memref<48x128xf32, #tpu.memory_space<vmem>>) target(%dma_start3A_689 : memref<10240x128xf32, #tpu.memory_space<vmem_shared>>) offsets(%dma_start3A_686 : memref<48xi32, #tpu.memory_space<vmem>>) semaphore(%arg25 : memref<!tpu.dma_semaphore, #tpu.memory_space<semaphore_mem>>) {add = true}
      %dma_start3A_690 = arith.constant 0 : i32
      %dma_start3A_691 = tpu.memref_slice %arg8[%add3A_666, %dma_start3A_690] : memref<316x48xi32, #tpu.memory_space<vmem>> -> memref<1x48xi32, #tpu.memory_space<vmem>>
      %dma_start3A_692 = tpu.memref_squeeze %dma_start3A_691 : memref<1x48xi32, #tpu.memory_space<vmem>> -> memref<48xi32, #tpu.memory_space<vmem>>
      %dma_start3A_693 = arith.constant 0 : i32
      %dma_start3A_694 = tpu.memref_slice %arg28[%dma_start3A_693] : memref<10240xf32, #tpu.memory_space<vmem_shared>> -> memref<10240xf32, #tpu.memory_space<vmem_shared>>
      tpu.enqueue_indirect_dma source(%arg26 : memref<48xf32, #tpu.memory_space<vmem>>) target(%dma_start3A_694 : memref<10240xf32, #tpu.memory_space<vmem_shared>>) offsets(%dma_start3A_692 : memref<48xi32, #tpu.memory_space<vmem>>) semaphore(%arg29 : memref<!tpu.dma_semaphore, #tpu.memory_space<semaphore_mem>>) {add = true}
      %dma_wait3A_695 = arith.constant 0 : i32
      %dma_wait3A_696 = arith.constant 0 : i32
      %dma_wait3A_697 = tpu.memref_slice %arg8[%dma_wait3A_695, %dma_wait3A_696] : memref<316x48xi32, #tpu.memory_space<vmem>> -> memref<1x48xi32, #tpu.memory_space<vmem>>
      %dma_wait3A_698 = tpu.memref_squeeze %dma_wait3A_697 : memref<1x48xi32, #tpu.memory_space<vmem>> -> memref<48xi32, #tpu.memory_space<vmem>>
      %dma_wait3A_699 = arith.constant 0 : i32
      %dma_wait3A_700 = arith.constant 0 : i32
      %dma_wait3A_701 = tpu.memref_slice %arg13[%dma_wait3A_699, %dma_wait3A_700] : memref<10240x128xf32, #tpu.memory_space<vmem_shared>> -> memref<10240x128xf32, #tpu.memory_space<vmem_shared>>
      tpu.wait_indirect_dma semaphore(%arg23 : memref<!tpu.dma_semaphore, #tpu.memory_space<semaphore_mem>>) src(%arg10 : memref<48x128xf32, #tpu.memory_space<vmem>>) dst(%dma_wait3A_701 : memref<10240x128xf32, #tpu.memory_space<vmem_shared>>)
      %dma_start3A_702 = arith.constant 1 : i32
      %dma_start3A_703 = arith.constant 0 : i32
      %dma_start3A_704 = tpu.memref_slice %arg7[%dma_start3A_702, %dma_start3A_703] : memref<4x48xi32, #tpu.memory_space<vmem>> -> memref<1x48xi32, #tpu.memory_space<vmem>>
      %dma_start3A_705 = tpu.memref_squeeze %dma_start3A_704 : memref<1x48xi32, #tpu.memory_space<vmem>> -> memref<48xi32, #tpu.memory_space<vmem>>
      %dma_start3A_706 = arith.constant 0 : i32
      %dma_start3A_707 = arith.constant 0 : i32
      %dma_start3A_708 = tpu.memref_slice %arg2[%dma_start3A_706, %dma_start3A_707] : memref<10000x128xf32, #tpu.memory_space<hbm>> -> memref<10000x128xf32, #tpu.memory_space<hbm>>
      tpu.enqueue_indirect_dma source(%dma_start3A_708 : memref<10000x128xf32, #tpu.memory_space<hbm>>) target(%arg10 : memref<48x128xf32, #tpu.memory_space<vmem>>) offsets(%dma_start3A_705 : memref<48xi32, #tpu.memory_space<vmem>>) semaphore(%arg19 : memref<!tpu.dma_semaphore, #tpu.memory_space<semaphore_mem>>)
      %add3A_709 = arith.constant 4 : i32
      %add3A_710 = arith.addi %add3A_666, %add3A_709 : i32
      %rem3A_711 = arith.remsi %add3A_710, %select_n3A : i32
      %add3A_712 = arith.addi %select_n3A_8, %rem3A_711 : i32
      %dma_start3A_713 = arith.constant 3 : i32
      %dma_start3A_714 = arith.constant 0 : i32
      %dma_start3A_715 = tpu.memref_slice %arg7[%dma_start3A_713, %dma_start3A_714] : memref<4x48xi32, #tpu.memory_space<vmem>> -> memref<1x48xi32, #tpu.memory_space<vmem>>
      %dma_start3A_716 = arith.constant 0 : i32
      %dma_start3A_717 = tpu.memref_slice %arg3[%add3A_712, %dma_start3A_716] : memref<6960x48xi32, #tpu.memory_space<hbm>> -> memref<1x48xi32, #tpu.memory_space<hbm>>
      %dma_start3A_718 = arith.constant 3 : i32
      %dma_start3A_719 = arith.constant 0 : i32
      %dma_start3A_720 = tpu.memref_slice %arg7[%dma_start3A_718, %dma_start3A_719] : memref<4x48xi32, #tpu.memory_space<vmem>> -> memref<1x48xi32, #tpu.memory_space<vmem>>
      %dma_start3A_721 = arith.constant 0 : i32
      %dma_start3A_722 = tpu.memref_slice %arg3[%add3A_712, %dma_start3A_721] : memref<6960x48xi32, #tpu.memory_space<hbm>> -> memref<1x48xi32, #tpu.memory_space<hbm>>
      tpu.enqueue_dma source(%dma_start3A_722 : memref<1x48xi32, #tpu.memory_space<hbm>>) target(%dma_start3A_720 : memref<1x48xi32, #tpu.memory_space<vmem>>) target_semaphore(%arg17 : memref<!tpu.dma_semaphore, #tpu.memory_space<semaphore_mem>>)
    }
    %while3A_420 = arith.constant 1 : i32
    scf.for %while3A_482 = %while3A_418 to %while3A_414 step %while3A_420  : i32 {
      %mul3A_483 = arith.constant 4 : i32
      %mul3A_484 = arith.muli %mul3A_483, %while3A_482 : i32
      %add3A_485 = arith.constant 0 : i32
      %add3A_486 = arith.addi %mul3A_484, %add3A_485 : i32
      %dma_wait3A_487 = arith.constant 2 : i32
      %dma_wait3A_488 = arith.constant 0 : i32
      %dma_wait3A_489 = tpu.memref_slice %arg7[%dma_wait3A_487, %dma_wait3A_488] : memref<4x48xi32, #tpu.memory_space<vmem>> -> memref<1x48xi32, #tpu.memory_space<vmem>>
      %dma_wait3A_490 = arith.constant 0 : i32
      %dma_wait3A_491 = tpu.memref_slice %arg3[%select_n3A_8, %dma_wait3A_490] : memref<6960x48xi32, #tpu.memory_space<hbm>> -> memref<1x48xi32, #tpu.memory_space<hbm>>
      %dma_wait3A_492 = arith.constant 2 : i32
      %dma_wait3A_493 = arith.constant 0 : i32
      %dma_wait3A_494 = tpu.memref_slice %arg7[%dma_wait3A_492, %dma_wait3A_493] : memref<4x48xi32, #tpu.memory_space<vmem>> -> memref<1x48xi32, #tpu.memory_space<vmem>>
      %dma_wait3A_495 = arith.constant 0 : i32
      %dma_wait3A_496 = tpu.memref_slice %arg3[%select_n3A_8, %dma_wait3A_495] : memref<6960x48xi32, #tpu.memory_space<hbm>> -> memref<1x48xi32, #tpu.memory_space<hbm>>
      tpu.wait_dma2 semaphore(%arg16 : memref<!tpu.dma_semaphore, #tpu.memory_space<semaphore_mem>>) src(%dma_wait3A_496 : memref<1x48xi32, #tpu.memory_space<hbm>>) dst(%dma_wait3A_494 : memref<1x48xi32, #tpu.memory_space<vmem>>)
      %dma_wait3A_497 = arith.constant 0 : i32
      %dma_wait3A_498 = arith.constant 0 : i32
      %dma_wait3A_499 = tpu.memref_slice %arg7[%dma_wait3A_497, %dma_wait3A_498] : memref<4x48xi32, #tpu.memory_space<vmem>> -> memref<1x48xi32, #tpu.memory_space<vmem>>
      %dma_wait3A_500 = tpu.memref_squeeze %dma_wait3A_499 : memref<1x48xi32, #tpu.memory_space<vmem>> -> memref<48xi32, #tpu.memory_space<vmem>>
      %dma_wait3A_501 = arith.constant 0 : i32
      %dma_wait3A_502 = arith.constant 0 : i32
      %dma_wait3A_503 = tpu.memref_slice %arg2[%dma_wait3A_501, %dma_wait3A_502] : memref<10000x128xf32, #tpu.memory_space<hbm>> -> memref<10000x128xf32, #tpu.memory_space<hbm>>
      tpu.wait_indirect_dma semaphore(%arg18 : memref<!tpu.dma_semaphore, #tpu.memory_space<semaphore_mem>>) src(%dma_wait3A_503 : memref<10000x128xf32, #tpu.memory_space<hbm>>) dst(%arg9 : memref<48x128xf32, #tpu.memory_space<vmem>>)
      %dma_start3A_504 = arith.constant 0 : i32
      %dma_start3A_505 = tpu.memref_slice %arg8[%add3A_486, %dma_start3A_504] : memref<316x48xi32, #tpu.memory_space<vmem>> -> memref<1x48xi32, #tpu.memory_space<vmem>>
      %dma_start3A_506 = tpu.memref_squeeze %dma_start3A_505 : memref<1x48xi32, #tpu.memory_space<vmem>> -> memref<48xi32, #tpu.memory_space<vmem>>
      %dma_start3A_507 = arith.constant 0 : i32
      %dma_start3A_508 = arith.constant 0 : i32
      %dma_start3A_509 = tpu.memref_slice %arg13[%dma_start3A_507, %dma_start3A_508] : memref<10240x128xf32, #tpu.memory_space<vmem_shared>> -> memref<10240x128xf32, #tpu.memory_space<vmem_shared>>
      tpu.enqueue_indirect_dma source(%arg9 : memref<48x128xf32, #tpu.memory_space<vmem>>) target(%dma_start3A_509 : memref<10240x128xf32, #tpu.memory_space<vmem_shared>>) offsets(%dma_start3A_506 : memref<48xi32, #tpu.memory_space<vmem>>) semaphore(%arg22 : memref<!tpu.dma_semaphore, #tpu.memory_space<semaphore_mem>>) {add = true}
      %dma_start3A_510 = arith.constant 0 : i32
      %dma_start3A_511 = tpu.memref_slice %arg8[%add3A_486, %dma_start3A_510] : memref<316x48xi32, #tpu.memory_space<vmem>> -> memref<1x48xi32, #tpu.memory_space<vmem>>
      %dma_start3A_512 = tpu.memref_squeeze %dma_start3A_511 : memref<1x48xi32, #tpu.memory_space<vmem>> -> memref<48xi32, #tpu.memory_space<vmem>>
      %dma_start3A_513 = arith.constant 0 : i32
      %dma_start3A_514 = tpu.memref_slice %arg28[%dma_start3A_513] : memref<10240xf32, #tpu.memory_space<vmem_shared>> -> memref<10240xf32, #tpu.memory_space<vmem_shared>>
      tpu.enqueue_indirect_dma source(%arg26 : memref<48xf32, #tpu.memory_space<vmem>>) target(%dma_start3A_514 : memref<10240xf32, #tpu.memory_space<vmem_shared>>) offsets(%dma_start3A_512 : memref<48xi32, #tpu.memory_space<vmem>>) semaphore(%arg29 : memref<!tpu.dma_semaphore, #tpu.memory_space<semaphore_mem>>) {add = true}
      %dma_wait3A_515 = arith.constant 0 : i32
      %dma_wait3A_516 = arith.constant 0 : i32
      %dma_wait3A_517 = tpu.memref_slice %arg8[%dma_wait3A_515, %dma_wait3A_516] : memref<316x48xi32, #tpu.memory_space<vmem>> -> memref<1x48xi32, #tpu.memory_space<vmem>>
      %dma_wait3A_518 = tpu.memref_squeeze %dma_wait3A_517 : memref<1x48xi32, #tpu.memory_space<vmem>> -> memref<48xi32, #tpu.memory_space<vmem>>
      %dma_wait3A_519 = arith.constant 0 : i32
      %dma_wait3A_520 = arith.constant 0 : i32
      %dma_wait3A_521 = tpu.memref_slice %arg13[%dma_wait3A_519, %dma_wait3A_520] : memref<10240x128xf32, #tpu.memory_space<vmem_shared>> -> memref<10240x128xf32, #tpu.memory_space<vmem_shared>>
      tpu.wait_indirect_dma semaphore(%arg24 : memref<!tpu.dma_semaphore, #tpu.memory_space<semaphore_mem>>) src(%arg11 : memref<48x128xf32, #tpu.memory_space<vmem>>) dst(%dma_wait3A_521 : memref<10240x128xf32, #tpu.memory_space<vmem_shared>>)
      %dma_start3A_522 = arith.constant 2 : i32
      %dma_start3A_523 = arith.constant 0 : i32
      %dma_start3A_524 = tpu.memref_slice %arg7[%dma_start3A_522, %dma_start3A_523] : memref<4x48xi32, #tpu.memory_space<vmem>> -> memref<1x48xi32, #tpu.memory_space<vmem>>
      %dma_start3A_525 = tpu.memref_squeeze %dma_start3A_524 : memref<1x48xi32, #tpu.memory_space<vmem>> -> memref<48xi32, #tpu.memory_space<vmem>>
      %dma_start3A_526 = arith.constant 0 : i32
      %dma_start3A_527 = arith.constant 0 : i32
      %dma_start3A_528 = tpu.memref_slice %arg2[%dma_start3A_526, %dma_start3A_527] : memref<10000x128xf32, #tpu.memory_space<hbm>> -> memref<10000x128xf32, #tpu.memory_space<hbm>>
      tpu.enqueue_indirect_dma source(%dma_start3A_528 : memref<10000x128xf32, #tpu.memory_space<hbm>>) target(%arg11 : memref<48x128xf32, #tpu.memory_space<vmem>>) offsets(%dma_start3A_525 : memref<48xi32, #tpu.memory_space<vmem>>) semaphore(%arg20 : memref<!tpu.dma_semaphore, #tpu.memory_space<semaphore_mem>>)
      %add3A_529 = arith.constant 4 : i32
      %add3A_530 = arith.addi %add3A_486, %add3A_529 : i32
      %rem3A_531 = arith.remsi %add3A_530, %select_n3A : i32
      %add3A_532 = arith.addi %select_n3A_8, %rem3A_531 : i32
      %dma_start3A_533 = arith.constant 0 : i32
      %dma_start3A_534 = arith.constant 0 : i32
      %dma_start3A_535 = tpu.memref_slice %arg7[%dma_start3A_533, %dma_start3A_534] : memref<4x48xi32, #tpu.memory_space<vmem>> -> memref<1x48xi32, #tpu.memory_space<vmem>>
      %dma_start3A_536 = arith.constant 0 : i32
      %dma_start3A_537 = tpu.memref_slice %arg3[%add3A_532, %dma_start3A_536] : memref<6960x48xi32, #tpu.memory_space<hbm>> -> memref<1x48xi32, #tpu.memory_space<hbm>>
      %dma_start3A_538 = arith.constant 0 : i32
      %dma_start3A_539 = arith.constant 0 : i32
      %dma_start3A_540 = tpu.memref_slice %arg7[%dma_start3A_538, %dma_start3A_539] : memref<4x48xi32, #tpu.memory_space<vmem>> -> memref<1x48xi32, #tpu.memory_space<vmem>>
      %dma_start3A_541 = arith.constant 0 : i32
      %dma_start3A_542 = tpu.memref_slice %arg3[%add3A_532, %dma_start3A_541] : memref<6960x48xi32, #tpu.memory_space<hbm>> -> memref<1x48xi32, #tpu.memory_space<hbm>>
      tpu.enqueue_dma source(%dma_start3A_542 : memref<1x48xi32, #tpu.memory_space<hbm>>) target(%dma_start3A_540 : memref<1x48xi32, #tpu.memory_space<vmem>>) target_semaphore(%arg14 : memref<!tpu.dma_semaphore, #tpu.memory_space<semaphore_mem>>)
      %mul3A_543 = arith.constant 4 : i32
      %mul3A_544 = arith.muli %mul3A_543, %while3A_482 : i32
      %add3A_545 = arith.constant 1 : i32
      %add3A_546 = arith.addi %mul3A_544, %add3A_545 : i32
      %dma_wait3A_547 = arith.constant 3 : i32
      %dma_wait3A_548 = arith.constant 0 : i32
      %dma_wait3A_549 = tpu.memref_slice %arg7[%dma_wait3A_547, %dma_wait3A_548] : memref<4x48xi32, #tpu.memory_space<vmem>> -> memref<1x48xi32, #tpu.memory_space<vmem>>
      %dma_wait3A_550 = arith.constant 0 : i32
      %dma_wait3A_551 = tpu.memref_slice %arg3[%select_n3A_8, %dma_wait3A_550] : memref<6960x48xi32, #tpu.memory_space<hbm>> -> memref<1x48xi32, #tpu.memory_space<hbm>>
      %dma_wait3A_552 = arith.constant 3 : i32
      %dma_wait3A_553 = arith.constant 0 : i32
      %dma_wait3A_554 = tpu.memref_slice %arg7[%dma_wait3A_552, %dma_wait3A_553] : memref<4x48xi32, #tpu.memory_space<vmem>> -> memref<1x48xi32, #tpu.memory_space<vmem>>
      %dma_wait3A_555 = arith.constant 0 : i32
      %dma_wait3A_556 = tpu.memref_slice %arg3[%select_n3A_8, %dma_wait3A_555] : memref<6960x48xi32, #tpu.memory_space<hbm>> -> memref<1x48xi32, #tpu.memory_space<hbm>>
      tpu.wait_dma2 semaphore(%arg17 : memref<!tpu.dma_semaphore, #tpu.memory_space<semaphore_mem>>) src(%dma_wait3A_556 : memref<1x48xi32, #tpu.memory_space<hbm>>) dst(%dma_wait3A_554 : memref<1x48xi32, #tpu.memory_space<vmem>>)
      %dma_wait3A_557 = arith.constant 1 : i32
      %dma_wait3A_558 = arith.constant 0 : i32
      %dma_wait3A_559 = tpu.memref_slice %arg7[%dma_wait3A_557, %dma_wait3A_558] : memref<4x48xi32, #tpu.memory_space<vmem>> -> memref<1x48xi32, #tpu.memory_space<vmem>>
      %dma_wait3A_560 = tpu.memref_squeeze %dma_wait3A_559 : memref<1x48xi32, #tpu.memory_space<vmem>> -> memref<48xi32, #tpu.memory_space<vmem>>
      %dma_wait3A_561 = arith.constant 0 : i32
      %dma_wait3A_562 = arith.constant 0 : i32
      %dma_wait3A_563 = tpu.memref_slice %arg2[%dma_wait3A_561, %dma_wait3A_562] : memref<10000x128xf32, #tpu.memory_space<hbm>> -> memref<10000x128xf32, #tpu.memory_space<hbm>>
      tpu.wait_indirect_dma semaphore(%arg19 : memref<!tpu.dma_semaphore, #tpu.memory_space<semaphore_mem>>) src(%dma_wait3A_563 : memref<10000x128xf32, #tpu.memory_space<hbm>>) dst(%arg10 : memref<48x128xf32, #tpu.memory_space<vmem>>)
      %dma_start3A_564 = arith.constant 0 : i32
      %dma_start3A_565 = tpu.memref_slice %arg8[%add3A_546, %dma_start3A_564] : memref<316x48xi32, #tpu.memory_space<vmem>> -> memref<1x48xi32, #tpu.memory_space<vmem>>
      %dma_start3A_566 = tpu.memref_squeeze %dma_start3A_565 : memref<1x48xi32, #tpu.memory_space<vmem>> -> memref<48xi32, #tpu.memory_space<vmem>>
      %dma_start3A_567 = arith.constant 0 : i32
      %dma_start3A_568 = arith.constant 0 : i32
      %dma_start3A_569 = tpu.memref_slice %arg13[%dma_start3A_567, %dma_start3A_568] : memref<10240x128xf32, #tpu.memory_space<vmem_shared>> -> memref<10240x128xf32, #tpu.memory_space<vmem_shared>>
      tpu.enqueue_indirect_dma source(%arg10 : memref<48x128xf32, #tpu.memory_space<vmem>>) target(%dma_start3A_569 : memref<10240x128xf32, #tpu.memory_space<vmem_shared>>) offsets(%dma_start3A_566 : memref<48xi32, #tpu.memory_space<vmem>>) semaphore(%arg23 : memref<!tpu.dma_semaphore, #tpu.memory_space<semaphore_mem>>) {add = true}
      %dma_start3A_570 = arith.constant 0 : i32
      %dma_start3A_571 = tpu.memref_slice %arg8[%add3A_546, %dma_start3A_570] : memref<316x48xi32, #tpu.memory_space<vmem>> -> memref<1x48xi32, #tpu.memory_space<vmem>>
      %dma_start3A_572 = tpu.memref_squeeze %dma_start3A_571 : memref<1x48xi32, #tpu.memory_space<vmem>> -> memref<48xi32, #tpu.memory_space<vmem>>
      %dma_start3A_573 = arith.constant 0 : i32
      %dma_start3A_574 = tpu.memref_slice %arg28[%dma_start3A_573] : memref<10240xf32, #tpu.memory_space<vmem_shared>> -> memref<10240xf32, #tpu.memory_space<vmem_shared>>
      tpu.enqueue_indirect_dma source(%arg26 : memref<48xf32, #tpu.memory_space<vmem>>) target(%dma_start3A_574 : memref<10240xf32, #tpu.memory_space<vmem_shared>>) offsets(%dma_start3A_572 : memref<48xi32, #tpu.memory_space<vmem>>) semaphore(%arg29 : memref<!tpu.dma_semaphore, #tpu.memory_space<semaphore_mem>>) {add = true}
      %dma_wait3A_575 = arith.constant 0 : i32
      %dma_wait3A_576 = arith.constant 0 : i32
      %dma_wait3A_577 = tpu.memref_slice %arg8[%dma_wait3A_575, %dma_wait3A_576] : memref<316x48xi32, #tpu.memory_space<vmem>> -> memref<1x48xi32, #tpu.memory_space<vmem>>
      %dma_wait3A_578 = tpu.memref_squeeze %dma_wait3A_577 : memref<1x48xi32, #tpu.memory_space<vmem>> -> memref<48xi32, #tpu.memory_space<vmem>>
      %dma_wait3A_579 = arith.constant 0 : i32
      %dma_wait3A_580 = arith.constant 0 : i32
      %dma_wait3A_581 = tpu.memref_slice %arg13[%dma_wait3A_579, %dma_wait3A_580] : memref<10240x128xf32, #tpu.memory_space<vmem_shared>> -> memref<10240x128xf32, #tpu.memory_space<vmem_shared>>
      tpu.wait_indirect_dma semaphore(%arg25 : memref<!tpu.dma_semaphore, #tpu.memory_space<semaphore_mem>>) src(%arg12 : memref<48x128xf32, #tpu.memory_space<vmem>>) dst(%dma_wait3A_581 : memref<10240x128xf32, #tpu.memory_space<vmem_shared>>)
      %dma_start3A_582 = arith.constant 3 : i32
      %dma_start3A_583 = arith.constant 0 : i32
      %dma_start3A_584 = tpu.memref_slice %arg7[%dma_start3A_582, %dma_start3A_583] : memref<4x48xi32, #tpu.memory_space<vmem>> -> memref<1x48xi32, #tpu.memory_space<vmem>>
      %dma_start3A_585 = tpu.memref_squeeze %dma_start3A_584 : memref<1x48xi32, #tpu.memory_space<vmem>> -> memref<48xi32, #tpu.memory_space<vmem>>
      %dma_start3A_586 = arith.constant 0 : i32
      %dma_start3A_587 = arith.constant 0 : i32
      %dma_start3A_588 = tpu.memref_slice %arg2[%dma_start3A_586, %dma_start3A_587] : memref<10000x128xf32, #tpu.memory_space<hbm>> -> memref<10000x128xf32, #tpu.memory_space<hbm>>
      tpu.enqueue_indirect_dma source(%dma_start3A_588 : memref<10000x128xf32, #tpu.memory_space<hbm>>) target(%arg12 : memref<48x128xf32, #tpu.memory_space<vmem>>) offsets(%dma_start3A_585 : memref<48xi32, #tpu.memory_space<vmem>>) semaphore(%arg21 : memref<!tpu.dma_semaphore, #tpu.memory_space<semaphore_mem>>)
      %add3A_589 = arith.constant 4 : i32
      %add3A_590 = arith.addi %add3A_546, %add3A_589 : i32
      %rem3A_591 = arith.remsi %add3A_590, %select_n3A : i32
      %add3A_592 = arith.addi %select_n3A_8, %rem3A_591 : i32
      %dma_start3A_593 = arith.constant 1 : i32
      %dma_start3A_594 = arith.constant 0 : i32
      %dma_start3A_595 = tpu.memref_slice %arg7[%dma_start3A_593, %dma_start3A_594] : memref<4x48xi32, #tpu.memory_space<vmem>> -> memref<1x48xi32, #tpu.memory_space<vmem>>
      %dma_start3A_596 = arith.constant 0 : i32
      %dma_start3A_597 = tpu.memref_slice %arg3[%add3A_592, %dma_start3A_596] : memref<6960x48xi32, #tpu.memory_space<hbm>> -> memref<1x48xi32, #tpu.memory_space<hbm>>
      %dma_start3A_598 = arith.constant 1 : i32
      %dma_start3A_599 = arith.constant 0 : i32
      %dma_start3A_600 = tpu.memref_slice %arg7[%dma_start3A_598, %dma_start3A_599] : memref<4x48xi32, #tpu.memory_space<vmem>> -> memref<1x48xi32, #tpu.memory_space<vmem>>
      %dma_start3A_601 = arith.constant 0 : i32
      %dma_start3A_602 = tpu.memref_slice %arg3[%add3A_592, %dma_start3A_601] : memref<6960x48xi32, #tpu.memory_space<hbm>> -> memref<1x48xi32, #tpu.memory_space<hbm>>
      tpu.enqueue_dma source(%dma_start3A_602 : memref<1x48xi32, #tpu.memory_space<hbm>>) target(%dma_start3A_600 : memref<1x48xi32, #tpu.memory_space<vmem>>) target_semaphore(%arg15 : memref<!tpu.dma_semaphore, #tpu.memory_space<semaphore_mem>>)
      %mul3A_603 = arith.constant 4 : i32
      %mul3A_604 = arith.muli %mul3A_603, %while3A_482 : i32
      %add3A_605 = arith.constant 2 : i32
      %add3A_606 = arith.addi %mul3A_604, %add3A_605 : i32
      %dma_wait3A_607 = arith.constant 0 : i32
      %dma_wait3A_608 = arith.constant 0 : i32
      %dma_wait3A_609 = tpu.memref_slice %arg7[%dma_wait3A_607, %dma_wait3A_608] : memref<4x48xi32, #tpu.memory_space<vmem>> -> memref<1x48xi32, #tpu.memory_space<vmem>>
      %dma_wait3A_610 = arith.constant 0 : i32
      %dma_wait3A_611 = tpu.memref_slice %arg3[%select_n3A_8, %dma_wait3A_610] : memref<6960x48xi32, #tpu.memory_space<hbm>> -> memref<1x48xi32, #tpu.memory_space<hbm>>
      %dma_wait3A_612 = arith.constant 0 : i32
      %dma_wait3A_613 = arith.constant 0 : i32
      %dma_wait3A_614 = tpu.memref_slice %arg7[%dma_wait3A_612, %dma_wait3A_613] : memref<4x48xi32, #tpu.memory_space<vmem>> -> memref<1x48xi32, #tpu.memory_space<vmem>>
      %dma_wait3A_615 = arith.constant 0 : i32
      %dma_wait3A_616 = tpu.memref_slice %arg3[%select_n3A_8, %dma_wait3A_615] : memref<6960x48xi32, #tpu.memory_space<hbm>> -> memref<1x48xi32, #tpu.memory_space<hbm>>
      tpu.wait_dma2 semaphore(%arg14 : memref<!tpu.dma_semaphore, #tpu.memory_space<semaphore_mem>>) src(%dma_wait3A_616 : memref<1x48xi32, #tpu.memory_space<hbm>>) dst(%dma_wait3A_614 : memref<1x48xi32, #tpu.memory_space<vmem>>)
      %dma_wait3A_617 = arith.constant 2 : i32
      %dma_wait3A_618 = arith.constant 0 : i32
      %dma_wait3A_619 = tpu.memref_slice %arg7[%dma_wait3A_617, %dma_wait3A_618] : memref<4x48xi32, #tpu.memory_space<vmem>> -> memref<1x48xi32, #tpu.memory_space<vmem>>
      %dma_wait3A_620 = tpu.memref_squeeze %dma_wait3A_619 : memref<1x48xi32, #tpu.memory_space<vmem>> -> memref<48xi32, #tpu.memory_space<vmem>>
      %dma_wait3A_621 = arith.constant 0 : i32
      %dma_wait3A_622 = arith.constant 0 : i32
      %dma_wait3A_623 = tpu.memref_slice %arg2[%dma_wait3A_621, %dma_wait3A_622] : memref<10000x128xf32, #tpu.memory_space<hbm>> -> memref<10000x128xf32, #tpu.memory_space<hbm>>
      tpu.wait_indirect_dma semaphore(%arg20 : memref<!tpu.dma_semaphore, #tpu.memory_space<semaphore_mem>>) src(%dma_wait3A_623 : memref<10000x128xf32, #tpu.memory_space<hbm>>) dst(%arg11 : memref<48x128xf32, #tpu.memory_space<vmem>>)
      %dma_start3A_624 = arith.constant 0 : i32
      %dma_start3A_625 = tpu.memref_slice %arg8[%add3A_606, %dma_start3A_624] : memref<316x48xi32, #tpu.memory_space<vmem>> -> memref<1x48xi32, #tpu.memory_space<vmem>>
      %dma_start3A_626 = tpu.memref_squeeze %dma_start3A_625 : memref<1x48xi32, #tpu.memory_space<vmem>> -> memref<48xi32, #tpu.memory_space<vmem>>
      %dma_start3A_627 = arith.constant 0 : i32
      %dma_start3A_628 = arith.constant 0 : i32
      %dma_start3A_629 = tpu.memref_slice %arg13[%dma_start3A_627, %dma_start3A_628] : memref<10240x128xf32, #tpu.memory_space<vmem_shared>> -> memref<10240x128xf32, #tpu.memory_space<vmem_shared>>
      tpu.enqueue_indirect_dma source(%arg11 : memref<48x128xf32, #tpu.memory_space<vmem>>) target(%dma_start3A_629 : memref<10240x128xf32, #tpu.memory_space<vmem_shared>>) offsets(%dma_start3A_626 : memref<48xi32, #tpu.memory_space<vmem>>) semaphore(%arg24 : memref<!tpu.dma_semaphore, #tpu.memory_space<semaphore_mem>>) {add = true}
      %dma_start3A_630 = arith.constant 0 : i32
      %dma_start3A_631 = tpu.memref_slice %arg8[%add3A_606, %dma_start3A_630] : memref<316x48xi32, #tpu.memory_space<vmem>> -> memref<1x48xi32, #tpu.memory_space<vmem>>
      %dma_start3A_632 = tpu.memref_squeeze %dma_start3A_631 : memref<1x48xi32, #tpu.memory_space<vmem>> -> memref<48xi32, #tpu.memory_space<vmem>>
      %dma_start3A_633 = arith.constant 0 : i32
      %dma_start3A_634 = tpu.memref_slice %arg28[%dma_start3A_633] : memref<10240xf32, #tpu.memory_space<vmem_shared>> -> memref<10240xf32, #tpu.memory_space<vmem_shared>>
      tpu.enqueue_indirect_dma source(%arg26 : memref<48xf32, #tpu.memory_space<vmem>>) target(%dma_start3A_634 : memref<10240xf32, #tpu.memory_space<vmem_shared>>) offsets(%dma_start3A_632 : memref<48xi32, #tpu.memory_space<vmem>>) semaphore(%arg29 : memref<!tpu.dma_semaphore, #tpu.memory_space<semaphore_mem>>) {add = true}
      %dma_wait3A_635 = arith.constant 0 : i32
      %dma_wait3A_636 = arith.constant 0 : i32
      %dma_wait3A_637 = tpu.memref_slice %arg8[%dma_wait3A_635, %dma_wait3A_636] : memref<316x48xi32, #tpu.memory_space<vmem>> -> memref<1x48xi32, #tpu.memory_space<vmem>>
      %dma_wait3A_638 = tpu.memref_squeeze %dma_wait3A_637 : memref<1x48xi32, #tpu.memory_space<vmem>> -> memref<48xi32, #tpu.memory_space<vmem>>
      %dma_wait3A_639 = arith.constant 0 : i32
      %dma_wait3A_640 = arith.constant 0 : i32
      %dma_wait3A_641 = tpu.memref_slice %arg13[%dma_wait3A_639, %dma_wait3A_640] : memref<10240x128xf32, #tpu.memory_space<vmem_shared>> -> memref<10240x128xf32, #tpu.memory_space<vmem_shared>>
      tpu.wait_indirect_dma semaphore(%arg22 : memref<!tpu.dma_semaphore, #tpu.memory_space<semaphore_mem>>) src(%arg9 : memref<48x128xf32, #tpu.memory_space<vmem>>) dst(%dma_wait3A_641 : memref<10240x128xf32, #tpu.memory_space<vmem_shared>>)
      %dma_start3A_642 = arith.constant 0 : i32
      %dma_start3A_643 = arith.constant 0 : i32
      %dma_start3A_644 = tpu.memref_slice %arg7[%dma_start3A_642, %dma_start3A_643] : memref<4x48xi32, #tpu.memory_space<vmem>> -> memref<1x48xi32, #tpu.memory_space<vmem>>
      %dma_start3A_645 = tpu.memref_squeeze %dma_start3A_644 : memref<1x48xi32, #tpu.memory_space<vmem>> -> memref<48xi32, #tpu.memory_space<vmem>>
      %dma_start3A_646 = arith.constant 0 : i32
      %dma_start3A_647 = arith.constant 0 : i32
      %dma_start3A_648 = tpu.memref_slice %arg2[%dma_start3A_646, %dma_start3A_647] : memref<10000x128xf32, #tpu.memory_space<hbm>> -> memref<10000x128xf32, #tpu.memory_space<hbm>>
      tpu.enqueue_indirect_dma source(%dma_start3A_648 : memref<10000x128xf32, #tpu.memory_space<hbm>>) target(%arg9 : memref<48x128xf32, #tpu.memory_space<vmem>>) offsets(%dma_start3A_645 : memref<48xi32, #tpu.memory_space<vmem>>) semaphore(%arg18 : memref<!tpu.dma_semaphore, #tpu.memory_space<semaphore_mem>>)
      %add3A_649 = arith.constant 4 : i32
      %add3A_650 = arith.addi %add3A_606, %add3A_649 : i32
      %rem3A_651 = arith.remsi %add3A_650, %select_n3A : i32
      %add3A_652 = arith.addi %select_n3A_8, %rem3A_651 : i32
      %dma_start3A_653 = arith.constant 2 : i32
      %dma_start3A_654 = arith.constant 0 : i32
      %dma_start3A_655 = tpu.memref_slice %arg7[%dma_start3A_653, %dma_start3A_654] : memref<4x48xi32, #tpu.memory_space<vmem>> -> memref<1x48xi32, #tpu.memory_space<vmem>>
      %dma_start3A_656 = arith.constant 0 : i32
      %dma_start3A_657 = tpu.memref_slice %arg3[%add3A_652, %dma_start3A_656] : memref<6960x48xi32, #tpu.memory_space<hbm>> -> memref<1x48xi32, #tpu.memory_space<hbm>>
      %dma_start3A_658 = arith.constant 2 : i32
      %dma_start3A_659 = arith.constant 0 : i32
      %dma_start3A_660 = tpu.memref_slice %arg7[%dma_start3A_658, %dma_start3A_659] : memref<4x48xi32, #tpu.memory_space<vmem>> -> memref<1x48xi32, #tpu.memory_space<vmem>>
      %dma_start3A_661 = arith.constant 0 : i32
      %dma_start3A_662 = tpu.memref_slice %arg3[%add3A_652, %dma_start3A_661] : memref<6960x48xi32, #tpu.memory_space<hbm>> -> memref<1x48xi32, #tpu.memory_space<hbm>>
      tpu.enqueue_dma source(%dma_start3A_662 : memref<1x48xi32, #tpu.memory_space<hbm>>) target(%dma_start3A_660 : memref<1x48xi32, #tpu.memory_space<vmem>>) target_semaphore(%arg16 : memref<!tpu.dma_semaphore, #tpu.memory_space<semaphore_mem>>)
      %mul3A_663 = arith.constant 4 : i32
      %mul3A_664 = arith.muli %mul3A_663, %while3A_482 : i32
      %add3A_665 = arith.constant 3 : i32
      %add3A_666 = arith.addi %mul3A_664, %add3A_665 : i32
      %dma_wait3A_667 = arith.constant 1 : i32
      %dma_wait3A_668 = arith.constant 0 : i32
      %dma_wait3A_669 = tpu.memref_slice %arg7[%dma_wait3A_667, %dma_wait3A_668] : memref<4x48xi32, #tpu.memory_space<vmem>> -> memref<1x48xi32, #tpu.memory_space<vmem>>
      %dma_wait3A_670 = arith.constant 0 : i32
      %dma_wait3A_671 = tpu.memref_slice %arg3[%select_n3A_8, %dma_wait3A_670] : memref<6960x48xi32, #tpu.memory_space<hbm>> -> memref<1x48xi32, #tpu.memory_space<hbm>>
      %dma_wait3A_672 = arith.constant 1 : i32
      %dma_wait3A_673 = arith.constant 0 : i32
      %dma_wait3A_674 = tpu.memref_slice %arg7[%dma_wait3A_672, %dma_wait3A_673] : memref<4x48xi32, #tpu.memory_space<vmem>> -> memref<1x48xi32, #tpu.memory_space<vmem>>
      %dma_wait3A_675 = arith.constant 0 : i32
      %dma_wait3A_676 = tpu.memref_slice %arg3[%select_n3A_8, %dma_wait3A_675] : memref<6960x48xi32, #tpu.memory_space<hbm>> -> memref<1x48xi32, #tpu.memory_space<hbm>>
      tpu.wait_dma2 semaphore(%arg15 : memref<!tpu.dma_semaphore, #tpu.memory_space<semaphore_mem>>) src(%dma_wait3A_676 : memref<1x48xi32, #tpu.memory_space<hbm>>) dst(%dma_wait3A_674 : memref<1x48xi32, #tpu.memory_space<vmem>>)
      %dma_wait3A_677 = arith.constant 3 : i32
      %dma_wait3A_678 = arith.constant 0 : i32
      %dma_wait3A_679 = tpu.memref_slice %arg7[%dma_wait3A_677, %dma_wait3A_678] : memref<4x48xi32, #tpu.memory_space<vmem>> -> memref<1x48xi32, #tpu.memory_space<vmem>>
      %dma_wait3A_680 = tpu.memref_squeeze %dma_wait3A_679 : memref<1x48xi32, #tpu.memory_space<vmem>> -> memref<48xi32, #tpu.memory_space<vmem>>
      %dma_wait3A_681 = arith.constant 0 : i32
      %dma_wait3A_682 = arith.constant 0 : i32
      %dma_wait3A_683 = tpu.memref_slice %arg2[%dma_wait3A_681, %dma_wait3A_682] : memref<10000x128xf32, #tpu.memory_space<hbm>> -> memref<10000x128xf32, #tpu.memory_space<hbm>>
      tpu.wait_indirect_dma semaphore(%arg21 : memref<!tpu.dma_semaphore, #tpu.memory_space<semaphore_mem>>) src(%dma_wait3A_683 : memref<10000x128xf32, #tpu.memory_space<hbm>>) dst(%arg12 : memref<48x128xf32, #tpu.memory_space<vmem>>)
      %dma_start3A_684 = arith.constant 0 : i32
      %dma_start3A_685 = tpu.memref_slice %arg8[%add3A_666, %dma_start3A_684] : memref<316x48xi32, #tpu.memory_space<vmem>> -> memref<1x48xi32, #tpu.memory_space<vmem>>
      %dma_start3A_686 = tpu.memref_squeeze %dma_start3A_685 : memref<1x48xi32, #tpu.memory_space<vmem>> -> memref<48xi32, #tpu.memory_space<vmem>>
      %dma_start3A_687 = arith.constant 0 : i32
      %dma_start3A_688 = arith.constant 0 : i32
      %dma_start3A_689 = tpu.memref_slice %arg13[%dma_start3A_687, %dma_start3A_688] : memref<10240x128xf32, #tpu.memory_space<vmem_shared>> -> memref<10240x128xf32, #tpu.memory_space<vmem_shared>>
      tpu.enqueue_indirect_dma source(%arg12 : memref<48x128xf32, #tpu.memory_space<vmem>>) target(%dma_start3A_689 : memref<10240x128xf32, #tpu.memory_space<vmem_shared>>) offsets(%dma_start3A_686 : memref<48xi32, #tpu.memory_space<vmem>>) semaphore(%arg25 : memref<!tpu.dma_semaphore, #tpu.memory_space<semaphore_mem>>) {add = true}
      %dma_start3A_690 = arith.constant 0 : i32
      %dma_start3A_691 = tpu.memref_slice %arg8[%add3A_666, %dma_start3A_690] : memref<316x48xi32, #tpu.memory_space<vmem>> -> memref<1x48xi32, #tpu.memory_space<vmem>>
      %dma_start3A_692 = tpu.memref_squeeze %dma_start3A_691 : memref<1x48xi32, #tpu.memory_space<vmem>> -> memref<48xi32, #tpu.memory_space<vmem>>
      %dma_start3A_693 = arith.constant 0 : i32
      %dma_start3A_694 = tpu.memref_slice %arg28[%dma_start3A_693] : memref<10240xf32, #tpu.memory_space<vmem_shared>> -> memref<10240xf32, #tpu.memory_space<vmem_shared>>
      tpu.enqueue_indirect_dma source(%arg26 : memref<48xf32, #tpu.memory_space<vmem>>) target(%dma_start3A_694 : memref<10240xf32, #tpu.memory_space<vmem_shared>>) offsets(%dma_start3A_692 : memref<48xi32, #tpu.memory_space<vmem>>) semaphore(%arg29 : memref<!tpu.dma_semaphore, #tpu.memory_space<semaphore_mem>>) {add = true}
      %dma_wait3A_695 = arith.constant 0 : i32
      %dma_wait3A_696 = arith.constant 0 : i32
      %dma_wait3A_697 = tpu.memref_slice %arg8[%dma_wait3A_695, %dma_wait3A_696] : memref<316x48xi32, #tpu.memory_space<vmem>> -> memref<1x48xi32, #tpu.memory_space<vmem>>
      %dma_wait3A_698 = tpu.memref_squeeze %dma_wait3A_697 : memref<1x48xi32, #tpu.memory_space<vmem>> -> memref<48xi32, #tpu.memory_space<vmem>>
      %dma_wait3A_699 = arith.constant 0 : i32
      %dma_wait3A_700 = arith.constant 0 : i32
      %dma_wait3A_701 = tpu.memref_slice %arg13[%dma_wait3A_699, %dma_wait3A_700] : memref<10240x128xf32, #tpu.memory_space<vmem_shared>> -> memref<10240x128xf32, #tpu.memory_space<vmem_shared>>
      tpu.wait_indirect_dma semaphore(%arg23 : memref<!tpu.dma_semaphore, #tpu.memory_space<semaphore_mem>>) src(%arg10 : memref<48x128xf32, #tpu.memory_space<vmem>>) dst(%dma_wait3A_701 : memref<10240x128xf32, #tpu.memory_space<vmem_shared>>)
      %dma_start3A_702 = arith.constant 1 : i32
      %dma_start3A_703 = arith.constant 0 : i32
      %dma_start3A_704 = tpu.memref_slice %arg7[%dma_start3A_702, %dma_start3A_703] : memref<4x48xi32, #tpu.memory_space<vmem>> -> memref<1x48xi32, #tpu.memory_space<vmem>>
      %dma_start3A_705 = tpu.memref_squeeze %dma_start3A_704 : memref<1x48xi32, #tpu.memory_space<vmem>> -> memref<48xi32, #tpu.memory_space<vmem>>
      %dma_start3A_706 = arith.constant 0 : i32
      %dma_start3A_707 = arith.constant 0 : i32
      %dma_start3A_708 = tpu.memref_slice %arg2[%dma_start3A_706, %dma_start3A_707] : memref<10000x128xf32, #tpu.memory_space<hbm>> -> memref<10000x128xf32, #tpu.memory_space<hbm>>
      tpu.enqueue_indirect_dma source(%dma_start3A_708 : memref<10000x128xf32, #tpu.memory_space<hbm>>) target(%arg10 : memref<48x128xf32, #tpu.memory_space<vmem>>) offsets(%dma_start3A_705 : memref<48xi32, #tpu.memory_space<vmem>>) semaphore(%arg19 : memref<!tpu.dma_semaphore, #tpu.memory_space<semaphore_mem>>)
      %add3A_709 = arith.constant 4 : i32
      %add3A_710 = arith.addi %add3A_666, %add3A_709 : i32
      %rem3A_711 = arith.remsi %add3A_710, %select_n3A : i32
      %add3A_712 = arith.addi %select_n3A_8, %rem3A_711 : i32
      %dma_start3A_713 = arith.constant 3 : i32
      %dma_start3A_714 = arith.constant 0 : i32
      %dma_start3A_715 = tpu.memref_slice %arg7[%dma_start3A_713, %dma_start3A_714] : memref<4x48xi32, #tpu.memory_space<vmem>> -> memref<1x48xi32, #tpu.memory_space<vmem>>
      %dma_start3A_716 = arith.constant 0 : i32
      %dma_start3A_717 = tpu.memref_slice %arg3[%add3A_712, %dma_start3A_716] : memref<6960x48xi32, #tpu.memory_space<hbm>> -> memref<1x48xi32, #tpu.memory_space<hbm>>
      %dma_start3A_718 = arith.constant 3 : i32
      %dma_start3A_719 = arith.constant 0 : i32
      %dma_start3A_720 = tpu.memref_slice %arg7[%dma_start3A_718, %dma_start3A_719] : memref<4x48xi32, #tpu.memory_space<vmem>> -> memref<1x48xi32, #tpu.memory_space<vmem>>
      %dma_start3A_721 = arith.constant 0 : i32
      %dma_start3A_722 = tpu.memref_slice %arg3[%add3A_712, %dma_start3A_721] : memref<6960x48xi32, #tpu.memory_space<hbm>> -> memref<1x48xi32, #tpu.memory_space<hbm>>
      tpu.enqueue_dma source(%dma_start3A_722 : memref<1x48xi32, #tpu.memory_space<hbm>>) target(%dma_start3A_720 : memref<1x48xi32, #tpu.memory_space<vmem>>) target_semaphore(%arg17 : memref<!tpu.dma_semaphore, #tpu.memory_space<semaphore_mem>>)
    }
    %dma_wait3A_421 = arith.constant 0 : i32
    %dma_wait3A_422 = arith.constant 0 : i32
    %dma_wait3A_423 = tpu.memref_slice %arg7[%dma_wait3A_421, %dma_wait3A_422] : memref<4x48xi32, #tpu.memory_space<vmem>> -> memref<1x48xi32, #tpu.memory_space<vmem>>
    %dma_wait3A_424 = tpu.memref_squeeze %dma_wait3A_423 : memref<1x48xi32, #tpu.memory_space<vmem>> -> memref<48xi32, #tpu.memory_space<vmem>>
    %dma_wait3A_425 = arith.constant 0 : i32
    %dma_wait3A_426 = arith.constant 0 : i32
    %dma_wait3A_427 = tpu.memref_slice %arg2[%dma_wait3A_425, %dma_wait3A_426] : memref<10000x128xf32, #tpu.memory_space<hbm>> -> memref<10000x128xf32, #tpu.memory_space<hbm>>
    tpu.wait_indirect_dma semaphore(%arg18 : memref<!tpu.dma_semaphore, #tpu.memory_space<semaphore_mem>>) src(%dma_wait3A_427 : memref<10000x128xf32, #tpu.memory_space<hbm>>) dst(%arg9 : memref<48x128xf32, #tpu.memory_space<vmem>>)
    %dma_wait3A_428 = arith.constant 1 : i32
    %dma_wait3A_429 = arith.constant 0 : i32
    %dma_wait3A_430 = tpu.memref_slice %arg7[%dma_wait3A_428, %dma_wait3A_429] : memref<4x48xi32, #tpu.memory_space<vmem>> -> memref<1x48xi32, #tpu.memory_space<vmem>>
    %dma_wait3A_431 = tpu.memref_squeeze %dma_wait3A_430 : memref<1x48xi32, #tpu.memory_space<vmem>> -> memref<48xi32, #tpu.memory_space<vmem>>
    %dma_wait3A_432 = arith.constant 0 : i32
    %dma_wait3A_433 = arith.constant 0 : i32
    %dma_wait3A_434 = tpu.memref_slice %arg2[%dma_wait3A_432, %dma_wait3A_433] : memref<10000x128xf32, #tpu.memory_space<hbm>> -> memref<10000x128xf32, #tpu.memory_space<hbm>>
    tpu.wait_indirect_dma semaphore(%arg19 : memref<!tpu.dma_semaphore, #tpu.memory_space<semaphore_mem>>) src(%dma_wait3A_434 : memref<10000x128xf32, #tpu.memory_space<hbm>>) dst(%arg10 : memref<48x128xf32, #tpu.memory_space<vmem>>)
    %dma_wait3A_435 = arith.constant 0 : i32
    %dma_wait3A_436 = arith.constant 0 : i32
    %dma_wait3A_437 = tpu.memref_slice %arg8[%dma_wait3A_435, %dma_wait3A_436] : memref<316x48xi32, #tpu.memory_space<vmem>> -> memref<1x48xi32, #tpu.memory_space<vmem>>
    %dma_wait3A_438 = tpu.memref_squeeze %dma_wait3A_437 : memref<1x48xi32, #tpu.memory_space<vmem>> -> memref<48xi32, #tpu.memory_space<vmem>>
    %dma_wait3A_439 = arith.constant 0 : i32
    %dma_wait3A_440 = arith.constant 0 : i32
    %dma_wait3A_441 = tpu.memref_slice %arg13[%dma_wait3A_439, %dma_wait3A_440] : memref<10240x128xf32, #tpu.memory_space<vmem_shared>> -> memref<10240x128xf32, #tpu.memory_space<vmem_shared>>
    tpu.wait_indirect_dma semaphore(%arg24 : memref<!tpu.dma_semaphore, #tpu.memory_space<semaphore_mem>>) src(%arg11 : memref<48x128xf32, #tpu.memory_space<vmem>>) dst(%dma_wait3A_441 : memref<10240x128xf32, #tpu.memory_space<vmem_shared>>)
    %dma_wait3A_442 = arith.constant 0 : i32
    %dma_wait3A_443 = arith.constant 0 : i32
    %dma_wait3A_444 = tpu.memref_slice %arg8[%dma_wait3A_442, %dma_wait3A_443] : memref<316x48xi32, #tpu.memory_space<vmem>> -> memref<1x48xi32, #tpu.memory_space<vmem>>
    %dma_wait3A_445 = tpu.memref_squeeze %dma_wait3A_444 : memref<1x48xi32, #tpu.memory_space<vmem>> -> memref<48xi32, #tpu.memory_space<vmem>>
    %dma_wait3A_446 = arith.constant 0 : i32
    %dma_wait3A_447 = arith.constant 0 : i32
    %dma_wait3A_448 = tpu.memref_slice %arg13[%dma_wait3A_446, %dma_wait3A_447] : memref<10240x128xf32, #tpu.memory_space<vmem_shared>> -> memref<10240x128xf32, #tpu.memory_space<vmem_shared>>
    tpu.wait_indirect_dma semaphore(%arg25 : memref<!tpu.dma_semaphore, #tpu.memory_space<semaphore_mem>>) src(%arg12 : memref<48x128xf32, #tpu.memory_space<vmem>>) dst(%dma_wait3A_448 : memref<10240x128xf32, #tpu.memory_space<vmem_shared>>)
    %dma_wait3A_449 = arith.constant 2 : i32
    %dma_wait3A_450 = arith.constant 0 : i32
    %dma_wait3A_451 = tpu.memref_slice %arg7[%dma_wait3A_449, %dma_wait3A_450] : memref<4x48xi32, #tpu.memory_space<vmem>> -> memref<1x48xi32, #tpu.memory_space<vmem>>
    %dma_wait3A_452 = arith.constant 0 : i32
    %dma_wait3A_453 = tpu.memref_slice %arg3[%select_n3A_8, %dma_wait3A_452] : memref<6960x48xi32, #tpu.memory_space<hbm>> -> memref<1x48xi32, #tpu.memory_space<hbm>>
    %dma_wait3A_454 = arith.constant 2 : i32
    %dma_wait3A_455 = arith.constant 0 : i32
    %dma_wait3A_456 = tpu.memref_slice %arg7[%dma_wait3A_454, %dma_wait3A_455] : memref<4x48xi32, #tpu.memory_space<vmem>> -> memref<1x48xi32, #tpu.memory_space<vmem>>
    %dma_wait3A_457 = arith.constant 0 : i32
    %dma_wait3A_458 = tpu.memref_slice %arg3[%select_n3A_8, %dma_wait3A_457] : memref<6960x48xi32, #tpu.memory_space<hbm>> -> memref<1x48xi32, #tpu.memory_space<hbm>>
    tpu.wait_dma2 semaphore(%arg16 : memref<!tpu.dma_semaphore, #tpu.memory_space<semaphore_mem>>) src(%dma_wait3A_458 : memref<1x48xi32, #tpu.memory_space<hbm>>) dst(%dma_wait3A_456 : memref<1x48xi32, #tpu.memory_space<vmem>>)
    %dma_wait3A_459 = arith.constant 3 : i32
    %dma_wait3A_460 = arith.constant 0 : i32
    %dma_wait3A_461 = tpu.memref_slice %arg7[%dma_wait3A_459, %dma_wait3A_460] : memref<4x48xi32, #tpu.memory_space<vmem>> -> memref<1x48xi32, #tpu.memory_space<vmem>>
    %dma_wait3A_462 = arith.constant 0 : i32
    %dma_wait3A_463 = tpu.memref_slice %arg3[%select_n3A_8, %dma_wait3A_462] : memref<6960x48xi32, #tpu.memory_space<hbm>> -> memref<1x48xi32, #tpu.memory_space<hbm>>
    %dma_wait3A_464 = arith.constant 3 : i32
    %dma_wait3A_465 = arith.constant 0 : i32
    %dma_wait3A_466 = tpu.memref_slice %arg7[%dma_wait3A_464, %dma_wait3A_465] : memref<4x48xi32, #tpu.memory_space<vmem>> -> memref<1x48xi32, #tpu.memory_space<vmem>>
    %dma_wait3A_467 = arith.constant 0 : i32
    %dma_wait3A_468 = tpu.memref_slice %arg3[%select_n3A_8, %dma_wait3A_467] : memref<6960x48xi32, #tpu.memory_space<hbm>> -> memref<1x48xi32, #tpu.memory_space<hbm>>
    tpu.wait_dma2 semaphore(%arg17 : memref<!tpu.dma_semaphore, #tpu.memory_space<semaphore_mem>>) src(%dma_wait3A_468 : memref<1x48xi32, #tpu.memory_space<hbm>>) dst(%dma_wait3A_466 : memref<1x48xi32, #tpu.memory_space<vmem>>)
    %while3A_469 = arith.constant 0 : i32
    %while3A_470 = arith.constant 0 : i32
    %while3A_471 = arith.subi %select_n3A, %while3A_470 : i32
    %while3A_472 = arith.addi %while3A_470, %while3A_471 : i32
    %while3A_473 = arith.constant 1 : i32
    %while3A_474 = arith.divsi %while3A_471, %while3A_473 : i32
    %while3A_475 = arith.muli %while3A_474, %while3A_473 : i32
    %while3A_476 = arith.addi %while3A_470, %while3A_475 : i32
    %while3A_477 = arith.constant 1 : i32
    scf.for %while3A_482 = %while3A_470 to %while3A_476 step %while3A_477  : i32 {
      %dma_wait3A_483 = arith.constant 0 : i32
      %dma_wait3A_484 = arith.constant 0 : i32
      %dma_wait3A_485 = tpu.memref_slice %arg8[%dma_wait3A_483, %dma_wait3A_484] : memref<316x48xi32, #tpu.memory_space<vmem>> -> memref<1x48xi32, #tpu.memory_space<vmem>>
      %dma_wait3A_486 = tpu.memref_squeeze %dma_wait3A_485 : memref<1x48xi32, #tpu.memory_space<vmem>> -> memref<48xi32, #tpu.memory_space<vmem>>
      %dma_wait3A_487 = arith.constant 0 : i32
      %dma_wait3A_488 = tpu.memref_slice %arg28[%dma_wait3A_487] : memref<10240xf32, #tpu.memory_space<vmem_shared>> -> memref<10240xf32, #tpu.memory_space<vmem_shared>>
      tpu.wait_indirect_dma semaphore(%arg29 : memref<!tpu.dma_semaphore, #tpu.memory_space<semaphore_mem>>) src(%arg26 : memref<48xf32, #tpu.memory_space<vmem>>) dst(%dma_wait3A_488 : memref<10240xf32, #tpu.memory_space<vmem_shared>>)
    }
    %while3A_478 = arith.constant 1 : i32
    scf.for %while3A_482 = %while3A_476 to %while3A_472 step %while3A_478  : i32 {
      %dma_wait3A_483 = arith.constant 0 : i32
      %dma_wait3A_484 = arith.constant 0 : i32
      %dma_wait3A_485 = tpu.memref_slice %arg8[%dma_wait3A_483, %dma_wait3A_484] : memref<316x48xi32, #tpu.memory_space<vmem>> -> memref<1x48xi32, #tpu.memory_space<vmem>>
      %dma_wait3A_486 = tpu.memref_squeeze %dma_wait3A_485 : memref<1x48xi32, #tpu.memory_space<vmem>> -> memref<48xi32, #tpu.memory_space<vmem>>
      %dma_wait3A_487 = arith.constant 0 : i32
      %dma_wait3A_488 = tpu.memref_slice %arg28[%dma_wait3A_487] : memref<10240xf32, #tpu.memory_space<vmem_shared>> -> memref<10240xf32, #tpu.memory_space<vmem_shared>>
      tpu.wait_indirect_dma semaphore(%arg29 : memref<!tpu.dma_semaphore, #tpu.memory_space<semaphore_mem>>) src(%arg26 : memref<48xf32, #tpu.memory_space<vmem>>) dst(%dma_wait3A_488 : memref<10240xf32, #tpu.memory_space<vmem_shared>>)
    }
    %barrier3A_479 = arith.constant 0 : index
    tpu.barrier barrier_id(%barrier3A_479)
    %mul3A_480 = arith.constant 640 : i32
    %mul3A_481 = arith.muli %arg1, %mul3A_480 : i32
    "tpu.region"() ({
      %run_scoped3A = tpu.sem_alloc : memref<!tpu.dma_semaphore, #tpu.memory_space<semaphore_mem>>
      %dma_start3A_482 = arith.constant 0 : i32
      %dma_start3A_483 = tpu.memref_slice %arg5[%arg0, %mul3A_481, %dma_start3A_482] : memref<2x10240x128xf32, #tpu.memory_space<hbm>> -> memref<1x640x128xf32, #tpu.memory_space<hbm>>
      %dma_start3A_484 = tpu.memref_squeeze %dma_start3A_483 : memref<1x640x128xf32, #tpu.memory_space<hbm>> -> memref<640x128xf32, #tpu.memory_space<hbm>>
      %dma_start3A_485 = arith.constant 0 : i32
      %dma_start3A_486 = tpu.memref_slice %arg13[%mul3A_481, %dma_start3A_485] : memref<10240x128xf32, #tpu.memory_space<vmem_shared>> -> memref<640x128xf32, #tpu.memory_space<vmem_shared>>
      tpu.enqueue_dma source(%dma_start3A_486 : memref<640x128xf32, #tpu.memory_space<vmem_shared>>) target(%dma_start3A_484 : memref<640x128xf32, #tpu.memory_space<hbm>>) target_semaphore(%run_scoped3A : memref<!tpu.dma_semaphore, #tpu.memory_space<semaphore_mem>>)
      %dma_wait3A_487 = arith.constant 0 : i32
      %dma_wait3A_488 = tpu.memref_slice %arg5[%arg0, %mul3A_481, %dma_wait3A_487] : memref<2x10240x128xf32, #tpu.memory_space<hbm>> -> memref<1x640x128xf32, #tpu.memory_space<hbm>>
      %dma_wait3A_489 = tpu.memref_squeeze %dma_wait3A_488 : memref<1x640x128xf32, #tpu.memory_space<hbm>> -> memref<640x128xf32, #tpu.memory_space<hbm>>
      %dma_wait3A_490 = arith.constant 0 : i32
      %dma_wait3A_491 = tpu.memref_slice %arg13[%mul3A_481, %dma_wait3A_490] : memref<10240x128xf32, #tpu.memory_space<vmem_shared>> -> memref<640x128xf32, #tpu.memory_space<vmem_shared>>
      tpu.wait_dma2 semaphore(%run_scoped3A : memref<!tpu.dma_semaphore, #tpu.memory_space<semaphore_mem>>) src(%dma_wait3A_491 : memref<640x128xf32, #tpu.memory_space<vmem_shared>>) dst(%dma_wait3A_489 : memref<640x128xf32, #tpu.memory_space<hbm>>)
      tpu.yield
    }) : () -> ()
    "tpu.region"() ({
      %run_scoped3A = tpu.sem_alloc : memref<!tpu.dma_semaphore, #tpu.memory_space<semaphore_mem>>
      %dma_start3A_482 = tpu.memref_slice %arg6[%arg0, %mul3A_481] : memref<2x10240xf32, #tpu.memory_space<hbm>> -> memref<1x640xf32, #tpu.memory_space<hbm>>
      %dma_start3A_483 = tpu.memref_squeeze %dma_start3A_482 : memref<1x640xf32, #tpu.memory_space<hbm>> -> memref<640xf32, #tpu.memory_space<hbm>>
      %dma_start3A_484 = tpu.memref_slice %arg28[%mul3A_481] : memref<10240xf32, #tpu.memory_space<vmem_shared>> -> memref<640xf32, #tpu.memory_space<vmem_shared>>
      tpu.enqueue_dma source(%dma_start3A_484 : memref<640xf32, #tpu.memory_space<vmem_shared>>) target(%dma_start3A_483 : memref<640xf32, #tpu.memory_space<hbm>>) target_semaphore(%run_scoped3A : memref<!tpu.dma_semaphore, #tpu.memory_space<semaphore_mem>>)
      %dma_wait3A_485 = tpu.memref_slice %arg6[%arg0, %mul3A_481] : memref<2x10240xf32, #tpu.memory_space<hbm>> -> memref<1x640xf32, #tpu.memory_space<hbm>>
      %dma_wait3A_486 = tpu.memref_squeeze %dma_wait3A_485 : memref<1x640xf32, #tpu.memory_space<hbm>> -> memref<640xf32, #tpu.memory_space<hbm>>
      %dma_wait3A_487 = tpu.memref_slice %arg28[%mul3A_481] : memref<10240xf32, #tpu.memory_space<vmem_shared>> -> memref<640xf32, #tpu.memory_space<vmem_shared>>
      tpu.wait_dma2 semaphore(%run_scoped3A : memref<!tpu.dma_semaphore, #tpu.memory_space<semaphore_mem>>) src(%dma_wait3A_487 : memref<640xf32, #tpu.memory_space<vmem_shared>>) dst(%dma_wait3A_486 : memref<640xf32, #tpu.memory_space<hbm>>)
      tpu.yield
    }) : () -> ()
    return
  }
}

#map = affine_map<(d0, d1) -> (0, 0)>
#map1 = affine_map<(d0, d1) -> (0, 0, 0)>
module attributes {stable_mosaic.version = 14 : i64} {
  func.func @body(%arg0: i32, %arg1: i32, %arg2: memref<10240x16xf32, #tpu.memory_space<hbm>>, %arg3: memref<2610x128xi32, #tpu.memory_space<hbm>>, %arg4: memref<2610x128xi32, #tpu.memory_space<hbm>>, %arg5: memref<2x10240x16xf32, #tpu.memory_space<hbm>>, %arg6: memref<4x128xi32, #tpu.memory_space<vmem>>, %arg7: memref<104x128xi32, #tpu.memory_space<vmem>>, %arg8: memref<128x16xf32, #tpu.memory_space<vmem>>, %arg9: memref<128x16xf32, #tpu.memory_space<vmem>>, %arg10: memref<128x16xf32, #tpu.memory_space<vmem>>, %arg11: memref<128x16xf32, #tpu.memory_space<vmem>>, %arg12: memref<10240x16xf32, #tpu.memory_space<vmem_shared>>, %arg13: memref<!tpu.dma_semaphore, #tpu.memory_space<semaphore_mem>>, %arg14: memref<!tpu.dma_semaphore, #tpu.memory_space<semaphore_mem>>, %arg15: memref<!tpu.dma_semaphore, #tpu.memory_space<semaphore_mem>>, %arg16: memref<!tpu.dma_semaphore, #tpu.memory_space<semaphore_mem>>, %arg17: memref<!tpu.dma_semaphore, #tpu.memory_space<semaphore_mem>>, %arg18: memref<!tpu.dma_semaphore, #tpu.memory_space<semaphore_mem>>, %arg19: memref<!tpu.dma_semaphore, #tpu.memory_space<semaphore_mem>>, %arg20: memref<!tpu.dma_semaphore, #tpu.memory_space<semaphore_mem>>, %arg21: memref<!tpu.dma_semaphore, #tpu.memory_space<semaphore_mem>>, %arg22: memref<!tpu.dma_semaphore, #tpu.memory_space<semaphore_mem>>, %arg23: memref<!tpu.dma_semaphore, #tpu.memory_space<semaphore_mem>>, %arg24: memref<!tpu.dma_semaphore, #tpu.memory_space<semaphore_mem>>) attributes {dimension_semantics = [#tpu.dimension_semantics<core_parallel>, #tpu.dimension_semantics<subcore_parallel>], iteration_bounds = array<i64: 2, 16>, scalar_prefetch = 0 : i64, scratch_operands = 19 : i64, tpu.core_type = #tpu.core_type<sc_vector_subcore>, window_params = [{transform_indices = #map}, {transform_indices = #map}, {transform_indices = #map}, {transform_indices = #map1}]} {
    %eq3A = arith.constant 0 : i32
    %eq3A_0 = arith.cmpi eq, %arg0, %eq3A : i32
    %jit3A = arith.constant 104 : i32
    %jit3A_1 = arith.constant 56 : i32
    %select_n3A = arith.select %eq3A_0, %jit3A, %jit3A_1 : i32
    %eq3A_2 = arith.constant 0 : i32
    %eq3A_3 = arith.cmpi eq, %arg0, %eq3A_2 : i32
    %mul3A = arith.constant 104 : i32
    %mul3A_4 = arith.muli %arg1, %mul3A : i32
    %mul3A_5 = arith.constant 56 : i32
    %mul3A_6 = arith.muli %arg1, %mul3A_5 : i32
    %add3A = arith.constant 1664 : i32
    %add3A_7 = arith.addi %add3A, %mul3A_6 : i32
    %select_n3A_8 = arith.select %eq3A_3, %mul3A_4, %add3A_7 : i32
    "tpu.region"() ({
      %run_scoped3A = tpu.sem_alloc : memref<!tpu.dma_semaphore, #tpu.memory_space<semaphore_mem>>
      %dma_start3A_391 = arith.constant 0 : i32
      %dma_start3A_392 = tpu.memref_slice %arg4[%select_n3A_8, %dma_start3A_391] : memref<2610x128xi32, #tpu.memory_space<hbm>> -> memref<104x128xi32, #tpu.memory_space<hbm>>
      %dma_start3A_393 = arith.constant 0 : i32
      %dma_start3A_394 = tpu.memref_slice %arg4[%select_n3A_8, %dma_start3A_393] : memref<2610x128xi32, #tpu.memory_space<hbm>> -> memref<104x128xi32, #tpu.memory_space<hbm>>
      tpu.enqueue_dma source(%dma_start3A_394 : memref<104x128xi32, #tpu.memory_space<hbm>>) target(%arg7 : memref<104x128xi32, #tpu.memory_space<vmem>>) target_semaphore(%run_scoped3A : memref<!tpu.dma_semaphore, #tpu.memory_space<semaphore_mem>>)
      %dma_wait3A_395 = arith.constant 0 : i32
      %dma_wait3A_396 = tpu.memref_slice %arg4[%select_n3A_8, %dma_wait3A_395] : memref<2610x128xi32, #tpu.memory_space<hbm>> -> memref<104x128xi32, #tpu.memory_space<hbm>>
      %dma_wait3A_397 = arith.constant 0 : i32
      %dma_wait3A_398 = tpu.memref_slice %arg4[%select_n3A_8, %dma_wait3A_397] : memref<2610x128xi32, #tpu.memory_space<hbm>> -> memref<104x128xi32, #tpu.memory_space<hbm>>
      tpu.wait_dma2 semaphore(%run_scoped3A : memref<!tpu.dma_semaphore, #tpu.memory_space<semaphore_mem>>) src(%dma_wait3A_398 : memref<104x128xi32, #tpu.memory_space<hbm>>) dst(%arg7 : memref<104x128xi32, #tpu.memory_space<vmem>>)
      tpu.yield
    }) : () -> ()
    %broadcast_in_dim3A = arith.constant 0.000000e+00 : f32
    %broadcast_in_dim3A_9 = vector.broadcast %broadcast_in_dim3A : f32 to vector<16xf32>
    %scan3A = arith.constant 0 : i32
    %scan3A_10 = arith.constant 0 : i32
    %scan3A_11 = arith.constant 128 : i32
    %scan3A_12 = arith.addi %scan3A_10, %scan3A_11 : i32
    %scan3A_13 = arith.constant 1 : i32
    scf.for %scan3A_391 = %scan3A_10 to %scan3A_12 step %scan3A_13  : i32 {
      %jit3A_392 = arith.constant 1 : i32
      %div3A_393 = arith.divsi %scan3A_391, %jit3A_392 : i32
      %sign3A_394 = arith.constant 0 : i32
      %sign3A_395 = arith.cmpi sgt, %scan3A_391, %sign3A_394 : i32
      %sign3A_396 = arith.extui %sign3A_395 : i1 to i32
      %sign3A_397 = arith.constant 0 : i32
      %sign3A_398 = arith.cmpi slt, %scan3A_391, %sign3A_397 : i32
      %sign3A_399 = arith.extui %sign3A_398 : i1 to i32
      %sign3A_400 = arith.subi %sign3A_396, %sign3A_399 : i32
      %sign3A_401 = arith.constant 0 : i32
      %sign3A_402 = arith.cmpi sgt, %jit3A_392, %sign3A_401 : i32
      %sign3A_403 = arith.extui %sign3A_402 : i1 to i32
      %sign3A_404 = arith.constant 0 : i32
      %sign3A_405 = arith.cmpi slt, %jit3A_392, %sign3A_404 : i32
      %sign3A_406 = arith.extui %sign3A_405 : i1 to i32
      %sign3A_407 = arith.subi %sign3A_403, %sign3A_406 : i32
      %ne3A_408 = arith.cmpi ne, %sign3A_400, %sign3A_407 : i32
      %rem3A_409 = arith.remsi %scan3A_391, %jit3A_392 : i32
      %ne3A_410 = arith.constant 0 : i32
      %ne3A_411 = arith.cmpi ne, %rem3A_409, %ne3A_410 : i32
      %and3A_412 = arith.andi %ne3A_408, %ne3A_411 : i1
      %sub3A_413 = arith.constant 1 : i32
      %sub3A_414 = arith.subi %div3A_393, %sub3A_413 : i32
      %select_n3A_415 = arith.select %and3A_412, %sub3A_414, %div3A_393 : i32
      %jit3A_416 = arith.constant 1 : i32
      %eq3A_417 = arith.constant 0 : i32
      %eq3A_418 = arith.cmpi eq, %jit3A_416, %eq3A_417 : i32
      %jit3A_419 = arith.constant 1 : i32
      %select_n3A_420 = arith.select %eq3A_418, %jit3A_419, %jit3A_416 : i32
      %rem3A_421 = arith.remsi %scan3A_391, %select_n3A_420 : i32
      %ne3A_422 = arith.constant 0 : i32
      %ne3A_423 = arith.cmpi ne, %rem3A_421, %ne3A_422 : i32
      %lt3A = arith.constant 0 : i32
      %lt3A_424 = arith.cmpi slt, %rem3A_421, %lt3A : i32
      %lt3A_425 = arith.constant 0 : i32
      %lt3A_426 = arith.cmpi slt, %select_n3A_420, %lt3A_425 : i32
      %ne3A_427 = arith.xori %lt3A_424, %lt3A_426 : i1
      %and3A_428 = arith.andi %ne3A_427, %ne3A_423 : i1
      %add3A_429 = arith.addi %rem3A_421, %select_n3A_420 : i32
      %select_n3A_430 = arith.select %and3A_428, %add3A_429, %rem3A_421 : i32
      %mul3A_431 = arith.constant 16 : i32
      %mul3A_432 = arith.muli %select_n3A_430, %mul3A_431 : i32
      %swap3A = arith.index_cast %select_n3A_415 : i32 to index
      %swap3A_433 = arith.index_cast %mul3A_432 : i32 to index
      %swap3A_434 = tpu.vector_load %arg8[%swap3A, %swap3A_433] {strides = array<i32>} : memref<128x16xf32, #tpu.memory_space<vmem>>, vector<1x16xf32>,
      %swap3A_435 = vector.shape_cast %swap3A_434 : vector<1x16xf32> to vector<16xf32>
      %swap3A_436 = vector.shape_cast %broadcast_in_dim3A_9 : vector<16xf32> to vector<1x16xf32>
      tpu.vector_store %arg8[%swap3A, %swap3A_433], %swap3A_436 {strides = array<i32>} : memref<128x16xf32, #tpu.memory_space<vmem>>, vector<1x16xf32>,
    }
    %scan3A_14 = arith.constant 128 : i32
    %mul3A_15 = arith.constant 640 : i32
    %mul3A_16 = arith.muli %arg1, %mul3A_15 : i32
    %add3A_17 = arith.constant 0 : i32
    %add3A_18 = arith.addi %mul3A_16, %add3A_17 : i32
    "tpu.region"() ({
      %run_scoped3A = tpu.sem_alloc : memref<!tpu.dma_semaphore, #tpu.memory_space<semaphore_mem>>
      %dma_start3A_391 = arith.constant 0 : i32
      %dma_start3A_392 = tpu.memref_slice %arg12[%add3A_18, %dma_start3A_391] : memref<10240x16xf32, #tpu.memory_space<vmem_shared>> -> memref<128x16xf32, #tpu.memory_space<vmem_shared>>
      %dma_start3A_393 = arith.constant 0 : i32
      %dma_start3A_394 = tpu.memref_slice %arg12[%add3A_18, %dma_start3A_393] : memref<10240x16xf32, #tpu.memory_space<vmem_shared>> -> memref<128x16xf32, #tpu.memory_space<vmem_shared>>
      tpu.enqueue_dma source(%arg8 : memref<128x16xf32, #tpu.memory_space<vmem>>) target(%dma_start3A_394 : memref<128x16xf32, #tpu.memory_space<vmem_shared>>) target_semaphore(%run_scoped3A : memref<!tpu.dma_semaphore, #tpu.memory_space<semaphore_mem>>)
      %dma_wait3A_395 = arith.constant 0 : i32
      %dma_wait3A_396 = tpu.memref_slice %arg12[%add3A_18, %dma_wait3A_395] : memref<10240x16xf32, #tpu.memory_space<vmem_shared>> -> memref<128x16xf32, #tpu.memory_space<vmem_shared>>
      %dma_wait3A_397 = arith.constant 0 : i32
      %dma_wait3A_398 = tpu.memref_slice %arg12[%add3A_18, %dma_wait3A_397] : memref<10240x16xf32, #tpu.memory_space<vmem_shared>> -> memref<128x16xf32, #tpu.memory_space<vmem_shared>>
      tpu.wait_dma2 semaphore(%run_scoped3A : memref<!tpu.dma_semaphore, #tpu.memory_space<semaphore_mem>>) src(%arg8 : memref<128x16xf32, #tpu.memory_space<vmem>>) dst(%dma_wait3A_398 : memref<128x16xf32, #tpu.memory_space<vmem_shared>>)
      tpu.yield
    }) : () -> ()
    %mul3A_19 = arith.constant 640 : i32
    %mul3A_20 = arith.muli %arg1, %mul3A_19 : i32
    %add3A_21 = arith.constant 128 : i32
    %add3A_22 = arith.addi %mul3A_20, %add3A_21 : i32
    "tpu.region"() ({
      %run_scoped3A = tpu.sem_alloc : memref<!tpu.dma_semaphore, #tpu.memory_space<semaphore_mem>>
      %dma_start3A_391 = arith.constant 0 : i32
      %dma_start3A_392 = tpu.memref_slice %arg12[%add3A_22, %dma_start3A_391] : memref<10240x16xf32, #tpu.memory_space<vmem_shared>> -> memref<128x16xf32, #tpu.memory_space<vmem_shared>>
      %dma_start3A_393 = arith.constant 0 : i32
      %dma_start3A_394 = tpu.memref_slice %arg12[%add3A_22, %dma_start3A_393] : memref<10240x16xf32, #tpu.memory_space<vmem_shared>> -> memref<128x16xf32, #tpu.memory_space<vmem_shared>>
      tpu.enqueue_dma source(%arg8 : memref<128x16xf32, #tpu.memory_space<vmem>>) target(%dma_start3A_394 : memref<128x16xf32, #tpu.memory_space<vmem_shared>>) target_semaphore(%run_scoped3A : memref<!tpu.dma_semaphore, #tpu.memory_space<semaphore_mem>>)
      %dma_wait3A_395 = arith.constant 0 : i32
      %dma_wait3A_396 = tpu.memref_slice %arg12[%add3A_22, %dma_wait3A_395] : memref<10240x16xf32, #tpu.memory_space<vmem_shared>> -> memref<128x16xf32, #tpu.memory_space<vmem_shared>>
      %dma_wait3A_397 = arith.constant 0 : i32
      %dma_wait3A_398 = tpu.memref_slice %arg12[%add3A_22, %dma_wait3A_397] : memref<10240x16xf32, #tpu.memory_space<vmem_shared>> -> memref<128x16xf32, #tpu.memory_space<vmem_shared>>
      tpu.wait_dma2 semaphore(%run_scoped3A : memref<!tpu.dma_semaphore, #tpu.memory_space<semaphore_mem>>) src(%arg8 : memref<128x16xf32, #tpu.memory_space<vmem>>) dst(%dma_wait3A_398 : memref<128x16xf32, #tpu.memory_space<vmem_shared>>)
      tpu.yield
    }) : () -> ()
    %mul3A_23 = arith.constant 640 : i32
    %mul3A_24 = arith.muli %arg1, %mul3A_23 : i32
    %add3A_25 = arith.constant 256 : i32
    %add3A_26 = arith.addi %mul3A_24, %add3A_25 : i32
    "tpu.region"() ({
      %run_scoped3A = tpu.sem_alloc : memref<!tpu.dma_semaphore, #tpu.memory_space<semaphore_mem>>
      %dma_start3A_391 = arith.constant 0 : i32
      %dma_start3A_392 = tpu.memref_slice %arg12[%add3A_26, %dma_start3A_391] : memref<10240x16xf32, #tpu.memory_space<vmem_shared>> -> memref<128x16xf32, #tpu.memory_space<vmem_shared>>
      %dma_start3A_393 = arith.constant 0 : i32
      %dma_start3A_394 = tpu.memref_slice %arg12[%add3A_26, %dma_start3A_393] : memref<10240x16xf32, #tpu.memory_space<vmem_shared>> -> memref<128x16xf32, #tpu.memory_space<vmem_shared>>
      tpu.enqueue_dma source(%arg8 : memref<128x16xf32, #tpu.memory_space<vmem>>) target(%dma_start3A_394 : memref<128x16xf32, #tpu.memory_space<vmem_shared>>) target_semaphore(%run_scoped3A : memref<!tpu.dma_semaphore, #tpu.memory_space<semaphore_mem>>)
      %dma_wait3A_395 = arith.constant 0 : i32
      %dma_wait3A_396 = tpu.memref_slice %arg12[%add3A_26, %dma_wait3A_395] : memref<10240x16xf32, #tpu.memory_space<vmem_shared>> -> memref<128x16xf32, #tpu.memory_space<vmem_shared>>
      %dma_wait3A_397 = arith.constant 0 : i32
      %dma_wait3A_398 = tpu.memref_slice %arg12[%add3A_26, %dma_wait3A_397] : memref<10240x16xf32, #tpu.memory_space<vmem_shared>> -> memref<128x16xf32, #tpu.memory_space<vmem_shared>>
      tpu.wait_dma2 semaphore(%run_scoped3A : memref<!tpu.dma_semaphore, #tpu.memory_space<semaphore_mem>>) src(%arg8 : memref<128x16xf32, #tpu.memory_space<vmem>>) dst(%dma_wait3A_398 : memref<128x16xf32, #tpu.memory_space<vmem_shared>>)
      tpu.yield
    }) : () -> ()
    %mul3A_27 = arith.constant 640 : i32
    %mul3A_28 = arith.muli %arg1, %mul3A_27 : i32
    %add3A_29 = arith.constant 384 : i32
    %add3A_30 = arith.addi %mul3A_28, %add3A_29 : i32
    "tpu.region"() ({
      %run_scoped3A = tpu.sem_alloc : memref<!tpu.dma_semaphore, #tpu.memory_space<semaphore_mem>>
      %dma_start3A_391 = arith.constant 0 : i32
      %dma_start3A_392 = tpu.memref_slice %arg12[%add3A_30, %dma_start3A_391] : memref<10240x16xf32, #tpu.memory_space<vmem_shared>> -> memref<128x16xf32, #tpu.memory_space<vmem_shared>>
      %dma_start3A_393 = arith.constant 0 : i32
      %dma_start3A_394 = tpu.memref_slice %arg12[%add3A_30, %dma_start3A_393] : memref<10240x16xf32, #tpu.memory_space<vmem_shared>> -> memref<128x16xf32, #tpu.memory_space<vmem_shared>>
      tpu.enqueue_dma source(%arg8 : memref<128x16xf32, #tpu.memory_space<vmem>>) target(%dma_start3A_394 : memref<128x16xf32, #tpu.memory_space<vmem_shared>>) target_semaphore(%run_scoped3A : memref<!tpu.dma_semaphore, #tpu.memory_space<semaphore_mem>>)
      %dma_wait3A_395 = arith.constant 0 : i32
      %dma_wait3A_396 = tpu.memref_slice %arg12[%add3A_30, %dma_wait3A_395] : memref<10240x16xf32, #tpu.memory_space<vmem_shared>> -> memref<128x16xf32, #tpu.memory_space<vmem_shared>>
      %dma_wait3A_397 = arith.constant 0 : i32
      %dma_wait3A_398 = tpu.memref_slice %arg12[%add3A_30, %dma_wait3A_397] : memref<10240x16xf32, #tpu.memory_space<vmem_shared>> -> memref<128x16xf32, #tpu.memory_space<vmem_shared>>
      tpu.wait_dma2 semaphore(%run_scoped3A : memref<!tpu.dma_semaphore, #tpu.memory_space<semaphore_mem>>) src(%arg8 : memref<128x16xf32, #tpu.memory_space<vmem>>) dst(%dma_wait3A_398 : memref<128x16xf32, #tpu.memory_space<vmem_shared>>)
      tpu.yield
    }) : () -> ()
    %mul3A_31 = arith.constant 640 : i32
    %mul3A_32 = arith.muli %arg1, %mul3A_31 : i32
    %add3A_33 = arith.constant 512 : i32
    %add3A_34 = arith.addi %mul3A_32, %add3A_33 : i32
    "tpu.region"() ({
      %run_scoped3A = tpu.sem_alloc : memref<!tpu.dma_semaphore, #tpu.memory_space<semaphore_mem>>
      %dma_start3A_391 = arith.constant 0 : i32
      %dma_start3A_392 = tpu.memref_slice %arg12[%add3A_34, %dma_start3A_391] : memref<10240x16xf32, #tpu.memory_space<vmem_shared>> -> memref<128x16xf32, #tpu.memory_space<vmem_shared>>
      %dma_start3A_393 = arith.constant 0 : i32
      %dma_start3A_394 = tpu.memref_slice %arg12[%add3A_34, %dma_start3A_393] : memref<10240x16xf32, #tpu.memory_space<vmem_shared>> -> memref<128x16xf32, #tpu.memory_space<vmem_shared>>
      tpu.enqueue_dma source(%arg8 : memref<128x16xf32, #tpu.memory_space<vmem>>) target(%dma_start3A_394 : memref<128x16xf32, #tpu.memory_space<vmem_shared>>) target_semaphore(%run_scoped3A : memref<!tpu.dma_semaphore, #tpu.memory_space<semaphore_mem>>)
      %dma_wait3A_395 = arith.constant 0 : i32
      %dma_wait3A_396 = tpu.memref_slice %arg12[%add3A_34, %dma_wait3A_395] : memref<10240x16xf32, #tpu.memory_space<vmem_shared>> -> memref<128x16xf32, #tpu.memory_space<vmem_shared>>
      %dma_wait3A_397 = arith.constant 0 : i32
      %dma_wait3A_398 = tpu.memref_slice %arg12[%add3A_34, %dma_wait3A_397] : memref<10240x16xf32, #tpu.memory_space<vmem_shared>> -> memref<128x16xf32, #tpu.memory_space<vmem_shared>>
      tpu.wait_dma2 semaphore(%run_scoped3A : memref<!tpu.dma_semaphore, #tpu.memory_space<semaphore_mem>>) src(%arg8 : memref<128x16xf32, #tpu.memory_space<vmem>>) dst(%dma_wait3A_398 : memref<128x16xf32, #tpu.memory_space<vmem_shared>>)
      tpu.yield
    }) : () -> ()
    %barrier3A = arith.constant 0 : index
    tpu.barrier barrier_id(%barrier3A)
    %add3A_35 = arith.constant 0 : i32
    %add3A_36 = arith.addi %select_n3A_8, %add3A_35 : i32
    %dma_start3A = arith.constant 0 : i32
    %dma_start3A_37 = arith.constant 0 : i32
    %dma_start3A_38 = tpu.memref_slice %arg6[%dma_start3A, %dma_start3A_37] : memref<4x128xi32, #tpu.memory_space<vmem>> -> memref<1x128xi32, #tpu.memory_space<vmem>>
    %dma_start3A_39 = arith.constant 0 : i32
    %dma_start3A_40 = tpu.memref_slice %arg3[%add3A_36, %dma_start3A_39] : memref<2610x128xi32, #tpu.memory_space<hbm>> -> memref<1x128xi32, #tpu.memory_space<hbm>>
    %dma_start3A_41 = arith.constant 0 : i32
    %dma_start3A_42 = arith.constant 0 : i32
    %dma_start3A_43 = tpu.memref_slice %arg6[%dma_start3A_41, %dma_start3A_42] : memref<4x128xi32, #tpu.memory_space<vmem>> -> memref<1x128xi32, #tpu.memory_space<vmem>>
    %dma_start3A_44 = arith.constant 0 : i32
    %dma_start3A_45 = tpu.memref_slice %arg3[%add3A_36, %dma_start3A_44] : memref<2610x128xi32, #tpu.memory_space<hbm>> -> memref<1x128xi32, #tpu.memory_space<hbm>>
    tpu.enqueue_dma source(%dma_start3A_45 : memref<1x128xi32, #tpu.memory_space<hbm>>) target(%dma_start3A_43 : memref<1x128xi32, #tpu.memory_space<vmem>>) target_semaphore(%arg13 : memref<!tpu.dma_semaphore, #tpu.memory_space<semaphore_mem>>)
    %add3A_46 = arith.constant 1 : i32
    %add3A_47 = arith.addi %select_n3A_8, %add3A_46 : i32
    %dma_start3A_48 = arith.constant 1 : i32
    %dma_start3A_49 = arith.constant 0 : i32
    %dma_start3A_50 = tpu.memref_slice %arg6[%dma_start3A_48, %dma_start3A_49] : memref<4x128xi32, #tpu.memory_space<vmem>> -> memref<1x128xi32, #tpu.memory_space<vmem>>
    %dma_start3A_51 = arith.constant 0 : i32
    %dma_start3A_52 = tpu.memref_slice %arg3[%add3A_47, %dma_start3A_51] : memref<2610x128xi32, #tpu.memory_space<hbm>> -> memref<1x128xi32, #tpu.memory_space<hbm>>
    %dma_start3A_53 = arith.constant 1 : i32
    %dma_start3A_54 = arith.constant 0 : i32
    %dma_start3A_55 = tpu.memref_slice %arg6[%dma_start3A_53, %dma_start3A_54] : memref<4x128xi32, #tpu.memory_space<vmem>> -> memref<1x128xi32, #tpu.memory_space<vmem>>
    %dma_start3A_56 = arith.constant 0 : i32
    %dma_start3A_57 = tpu.memref_slice %arg3[%add3A_47, %dma_start3A_56] : memref<2610x128xi32, #tpu.memory_space<hbm>> -> memref<1x128xi32, #tpu.memory_space<hbm>>
    tpu.enqueue_dma source(%dma_start3A_57 : memref<1x128xi32, #tpu.memory_space<hbm>>) target(%dma_start3A_55 : memref<1x128xi32, #tpu.memory_space<vmem>>) target_semaphore(%arg14 : memref<!tpu.dma_semaphore, #tpu.memory_space<semaphore_mem>>)
    %add3A_58 = arith.constant 2 : i32
    %add3A_59 = arith.addi %select_n3A_8, %add3A_58 : i32
    %dma_start3A_60 = arith.constant 2 : i32
    %dma_start3A_61 = arith.constant 0 : i32
    %dma_start3A_62 = tpu.memref_slice %arg6[%dma_start3A_60, %dma_start3A_61] : memref<4x128xi32, #tpu.memory_space<vmem>> -> memref<1x128xi32, #tpu.memory_space<vmem>>
    %dma_start3A_63 = arith.constant 0 : i32
    %dma_start3A_64 = tpu.memref_slice %arg3[%add3A_59, %dma_start3A_63] : memref<2610x128xi32, #tpu.memory_space<hbm>> -> memref<1x128xi32, #tpu.memory_space<hbm>>
    %dma_start3A_65 = arith.constant 2 : i32
    %dma_start3A_66 = arith.constant 0 : i32
    %dma_start3A_67 = tpu.memref_slice %arg6[%dma_start3A_65, %dma_start3A_66] : memref<4x128xi32, #tpu.memory_space<vmem>> -> memref<1x128xi32, #tpu.memory_space<vmem>>
    %dma_start3A_68 = arith.constant 0 : i32
    %dma_start3A_69 = tpu.memref_slice %arg3[%add3A_59, %dma_start3A_68] : memref<2610x128xi32, #tpu.memory_space<hbm>> -> memref<1x128xi32, #tpu.memory_space<hbm>>
    tpu.enqueue_dma source(%dma_start3A_69 : memref<1x128xi32, #tpu.memory_space<hbm>>) target(%dma_start3A_67 : memref<1x128xi32, #tpu.memory_space<vmem>>) target_semaphore(%arg15 : memref<!tpu.dma_semaphore, #tpu.memory_space<semaphore_mem>>)
    %add3A_70 = arith.constant 3 : i32
    %add3A_71 = arith.addi %select_n3A_8, %add3A_70 : i32
    %dma_start3A_72 = arith.constant 3 : i32
    %dma_start3A_73 = arith.constant 0 : i32
    %dma_start3A_74 = tpu.memref_slice %arg6[%dma_start3A_72, %dma_start3A_73] : memref<4x128xi32, #tpu.memory_space<vmem>> -> memref<1x128xi32, #tpu.memory_space<vmem>>
    %dma_start3A_75 = arith.constant 0 : i32
    %dma_start3A_76 = tpu.memref_slice %arg3[%add3A_71, %dma_start3A_75] : memref<2610x128xi32, #tpu.memory_space<hbm>> -> memref<1x128xi32, #tpu.memory_space<hbm>>
    %dma_start3A_77 = arith.constant 3 : i32
    %dma_start3A_78 = arith.constant 0 : i32
    %dma_start3A_79 = tpu.memref_slice %arg6[%dma_start3A_77, %dma_start3A_78] : memref<4x128xi32, #tpu.memory_space<vmem>> -> memref<1x128xi32, #tpu.memory_space<vmem>>
    %dma_start3A_80 = arith.constant 0 : i32
    %dma_start3A_81 = tpu.memref_slice %arg3[%add3A_71, %dma_start3A_80] : memref<2610x128xi32, #tpu.memory_space<hbm>> -> memref<1x128xi32, #tpu.memory_space<hbm>>
    tpu.enqueue_dma source(%dma_start3A_81 : memref<1x128xi32, #tpu.memory_space<hbm>>) target(%dma_start3A_79 : memref<1x128xi32, #tpu.memory_space<vmem>>) target_semaphore(%arg16 : memref<!tpu.dma_semaphore, #tpu.memory_space<semaphore_mem>>)
    %dma_wait3A = arith.constant 0 : i32
    %dma_wait3A_82 = arith.constant 0 : i32
    %dma_wait3A_83 = tpu.memref_slice %arg6[%dma_wait3A, %dma_wait3A_82] : memref<4x128xi32, #tpu.memory_space<vmem>> -> memref<1x128xi32, #tpu.memory_space<vmem>>
    %dma_wait3A_84 = arith.constant 0 : i32
    %dma_wait3A_85 = tpu.memref_slice %arg3[%select_n3A_8, %dma_wait3A_84] : memref<2610x128xi32, #tpu.memory_space<hbm>> -> memref<1x128xi32, #tpu.memory_space<hbm>>
    %dma_wait3A_86 = arith.constant 0 : i32
    %dma_wait3A_87 = arith.constant 0 : i32
    %dma_wait3A_88 = tpu.memref_slice %arg6[%dma_wait3A_86, %dma_wait3A_87] : memref<4x128xi32, #tpu.memory_space<vmem>> -> memref<1x128xi32, #tpu.memory_space<vmem>>
    %dma_wait3A_89 = arith.constant 0 : i32
    %dma_wait3A_90 = tpu.memref_slice %arg3[%select_n3A_8, %dma_wait3A_89] : memref<2610x128xi32, #tpu.memory_space<hbm>> -> memref<1x128xi32, #tpu.memory_space<hbm>>
    tpu.wait_dma2 semaphore(%arg13 : memref<!tpu.dma_semaphore, #tpu.memory_space<semaphore_mem>>) src(%dma_wait3A_90 : memref<1x128xi32, #tpu.memory_space<hbm>>) dst(%dma_wait3A_88 : memref<1x128xi32, #tpu.memory_space<vmem>>)
    %dma_start3A_91 = arith.constant 0 : i32
    %dma_start3A_92 = arith.constant 0 : i32
    %dma_start3A_93 = tpu.memref_slice %arg6[%dma_start3A_91, %dma_start3A_92] : memref<4x128xi32, #tpu.memory_space<vmem>> -> memref<1x128xi32, #tpu.memory_space<vmem>>
    %dma_start3A_94 = tpu.memref_squeeze %dma_start3A_93 : memref<1x128xi32, #tpu.memory_space<vmem>> -> memref<128xi32, #tpu.memory_space<vmem>>
    %dma_start3A_95 = arith.constant 0 : i32
    %dma_start3A_96 = arith.constant 0 : i32
    %dma_start3A_97 = tpu.memref_slice %arg2[%dma_start3A_95, %dma_start3A_96] : memref<10240x16xf32, #tpu.memory_space<hbm>> -> memref<10240x16xf32, #tpu.memory_space<hbm>>
    tpu.enqueue_indirect_dma source(%dma_start3A_97 : memref<10240x16xf32, #tpu.memory_space<hbm>>) target(%arg8 : memref<128x16xf32, #tpu.memory_space<vmem>>) offsets(%dma_start3A_94 : memref<128xi32, #tpu.memory_space<vmem>>) semaphore(%arg17 : memref<!tpu.dma_semaphore, #tpu.memory_space<semaphore_mem>>)
    %dma_wait3A_98 = arith.constant 1 : i32
    %dma_wait3A_99 = arith.constant 0 : i32
    %dma_wait3A_100 = tpu.memref_slice %arg6[%dma_wait3A_98, %dma_wait3A_99] : memref<4x128xi32, #tpu.memory_space<vmem>> -> memref<1x128xi32, #tpu.memory_space<vmem>>
    %dma_wait3A_101 = arith.constant 0 : i32
    %dma_wait3A_102 = tpu.memref_slice %arg3[%select_n3A_8, %dma_wait3A_101] : memref<2610x128xi32, #tpu.memory_space<hbm>> -> memref<1x128xi32, #tpu.memory_space<hbm>>
    %dma_wait3A_103 = arith.constant 1 : i32
    %dma_wait3A_104 = arith.constant 0 : i32
    %dma_wait3A_105 = tpu.memref_slice %arg6[%dma_wait3A_103, %dma_wait3A_104] : memref<4x128xi32, #tpu.memory_space<vmem>> -> memref<1x128xi32, #tpu.memory_space<vmem>>
    %dma_wait3A_106 = arith.constant 0 : i32
    %dma_wait3A_107 = tpu.memref_slice %arg3[%select_n3A_8, %dma_wait3A_106] : memref<2610x128xi32, #tpu.memory_space<hbm>> -> memref<1x128xi32, #tpu.memory_space<hbm>>
    tpu.wait_dma2 semaphore(%arg14 : memref<!tpu.dma_semaphore, #tpu.memory_space<semaphore_mem>>) src(%dma_wait3A_107 : memref<1x128xi32, #tpu.memory_space<hbm>>) dst(%dma_wait3A_105 : memref<1x128xi32, #tpu.memory_space<vmem>>)
    %dma_start3A_108 = arith.constant 1 : i32
    %dma_start3A_109 = arith.constant 0 : i32
    %dma_start3A_110 = tpu.memref_slice %arg6[%dma_start3A_108, %dma_start3A_109] : memref<4x128xi32, #tpu.memory_space<vmem>> -> memref<1x128xi32, #tpu.memory_space<vmem>>
    %dma_start3A_111 = tpu.memref_squeeze %dma_start3A_110 : memref<1x128xi32, #tpu.memory_space<vmem>> -> memref<128xi32, #tpu.memory_space<vmem>>
    %dma_start3A_112 = arith.constant 0 : i32
    %dma_start3A_113 = arith.constant 0 : i32
    %dma_start3A_114 = tpu.memref_slice %arg2[%dma_start3A_112, %dma_start3A_113] : memref<10240x16xf32, #tpu.memory_space<hbm>> -> memref<10240x16xf32, #tpu.memory_space<hbm>>
    tpu.enqueue_indirect_dma source(%dma_start3A_114 : memref<10240x16xf32, #tpu.memory_space<hbm>>) target(%arg9 : memref<128x16xf32, #tpu.memory_space<vmem>>) offsets(%dma_start3A_111 : memref<128xi32, #tpu.memory_space<vmem>>) semaphore(%arg18 : memref<!tpu.dma_semaphore, #tpu.memory_space<semaphore_mem>>)
    %dma_wait3A_115 = arith.constant 2 : i32
    %dma_wait3A_116 = arith.constant 0 : i32
    %dma_wait3A_117 = tpu.memref_slice %arg6[%dma_wait3A_115, %dma_wait3A_116] : memref<4x128xi32, #tpu.memory_space<vmem>> -> memref<1x128xi32, #tpu.memory_space<vmem>>
    %dma_wait3A_118 = arith.constant 0 : i32
    %dma_wait3A_119 = tpu.memref_slice %arg3[%select_n3A_8, %dma_wait3A_118] : memref<2610x128xi32, #tpu.memory_space<hbm>> -> memref<1x128xi32, #tpu.memory_space<hbm>>
    %dma_wait3A_120 = arith.constant 2 : i32
    %dma_wait3A_121 = arith.constant 0 : i32
    %dma_wait3A_122 = tpu.memref_slice %arg6[%dma_wait3A_120, %dma_wait3A_121] : memref<4x128xi32, #tpu.memory_space<vmem>> -> memref<1x128xi32, #tpu.memory_space<vmem>>
    %dma_wait3A_123 = arith.constant 0 : i32
    %dma_wait3A_124 = tpu.memref_slice %arg3[%select_n3A_8, %dma_wait3A_123] : memref<2610x128xi32, #tpu.memory_space<hbm>> -> memref<1x128xi32, #tpu.memory_space<hbm>>
    tpu.wait_dma2 semaphore(%arg15 : memref<!tpu.dma_semaphore, #tpu.memory_space<semaphore_mem>>) src(%dma_wait3A_124 : memref<1x128xi32, #tpu.memory_space<hbm>>) dst(%dma_wait3A_122 : memref<1x128xi32, #tpu.memory_space<vmem>>)
    %dma_wait3A_125 = arith.constant 0 : i32
    %dma_wait3A_126 = arith.constant 0 : i32
    %dma_wait3A_127 = tpu.memref_slice %arg6[%dma_wait3A_125, %dma_wait3A_126] : memref<4x128xi32, #tpu.memory_space<vmem>> -> memref<1x128xi32, #tpu.memory_space<vmem>>
    %dma_wait3A_128 = tpu.memref_squeeze %dma_wait3A_127 : memref<1x128xi32, #tpu.memory_space<vmem>> -> memref<128xi32, #tpu.memory_space<vmem>>
    %dma_wait3A_129 = arith.constant 0 : i32
    %dma_wait3A_130 = arith.constant 0 : i32
    %dma_wait3A_131 = tpu.memref_slice %arg2[%dma_wait3A_129, %dma_wait3A_130] : memref<10240x16xf32, #tpu.memory_space<hbm>> -> memref<10240x16xf32, #tpu.memory_space<hbm>>
    tpu.wait_indirect_dma semaphore(%arg17 : memref<!tpu.dma_semaphore, #tpu.memory_space<semaphore_mem>>) src(%dma_wait3A_131 : memref<10240x16xf32, #tpu.memory_space<hbm>>) dst(%arg8 : memref<128x16xf32, #tpu.memory_space<vmem>>)
    %dma_start3A_132 = arith.constant 0 : i32
    %dma_start3A_133 = arith.constant 0 : i32
    %dma_start3A_134 = tpu.memref_slice %arg7[%dma_start3A_132, %dma_start3A_133] : memref<104x128xi32, #tpu.memory_space<vmem>> -> memref<1x128xi32, #tpu.memory_space<vmem>>
    %dma_start3A_135 = tpu.memref_squeeze %dma_start3A_134 : memref<1x128xi32, #tpu.memory_space<vmem>> -> memref<128xi32, #tpu.memory_space<vmem>>
    %dma_start3A_136 = arith.constant 0 : i32
    %dma_start3A_137 = arith.constant 0 : i32
    %dma_start3A_138 = tpu.memref_slice %arg12[%dma_start3A_136, %dma_start3A_137] : memref<10240x16xf32, #tpu.memory_space<vmem_shared>> -> memref<10240x16xf32, #tpu.memory_space<vmem_shared>>
    tpu.enqueue_indirect_dma source(%arg8 : memref<128x16xf32, #tpu.memory_space<vmem>>) target(%dma_start3A_138 : memref<10240x16xf32, #tpu.memory_space<vmem_shared>>) offsets(%dma_start3A_135 : memref<128xi32, #tpu.memory_space<vmem>>) semaphore(%arg21 : memref<!tpu.dma_semaphore, #tpu.memory_space<semaphore_mem>>) {add = true}
    %dma_start3A_139 = arith.constant 2 : i32
    %dma_start3A_140 = arith.constant 0 : i32
    %dma_start3A_141 = tpu.memref_slice %arg6[%dma_start3A_139, %dma_start3A_140] : memref<4x128xi32, #tpu.memory_space<vmem>> -> memref<1x128xi32, #tpu.memory_space<vmem>>
    %dma_start3A_142 = tpu.memref_squeeze %dma_start3A_141 : memref<1x128xi32, #tpu.memory_space<vmem>> -> memref<128xi32, #tpu.memory_space<vmem>>
    %dma_start3A_143 = arith.constant 0 : i32
    %dma_start3A_144 = arith.constant 0 : i32
    %dma_start3A_145 = tpu.memref_slice %arg2[%dma_start3A_143, %dma_start3A_144] : memref<10240x16xf32, #tpu.memory_space<hbm>> -> memref<10240x16xf32, #tpu.memory_space<hbm>>
    tpu.enqueue_indirect_dma source(%dma_start3A_145 : memref<10240x16xf32, #tpu.memory_space<hbm>>) target(%arg10 : memref<128x16xf32, #tpu.memory_space<vmem>>) offsets(%dma_start3A_142 : memref<128xi32, #tpu.memory_space<vmem>>) semaphore(%arg19 : memref<!tpu.dma_semaphore, #tpu.memory_space<semaphore_mem>>)
    %add3A_146 = arith.constant 0 : i32
    %add3A_147 = arith.constant 4 : i32
    %add3A_148 = arith.addi %add3A_146, %add3A_147 : i32
    %rem3A = arith.remsi %add3A_148, %select_n3A : i32
    %add3A_149 = arith.addi %select_n3A_8, %rem3A : i32
    %dma_start3A_150 = arith.constant 0 : i32
    %dma_start3A_151 = arith.constant 0 : i32
    %dma_start3A_152 = tpu.memref_slice %arg6[%dma_start3A_150, %dma_start3A_151] : memref<4x128xi32, #tpu.memory_space<vmem>> -> memref<1x128xi32, #tpu.memory_space<vmem>>
    %dma_start3A_153 = arith.constant 0 : i32
    %dma_start3A_154 = tpu.memref_slice %arg3[%add3A_149, %dma_start3A_153] : memref<2610x128xi32, #tpu.memory_space<hbm>> -> memref<1x128xi32, #tpu.memory_space<hbm>>
    %dma_start3A_155 = arith.constant 0 : i32
    %dma_start3A_156 = arith.constant 0 : i32
    %dma_start3A_157 = tpu.memref_slice %arg6[%dma_start3A_155, %dma_start3A_156] : memref<4x128xi32, #tpu.memory_space<vmem>> -> memref<1x128xi32, #tpu.memory_space<vmem>>
    %dma_start3A_158 = arith.constant 0 : i32
    %dma_start3A_159 = tpu.memref_slice %arg3[%add3A_149, %dma_start3A_158] : memref<2610x128xi32, #tpu.memory_space<hbm>> -> memref<1x128xi32, #tpu.memory_space<hbm>>
    tpu.enqueue_dma source(%dma_start3A_159 : memref<1x128xi32, #tpu.memory_space<hbm>>) target(%dma_start3A_157 : memref<1x128xi32, #tpu.memory_space<vmem>>) target_semaphore(%arg13 : memref<!tpu.dma_semaphore, #tpu.memory_space<semaphore_mem>>)
    %dma_wait3A_160 = arith.constant 3 : i32
    %dma_wait3A_161 = arith.constant 0 : i32
    %dma_wait3A_162 = tpu.memref_slice %arg6[%dma_wait3A_160, %dma_wait3A_161] : memref<4x128xi32, #tpu.memory_space<vmem>> -> memref<1x128xi32, #tpu.memory_space<vmem>>
    %dma_wait3A_163 = arith.constant 0 : i32
    %dma_wait3A_164 = tpu.memref_slice %arg3[%select_n3A_8, %dma_wait3A_163] : memref<2610x128xi32, #tpu.memory_space<hbm>> -> memref<1x128xi32, #tpu.memory_space<hbm>>
    %dma_wait3A_165 = arith.constant 3 : i32
    %dma_wait3A_166 = arith.constant 0 : i32
    %dma_wait3A_167 = tpu.memref_slice %arg6[%dma_wait3A_165, %dma_wait3A_166] : memref<4x128xi32, #tpu.memory_space<vmem>> -> memref<1x128xi32, #tpu.memory_space<vmem>>
    %dma_wait3A_168 = arith.constant 0 : i32
    %dma_wait3A_169 = tpu.memref_slice %arg3[%select_n3A_8, %dma_wait3A_168] : memref<2610x128xi32, #tpu.memory_space<hbm>> -> memref<1x128xi32, #tpu.memory_space<hbm>>
    tpu.wait_dma2 semaphore(%arg16 : memref<!tpu.dma_semaphore, #tpu.memory_space<semaphore_mem>>) src(%dma_wait3A_169 : memref<1x128xi32, #tpu.memory_space<hbm>>) dst(%dma_wait3A_167 : memref<1x128xi32, #tpu.memory_space<vmem>>)
    %dma_wait3A_170 = arith.constant 1 : i32
    %dma_wait3A_171 = arith.constant 0 : i32
    %dma_wait3A_172 = tpu.memref_slice %arg6[%dma_wait3A_170, %dma_wait3A_171] : memref<4x128xi32, #tpu.memory_space<vmem>> -> memref<1x128xi32, #tpu.memory_space<vmem>>
    %dma_wait3A_173 = tpu.memref_squeeze %dma_wait3A_172 : memref<1x128xi32, #tpu.memory_space<vmem>> -> memref<128xi32, #tpu.memory_space<vmem>>
    %dma_wait3A_174 = arith.constant 0 : i32
    %dma_wait3A_175 = arith.constant 0 : i32
    %dma_wait3A_176 = tpu.memref_slice %arg2[%dma_wait3A_174, %dma_wait3A_175] : memref<10240x16xf32, #tpu.memory_space<hbm>> -> memref<10240x16xf32, #tpu.memory_space<hbm>>
    tpu.wait_indirect_dma semaphore(%arg18 : memref<!tpu.dma_semaphore, #tpu.memory_space<semaphore_mem>>) src(%dma_wait3A_176 : memref<10240x16xf32, #tpu.memory_space<hbm>>) dst(%arg9 : memref<128x16xf32, #tpu.memory_space<vmem>>)
    %dma_start3A_177 = arith.constant 1 : i32
    %dma_start3A_178 = arith.constant 0 : i32
    %dma_start3A_179 = tpu.memref_slice %arg7[%dma_start3A_177, %dma_start3A_178] : memref<104x128xi32, #tpu.memory_space<vmem>> -> memref<1x128xi32, #tpu.memory_space<vmem>>
    %dma_start3A_180 = tpu.memref_squeeze %dma_start3A_179 : memref<1x128xi32, #tpu.memory_space<vmem>> -> memref<128xi32, #tpu.memory_space<vmem>>
    %dma_start3A_181 = arith.constant 0 : i32
    %dma_start3A_182 = arith.constant 0 : i32
    %dma_start3A_183 = tpu.memref_slice %arg12[%dma_start3A_181, %dma_start3A_182] : memref<10240x16xf32, #tpu.memory_space<vmem_shared>> -> memref<10240x16xf32, #tpu.memory_space<vmem_shared>>
    tpu.enqueue_indirect_dma source(%arg9 : memref<128x16xf32, #tpu.memory_space<vmem>>) target(%dma_start3A_183 : memref<10240x16xf32, #tpu.memory_space<vmem_shared>>) offsets(%dma_start3A_180 : memref<128xi32, #tpu.memory_space<vmem>>) semaphore(%arg22 : memref<!tpu.dma_semaphore, #tpu.memory_space<semaphore_mem>>) {add = true}
    %dma_start3A_184 = arith.constant 3 : i32
    %dma_start3A_185 = arith.constant 0 : i32
    %dma_start3A_186 = tpu.memref_slice %arg6[%dma_start3A_184, %dma_start3A_185] : memref<4x128xi32, #tpu.memory_space<vmem>> -> memref<1x128xi32, #tpu.memory_space<vmem>>
    %dma_start3A_187 = tpu.memref_squeeze %dma_start3A_186 : memref<1x128xi32, #tpu.memory_space<vmem>> -> memref<128xi32, #tpu.memory_space<vmem>>
    %dma_start3A_188 = arith.constant 0 : i32
    %dma_start3A_189 = arith.constant 0 : i32
    %dma_start3A_190 = tpu.memref_slice %arg2[%dma_start3A_188, %dma_start3A_189] : memref<10240x16xf32, #tpu.memory_space<hbm>> -> memref<10240x16xf32, #tpu.memory_space<hbm>>
    tpu.enqueue_indirect_dma source(%dma_start3A_190 : memref<10240x16xf32, #tpu.memory_space<hbm>>) target(%arg11 : memref<128x16xf32, #tpu.memory_space<vmem>>) offsets(%dma_start3A_187 : memref<128xi32, #tpu.memory_space<vmem>>) semaphore(%arg20 : memref<!tpu.dma_semaphore, #tpu.memory_space<semaphore_mem>>)
    %add3A_191 = arith.constant 1 : i32
    %add3A_192 = arith.constant 4 : i32
    %add3A_193 = arith.addi %add3A_191, %add3A_192 : i32
    %rem3A_194 = arith.remsi %add3A_193, %select_n3A : i32
    %add3A_195 = arith.addi %select_n3A_8, %rem3A_194 : i32
    %dma_start3A_196 = arith.constant 1 : i32
    %dma_start3A_197 = arith.constant 0 : i32
    %dma_start3A_198 = tpu.memref_slice %arg6[%dma_start3A_196, %dma_start3A_197] : memref<4x128xi32, #tpu.memory_space<vmem>> -> memref<1x128xi32, #tpu.memory_space<vmem>>
    %dma_start3A_199 = arith.constant 0 : i32
    %dma_start3A_200 = tpu.memref_slice %arg3[%add3A_195, %dma_start3A_199] : memref<2610x128xi32, #tpu.memory_space<hbm>> -> memref<1x128xi32, #tpu.memory_space<hbm>>
    %dma_start3A_201 = arith.constant 1 : i32
    %dma_start3A_202 = arith.constant 0 : i32
    %dma_start3A_203 = tpu.memref_slice %arg6[%dma_start3A_201, %dma_start3A_202] : memref<4x128xi32, #tpu.memory_space<vmem>> -> memref<1x128xi32, #tpu.memory_space<vmem>>
    %dma_start3A_204 = arith.constant 0 : i32
    %dma_start3A_205 = tpu.memref_slice %arg3[%add3A_195, %dma_start3A_204] : memref<2610x128xi32, #tpu.memory_space<hbm>> -> memref<1x128xi32, #tpu.memory_space<hbm>>
    tpu.enqueue_dma source(%dma_start3A_205 : memref<1x128xi32, #tpu.memory_space<hbm>>) target(%dma_start3A_203 : memref<1x128xi32, #tpu.memory_space<vmem>>) target_semaphore(%arg14 : memref<!tpu.dma_semaphore, #tpu.memory_space<semaphore_mem>>)
    %dma_wait3A_206 = arith.constant 0 : i32
    %dma_wait3A_207 = arith.constant 0 : i32
    %dma_wait3A_208 = tpu.memref_slice %arg6[%dma_wait3A_206, %dma_wait3A_207] : memref<4x128xi32, #tpu.memory_space<vmem>> -> memref<1x128xi32, #tpu.memory_space<vmem>>
    %dma_wait3A_209 = arith.constant 0 : i32
    %dma_wait3A_210 = tpu.memref_slice %arg3[%select_n3A_8, %dma_wait3A_209] : memref<2610x128xi32, #tpu.memory_space<hbm>> -> memref<1x128xi32, #tpu.memory_space<hbm>>
    %dma_wait3A_211 = arith.constant 0 : i32
    %dma_wait3A_212 = arith.constant 0 : i32
    %dma_wait3A_213 = tpu.memref_slice %arg6[%dma_wait3A_211, %dma_wait3A_212] : memref<4x128xi32, #tpu.memory_space<vmem>> -> memref<1x128xi32, #tpu.memory_space<vmem>>
    %dma_wait3A_214 = arith.constant 0 : i32
    %dma_wait3A_215 = tpu.memref_slice %arg3[%select_n3A_8, %dma_wait3A_214] : memref<2610x128xi32, #tpu.memory_space<hbm>> -> memref<1x128xi32, #tpu.memory_space<hbm>>
    tpu.wait_dma2 semaphore(%arg13 : memref<!tpu.dma_semaphore, #tpu.memory_space<semaphore_mem>>) src(%dma_wait3A_215 : memref<1x128xi32, #tpu.memory_space<hbm>>) dst(%dma_wait3A_213 : memref<1x128xi32, #tpu.memory_space<vmem>>)
    %dma_wait3A_216 = arith.constant 2 : i32
    %dma_wait3A_217 = arith.constant 0 : i32
    %dma_wait3A_218 = tpu.memref_slice %arg6[%dma_wait3A_216, %dma_wait3A_217] : memref<4x128xi32, #tpu.memory_space<vmem>> -> memref<1x128xi32, #tpu.memory_space<vmem>>
    %dma_wait3A_219 = tpu.memref_squeeze %dma_wait3A_218 : memref<1x128xi32, #tpu.memory_space<vmem>> -> memref<128xi32, #tpu.memory_space<vmem>>
    %dma_wait3A_220 = arith.constant 0 : i32
    %dma_wait3A_221 = arith.constant 0 : i32
    %dma_wait3A_222 = tpu.memref_slice %arg2[%dma_wait3A_220, %dma_wait3A_221] : memref<10240x16xf32, #tpu.memory_space<hbm>> -> memref<10240x16xf32, #tpu.memory_space<hbm>>
    tpu.wait_indirect_dma semaphore(%arg19 : memref<!tpu.dma_semaphore, #tpu.memory_space<semaphore_mem>>) src(%dma_wait3A_222 : memref<10240x16xf32, #tpu.memory_space<hbm>>) dst(%arg10 : memref<128x16xf32, #tpu.memory_space<vmem>>)
    %dma_start3A_223 = arith.constant 2 : i32
    %dma_start3A_224 = arith.constant 0 : i32
    %dma_start3A_225 = tpu.memref_slice %arg7[%dma_start3A_223, %dma_start3A_224] : memref<104x128xi32, #tpu.memory_space<vmem>> -> memref<1x128xi32, #tpu.memory_space<vmem>>
    %dma_start3A_226 = tpu.memref_squeeze %dma_start3A_225 : memref<1x128xi32, #tpu.memory_space<vmem>> -> memref<128xi32, #tpu.memory_space<vmem>>
    %dma_start3A_227 = arith.constant 0 : i32
    %dma_start3A_228 = arith.constant 0 : i32
    %dma_start3A_229 = tpu.memref_slice %arg12[%dma_start3A_227, %dma_start3A_228] : memref<10240x16xf32, #tpu.memory_space<vmem_shared>> -> memref<10240x16xf32, #tpu.memory_space<vmem_shared>>
    tpu.enqueue_indirect_dma source(%arg10 : memref<128x16xf32, #tpu.memory_space<vmem>>) target(%dma_start3A_229 : memref<10240x16xf32, #tpu.memory_space<vmem_shared>>) offsets(%dma_start3A_226 : memref<128xi32, #tpu.memory_space<vmem>>) semaphore(%arg23 : memref<!tpu.dma_semaphore, #tpu.memory_space<semaphore_mem>>) {add = true}
    %dma_wait3A_230 = arith.constant 0 : i32
    %dma_wait3A_231 = arith.constant 0 : i32
    %dma_wait3A_232 = tpu.memref_slice %arg7[%dma_wait3A_230, %dma_wait3A_231] : memref<104x128xi32, #tpu.memory_space<vmem>> -> memref<1x128xi32, #tpu.memory_space<vmem>>
    %dma_wait3A_233 = tpu.memref_squeeze %dma_wait3A_232 : memref<1x128xi32, #tpu.memory_space<vmem>> -> memref<128xi32, #tpu.memory_space<vmem>>
    %dma_wait3A_234 = arith.constant 0 : i32
    %dma_wait3A_235 = arith.constant 0 : i32
    %dma_wait3A_236 = tpu.memref_slice %arg12[%dma_wait3A_234, %dma_wait3A_235] : memref<10240x16xf32, #tpu.memory_space<vmem_shared>> -> memref<10240x16xf32, #tpu.memory_space<vmem_shared>>
    tpu.wait_indirect_dma semaphore(%arg21 : memref<!tpu.dma_semaphore, #tpu.memory_space<semaphore_mem>>) src(%arg8 : memref<128x16xf32, #tpu.memory_space<vmem>>) dst(%dma_wait3A_236 : memref<10240x16xf32, #tpu.memory_space<vmem_shared>>)
    %dma_start3A_237 = arith.constant 0 : i32
    %dma_start3A_238 = arith.constant 0 : i32
    %dma_start3A_239 = tpu.memref_slice %arg6[%dma_start3A_237, %dma_start3A_238] : memref<4x128xi32, #tpu.memory_space<vmem>> -> memref<1x128xi32, #tpu.memory_space<vmem>>
    %dma_start3A_240 = tpu.memref_squeeze %dma_start3A_239 : memref<1x128xi32, #tpu.memory_space<vmem>> -> memref<128xi32, #tpu.memory_space<vmem>>
    %dma_start3A_241 = arith.constant 0 : i32
    %dma_start3A_242 = arith.constant 0 : i32
    %dma_start3A_243 = tpu.memref_slice %arg2[%dma_start3A_241, %dma_start3A_242] : memref<10240x16xf32, #tpu.memory_space<hbm>> -> memref<10240x16xf32, #tpu.memory_space<hbm>>
    tpu.enqueue_indirect_dma source(%dma_start3A_243 : memref<10240x16xf32, #tpu.memory_space<hbm>>) target(%arg8 : memref<128x16xf32, #tpu.memory_space<vmem>>) offsets(%dma_start3A_240 : memref<128xi32, #tpu.memory_space<vmem>>) semaphore(%arg17 : memref<!tpu.dma_semaphore, #tpu.memory_space<semaphore_mem>>)
    %add3A_244 = arith.constant 2 : i32
    %add3A_245 = arith.constant 4 : i32
    %add3A_246 = arith.addi %add3A_244, %add3A_245 : i32
    %rem3A_247 = arith.remsi %add3A_246, %select_n3A : i32
    %add3A_248 = arith.addi %select_n3A_8, %rem3A_247 : i32
    %dma_start3A_249 = arith.constant 2 : i32
    %dma_start3A_250 = arith.constant 0 : i32
    %dma_start3A_251 = tpu.memref_slice %arg6[%dma_start3A_249, %dma_start3A_250] : memref<4x128xi32, #tpu.memory_space<vmem>> -> memref<1x128xi32, #tpu.memory_space<vmem>>
    %dma_start3A_252 = arith.constant 0 : i32
    %dma_start3A_253 = tpu.memref_slice %arg3[%add3A_248, %dma_start3A_252] : memref<2610x128xi32, #tpu.memory_space<hbm>> -> memref<1x128xi32, #tpu.memory_space<hbm>>
    %dma_start3A_254 = arith.constant 2 : i32
    %dma_start3A_255 = arith.constant 0 : i32
    %dma_start3A_256 = tpu.memref_slice %arg6[%dma_start3A_254, %dma_start3A_255] : memref<4x128xi32, #tpu.memory_space<vmem>> -> memref<1x128xi32, #tpu.memory_space<vmem>>
    %dma_start3A_257 = arith.constant 0 : i32
    %dma_start3A_258 = tpu.memref_slice %arg3[%add3A_248, %dma_start3A_257] : memref<2610x128xi32, #tpu.memory_space<hbm>> -> memref<1x128xi32, #tpu.memory_space<hbm>>
    tpu.enqueue_dma source(%dma_start3A_258 : memref<1x128xi32, #tpu.memory_space<hbm>>) target(%dma_start3A_256 : memref<1x128xi32, #tpu.memory_space<vmem>>) target_semaphore(%arg15 : memref<!tpu.dma_semaphore, #tpu.memory_space<semaphore_mem>>)
    %dma_wait3A_259 = arith.constant 1 : i32
    %dma_wait3A_260 = arith.constant 0 : i32
    %dma_wait3A_261 = tpu.memref_slice %arg6[%dma_wait3A_259, %dma_wait3A_260] : memref<4x128xi32, #tpu.memory_space<vmem>> -> memref<1x128xi32, #tpu.memory_space<vmem>>
    %dma_wait3A_262 = arith.constant 0 : i32
    %dma_wait3A_263 = tpu.memref_slice %arg3[%select_n3A_8, %dma_wait3A_262] : memref<2610x128xi32, #tpu.memory_space<hbm>> -> memref<1x128xi32, #tpu.memory_space<hbm>>
    %dma_wait3A_264 = arith.constant 1 : i32
    %dma_wait3A_265 = arith.constant 0 : i32
    %dma_wait3A_266 = tpu.memref_slice %arg6[%dma_wait3A_264, %dma_wait3A_265] : memref<4x128xi32, #tpu.memory_space<vmem>> -> memref<1x128xi32, #tpu.memory_space<vmem>>
    %dma_wait3A_267 = arith.constant 0 : i32
    %dma_wait3A_268 = tpu.memref_slice %arg3[%select_n3A_8, %dma_wait3A_267] : memref<2610x128xi32, #tpu.memory_space<hbm>> -> memref<1x128xi32, #tpu.memory_space<hbm>>
    tpu.wait_dma2 semaphore(%arg14 : memref<!tpu.dma_semaphore, #tpu.memory_space<semaphore_mem>>) src(%dma_wait3A_268 : memref<1x128xi32, #tpu.memory_space<hbm>>) dst(%dma_wait3A_266 : memref<1x128xi32, #tpu.memory_space<vmem>>)
    %dma_wait3A_269 = arith.constant 3 : i32
    %dma_wait3A_270 = arith.constant 0 : i32
    %dma_wait3A_271 = tpu.memref_slice %arg6[%dma_wait3A_269, %dma_wait3A_270] : memref<4x128xi32, #tpu.memory_space<vmem>> -> memref<1x128xi32, #tpu.memory_space<vmem>>
    %dma_wait3A_272 = tpu.memref_squeeze %dma_wait3A_271 : memref<1x128xi32, #tpu.memory_space<vmem>> -> memref<128xi32, #tpu.memory_space<vmem>>
    %dma_wait3A_273 = arith.constant 0 : i32
    %dma_wait3A_274 = arith.constant 0 : i32
    %dma_wait3A_275 = tpu.memref_slice %arg2[%dma_wait3A_273, %dma_wait3A_274] : memref<10240x16xf32, #tpu.memory_space<hbm>> -> memref<10240x16xf32, #tpu.memory_space<hbm>>
    tpu.wait_indirect_dma semaphore(%arg20 : memref<!tpu.dma_semaphore, #tpu.memory_space<semaphore_mem>>) src(%dma_wait3A_275 : memref<10240x16xf32, #tpu.memory_space<hbm>>) dst(%arg11 : memref<128x16xf32, #tpu.memory_space<vmem>>)
    %dma_start3A_276 = arith.constant 3 : i32
    %dma_start3A_277 = arith.constant 0 : i32
    %dma_start3A_278 = tpu.memref_slice %arg7[%dma_start3A_276, %dma_start3A_277] : memref<104x128xi32, #tpu.memory_space<vmem>> -> memref<1x128xi32, #tpu.memory_space<vmem>>
    %dma_start3A_279 = tpu.memref_squeeze %dma_start3A_278 : memref<1x128xi32, #tpu.memory_space<vmem>> -> memref<128xi32, #tpu.memory_space<vmem>>
    %dma_start3A_280 = arith.constant 0 : i32
    %dma_start3A_281 = arith.constant 0 : i32
    %dma_start3A_282 = tpu.memref_slice %arg12[%dma_start3A_280, %dma_start3A_281] : memref<10240x16xf32, #tpu.memory_space<vmem_shared>> -> memref<10240x16xf32, #tpu.memory_space<vmem_shared>>
    tpu.enqueue_indirect_dma source(%arg11 : memref<128x16xf32, #tpu.memory_space<vmem>>) target(%dma_start3A_282 : memref<10240x16xf32, #tpu.memory_space<vmem_shared>>) offsets(%dma_start3A_279 : memref<128xi32, #tpu.memory_space<vmem>>) semaphore(%arg24 : memref<!tpu.dma_semaphore, #tpu.memory_space<semaphore_mem>>) {add = true}
    %dma_wait3A_283 = arith.constant 0 : i32
    %dma_wait3A_284 = arith.constant 0 : i32
    %dma_wait3A_285 = tpu.memref_slice %arg7[%dma_wait3A_283, %dma_wait3A_284] : memref<104x128xi32, #tpu.memory_space<vmem>> -> memref<1x128xi32, #tpu.memory_space<vmem>>
    %dma_wait3A_286 = tpu.memref_squeeze %dma_wait3A_285 : memref<1x128xi32, #tpu.memory_space<vmem>> -> memref<128xi32, #tpu.memory_space<vmem>>
    %dma_wait3A_287 = arith.constant 0 : i32
    %dma_wait3A_288 = arith.constant 0 : i32
    %dma_wait3A_289 = tpu.memref_slice %arg12[%dma_wait3A_287, %dma_wait3A_288] : memref<10240x16xf32, #tpu.memory_space<vmem_shared>> -> memref<10240x16xf32, #tpu.memory_space<vmem_shared>>
    tpu.wait_indirect_dma semaphore(%arg22 : memref<!tpu.dma_semaphore, #tpu.memory_space<semaphore_mem>>) src(%arg9 : memref<128x16xf32, #tpu.memory_space<vmem>>) dst(%dma_wait3A_289 : memref<10240x16xf32, #tpu.memory_space<vmem_shared>>)
    %dma_start3A_290 = arith.constant 1 : i32
    %dma_start3A_291 = arith.constant 0 : i32
    %dma_start3A_292 = tpu.memref_slice %arg6[%dma_start3A_290, %dma_start3A_291] : memref<4x128xi32, #tpu.memory_space<vmem>> -> memref<1x128xi32, #tpu.memory_space<vmem>>
    %dma_start3A_293 = tpu.memref_squeeze %dma_start3A_292 : memref<1x128xi32, #tpu.memory_space<vmem>> -> memref<128xi32, #tpu.memory_space<vmem>>
    %dma_start3A_294 = arith.constant 0 : i32
    %dma_start3A_295 = arith.constant 0 : i32
    %dma_start3A_296 = tpu.memref_slice %arg2[%dma_start3A_294, %dma_start3A_295] : memref<10240x16xf32, #tpu.memory_space<hbm>> -> memref<10240x16xf32, #tpu.memory_space<hbm>>
    tpu.enqueue_indirect_dma source(%dma_start3A_296 : memref<10240x16xf32, #tpu.memory_space<hbm>>) target(%arg9 : memref<128x16xf32, #tpu.memory_space<vmem>>) offsets(%dma_start3A_293 : memref<128xi32, #tpu.memory_space<vmem>>) semaphore(%arg18 : memref<!tpu.dma_semaphore, #tpu.memory_space<semaphore_mem>>)
    %add3A_297 = arith.constant 3 : i32
    %add3A_298 = arith.constant 4 : i32
    %add3A_299 = arith.addi %add3A_297, %add3A_298 : i32
    %rem3A_300 = arith.remsi %add3A_299, %select_n3A : i32
    %add3A_301 = arith.addi %select_n3A_8, %rem3A_300 : i32
    %dma_start3A_302 = arith.constant 3 : i32
    %dma_start3A_303 = arith.constant 0 : i32
    %dma_start3A_304 = tpu.memref_slice %arg6[%dma_start3A_302, %dma_start3A_303] : memref<4x128xi32, #tpu.memory_space<vmem>> -> memref<1x128xi32, #tpu.memory_space<vmem>>
    %dma_start3A_305 = arith.constant 0 : i32
    %dma_start3A_306 = tpu.memref_slice %arg3[%add3A_301, %dma_start3A_305] : memref<2610x128xi32, #tpu.memory_space<hbm>> -> memref<1x128xi32, #tpu.memory_space<hbm>>
    %dma_start3A_307 = arith.constant 3 : i32
    %dma_start3A_308 = arith.constant 0 : i32
    %dma_start3A_309 = tpu.memref_slice %arg6[%dma_start3A_307, %dma_start3A_308] : memref<4x128xi32, #tpu.memory_space<vmem>> -> memref<1x128xi32, #tpu.memory_space<vmem>>
    %dma_start3A_310 = arith.constant 0 : i32
    %dma_start3A_311 = tpu.memref_slice %arg3[%add3A_301, %dma_start3A_310] : memref<2610x128xi32, #tpu.memory_space<hbm>> -> memref<1x128xi32, #tpu.memory_space<hbm>>
    tpu.enqueue_dma source(%dma_start3A_311 : memref<1x128xi32, #tpu.memory_space<hbm>>) target(%dma_start3A_309 : memref<1x128xi32, #tpu.memory_space<vmem>>) target_semaphore(%arg16 : memref<!tpu.dma_semaphore, #tpu.memory_space<semaphore_mem>>)
    %jit3A_312 = arith.constant 4 : i32
    %div3A = arith.divsi %select_n3A, %jit3A_312 : i32
    %sign3A = arith.constant 0 : i32
    %sign3A_313 = arith.cmpi sgt, %select_n3A, %sign3A : i32
    %sign3A_314 = arith.extui %sign3A_313 : i1 to i32
    %sign3A_315 = arith.constant 0 : i32
    %sign3A_316 = arith.cmpi slt, %select_n3A, %sign3A_315 : i32
    %sign3A_317 = arith.extui %sign3A_316 : i1 to i32
    %sign3A_318 = arith.subi %sign3A_314, %sign3A_317 : i32
    %sign3A_319 = arith.constant 0 : i32
    %sign3A_320 = arith.cmpi sgt, %jit3A_312, %sign3A_319 : i32
    %sign3A_321 = arith.extui %sign3A_320 : i1 to i32
    %sign3A_322 = arith.constant 0 : i32
    %sign3A_323 = arith.cmpi slt, %jit3A_312, %sign3A_322 : i32
    %sign3A_324 = arith.extui %sign3A_323 : i1 to i32
    %sign3A_325 = arith.subi %sign3A_321, %sign3A_324 : i32
    %ne3A = arith.cmpi ne, %sign3A_318, %sign3A_325 : i32
    %rem3A_326 = arith.remsi %select_n3A, %jit3A_312 : i32
    %ne3A_327 = arith.constant 0 : i32
    %ne3A_328 = arith.cmpi ne, %rem3A_326, %ne3A_327 : i32
    %and3A = arith.andi %ne3A, %ne3A_328 : i1
    %sub3A = arith.constant 1 : i32
    %sub3A_329 = arith.subi %div3A, %sub3A : i32
    %select_n3A_330 = arith.select %and3A, %sub3A_329, %div3A : i32
    %while3A = arith.constant 0 : i32
    %while3A_331 = arith.constant 1 : i32
    %while3A_332 = arith.subi %select_n3A_330, %while3A_331 : i32
    %while3A_333 = arith.addi %while3A_331, %while3A_332 : i32
    %while3A_334 = arith.constant 1 : i32
    %while3A_335 = arith.divsi %while3A_332, %while3A_334 : i32
    %while3A_336 = arith.muli %while3A_335, %while3A_334 : i32
    %while3A_337 = arith.addi %while3A_331, %while3A_336 : i32
    %while3A_338 = arith.constant 1 : i32
    scf.for %while3A_391 = %while3A_331 to %while3A_337 step %while3A_338  : i32 {
      %mul3A_392 = arith.constant 4 : i32
      %mul3A_393 = arith.muli %mul3A_392, %while3A_391 : i32
      %add3A_394 = arith.constant 0 : i32
      %add3A_395 = arith.addi %mul3A_393, %add3A_394 : i32
      %dma_wait3A_396 = arith.constant 2 : i32
      %dma_wait3A_397 = arith.constant 0 : i32
      %dma_wait3A_398 = tpu.memref_slice %arg6[%dma_wait3A_396, %dma_wait3A_397] : memref<4x128xi32, #tpu.memory_space<vmem>> -> memref<1x128xi32, #tpu.memory_space<vmem>>
      %dma_wait3A_399 = arith.constant 0 : i32
      %dma_wait3A_400 = tpu.memref_slice %arg3[%select_n3A_8, %dma_wait3A_399] : memref<2610x128xi32, #tpu.memory_space<hbm>> -> memref<1x128xi32, #tpu.memory_space<hbm>>
      %dma_wait3A_401 = arith.constant 2 : i32
      %dma_wait3A_402 = arith.constant 0 : i32
      %dma_wait3A_403 = tpu.memref_slice %arg6[%dma_wait3A_401, %dma_wait3A_402] : memref<4x128xi32, #tpu.memory_space<vmem>> -> memref<1x128xi32, #tpu.memory_space<vmem>>
      %dma_wait3A_404 = arith.constant 0 : i32
      %dma_wait3A_405 = tpu.memref_slice %arg3[%select_n3A_8, %dma_wait3A_404] : memref<2610x128xi32, #tpu.memory_space<hbm>> -> memref<1x128xi32, #tpu.memory_space<hbm>>
      tpu.wait_dma2 semaphore(%arg15 : memref<!tpu.dma_semaphore, #tpu.memory_space<semaphore_mem>>) src(%dma_wait3A_405 : memref<1x128xi32, #tpu.memory_space<hbm>>) dst(%dma_wait3A_403 : memref<1x128xi32, #tpu.memory_space<vmem>>)
      %dma_wait3A_406 = arith.constant 0 : i32
      %dma_wait3A_407 = arith.constant 0 : i32
      %dma_wait3A_408 = tpu.memref_slice %arg6[%dma_wait3A_406, %dma_wait3A_407] : memref<4x128xi32, #tpu.memory_space<vmem>> -> memref<1x128xi32, #tpu.memory_space<vmem>>
      %dma_wait3A_409 = tpu.memref_squeeze %dma_wait3A_408 : memref<1x128xi32, #tpu.memory_space<vmem>> -> memref<128xi32, #tpu.memory_space<vmem>>
      %dma_wait3A_410 = arith.constant 0 : i32
      %dma_wait3A_411 = arith.constant 0 : i32
      %dma_wait3A_412 = tpu.memref_slice %arg2[%dma_wait3A_410, %dma_wait3A_411] : memref<10240x16xf32, #tpu.memory_space<hbm>> -> memref<10240x16xf32, #tpu.memory_space<hbm>>
      tpu.wait_indirect_dma semaphore(%arg17 : memref<!tpu.dma_semaphore, #tpu.memory_space<semaphore_mem>>) src(%dma_wait3A_412 : memref<10240x16xf32, #tpu.memory_space<hbm>>) dst(%arg8 : memref<128x16xf32, #tpu.memory_space<vmem>>)
      %dma_start3A_413 = arith.constant 0 : i32
      %dma_start3A_414 = tpu.memref_slice %arg7[%add3A_395, %dma_start3A_413] : memref<104x128xi32, #tpu.memory_space<vmem>> -> memref<1x128xi32, #tpu.memory_space<vmem>>
      %dma_start3A_415 = tpu.memref_squeeze %dma_start3A_414 : memref<1x128xi32, #tpu.memory_space<vmem>> -> memref<128xi32, #tpu.memory_space<vmem>>
      %dma_start3A_416 = arith.constant 0 : i32
      %dma_start3A_417 = arith.constant 0 : i32
      %dma_start3A_418 = tpu.memref_slice %arg12[%dma_start3A_416, %dma_start3A_417] : memref<10240x16xf32, #tpu.memory_space<vmem_shared>> -> memref<10240x16xf32, #tpu.memory_space<vmem_shared>>
      tpu.enqueue_indirect_dma source(%arg8 : memref<128x16xf32, #tpu.memory_space<vmem>>) target(%dma_start3A_418 : memref<10240x16xf32, #tpu.memory_space<vmem_shared>>) offsets(%dma_start3A_415 : memref<128xi32, #tpu.memory_space<vmem>>) semaphore(%arg21 : memref<!tpu.dma_semaphore, #tpu.memory_space<semaphore_mem>>) {add = true}
      %dma_wait3A_419 = arith.constant 0 : i32
      %dma_wait3A_420 = arith.constant 0 : i32
      %dma_wait3A_421 = tpu.memref_slice %arg7[%dma_wait3A_419, %dma_wait3A_420] : memref<104x128xi32, #tpu.memory_space<vmem>> -> memref<1x128xi32, #tpu.memory_space<vmem>>
      %dma_wait3A_422 = tpu.memref_squeeze %dma_wait3A_421 : memref<1x128xi32, #tpu.memory_space<vmem>> -> memref<128xi32, #tpu.memory_space<vmem>>
      %dma_wait3A_423 = arith.constant 0 : i32
      %dma_wait3A_424 = arith.constant 0 : i32
      %dma_wait3A_425 = tpu.memref_slice %arg12[%dma_wait3A_423, %dma_wait3A_424] : memref<10240x16xf32, #tpu.memory_space<vmem_shared>> -> memref<10240x16xf32, #tpu.memory_space<vmem_shared>>
      tpu.wait_indirect_dma semaphore(%arg23 : memref<!tpu.dma_semaphore, #tpu.memory_space<semaphore_mem>>) src(%arg10 : memref<128x16xf32, #tpu.memory_space<vmem>>) dst(%dma_wait3A_425 : memref<10240x16xf32, #tpu.memory_space<vmem_shared>>)
      %dma_start3A_426 = arith.constant 2 : i32
      %dma_start3A_427 = arith.constant 0 : i32
      %dma_start3A_428 = tpu.memref_slice %arg6[%dma_start3A_426, %dma_start3A_427] : memref<4x128xi32, #tpu.memory_space<vmem>> -> memref<1x128xi32, #tpu.memory_space<vmem>>
      %dma_start3A_429 = tpu.memref_squeeze %dma_start3A_428 : memref<1x128xi32, #tpu.memory_space<vmem>> -> memref<128xi32, #tpu.memory_space<vmem>>
      %dma_start3A_430 = arith.constant 0 : i32
      %dma_start3A_431 = arith.constant 0 : i32
      %dma_start3A_432 = tpu.memref_slice %arg2[%dma_start3A_430, %dma_start3A_431] : memref<10240x16xf32, #tpu.memory_space<hbm>> -> memref<10240x16xf32, #tpu.memory_space<hbm>>
      tpu.enqueue_indirect_dma source(%dma_start3A_432 : memref<10240x16xf32, #tpu.memory_space<hbm>>) target(%arg10 : memref<128x16xf32, #tpu.memory_space<vmem>>) offsets(%dma_start3A_429 : memref<128xi32, #tpu.memory_space<vmem>>) semaphore(%arg19 : memref<!tpu.dma_semaphore, #tpu.memory_space<semaphore_mem>>)
      %add3A_433 = arith.constant 4 : i32
      %add3A_434 = arith.addi %add3A_395, %add3A_433 : i32
      %rem3A_435 = arith.remsi %add3A_434, %select_n3A : i32
      %add3A_436 = arith.addi %select_n3A_8, %rem3A_435 : i32
      %dma_start3A_437 = arith.constant 0 : i32
      %dma_start3A_438 = arith.constant 0 : i32
      %dma_start3A_439 = tpu.memref_slice %arg6[%dma_start3A_437, %dma_start3A_438] : memref<4x128xi32, #tpu.memory_space<vmem>> -> memref<1x128xi32, #tpu.memory_space<vmem>>
      %dma_start3A_440 = arith.constant 0 : i32
      %dma_start3A_441 = tpu.memref_slice %arg3[%add3A_436, %dma_start3A_440] : memref<2610x128xi32, #tpu.memory_space<hbm>> -> memref<1x128xi32, #tpu.memory_space<hbm>>
      %dma_start3A_442 = arith.constant 0 : i32
      %dma_start3A_443 = arith.constant 0 : i32
      %dma_start3A_444 = tpu.memref_slice %arg6[%dma_start3A_442, %dma_start3A_443] : memref<4x128xi32, #tpu.memory_space<vmem>> -> memref<1x128xi32, #tpu.memory_space<vmem>>
      %dma_start3A_445 = arith.constant 0 : i32
      %dma_start3A_446 = tpu.memref_slice %arg3[%add3A_436, %dma_start3A_445] : memref<2610x128xi32, #tpu.memory_space<hbm>> -> memref<1x128xi32, #tpu.memory_space<hbm>>
      tpu.enqueue_dma source(%dma_start3A_446 : memref<1x128xi32, #tpu.memory_space<hbm>>) target(%dma_start3A_444 : memref<1x128xi32, #tpu.memory_space<vmem>>) target_semaphore(%arg13 : memref<!tpu.dma_semaphore, #tpu.memory_space<semaphore_mem>>)
      %mul3A_447 = arith.constant 4 : i32
      %mul3A_448 = arith.muli %mul3A_447, %while3A_391 : i32
      %add3A_449 = arith.constant 1 : i32
      %add3A_450 = arith.addi %mul3A_448, %add3A_449 : i32
      %dma_wait3A_451 = arith.constant 3 : i32
      %dma_wait3A_452 = arith.constant 0 : i32
      %dma_wait3A_453 = tpu.memref_slice %arg6[%dma_wait3A_451, %dma_wait3A_452] : memref<4x128xi32, #tpu.memory_space<vmem>> -> memref<1x128xi32, #tpu.memory_space<vmem>>
      %dma_wait3A_454 = arith.constant 0 : i32
      %dma_wait3A_455 = tpu.memref_slice %arg3[%select_n3A_8, %dma_wait3A_454] : memref<2610x128xi32, #tpu.memory_space<hbm>> -> memref<1x128xi32, #tpu.memory_space<hbm>>
      %dma_wait3A_456 = arith.constant 3 : i32
      %dma_wait3A_457 = arith.constant 0 : i32
      %dma_wait3A_458 = tpu.memref_slice %arg6[%dma_wait3A_456, %dma_wait3A_457] : memref<4x128xi32, #tpu.memory_space<vmem>> -> memref<1x128xi32, #tpu.memory_space<vmem>>
      %dma_wait3A_459 = arith.constant 0 : i32
      %dma_wait3A_460 = tpu.memref_slice %arg3[%select_n3A_8, %dma_wait3A_459] : memref<2610x128xi32, #tpu.memory_space<hbm>> -> memref<1x128xi32, #tpu.memory_space<hbm>>
      tpu.wait_dma2 semaphore(%arg16 : memref<!tpu.dma_semaphore, #tpu.memory_space<semaphore_mem>>) src(%dma_wait3A_460 : memref<1x128xi32, #tpu.memory_space<hbm>>) dst(%dma_wait3A_458 : memref<1x128xi32, #tpu.memory_space<vmem>>)
      %dma_wait3A_461 = arith.constant 1 : i32
      %dma_wait3A_462 = arith.constant 0 : i32
      %dma_wait3A_463 = tpu.memref_slice %arg6[%dma_wait3A_461, %dma_wait3A_462] : memref<4x128xi32, #tpu.memory_space<vmem>> -> memref<1x128xi32, #tpu.memory_space<vmem>>
      %dma_wait3A_464 = tpu.memref_squeeze %dma_wait3A_463 : memref<1x128xi32, #tpu.memory_space<vmem>> -> memref<128xi32, #tpu.memory_space<vmem>>
      %dma_wait3A_465 = arith.constant 0 : i32
      %dma_wait3A_466 = arith.constant 0 : i32
      %dma_wait3A_467 = tpu.memref_slice %arg2[%dma_wait3A_465, %dma_wait3A_466] : memref<10240x16xf32, #tpu.memory_space<hbm>> -> memref<10240x16xf32, #tpu.memory_space<hbm>>
      tpu.wait_indirect_dma semaphore(%arg18 : memref<!tpu.dma_semaphore, #tpu.memory_space<semaphore_mem>>) src(%dma_wait3A_467 : memref<10240x16xf32, #tpu.memory_space<hbm>>) dst(%arg9 : memref<128x16xf32, #tpu.memory_space<vmem>>)
      %dma_start3A_468 = arith.constant 0 : i32
      %dma_start3A_469 = tpu.memref_slice %arg7[%add3A_450, %dma_start3A_468] : memref<104x128xi32, #tpu.memory_space<vmem>> -> memref<1x128xi32, #tpu.memory_space<vmem>>
      %dma_start3A_470 = tpu.memref_squeeze %dma_start3A_469 : memref<1x128xi32, #tpu.memory_space<vmem>> -> memref<128xi32, #tpu.memory_space<vmem>>
      %dma_start3A_471 = arith.constant 0 : i32
      %dma_start3A_472 = arith.constant 0 : i32
      %dma_start3A_473 = tpu.memref_slice %arg12[%dma_start3A_471, %dma_start3A_472] : memref<10240x16xf32, #tpu.memory_space<vmem_shared>> -> memref<10240x16xf32, #tpu.memory_space<vmem_shared>>
      tpu.enqueue_indirect_dma source(%arg9 : memref<128x16xf32, #tpu.memory_space<vmem>>) target(%dma_start3A_473 : memref<10240x16xf32, #tpu.memory_space<vmem_shared>>) offsets(%dma_start3A_470 : memref<128xi32, #tpu.memory_space<vmem>>) semaphore(%arg22 : memref<!tpu.dma_semaphore, #tpu.memory_space<semaphore_mem>>) {add = true}
      %dma_wait3A_474 = arith.constant 0 : i32
      %dma_wait3A_475 = arith.constant 0 : i32
      %dma_wait3A_476 = tpu.memref_slice %arg7[%dma_wait3A_474, %dma_wait3A_475] : memref<104x128xi32, #tpu.memory_space<vmem>> -> memref<1x128xi32, #tpu.memory_space<vmem>>
      %dma_wait3A_477 = tpu.memref_squeeze %dma_wait3A_476 : memref<1x128xi32, #tpu.memory_space<vmem>> -> memref<128xi32, #tpu.memory_space<vmem>>
      %dma_wait3A_478 = arith.constant 0 : i32
      %dma_wait3A_479 = arith.constant 0 : i32
      %dma_wait3A_480 = tpu.memref_slice %arg12[%dma_wait3A_478, %dma_wait3A_479] : memref<10240x16xf32, #tpu.memory_space<vmem_shared>> -> memref<10240x16xf32, #tpu.memory_space<vmem_shared>>
      tpu.wait_indirect_dma semaphore(%arg24 : memref<!tpu.dma_semaphore, #tpu.memory_space<semaphore_mem>>) src(%arg11 : memref<128x16xf32, #tpu.memory_space<vmem>>) dst(%dma_wait3A_480 : memref<10240x16xf32, #tpu.memory_space<vmem_shared>>)
      %dma_start3A_481 = arith.constant 3 : i32
      %dma_start3A_482 = arith.constant 0 : i32
      %dma_start3A_483 = tpu.memref_slice %arg6[%dma_start3A_481, %dma_start3A_482] : memref<4x128xi32, #tpu.memory_space<vmem>> -> memref<1x128xi32, #tpu.memory_space<vmem>>
      %dma_start3A_484 = tpu.memref_squeeze %dma_start3A_483 : memref<1x128xi32, #tpu.memory_space<vmem>> -> memref<128xi32, #tpu.memory_space<vmem>>
      %dma_start3A_485 = arith.constant 0 : i32
      %dma_start3A_486 = arith.constant 0 : i32
      %dma_start3A_487 = tpu.memref_slice %arg2[%dma_start3A_485, %dma_start3A_486] : memref<10240x16xf32, #tpu.memory_space<hbm>> -> memref<10240x16xf32, #tpu.memory_space<hbm>>
      tpu.enqueue_indirect_dma source(%dma_start3A_487 : memref<10240x16xf32, #tpu.memory_space<hbm>>) target(%arg11 : memref<128x16xf32, #tpu.memory_space<vmem>>) offsets(%dma_start3A_484 : memref<128xi32, #tpu.memory_space<vmem>>) semaphore(%arg20 : memref<!tpu.dma_semaphore, #tpu.memory_space<semaphore_mem>>)
      %add3A_488 = arith.constant 4 : i32
      %add3A_489 = arith.addi %add3A_450, %add3A_488 : i32
      %rem3A_490 = arith.remsi %add3A_489, %select_n3A : i32
      %add3A_491 = arith.addi %select_n3A_8, %rem3A_490 : i32
      %dma_start3A_492 = arith.constant 1 : i32
      %dma_start3A_493 = arith.constant 0 : i32
      %dma_start3A_494 = tpu.memref_slice %arg6[%dma_start3A_492, %dma_start3A_493] : memref<4x128xi32, #tpu.memory_space<vmem>> -> memref<1x128xi32, #tpu.memory_space<vmem>>
      %dma_start3A_495 = arith.constant 0 : i32
      %dma_start3A_496 = tpu.memref_slice %arg3[%add3A_491, %dma_start3A_495] : memref<2610x128xi32, #tpu.memory_space<hbm>> -> memref<1x128xi32, #tpu.memory_space<hbm>>
      %dma_start3A_497 = arith.constant 1 : i32
      %dma_start3A_498 = arith.constant 0 : i32
      %dma_start3A_499 = tpu.memref_slice %arg6[%dma_start3A_497, %dma_start3A_498] : memref<4x128xi32, #tpu.memory_space<vmem>> -> memref<1x128xi32, #tpu.memory_space<vmem>>
      %dma_start3A_500 = arith.constant 0 : i32
      %dma_start3A_501 = tpu.memref_slice %arg3[%add3A_491, %dma_start3A_500] : memref<2610x128xi32, #tpu.memory_space<hbm>> -> memref<1x128xi32, #tpu.memory_space<hbm>>
      tpu.enqueue_dma source(%dma_start3A_501 : memref<1x128xi32, #tpu.memory_space<hbm>>) target(%dma_start3A_499 : memref<1x128xi32, #tpu.memory_space<vmem>>) target_semaphore(%arg14 : memref<!tpu.dma_semaphore, #tpu.memory_space<semaphore_mem>>)
      %mul3A_502 = arith.constant 4 : i32
      %mul3A_503 = arith.muli %mul3A_502, %while3A_391 : i32
      %add3A_504 = arith.constant 2 : i32
      %add3A_505 = arith.addi %mul3A_503, %add3A_504 : i32
      %dma_wait3A_506 = arith.constant 0 : i32
      %dma_wait3A_507 = arith.constant 0 : i32
      %dma_wait3A_508 = tpu.memref_slice %arg6[%dma_wait3A_506, %dma_wait3A_507] : memref<4x128xi32, #tpu.memory_space<vmem>> -> memref<1x128xi32, #tpu.memory_space<vmem>>
      %dma_wait3A_509 = arith.constant 0 : i32
      %dma_wait3A_510 = tpu.memref_slice %arg3[%select_n3A_8, %dma_wait3A_509] : memref<2610x128xi32, #tpu.memory_space<hbm>> -> memref<1x128xi32, #tpu.memory_space<hbm>>
      %dma_wait3A_511 = arith.constant 0 : i32
      %dma_wait3A_512 = arith.constant 0 : i32
      %dma_wait3A_513 = tpu.memref_slice %arg6[%dma_wait3A_511, %dma_wait3A_512] : memref<4x128xi32, #tpu.memory_space<vmem>> -> memref<1x128xi32, #tpu.memory_space<vmem>>
      %dma_wait3A_514 = arith.constant 0 : i32
      %dma_wait3A_515 = tpu.memref_slice %arg3[%select_n3A_8, %dma_wait3A_514] : memref<2610x128xi32, #tpu.memory_space<hbm>> -> memref<1x128xi32, #tpu.memory_space<hbm>>
      tpu.wait_dma2 semaphore(%arg13 : memref<!tpu.dma_semaphore, #tpu.memory_space<semaphore_mem>>) src(%dma_wait3A_515 : memref<1x128xi32, #tpu.memory_space<hbm>>) dst(%dma_wait3A_513 : memref<1x128xi32, #tpu.memory_space<vmem>>)
      %dma_wait3A_516 = arith.constant 2 : i32
      %dma_wait3A_517 = arith.constant 0 : i32
      %dma_wait3A_518 = tpu.memref_slice %arg6[%dma_wait3A_516, %dma_wait3A_517] : memref<4x128xi32, #tpu.memory_space<vmem>> -> memref<1x128xi32, #tpu.memory_space<vmem>>
      %dma_wait3A_519 = tpu.memref_squeeze %dma_wait3A_518 : memref<1x128xi32, #tpu.memory_space<vmem>> -> memref<128xi32, #tpu.memory_space<vmem>>
      %dma_wait3A_520 = arith.constant 0 : i32
      %dma_wait3A_521 = arith.constant 0 : i32
      %dma_wait3A_522 = tpu.memref_slice %arg2[%dma_wait3A_520, %dma_wait3A_521] : memref<10240x16xf32, #tpu.memory_space<hbm>> -> memref<10240x16xf32, #tpu.memory_space<hbm>>
      tpu.wait_indirect_dma semaphore(%arg19 : memref<!tpu.dma_semaphore, #tpu.memory_space<semaphore_mem>>) src(%dma_wait3A_522 : memref<10240x16xf32, #tpu.memory_space<hbm>>) dst(%arg10 : memref<128x16xf32, #tpu.memory_space<vmem>>)
      %dma_start3A_523 = arith.constant 0 : i32
      %dma_start3A_524 = tpu.memref_slice %arg7[%add3A_505, %dma_start3A_523] : memref<104x128xi32, #tpu.memory_space<vmem>> -> memref<1x128xi32, #tpu.memory_space<vmem>>
      %dma_start3A_525 = tpu.memref_squeeze %dma_start3A_524 : memref<1x128xi32, #tpu.memory_space<vmem>> -> memref<128xi32, #tpu.memory_space<vmem>>
      %dma_start3A_526 = arith.constant 0 : i32
      %dma_start3A_527 = arith.constant 0 : i32
      %dma_start3A_528 = tpu.memref_slice %arg12[%dma_start3A_526, %dma_start3A_527] : memref<10240x16xf32, #tpu.memory_space<vmem_shared>> -> memref<10240x16xf32, #tpu.memory_space<vmem_shared>>
      tpu.enqueue_indirect_dma source(%arg10 : memref<128x16xf32, #tpu.memory_space<vmem>>) target(%dma_start3A_528 : memref<10240x16xf32, #tpu.memory_space<vmem_shared>>) offsets(%dma_start3A_525 : memref<128xi32, #tpu.memory_space<vmem>>) semaphore(%arg23 : memref<!tpu.dma_semaphore, #tpu.memory_space<semaphore_mem>>) {add = true}
      %dma_wait3A_529 = arith.constant 0 : i32
      %dma_wait3A_530 = arith.constant 0 : i32
      %dma_wait3A_531 = tpu.memref_slice %arg7[%dma_wait3A_529, %dma_wait3A_530] : memref<104x128xi32, #tpu.memory_space<vmem>> -> memref<1x128xi32, #tpu.memory_space<vmem>>
      %dma_wait3A_532 = tpu.memref_squeeze %dma_wait3A_531 : memref<1x128xi32, #tpu.memory_space<vmem>> -> memref<128xi32, #tpu.memory_space<vmem>>
      %dma_wait3A_533 = arith.constant 0 : i32
      %dma_wait3A_534 = arith.constant 0 : i32
      %dma_wait3A_535 = tpu.memref_slice %arg12[%dma_wait3A_533, %dma_wait3A_534] : memref<10240x16xf32, #tpu.memory_space<vmem_shared>> -> memref<10240x16xf32, #tpu.memory_space<vmem_shared>>
      tpu.wait_indirect_dma semaphore(%arg21 : memref<!tpu.dma_semaphore, #tpu.memory_space<semaphore_mem>>) src(%arg8 : memref<128x16xf32, #tpu.memory_space<vmem>>) dst(%dma_wait3A_535 : memref<10240x16xf32, #tpu.memory_space<vmem_shared>>)
      %dma_start3A_536 = arith.constant 0 : i32
      %dma_start3A_537 = arith.constant 0 : i32
      %dma_start3A_538 = tpu.memref_slice %arg6[%dma_start3A_536, %dma_start3A_537] : memref<4x128xi32, #tpu.memory_space<vmem>> -> memref<1x128xi32, #tpu.memory_space<vmem>>
      %dma_start3A_539 = tpu.memref_squeeze %dma_start3A_538 : memref<1x128xi32, #tpu.memory_space<vmem>> -> memref<128xi32, #tpu.memory_space<vmem>>
      %dma_start3A_540 = arith.constant 0 : i32
      %dma_start3A_541 = arith.constant 0 : i32
      %dma_start3A_542 = tpu.memref_slice %arg2[%dma_start3A_540, %dma_start3A_541] : memref<10240x16xf32, #tpu.memory_space<hbm>> -> memref<10240x16xf32, #tpu.memory_space<hbm>>
      tpu.enqueue_indirect_dma source(%dma_start3A_542 : memref<10240x16xf32, #tpu.memory_space<hbm>>) target(%arg8 : memref<128x16xf32, #tpu.memory_space<vmem>>) offsets(%dma_start3A_539 : memref<128xi32, #tpu.memory_space<vmem>>) semaphore(%arg17 : memref<!tpu.dma_semaphore, #tpu.memory_space<semaphore_mem>>)
      %add3A_543 = arith.constant 4 : i32
      %add3A_544 = arith.addi %add3A_505, %add3A_543 : i32
      %rem3A_545 = arith.remsi %add3A_544, %select_n3A : i32
      %add3A_546 = arith.addi %select_n3A_8, %rem3A_545 : i32
      %dma_start3A_547 = arith.constant 2 : i32
      %dma_start3A_548 = arith.constant 0 : i32
      %dma_start3A_549 = tpu.memref_slice %arg6[%dma_start3A_547, %dma_start3A_548] : memref<4x128xi32, #tpu.memory_space<vmem>> -> memref<1x128xi32, #tpu.memory_space<vmem>>
      %dma_start3A_550 = arith.constant 0 : i32
      %dma_start3A_551 = tpu.memref_slice %arg3[%add3A_546, %dma_start3A_550] : memref<2610x128xi32, #tpu.memory_space<hbm>> -> memref<1x128xi32, #tpu.memory_space<hbm>>
      %dma_start3A_552 = arith.constant 2 : i32
      %dma_start3A_553 = arith.constant 0 : i32
      %dma_start3A_554 = tpu.memref_slice %arg6[%dma_start3A_552, %dma_start3A_553] : memref<4x128xi32, #tpu.memory_space<vmem>> -> memref<1x128xi32, #tpu.memory_space<vmem>>
      %dma_start3A_555 = arith.constant 0 : i32
      %dma_start3A_556 = tpu.memref_slice %arg3[%add3A_546, %dma_start3A_555] : memref<2610x128xi32, #tpu.memory_space<hbm>> -> memref<1x128xi32, #tpu.memory_space<hbm>>
      tpu.enqueue_dma source(%dma_start3A_556 : memref<1x128xi32, #tpu.memory_space<hbm>>) target(%dma_start3A_554 : memref<1x128xi32, #tpu.memory_space<vmem>>) target_semaphore(%arg15 : memref<!tpu.dma_semaphore, #tpu.memory_space<semaphore_mem>>)
      %mul3A_557 = arith.constant 4 : i32
      %mul3A_558 = arith.muli %mul3A_557, %while3A_391 : i32
      %add3A_559 = arith.constant 3 : i32
      %add3A_560 = arith.addi %mul3A_558, %add3A_559 : i32
      %dma_wait3A_561 = arith.constant 1 : i32
      %dma_wait3A_562 = arith.constant 0 : i32
      %dma_wait3A_563 = tpu.memref_slice %arg6[%dma_wait3A_561, %dma_wait3A_562] : memref<4x128xi32, #tpu.memory_space<vmem>> -> memref<1x128xi32, #tpu.memory_space<vmem>>
      %dma_wait3A_564 = arith.constant 0 : i32
      %dma_wait3A_565 = tpu.memref_slice %arg3[%select_n3A_8, %dma_wait3A_564] : memref<2610x128xi32, #tpu.memory_space<hbm>> -> memref<1x128xi32, #tpu.memory_space<hbm>>
      %dma_wait3A_566 = arith.constant 1 : i32
      %dma_wait3A_567 = arith.constant 0 : i32
      %dma_wait3A_568 = tpu.memref_slice %arg6[%dma_wait3A_566, %dma_wait3A_567] : memref<4x128xi32, #tpu.memory_space<vmem>> -> memref<1x128xi32, #tpu.memory_space<vmem>>
      %dma_wait3A_569 = arith.constant 0 : i32
      %dma_wait3A_570 = tpu.memref_slice %arg3[%select_n3A_8, %dma_wait3A_569] : memref<2610x128xi32, #tpu.memory_space<hbm>> -> memref<1x128xi32, #tpu.memory_space<hbm>>
      tpu.wait_dma2 semaphore(%arg14 : memref<!tpu.dma_semaphore, #tpu.memory_space<semaphore_mem>>) src(%dma_wait3A_570 : memref<1x128xi32, #tpu.memory_space<hbm>>) dst(%dma_wait3A_568 : memref<1x128xi32, #tpu.memory_space<vmem>>)
      %dma_wait3A_571 = arith.constant 3 : i32
      %dma_wait3A_572 = arith.constant 0 : i32
      %dma_wait3A_573 = tpu.memref_slice %arg6[%dma_wait3A_571, %dma_wait3A_572] : memref<4x128xi32, #tpu.memory_space<vmem>> -> memref<1x128xi32, #tpu.memory_space<vmem>>
      %dma_wait3A_574 = tpu.memref_squeeze %dma_wait3A_573 : memref<1x128xi32, #tpu.memory_space<vmem>> -> memref<128xi32, #tpu.memory_space<vmem>>
      %dma_wait3A_575 = arith.constant 0 : i32
      %dma_wait3A_576 = arith.constant 0 : i32
      %dma_wait3A_577 = tpu.memref_slice %arg2[%dma_wait3A_575, %dma_wait3A_576] : memref<10240x16xf32, #tpu.memory_space<hbm>> -> memref<10240x16xf32, #tpu.memory_space<hbm>>
      tpu.wait_indirect_dma semaphore(%arg20 : memref<!tpu.dma_semaphore, #tpu.memory_space<semaphore_mem>>) src(%dma_wait3A_577 : memref<10240x16xf32, #tpu.memory_space<hbm>>) dst(%arg11 : memref<128x16xf32, #tpu.memory_space<vmem>>)
      %dma_start3A_578 = arith.constant 0 : i32
      %dma_start3A_579 = tpu.memref_slice %arg7[%add3A_560, %dma_start3A_578] : memref<104x128xi32, #tpu.memory_space<vmem>> -> memref<1x128xi32, #tpu.memory_space<vmem>>
      %dma_start3A_580 = tpu.memref_squeeze %dma_start3A_579 : memref<1x128xi32, #tpu.memory_space<vmem>> -> memref<128xi32, #tpu.memory_space<vmem>>
      %dma_start3A_581 = arith.constant 0 : i32
      %dma_start3A_582 = arith.constant 0 : i32
      %dma_start3A_583 = tpu.memref_slice %arg12[%dma_start3A_581, %dma_start3A_582] : memref<10240x16xf32, #tpu.memory_space<vmem_shared>> -> memref<10240x16xf32, #tpu.memory_space<vmem_shared>>
      tpu.enqueue_indirect_dma source(%arg11 : memref<128x16xf32, #tpu.memory_space<vmem>>) target(%dma_start3A_583 : memref<10240x16xf32, #tpu.memory_space<vmem_shared>>) offsets(%dma_start3A_580 : memref<128xi32, #tpu.memory_space<vmem>>) semaphore(%arg24 : memref<!tpu.dma_semaphore, #tpu.memory_space<semaphore_mem>>) {add = true}
      %dma_wait3A_584 = arith.constant 0 : i32
      %dma_wait3A_585 = arith.constant 0 : i32
      %dma_wait3A_586 = tpu.memref_slice %arg7[%dma_wait3A_584, %dma_wait3A_585] : memref<104x128xi32, #tpu.memory_space<vmem>> -> memref<1x128xi32, #tpu.memory_space<vmem>>
      %dma_wait3A_587 = tpu.memref_squeeze %dma_wait3A_586 : memref<1x128xi32, #tpu.memory_space<vmem>> -> memref<128xi32, #tpu.memory_space<vmem>>
      %dma_wait3A_588 = arith.constant 0 : i32
      %dma_wait3A_589 = arith.constant 0 : i32
      %dma_wait3A_590 = tpu.memref_slice %arg12[%dma_wait3A_588, %dma_wait3A_589] : memref<10240x16xf32, #tpu.memory_space<vmem_shared>> -> memref<10240x16xf32, #tpu.memory_space<vmem_shared>>
      tpu.wait_indirect_dma semaphore(%arg22 : memref<!tpu.dma_semaphore, #tpu.memory_space<semaphore_mem>>) src(%arg9 : memref<128x16xf32, #tpu.memory_space<vmem>>) dst(%dma_wait3A_590 : memref<10240x16xf32, #tpu.memory_space<vmem_shared>>)
      %dma_start3A_591 = arith.constant 1 : i32
      %dma_start3A_592 = arith.constant 0 : i32
      %dma_start3A_593 = tpu.memref_slice %arg6[%dma_start3A_591, %dma_start3A_592] : memref<4x128xi32, #tpu.memory_space<vmem>> -> memref<1x128xi32, #tpu.memory_space<vmem>>
      %dma_start3A_594 = tpu.memref_squeeze %dma_start3A_593 : memref<1x128xi32, #tpu.memory_space<vmem>> -> memref<128xi32, #tpu.memory_space<vmem>>
      %dma_start3A_595 = arith.constant 0 : i32
      %dma_start3A_596 = arith.constant 0 : i32
      %dma_start3A_597 = tpu.memref_slice %arg2[%dma_start3A_595, %dma_start3A_596] : memref<10240x16xf32, #tpu.memory_space<hbm>> -> memref<10240x16xf32, #tpu.memory_space<hbm>>
      tpu.enqueue_indirect_dma source(%dma_start3A_597 : memref<10240x16xf32, #tpu.memory_space<hbm>>) target(%arg9 : memref<128x16xf32, #tpu.memory_space<vmem>>) offsets(%dma_start3A_594 : memref<128xi32, #tpu.memory_space<vmem>>) semaphore(%arg18 : memref<!tpu.dma_semaphore, #tpu.memory_space<semaphore_mem>>)
      %add3A_598 = arith.constant 4 : i32
      %add3A_599 = arith.addi %add3A_560, %add3A_598 : i32
      %rem3A_600 = arith.remsi %add3A_599, %select_n3A : i32
      %add3A_601 = arith.addi %select_n3A_8, %rem3A_600 : i32
      %dma_start3A_602 = arith.constant 3 : i32
      %dma_start3A_603 = arith.constant 0 : i32
      %dma_start3A_604 = tpu.memref_slice %arg6[%dma_start3A_602, %dma_start3A_603] : memref<4x128xi32, #tpu.memory_space<vmem>> -> memref<1x128xi32, #tpu.memory_space<vmem>>
      %dma_start3A_605 = arith.constant 0 : i32
      %dma_start3A_606 = tpu.memref_slice %arg3[%add3A_601, %dma_start3A_605] : memref<2610x128xi32, #tpu.memory_space<hbm>> -> memref<1x128xi32, #tpu.memory_space<hbm>>
      %dma_start3A_607 = arith.constant 3 : i32
      %dma_start3A_608 = arith.constant 0 : i32
      %dma_start3A_609 = tpu.memref_slice %arg6[%dma_start3A_607, %dma_start3A_608] : memref<4x128xi32, #tpu.memory_space<vmem>> -> memref<1x128xi32, #tpu.memory_space<vmem>>
      %dma_start3A_610 = arith.constant 0 : i32
      %dma_start3A_611 = tpu.memref_slice %arg3[%add3A_601, %dma_start3A_610] : memref<2610x128xi32, #tpu.memory_space<hbm>> -> memref<1x128xi32, #tpu.memory_space<hbm>>
      tpu.enqueue_dma source(%dma_start3A_611 : memref<1x128xi32, #tpu.memory_space<hbm>>) target(%dma_start3A_609 : memref<1x128xi32, #tpu.memory_space<vmem>>) target_semaphore(%arg16 : memref<!tpu.dma_semaphore, #tpu.memory_space<semaphore_mem>>)
    }
    %while3A_339 = arith.constant 1 : i32
    scf.for %while3A_391 = %while3A_337 to %while3A_333 step %while3A_339  : i32 {
      %mul3A_392 = arith.constant 4 : i32
      %mul3A_393 = arith.muli %mul3A_392, %while3A_391 : i32
      %add3A_394 = arith.constant 0 : i32
      %add3A_395 = arith.addi %mul3A_393, %add3A_394 : i32
      %dma_wait3A_396 = arith.constant 2 : i32
      %dma_wait3A_397 = arith.constant 0 : i32
      %dma_wait3A_398 = tpu.memref_slice %arg6[%dma_wait3A_396, %dma_wait3A_397] : memref<4x128xi32, #tpu.memory_space<vmem>> -> memref<1x128xi32, #tpu.memory_space<vmem>>
      %dma_wait3A_399 = arith.constant 0 : i32
      %dma_wait3A_400 = tpu.memref_slice %arg3[%select_n3A_8, %dma_wait3A_399] : memref<2610x128xi32, #tpu.memory_space<hbm>> -> memref<1x128xi32, #tpu.memory_space<hbm>>
      %dma_wait3A_401 = arith.constant 2 : i32
      %dma_wait3A_402 = arith.constant 0 : i32
      %dma_wait3A_403 = tpu.memref_slice %arg6[%dma_wait3A_401, %dma_wait3A_402] : memref<4x128xi32, #tpu.memory_space<vmem>> -> memref<1x128xi32, #tpu.memory_space<vmem>>
      %dma_wait3A_404 = arith.constant 0 : i32
      %dma_wait3A_405 = tpu.memref_slice %arg3[%select_n3A_8, %dma_wait3A_404] : memref<2610x128xi32, #tpu.memory_space<hbm>> -> memref<1x128xi32, #tpu.memory_space<hbm>>
      tpu.wait_dma2 semaphore(%arg15 : memref<!tpu.dma_semaphore, #tpu.memory_space<semaphore_mem>>) src(%dma_wait3A_405 : memref<1x128xi32, #tpu.memory_space<hbm>>) dst(%dma_wait3A_403 : memref<1x128xi32, #tpu.memory_space<vmem>>)
      %dma_wait3A_406 = arith.constant 0 : i32
      %dma_wait3A_407 = arith.constant 0 : i32
      %dma_wait3A_408 = tpu.memref_slice %arg6[%dma_wait3A_406, %dma_wait3A_407] : memref<4x128xi32, #tpu.memory_space<vmem>> -> memref<1x128xi32, #tpu.memory_space<vmem>>
      %dma_wait3A_409 = tpu.memref_squeeze %dma_wait3A_408 : memref<1x128xi32, #tpu.memory_space<vmem>> -> memref<128xi32, #tpu.memory_space<vmem>>
      %dma_wait3A_410 = arith.constant 0 : i32
      %dma_wait3A_411 = arith.constant 0 : i32
      %dma_wait3A_412 = tpu.memref_slice %arg2[%dma_wait3A_410, %dma_wait3A_411] : memref<10240x16xf32, #tpu.memory_space<hbm>> -> memref<10240x16xf32, #tpu.memory_space<hbm>>
      tpu.wait_indirect_dma semaphore(%arg17 : memref<!tpu.dma_semaphore, #tpu.memory_space<semaphore_mem>>) src(%dma_wait3A_412 : memref<10240x16xf32, #tpu.memory_space<hbm>>) dst(%arg8 : memref<128x16xf32, #tpu.memory_space<vmem>>)
      %dma_start3A_413 = arith.constant 0 : i32
      %dma_start3A_414 = tpu.memref_slice %arg7[%add3A_395, %dma_start3A_413] : memref<104x128xi32, #tpu.memory_space<vmem>> -> memref<1x128xi32, #tpu.memory_space<vmem>>
      %dma_start3A_415 = tpu.memref_squeeze %dma_start3A_414 : memref<1x128xi32, #tpu.memory_space<vmem>> -> memref<128xi32, #tpu.memory_space<vmem>>
      %dma_start3A_416 = arith.constant 0 : i32
      %dma_start3A_417 = arith.constant 0 : i32
      %dma_start3A_418 = tpu.memref_slice %arg12[%dma_start3A_416, %dma_start3A_417] : memref<10240x16xf32, #tpu.memory_space<vmem_shared>> -> memref<10240x16xf32, #tpu.memory_space<vmem_shared>>
      tpu.enqueue_indirect_dma source(%arg8 : memref<128x16xf32, #tpu.memory_space<vmem>>) target(%dma_start3A_418 : memref<10240x16xf32, #tpu.memory_space<vmem_shared>>) offsets(%dma_start3A_415 : memref<128xi32, #tpu.memory_space<vmem>>) semaphore(%arg21 : memref<!tpu.dma_semaphore, #tpu.memory_space<semaphore_mem>>) {add = true}
      %dma_wait3A_419 = arith.constant 0 : i32
      %dma_wait3A_420 = arith.constant 0 : i32
      %dma_wait3A_421 = tpu.memref_slice %arg7[%dma_wait3A_419, %dma_wait3A_420] : memref<104x128xi32, #tpu.memory_space<vmem>> -> memref<1x128xi32, #tpu.memory_space<vmem>>
      %dma_wait3A_422 = tpu.memref_squeeze %dma_wait3A_421 : memref<1x128xi32, #tpu.memory_space<vmem>> -> memref<128xi32, #tpu.memory_space<vmem>>
      %dma_wait3A_423 = arith.constant 0 : i32
      %dma_wait3A_424 = arith.constant 0 : i32
      %dma_wait3A_425 = tpu.memref_slice %arg12[%dma_wait3A_423, %dma_wait3A_424] : memref<10240x16xf32, #tpu.memory_space<vmem_shared>> -> memref<10240x16xf32, #tpu.memory_space<vmem_shared>>
      tpu.wait_indirect_dma semaphore(%arg23 : memref<!tpu.dma_semaphore, #tpu.memory_space<semaphore_mem>>) src(%arg10 : memref<128x16xf32, #tpu.memory_space<vmem>>) dst(%dma_wait3A_425 : memref<10240x16xf32, #tpu.memory_space<vmem_shared>>)
      %dma_start3A_426 = arith.constant 2 : i32
      %dma_start3A_427 = arith.constant 0 : i32
      %dma_start3A_428 = tpu.memref_slice %arg6[%dma_start3A_426, %dma_start3A_427] : memref<4x128xi32, #tpu.memory_space<vmem>> -> memref<1x128xi32, #tpu.memory_space<vmem>>
      %dma_start3A_429 = tpu.memref_squeeze %dma_start3A_428 : memref<1x128xi32, #tpu.memory_space<vmem>> -> memref<128xi32, #tpu.memory_space<vmem>>
      %dma_start3A_430 = arith.constant 0 : i32
      %dma_start3A_431 = arith.constant 0 : i32
      %dma_start3A_432 = tpu.memref_slice %arg2[%dma_start3A_430, %dma_start3A_431] : memref<10240x16xf32, #tpu.memory_space<hbm>> -> memref<10240x16xf32, #tpu.memory_space<hbm>>
      tpu.enqueue_indirect_dma source(%dma_start3A_432 : memref<10240x16xf32, #tpu.memory_space<hbm>>) target(%arg10 : memref<128x16xf32, #tpu.memory_space<vmem>>) offsets(%dma_start3A_429 : memref<128xi32, #tpu.memory_space<vmem>>) semaphore(%arg19 : memref<!tpu.dma_semaphore, #tpu.memory_space<semaphore_mem>>)
      %add3A_433 = arith.constant 4 : i32
      %add3A_434 = arith.addi %add3A_395, %add3A_433 : i32
      %rem3A_435 = arith.remsi %add3A_434, %select_n3A : i32
      %add3A_436 = arith.addi %select_n3A_8, %rem3A_435 : i32
      %dma_start3A_437 = arith.constant 0 : i32
      %dma_start3A_438 = arith.constant 0 : i32
      %dma_start3A_439 = tpu.memref_slice %arg6[%dma_start3A_437, %dma_start3A_438] : memref<4x128xi32, #tpu.memory_space<vmem>> -> memref<1x128xi32, #tpu.memory_space<vmem>>
      %dma_start3A_440 = arith.constant 0 : i32
      %dma_start3A_441 = tpu.memref_slice %arg3[%add3A_436, %dma_start3A_440] : memref<2610x128xi32, #tpu.memory_space<hbm>> -> memref<1x128xi32, #tpu.memory_space<hbm>>
      %dma_start3A_442 = arith.constant 0 : i32
      %dma_start3A_443 = arith.constant 0 : i32
      %dma_start3A_444 = tpu.memref_slice %arg6[%dma_start3A_442, %dma_start3A_443] : memref<4x128xi32, #tpu.memory_space<vmem>> -> memref<1x128xi32, #tpu.memory_space<vmem>>
      %dma_start3A_445 = arith.constant 0 : i32
      %dma_start3A_446 = tpu.memref_slice %arg3[%add3A_436, %dma_start3A_445] : memref<2610x128xi32, #tpu.memory_space<hbm>> -> memref<1x128xi32, #tpu.memory_space<hbm>>
      tpu.enqueue_dma source(%dma_start3A_446 : memref<1x128xi32, #tpu.memory_space<hbm>>) target(%dma_start3A_444 : memref<1x128xi32, #tpu.memory_space<vmem>>) target_semaphore(%arg13 : memref<!tpu.dma_semaphore, #tpu.memory_space<semaphore_mem>>)
      %mul3A_447 = arith.constant 4 : i32
      %mul3A_448 = arith.muli %mul3A_447, %while3A_391 : i32
      %add3A_449 = arith.constant 1 : i32
      %add3A_450 = arith.addi %mul3A_448, %add3A_449 : i32
      %dma_wait3A_451 = arith.constant 3 : i32
      %dma_wait3A_452 = arith.constant 0 : i32
      %dma_wait3A_453 = tpu.memref_slice %arg6[%dma_wait3A_451, %dma_wait3A_452] : memref<4x128xi32, #tpu.memory_space<vmem>> -> memref<1x128xi32, #tpu.memory_space<vmem>>
      %dma_wait3A_454 = arith.constant 0 : i32
      %dma_wait3A_455 = tpu.memref_slice %arg3[%select_n3A_8, %dma_wait3A_454] : memref<2610x128xi32, #tpu.memory_space<hbm>> -> memref<1x128xi32, #tpu.memory_space<hbm>>
      %dma_wait3A_456 = arith.constant 3 : i32
      %dma_wait3A_457 = arith.constant 0 : i32
      %dma_wait3A_458 = tpu.memref_slice %arg6[%dma_wait3A_456, %dma_wait3A_457] : memref<4x128xi32, #tpu.memory_space<vmem>> -> memref<1x128xi32, #tpu.memory_space<vmem>>
      %dma_wait3A_459 = arith.constant 0 : i32
      %dma_wait3A_460 = tpu.memref_slice %arg3[%select_n3A_8, %dma_wait3A_459] : memref<2610x128xi32, #tpu.memory_space<hbm>> -> memref<1x128xi32, #tpu.memory_space<hbm>>
      tpu.wait_dma2 semaphore(%arg16 : memref<!tpu.dma_semaphore, #tpu.memory_space<semaphore_mem>>) src(%dma_wait3A_460 : memref<1x128xi32, #tpu.memory_space<hbm>>) dst(%dma_wait3A_458 : memref<1x128xi32, #tpu.memory_space<vmem>>)
      %dma_wait3A_461 = arith.constant 1 : i32
      %dma_wait3A_462 = arith.constant 0 : i32
      %dma_wait3A_463 = tpu.memref_slice %arg6[%dma_wait3A_461, %dma_wait3A_462] : memref<4x128xi32, #tpu.memory_space<vmem>> -> memref<1x128xi32, #tpu.memory_space<vmem>>
      %dma_wait3A_464 = tpu.memref_squeeze %dma_wait3A_463 : memref<1x128xi32, #tpu.memory_space<vmem>> -> memref<128xi32, #tpu.memory_space<vmem>>
      %dma_wait3A_465 = arith.constant 0 : i32
      %dma_wait3A_466 = arith.constant 0 : i32
      %dma_wait3A_467 = tpu.memref_slice %arg2[%dma_wait3A_465, %dma_wait3A_466] : memref<10240x16xf32, #tpu.memory_space<hbm>> -> memref<10240x16xf32, #tpu.memory_space<hbm>>
      tpu.wait_indirect_dma semaphore(%arg18 : memref<!tpu.dma_semaphore, #tpu.memory_space<semaphore_mem>>) src(%dma_wait3A_467 : memref<10240x16xf32, #tpu.memory_space<hbm>>) dst(%arg9 : memref<128x16xf32, #tpu.memory_space<vmem>>)
      %dma_start3A_468 = arith.constant 0 : i32
      %dma_start3A_469 = tpu.memref_slice %arg7[%add3A_450, %dma_start3A_468] : memref<104x128xi32, #tpu.memory_space<vmem>> -> memref<1x128xi32, #tpu.memory_space<vmem>>
      %dma_start3A_470 = tpu.memref_squeeze %dma_start3A_469 : memref<1x128xi32, #tpu.memory_space<vmem>> -> memref<128xi32, #tpu.memory_space<vmem>>
      %dma_start3A_471 = arith.constant 0 : i32
      %dma_start3A_472 = arith.constant 0 : i32
      %dma_start3A_473 = tpu.memref_slice %arg12[%dma_start3A_471, %dma_start3A_472] : memref<10240x16xf32, #tpu.memory_space<vmem_shared>> -> memref<10240x16xf32, #tpu.memory_space<vmem_shared>>
      tpu.enqueue_indirect_dma source(%arg9 : memref<128x16xf32, #tpu.memory_space<vmem>>) target(%dma_start3A_473 : memref<10240x16xf32, #tpu.memory_space<vmem_shared>>) offsets(%dma_start3A_470 : memref<128xi32, #tpu.memory_space<vmem>>) semaphore(%arg22 : memref<!tpu.dma_semaphore, #tpu.memory_space<semaphore_mem>>) {add = true}
      %dma_wait3A_474 = arith.constant 0 : i32
      %dma_wait3A_475 = arith.constant 0 : i32
      %dma_wait3A_476 = tpu.memref_slice %arg7[%dma_wait3A_474, %dma_wait3A_475] : memref<104x128xi32, #tpu.memory_space<vmem>> -> memref<1x128xi32, #tpu.memory_space<vmem>>
      %dma_wait3A_477 = tpu.memref_squeeze %dma_wait3A_476 : memref<1x128xi32, #tpu.memory_space<vmem>> -> memref<128xi32, #tpu.memory_space<vmem>>
      %dma_wait3A_478 = arith.constant 0 : i32
      %dma_wait3A_479 = arith.constant 0 : i32
      %dma_wait3A_480 = tpu.memref_slice %arg12[%dma_wait3A_478, %dma_wait3A_479] : memref<10240x16xf32, #tpu.memory_space<vmem_shared>> -> memref<10240x16xf32, #tpu.memory_space<vmem_shared>>
      tpu.wait_indirect_dma semaphore(%arg24 : memref<!tpu.dma_semaphore, #tpu.memory_space<semaphore_mem>>) src(%arg11 : memref<128x16xf32, #tpu.memory_space<vmem>>) dst(%dma_wait3A_480 : memref<10240x16xf32, #tpu.memory_space<vmem_shared>>)
      %dma_start3A_481 = arith.constant 3 : i32
      %dma_start3A_482 = arith.constant 0 : i32
      %dma_start3A_483 = tpu.memref_slice %arg6[%dma_start3A_481, %dma_start3A_482] : memref<4x128xi32, #tpu.memory_space<vmem>> -> memref<1x128xi32, #tpu.memory_space<vmem>>
      %dma_start3A_484 = tpu.memref_squeeze %dma_start3A_483 : memref<1x128xi32, #tpu.memory_space<vmem>> -> memref<128xi32, #tpu.memory_space<vmem>>
      %dma_start3A_485 = arith.constant 0 : i32
      %dma_start3A_486 = arith.constant 0 : i32
      %dma_start3A_487 = tpu.memref_slice %arg2[%dma_start3A_485, %dma_start3A_486] : memref<10240x16xf32, #tpu.memory_space<hbm>> -> memref<10240x16xf32, #tpu.memory_space<hbm>>
      tpu.enqueue_indirect_dma source(%dma_start3A_487 : memref<10240x16xf32, #tpu.memory_space<hbm>>) target(%arg11 : memref<128x16xf32, #tpu.memory_space<vmem>>) offsets(%dma_start3A_484 : memref<128xi32, #tpu.memory_space<vmem>>) semaphore(%arg20 : memref<!tpu.dma_semaphore, #tpu.memory_space<semaphore_mem>>)
      %add3A_488 = arith.constant 4 : i32
      %add3A_489 = arith.addi %add3A_450, %add3A_488 : i32
      %rem3A_490 = arith.remsi %add3A_489, %select_n3A : i32
      %add3A_491 = arith.addi %select_n3A_8, %rem3A_490 : i32
      %dma_start3A_492 = arith.constant 1 : i32
      %dma_start3A_493 = arith.constant 0 : i32
      %dma_start3A_494 = tpu.memref_slice %arg6[%dma_start3A_492, %dma_start3A_493] : memref<4x128xi32, #tpu.memory_space<vmem>> -> memref<1x128xi32, #tpu.memory_space<vmem>>
      %dma_start3A_495 = arith.constant 0 : i32
      %dma_start3A_496 = tpu.memref_slice %arg3[%add3A_491, %dma_start3A_495] : memref<2610x128xi32, #tpu.memory_space<hbm>> -> memref<1x128xi32, #tpu.memory_space<hbm>>
      %dma_start3A_497 = arith.constant 1 : i32
      %dma_start3A_498 = arith.constant 0 : i32
      %dma_start3A_499 = tpu.memref_slice %arg6[%dma_start3A_497, %dma_start3A_498] : memref<4x128xi32, #tpu.memory_space<vmem>> -> memref<1x128xi32, #tpu.memory_space<vmem>>
      %dma_start3A_500 = arith.constant 0 : i32
      %dma_start3A_501 = tpu.memref_slice %arg3[%add3A_491, %dma_start3A_500] : memref<2610x128xi32, #tpu.memory_space<hbm>> -> memref<1x128xi32, #tpu.memory_space<hbm>>
      tpu.enqueue_dma source(%dma_start3A_501 : memref<1x128xi32, #tpu.memory_space<hbm>>) target(%dma_start3A_499 : memref<1x128xi32, #tpu.memory_space<vmem>>) target_semaphore(%arg14 : memref<!tpu.dma_semaphore, #tpu.memory_space<semaphore_mem>>)
      %mul3A_502 = arith.constant 4 : i32
      %mul3A_503 = arith.muli %mul3A_502, %while3A_391 : i32
      %add3A_504 = arith.constant 2 : i32
      %add3A_505 = arith.addi %mul3A_503, %add3A_504 : i32
      %dma_wait3A_506 = arith.constant 0 : i32
      %dma_wait3A_507 = arith.constant 0 : i32
      %dma_wait3A_508 = tpu.memref_slice %arg6[%dma_wait3A_506, %dma_wait3A_507] : memref<4x128xi32, #tpu.memory_space<vmem>> -> memref<1x128xi32, #tpu.memory_space<vmem>>
      %dma_wait3A_509 = arith.constant 0 : i32
      %dma_wait3A_510 = tpu.memref_slice %arg3[%select_n3A_8, %dma_wait3A_509] : memref<2610x128xi32, #tpu.memory_space<hbm>> -> memref<1x128xi32, #tpu.memory_space<hbm>>
      %dma_wait3A_511 = arith.constant 0 : i32
      %dma_wait3A_512 = arith.constant 0 : i32
      %dma_wait3A_513 = tpu.memref_slice %arg6[%dma_wait3A_511, %dma_wait3A_512] : memref<4x128xi32, #tpu.memory_space<vmem>> -> memref<1x128xi32, #tpu.memory_space<vmem>>
      %dma_wait3A_514 = arith.constant 0 : i32
      %dma_wait3A_515 = tpu.memref_slice %arg3[%select_n3A_8, %dma_wait3A_514] : memref<2610x128xi32, #tpu.memory_space<hbm>> -> memref<1x128xi32, #tpu.memory_space<hbm>>
      tpu.wait_dma2 semaphore(%arg13 : memref<!tpu.dma_semaphore, #tpu.memory_space<semaphore_mem>>) src(%dma_wait3A_515 : memref<1x128xi32, #tpu.memory_space<hbm>>) dst(%dma_wait3A_513 : memref<1x128xi32, #tpu.memory_space<vmem>>)
      %dma_wait3A_516 = arith.constant 2 : i32
      %dma_wait3A_517 = arith.constant 0 : i32
      %dma_wait3A_518 = tpu.memref_slice %arg6[%dma_wait3A_516, %dma_wait3A_517] : memref<4x128xi32, #tpu.memory_space<vmem>> -> memref<1x128xi32, #tpu.memory_space<vmem>>
      %dma_wait3A_519 = tpu.memref_squeeze %dma_wait3A_518 : memref<1x128xi32, #tpu.memory_space<vmem>> -> memref<128xi32, #tpu.memory_space<vmem>>
      %dma_wait3A_520 = arith.constant 0 : i32
      %dma_wait3A_521 = arith.constant 0 : i32
      %dma_wait3A_522 = tpu.memref_slice %arg2[%dma_wait3A_520, %dma_wait3A_521] : memref<10240x16xf32, #tpu.memory_space<hbm>> -> memref<10240x16xf32, #tpu.memory_space<hbm>>
      tpu.wait_indirect_dma semaphore(%arg19 : memref<!tpu.dma_semaphore, #tpu.memory_space<semaphore_mem>>) src(%dma_wait3A_522 : memref<10240x16xf32, #tpu.memory_space<hbm>>) dst(%arg10 : memref<128x16xf32, #tpu.memory_space<vmem>>)
      %dma_start3A_523 = arith.constant 0 : i32
      %dma_start3A_524 = tpu.memref_slice %arg7[%add3A_505, %dma_start3A_523] : memref<104x128xi32, #tpu.memory_space<vmem>> -> memref<1x128xi32, #tpu.memory_space<vmem>>
      %dma_start3A_525 = tpu.memref_squeeze %dma_start3A_524 : memref<1x128xi32, #tpu.memory_space<vmem>> -> memref<128xi32, #tpu.memory_space<vmem>>
      %dma_start3A_526 = arith.constant 0 : i32
      %dma_start3A_527 = arith.constant 0 : i32
      %dma_start3A_528 = tpu.memref_slice %arg12[%dma_start3A_526, %dma_start3A_527] : memref<10240x16xf32, #tpu.memory_space<vmem_shared>> -> memref<10240x16xf32, #tpu.memory_space<vmem_shared>>
      tpu.enqueue_indirect_dma source(%arg10 : memref<128x16xf32, #tpu.memory_space<vmem>>) target(%dma_start3A_528 : memref<10240x16xf32, #tpu.memory_space<vmem_shared>>) offsets(%dma_start3A_525 : memref<128xi32, #tpu.memory_space<vmem>>) semaphore(%arg23 : memref<!tpu.dma_semaphore, #tpu.memory_space<semaphore_mem>>) {add = true}
      %dma_wait3A_529 = arith.constant 0 : i32
      %dma_wait3A_530 = arith.constant 0 : i32
      %dma_wait3A_531 = tpu.memref_slice %arg7[%dma_wait3A_529, %dma_wait3A_530] : memref<104x128xi32, #tpu.memory_space<vmem>> -> memref<1x128xi32, #tpu.memory_space<vmem>>
      %dma_wait3A_532 = tpu.memref_squeeze %dma_wait3A_531 : memref<1x128xi32, #tpu.memory_space<vmem>> -> memref<128xi32, #tpu.memory_space<vmem>>
      %dma_wait3A_533 = arith.constant 0 : i32
      %dma_wait3A_534 = arith.constant 0 : i32
      %dma_wait3A_535 = tpu.memref_slice %arg12[%dma_wait3A_533, %dma_wait3A_534] : memref<10240x16xf32, #tpu.memory_space<vmem_shared>> -> memref<10240x16xf32, #tpu.memory_space<vmem_shared>>
      tpu.wait_indirect_dma semaphore(%arg21 : memref<!tpu.dma_semaphore, #tpu.memory_space<semaphore_mem>>) src(%arg8 : memref<128x16xf32, #tpu.memory_space<vmem>>) dst(%dma_wait3A_535 : memref<10240x16xf32, #tpu.memory_space<vmem_shared>>)
      %dma_start3A_536 = arith.constant 0 : i32
      %dma_start3A_537 = arith.constant 0 : i32
      %dma_start3A_538 = tpu.memref_slice %arg6[%dma_start3A_536, %dma_start3A_537] : memref<4x128xi32, #tpu.memory_space<vmem>> -> memref<1x128xi32, #tpu.memory_space<vmem>>
      %dma_start3A_539 = tpu.memref_squeeze %dma_start3A_538 : memref<1x128xi32, #tpu.memory_space<vmem>> -> memref<128xi32, #tpu.memory_space<vmem>>
      %dma_start3A_540 = arith.constant 0 : i32
      %dma_start3A_541 = arith.constant 0 : i32
      %dma_start3A_542 = tpu.memref_slice %arg2[%dma_start3A_540, %dma_start3A_541] : memref<10240x16xf32, #tpu.memory_space<hbm>> -> memref<10240x16xf32, #tpu.memory_space<hbm>>
      tpu.enqueue_indirect_dma source(%dma_start3A_542 : memref<10240x16xf32, #tpu.memory_space<hbm>>) target(%arg8 : memref<128x16xf32, #tpu.memory_space<vmem>>) offsets(%dma_start3A_539 : memref<128xi32, #tpu.memory_space<vmem>>) semaphore(%arg17 : memref<!tpu.dma_semaphore, #tpu.memory_space<semaphore_mem>>)
      %add3A_543 = arith.constant 4 : i32
      %add3A_544 = arith.addi %add3A_505, %add3A_543 : i32
      %rem3A_545 = arith.remsi %add3A_544, %select_n3A : i32
      %add3A_546 = arith.addi %select_n3A_8, %rem3A_545 : i32
      %dma_start3A_547 = arith.constant 2 : i32
      %dma_start3A_548 = arith.constant 0 : i32
      %dma_start3A_549 = tpu.memref_slice %arg6[%dma_start3A_547, %dma_start3A_548] : memref<4x128xi32, #tpu.memory_space<vmem>> -> memref<1x128xi32, #tpu.memory_space<vmem>>
      %dma_start3A_550 = arith.constant 0 : i32
      %dma_start3A_551 = tpu.memref_slice %arg3[%add3A_546, %dma_start3A_550] : memref<2610x128xi32, #tpu.memory_space<hbm>> -> memref<1x128xi32, #tpu.memory_space<hbm>>
      %dma_start3A_552 = arith.constant 2 : i32
      %dma_start3A_553 = arith.constant 0 : i32
      %dma_start3A_554 = tpu.memref_slice %arg6[%dma_start3A_552, %dma_start3A_553] : memref<4x128xi32, #tpu.memory_space<vmem>> -> memref<1x128xi32, #tpu.memory_space<vmem>>
      %dma_start3A_555 = arith.constant 0 : i32
      %dma_start3A_556 = tpu.memref_slice %arg3[%add3A_546, %dma_start3A_555] : memref<2610x128xi32, #tpu.memory_space<hbm>> -> memref<1x128xi32, #tpu.memory_space<hbm>>
      tpu.enqueue_dma source(%dma_start3A_556 : memref<1x128xi32, #tpu.memory_space<hbm>>) target(%dma_start3A_554 : memref<1x128xi32, #tpu.memory_space<vmem>>) target_semaphore(%arg15 : memref<!tpu.dma_semaphore, #tpu.memory_space<semaphore_mem>>)
      %mul3A_557 = arith.constant 4 : i32
      %mul3A_558 = arith.muli %mul3A_557, %while3A_391 : i32
      %add3A_559 = arith.constant 3 : i32
      %add3A_560 = arith.addi %mul3A_558, %add3A_559 : i32
      %dma_wait3A_561 = arith.constant 1 : i32
      %dma_wait3A_562 = arith.constant 0 : i32
      %dma_wait3A_563 = tpu.memref_slice %arg6[%dma_wait3A_561, %dma_wait3A_562] : memref<4x128xi32, #tpu.memory_space<vmem>> -> memref<1x128xi32, #tpu.memory_space<vmem>>
      %dma_wait3A_564 = arith.constant 0 : i32
      %dma_wait3A_565 = tpu.memref_slice %arg3[%select_n3A_8, %dma_wait3A_564] : memref<2610x128xi32, #tpu.memory_space<hbm>> -> memref<1x128xi32, #tpu.memory_space<hbm>>
      %dma_wait3A_566 = arith.constant 1 : i32
      %dma_wait3A_567 = arith.constant 0 : i32
      %dma_wait3A_568 = tpu.memref_slice %arg6[%dma_wait3A_566, %dma_wait3A_567] : memref<4x128xi32, #tpu.memory_space<vmem>> -> memref<1x128xi32, #tpu.memory_space<vmem>>
      %dma_wait3A_569 = arith.constant 0 : i32
      %dma_wait3A_570 = tpu.memref_slice %arg3[%select_n3A_8, %dma_wait3A_569] : memref<2610x128xi32, #tpu.memory_space<hbm>> -> memref<1x128xi32, #tpu.memory_space<hbm>>
      tpu.wait_dma2 semaphore(%arg14 : memref<!tpu.dma_semaphore, #tpu.memory_space<semaphore_mem>>) src(%dma_wait3A_570 : memref<1x128xi32, #tpu.memory_space<hbm>>) dst(%dma_wait3A_568 : memref<1x128xi32, #tpu.memory_space<vmem>>)
      %dma_wait3A_571 = arith.constant 3 : i32
      %dma_wait3A_572 = arith.constant 0 : i32
      %dma_wait3A_573 = tpu.memref_slice %arg6[%dma_wait3A_571, %dma_wait3A_572] : memref<4x128xi32, #tpu.memory_space<vmem>> -> memref<1x128xi32, #tpu.memory_space<vmem>>
      %dma_wait3A_574 = tpu.memref_squeeze %dma_wait3A_573 : memref<1x128xi32, #tpu.memory_space<vmem>> -> memref<128xi32, #tpu.memory_space<vmem>>
      %dma_wait3A_575 = arith.constant 0 : i32
      %dma_wait3A_576 = arith.constant 0 : i32
      %dma_wait3A_577 = tpu.memref_slice %arg2[%dma_wait3A_575, %dma_wait3A_576] : memref<10240x16xf32, #tpu.memory_space<hbm>> -> memref<10240x16xf32, #tpu.memory_space<hbm>>
      tpu.wait_indirect_dma semaphore(%arg20 : memref<!tpu.dma_semaphore, #tpu.memory_space<semaphore_mem>>) src(%dma_wait3A_577 : memref<10240x16xf32, #tpu.memory_space<hbm>>) dst(%arg11 : memref<128x16xf32, #tpu.memory_space<vmem>>)
      %dma_start3A_578 = arith.constant 0 : i32
      %dma_start3A_579 = tpu.memref_slice %arg7[%add3A_560, %dma_start3A_578] : memref<104x128xi32, #tpu.memory_space<vmem>> -> memref<1x128xi32, #tpu.memory_space<vmem>>
      %dma_start3A_580 = tpu.memref_squeeze %dma_start3A_579 : memref<1x128xi32, #tpu.memory_space<vmem>> -> memref<128xi32, #tpu.memory_space<vmem>>
      %dma_start3A_581 = arith.constant 0 : i32
      %dma_start3A_582 = arith.constant 0 : i32
      %dma_start3A_583 = tpu.memref_slice %arg12[%dma_start3A_581, %dma_start3A_582] : memref<10240x16xf32, #tpu.memory_space<vmem_shared>> -> memref<10240x16xf32, #tpu.memory_space<vmem_shared>>
      tpu.enqueue_indirect_dma source(%arg11 : memref<128x16xf32, #tpu.memory_space<vmem>>) target(%dma_start3A_583 : memref<10240x16xf32, #tpu.memory_space<vmem_shared>>) offsets(%dma_start3A_580 : memref<128xi32, #tpu.memory_space<vmem>>) semaphore(%arg24 : memref<!tpu.dma_semaphore, #tpu.memory_space<semaphore_mem>>) {add = true}
      %dma_wait3A_584 = arith.constant 0 : i32
      %dma_wait3A_585 = arith.constant 0 : i32
      %dma_wait3A_586 = tpu.memref_slice %arg7[%dma_wait3A_584, %dma_wait3A_585] : memref<104x128xi32, #tpu.memory_space<vmem>> -> memref<1x128xi32, #tpu.memory_space<vmem>>
      %dma_wait3A_587 = tpu.memref_squeeze %dma_wait3A_586 : memref<1x128xi32, #tpu.memory_space<vmem>> -> memref<128xi32, #tpu.memory_space<vmem>>
      %dma_wait3A_588 = arith.constant 0 : i32
      %dma_wait3A_589 = arith.constant 0 : i32
      %dma_wait3A_590 = tpu.memref_slice %arg12[%dma_wait3A_588, %dma_wait3A_589] : memref<10240x16xf32, #tpu.memory_space<vmem_shared>> -> memref<10240x16xf32, #tpu.memory_space<vmem_shared>>
      tpu.wait_indirect_dma semaphore(%arg22 : memref<!tpu.dma_semaphore, #tpu.memory_space<semaphore_mem>>) src(%arg9 : memref<128x16xf32, #tpu.memory_space<vmem>>) dst(%dma_wait3A_590 : memref<10240x16xf32, #tpu.memory_space<vmem_shared>>)
      %dma_start3A_591 = arith.constant 1 : i32
      %dma_start3A_592 = arith.constant 0 : i32
      %dma_start3A_593 = tpu.memref_slice %arg6[%dma_start3A_591, %dma_start3A_592] : memref<4x128xi32, #tpu.memory_space<vmem>> -> memref<1x128xi32, #tpu.memory_space<vmem>>
      %dma_start3A_594 = tpu.memref_squeeze %dma_start3A_593 : memref<1x128xi32, #tpu.memory_space<vmem>> -> memref<128xi32, #tpu.memory_space<vmem>>
      %dma_start3A_595 = arith.constant 0 : i32
      %dma_start3A_596 = arith.constant 0 : i32
      %dma_start3A_597 = tpu.memref_slice %arg2[%dma_start3A_595, %dma_start3A_596] : memref<10240x16xf32, #tpu.memory_space<hbm>> -> memref<10240x16xf32, #tpu.memory_space<hbm>>
      tpu.enqueue_indirect_dma source(%dma_start3A_597 : memref<10240x16xf32, #tpu.memory_space<hbm>>) target(%arg9 : memref<128x16xf32, #tpu.memory_space<vmem>>) offsets(%dma_start3A_594 : memref<128xi32, #tpu.memory_space<vmem>>) semaphore(%arg18 : memref<!tpu.dma_semaphore, #tpu.memory_space<semaphore_mem>>)
      %add3A_598 = arith.constant 4 : i32
      %add3A_599 = arith.addi %add3A_560, %add3A_598 : i32
      %rem3A_600 = arith.remsi %add3A_599, %select_n3A : i32
      %add3A_601 = arith.addi %select_n3A_8, %rem3A_600 : i32
      %dma_start3A_602 = arith.constant 3 : i32
      %dma_start3A_603 = arith.constant 0 : i32
      %dma_start3A_604 = tpu.memref_slice %arg6[%dma_start3A_602, %dma_start3A_603] : memref<4x128xi32, #tpu.memory_space<vmem>> -> memref<1x128xi32, #tpu.memory_space<vmem>>
      %dma_start3A_605 = arith.constant 0 : i32
      %dma_start3A_606 = tpu.memref_slice %arg3[%add3A_601, %dma_start3A_605] : memref<2610x128xi32, #tpu.memory_space<hbm>> -> memref<1x128xi32, #tpu.memory_space<hbm>>
      %dma_start3A_607 = arith.constant 3 : i32
      %dma_start3A_608 = arith.constant 0 : i32
      %dma_start3A_609 = tpu.memref_slice %arg6[%dma_start3A_607, %dma_start3A_608] : memref<4x128xi32, #tpu.memory_space<vmem>> -> memref<1x128xi32, #tpu.memory_space<vmem>>
      %dma_start3A_610 = arith.constant 0 : i32
      %dma_start3A_611 = tpu.memref_slice %arg3[%add3A_601, %dma_start3A_610] : memref<2610x128xi32, #tpu.memory_space<hbm>> -> memref<1x128xi32, #tpu.memory_space<hbm>>
      tpu.enqueue_dma source(%dma_start3A_611 : memref<1x128xi32, #tpu.memory_space<hbm>>) target(%dma_start3A_609 : memref<1x128xi32, #tpu.memory_space<vmem>>) target_semaphore(%arg16 : memref<!tpu.dma_semaphore, #tpu.memory_space<semaphore_mem>>)
    }
    %dma_wait3A_340 = arith.constant 0 : i32
    %dma_wait3A_341 = arith.constant 0 : i32
    %dma_wait3A_342 = tpu.memref_slice %arg6[%dma_wait3A_340, %dma_wait3A_341] : memref<4x128xi32, #tpu.memory_space<vmem>> -> memref<1x128xi32, #tpu.memory_space<vmem>>
    %dma_wait3A_343 = tpu.memref_squeeze %dma_wait3A_342 : memref<1x128xi32, #tpu.memory_space<vmem>> -> memref<128xi32, #tpu.memory_space<vmem>>
    %dma_wait3A_344 = arith.constant 0 : i32
    %dma_wait3A_345 = arith.constant 0 : i32
    %dma_wait3A_346 = tpu.memref_slice %arg2[%dma_wait3A_344, %dma_wait3A_345] : memref<10240x16xf32, #tpu.memory_space<hbm>> -> memref<10240x16xf32, #tpu.memory_space<hbm>>
    tpu.wait_indirect_dma semaphore(%arg17 : memref<!tpu.dma_semaphore, #tpu.memory_space<semaphore_mem>>) src(%dma_wait3A_346 : memref<10240x16xf32, #tpu.memory_space<hbm>>) dst(%arg8 : memref<128x16xf32, #tpu.memory_space<vmem>>)
    %dma_wait3A_347 = arith.constant 1 : i32
    %dma_wait3A_348 = arith.constant 0 : i32
    %dma_wait3A_349 = tpu.memref_slice %arg6[%dma_wait3A_347, %dma_wait3A_348] : memref<4x128xi32, #tpu.memory_space<vmem>> -> memref<1x128xi32, #tpu.memory_space<vmem>>
    %dma_wait3A_350 = tpu.memref_squeeze %dma_wait3A_349 : memref<1x128xi32, #tpu.memory_space<vmem>> -> memref<128xi32, #tpu.memory_space<vmem>>
    %dma_wait3A_351 = arith.constant 0 : i32
    %dma_wait3A_352 = arith.constant 0 : i32
    %dma_wait3A_353 = tpu.memref_slice %arg2[%dma_wait3A_351, %dma_wait3A_352] : memref<10240x16xf32, #tpu.memory_space<hbm>> -> memref<10240x16xf32, #tpu.memory_space<hbm>>
    tpu.wait_indirect_dma semaphore(%arg18 : memref<!tpu.dma_semaphore, #tpu.memory_space<semaphore_mem>>) src(%dma_wait3A_353 : memref<10240x16xf32, #tpu.memory_space<hbm>>) dst(%arg9 : memref<128x16xf32, #tpu.memory_space<vmem>>)
    %dma_wait3A_354 = arith.constant 0 : i32
    %dma_wait3A_355 = arith.constant 0 : i32
    %dma_wait3A_356 = tpu.memref_slice %arg7[%dma_wait3A_354, %dma_wait3A_355] : memref<104x128xi32, #tpu.memory_space<vmem>> -> memref<1x128xi32, #tpu.memory_space<vmem>>
    %dma_wait3A_357 = tpu.memref_squeeze %dma_wait3A_356 : memref<1x128xi32, #tpu.memory_space<vmem>> -> memref<128xi32, #tpu.memory_space<vmem>>
    %dma_wait3A_358 = arith.constant 0 : i32
    %dma_wait3A_359 = arith.constant 0 : i32
    %dma_wait3A_360 = tpu.memref_slice %arg12[%dma_wait3A_358, %dma_wait3A_359] : memref<10240x16xf32, #tpu.memory_space<vmem_shared>> -> memref<10240x16xf32, #tpu.memory_space<vmem_shared>>
    tpu.wait_indirect_dma semaphore(%arg23 : memref<!tpu.dma_semaphore, #tpu.memory_space<semaphore_mem>>) src(%arg10 : memref<128x16xf32, #tpu.memory_space<vmem>>) dst(%dma_wait3A_360 : memref<10240x16xf32, #tpu.memory_space<vmem_shared>>)
    %dma_wait3A_361 = arith.constant 0 : i32
    %dma_wait3A_362 = arith.constant 0 : i32
    %dma_wait3A_363 = tpu.memref_slice %arg7[%dma_wait3A_361, %dma_wait3A_362] : memref<104x128xi32, #tpu.memory_space<vmem>> -> memref<1x128xi32, #tpu.memory_space<vmem>>
    %dma_wait3A_364 = tpu.memref_squeeze %dma_wait3A_363 : memref<1x128xi32, #tpu.memory_space<vmem>> -> memref<128xi32, #tpu.memory_space<vmem>>
    %dma_wait3A_365 = arith.constant 0 : i32
    %dma_wait3A_366 = arith.constant 0 : i32
    %dma_wait3A_367 = tpu.memref_slice %arg12[%dma_wait3A_365, %dma_wait3A_366] : memref<10240x16xf32, #tpu.memory_space<vmem_shared>> -> memref<10240x16xf32, #tpu.memory_space<vmem_shared>>
    tpu.wait_indirect_dma semaphore(%arg24 : memref<!tpu.dma_semaphore, #tpu.memory_space<semaphore_mem>>) src(%arg11 : memref<128x16xf32, #tpu.memory_space<vmem>>) dst(%dma_wait3A_367 : memref<10240x16xf32, #tpu.memory_space<vmem_shared>>)
    %dma_wait3A_368 = arith.constant 2 : i32
    %dma_wait3A_369 = arith.constant 0 : i32
    %dma_wait3A_370 = tpu.memref_slice %arg6[%dma_wait3A_368, %dma_wait3A_369] : memref<4x128xi32, #tpu.memory_space<vmem>> -> memref<1x128xi32, #tpu.memory_space<vmem>>
    %dma_wait3A_371 = arith.constant 0 : i32
    %dma_wait3A_372 = tpu.memref_slice %arg3[%select_n3A_8, %dma_wait3A_371] : memref<2610x128xi32, #tpu.memory_space<hbm>> -> memref<1x128xi32, #tpu.memory_space<hbm>>
    %dma_wait3A_373 = arith.constant 2 : i32
    %dma_wait3A_374 = arith.constant 0 : i32
    %dma_wait3A_375 = tpu.memref_slice %arg6[%dma_wait3A_373, %dma_wait3A_374] : memref<4x128xi32, #tpu.memory_space<vmem>> -> memref<1x128xi32, #tpu.memory_space<vmem>>
    %dma_wait3A_376 = arith.constant 0 : i32
    %dma_wait3A_377 = tpu.memref_slice %arg3[%select_n3A_8, %dma_wait3A_376] : memref<2610x128xi32, #tpu.memory_space<hbm>> -> memref<1x128xi32, #tpu.memory_space<hbm>>
    tpu.wait_dma2 semaphore(%arg15 : memref<!tpu.dma_semaphore, #tpu.memory_space<semaphore_mem>>) src(%dma_wait3A_377 : memref<1x128xi32, #tpu.memory_space<hbm>>) dst(%dma_wait3A_375 : memref<1x128xi32, #tpu.memory_space<vmem>>)
    %dma_wait3A_378 = arith.constant 3 : i32
    %dma_wait3A_379 = arith.constant 0 : i32
    %dma_wait3A_380 = tpu.memref_slice %arg6[%dma_wait3A_378, %dma_wait3A_379] : memref<4x128xi32, #tpu.memory_space<vmem>> -> memref<1x128xi32, #tpu.memory_space<vmem>>
    %dma_wait3A_381 = arith.constant 0 : i32
    %dma_wait3A_382 = tpu.memref_slice %arg3[%select_n3A_8, %dma_wait3A_381] : memref<2610x128xi32, #tpu.memory_space<hbm>> -> memref<1x128xi32, #tpu.memory_space<hbm>>
    %dma_wait3A_383 = arith.constant 3 : i32
    %dma_wait3A_384 = arith.constant 0 : i32
    %dma_wait3A_385 = tpu.memref_slice %arg6[%dma_wait3A_383, %dma_wait3A_384] : memref<4x128xi32, #tpu.memory_space<vmem>> -> memref<1x128xi32, #tpu.memory_space<vmem>>
    %dma_wait3A_386 = arith.constant 0 : i32
    %dma_wait3A_387 = tpu.memref_slice %arg3[%select_n3A_8, %dma_wait3A_386] : memref<2610x128xi32, #tpu.memory_space<hbm>> -> memref<1x128xi32, #tpu.memory_space<hbm>>
    tpu.wait_dma2 semaphore(%arg16 : memref<!tpu.dma_semaphore, #tpu.memory_space<semaphore_mem>>) src(%dma_wait3A_387 : memref<1x128xi32, #tpu.memory_space<hbm>>) dst(%dma_wait3A_385 : memref<1x128xi32, #tpu.memory_space<vmem>>)
    %barrier3A_388 = arith.constant 0 : index
    tpu.barrier barrier_id(%barrier3A_388)
    %mul3A_389 = arith.constant 640 : i32
    %mul3A_390 = arith.muli %arg1, %mul3A_389 : i32
    "tpu.region"() ({
      %run_scoped3A = tpu.sem_alloc : memref<!tpu.dma_semaphore, #tpu.memory_space<semaphore_mem>>
      %dma_start3A_391 = arith.constant 0 : i32
      %dma_start3A_392 = tpu.memref_slice %arg5[%arg0, %mul3A_390, %dma_start3A_391] : memref<2x10240x16xf32, #tpu.memory_space<hbm>> -> memref<1x640x16xf32, #tpu.memory_space<hbm>>
      %dma_start3A_393 = tpu.memref_squeeze %dma_start3A_392 : memref<1x640x16xf32, #tpu.memory_space<hbm>> -> memref<640x16xf32, #tpu.memory_space<hbm>>
      %dma_start3A_394 = arith.constant 0 : i32
      %dma_start3A_395 = tpu.memref_slice %arg12[%mul3A_390, %dma_start3A_394] : memref<10240x16xf32, #tpu.memory_space<vmem_shared>> -> memref<640x16xf32, #tpu.memory_space<vmem_shared>>
      tpu.enqueue_dma source(%dma_start3A_395 : memref<640x16xf32, #tpu.memory_space<vmem_shared>>) target(%dma_start3A_393 : memref<640x16xf32, #tpu.memory_space<hbm>>) target_semaphore(%run_scoped3A : memref<!tpu.dma_semaphore, #tpu.memory_space<semaphore_mem>>)
      %dma_wait3A_396 = arith.constant 0 : i32
      %dma_wait3A_397 = tpu.memref_slice %arg5[%arg0, %mul3A_390, %dma_wait3A_396] : memref<2x10240x16xf32, #tpu.memory_space<hbm>> -> memref<1x640x16xf32, #tpu.memory_space<hbm>>
      %dma_wait3A_398 = tpu.memref_squeeze %dma_wait3A_397 : memref<1x640x16xf32, #tpu.memory_space<hbm>> -> memref<640x16xf32, #tpu.memory_space<hbm>>
      %dma_wait3A_399 = arith.constant 0 : i32
      %dma_wait3A_400 = tpu.memref_slice %arg12[%mul3A_390, %dma_wait3A_399] : memref<10240x16xf32, #tpu.memory_space<vmem_shared>> -> memref<640x16xf32, #tpu.memory_space<vmem_shared>>
      tpu.wait_dma2 semaphore(%run_scoped3A : memref<!tpu.dma_semaphore, #tpu.memory_space<semaphore_mem>>) src(%dma_wait3A_400 : memref<640x16xf32, #tpu.memory_space<vmem_shared>>) dst(%dma_wait3A_398 : memref<640x16xf32, #tpu.memory_space<hbm>>)
      tpu.yield
    }) : () -> ()
    return
  }
}

module attributes {stable_mosaic.version = 14 : i64} {
  func.func @_tc1_body(%arg0: i32, %arg1: memref<2x1024x128xf32, #tpu.memory_space<vmem>>, %arg2: memref<1024x2xf32, #tpu.memory_space<vmem>>, %arg3: memref<1024x128xf32, #tpu.memory_space<vmem>>, %arg4: memref<128x128xf32, #tpu.memory_space<vmem>>, %arg5: memref<128x128xf32, #tpu.memory_space<vmem>>, %arg6: memref<1x128xf32, #tpu.memory_space<vmem>>, %arg7: memref<128x16xf32, #tpu.memory_space<vmem>>, %arg8: memref<128x16xf32, #tpu.memory_space<vmem>>, %arg9: memref<1x16xf32, #tpu.memory_space<vmem>>, %arg10: memref<1024x128xf32, #tpu.memory_space<vmem>>, %arg11: memref<1024x16xf32, #tpu.memory_space<vmem>>, %arg12: memref<1024x16xf32, #tpu.memory_space<vmem>>) attributes {dimension_semantics = [#tpu.dimension_semantics<arbitrary>], iteration_bounds = array<i64: 10>, scalar_prefetch = 0 : i64, scratch_operands = 0 : i64, tpu.core_type = #tpu.core_type<tc>, window_params = [{transform_indices = @transform_0, window_bounds = array<i64: 2, 1024, 128>}, {transform_indices = @transform_1, window_bounds = array<i64: 1024, 2>}, {transform_indices = @transform_2, window_bounds = array<i64: 1024, 128>}, {pipeline_mode = #tpu.pipeline_mode<synchronous>, transform_indices = @transform_3, window_bounds = array<i64: 128, 128>}, {pipeline_mode = #tpu.pipeline_mode<synchronous>, transform_indices = @transform_4, window_bounds = array<i64: 128, 128>}, {pipeline_mode = #tpu.pipeline_mode<synchronous>, transform_indices = @transform_5, window_bounds = array<i64: 1, 128>}, {pipeline_mode = #tpu.pipeline_mode<synchronous>, transform_indices = @transform_6, window_bounds = array<i64: 128, 16>}, {pipeline_mode = #tpu.pipeline_mode<synchronous>, transform_indices = @transform_7, window_bounds = array<i64: 128, 16>}, {pipeline_mode = #tpu.pipeline_mode<synchronous>, transform_indices = @transform_8, window_bounds = array<i64: 1, 16>}, {transform_indices = @transform_9, window_bounds = array<i64: 1024, 128>}, {transform_indices = @transform_10, window_bounds = array<i64: 1024, 16>}, {transform_indices = @transform_11, window_bounds = array<i64: 1024, 16>}]} {
    %get3A = arith.constant 0 : index
    %get3A_0 = arith.constant 0 : index
    %get3A_1 = arith.constant 0 : index
    %get3A_2 = vector.load %arg1[%get3A, %get3A_0, %get3A_1] : memref<2x1024x128xf32, #tpu.memory_space<vmem>>, vector<1x1024x128xf32>
    %get3A_3 = vector.shape_cast %get3A_2 : vector<1x1024x128xf32> to vector<1024x128xf32>
    %get3A_4 = arith.constant 1 : index
    %get3A_5 = arith.constant 0 : index
    %get3A_6 = arith.constant 0 : index
    %get3A_7 = vector.load %arg1[%get3A_4, %get3A_5, %get3A_6] : memref<2x1024x128xf32, #tpu.memory_space<vmem>>, vector<1x1024x128xf32>
    %get3A_8 = vector.shape_cast %get3A_7 : vector<1x1024x128xf32> to vector<1024x128xf32>
    %add3A = arith.addf %get3A_3, %get3A_8 : vector<1024x128xf32>
    %get3A_9 = arith.constant 0 : index
    %get3A_10 = arith.constant 0 : index
    %get3A_11 = vector.load %arg2[%get3A_9, %get3A_10] : memref<1024x2xf32, #tpu.memory_space<vmem>>, vector<1024x1xf32>
    %get3A_12 = vector.shape_cast %get3A_11 : vector<1024x1xf32> to vector<1024xf32>
    %get3A_13 = arith.constant 0 : index
    %get3A_14 = arith.constant 1 : index
    %get3A_15 = vector.load %arg2[%get3A_13, %get3A_14] : memref<1024x2xf32, #tpu.memory_space<vmem>>, vector<1024x1xf32>
    %get3A_16 = vector.shape_cast %get3A_15 : vector<1024x1xf32> to vector<1024xf32>
    %add3A_17 = arith.addf %get3A_12, %get3A_16 : vector<1024xf32>
    %max3A = arith.constant 1.000000e+00 : f32
    %max3A_18 = vector.broadcast %max3A : f32 to vector<1024xf32>
    %max3A_19 = arith.maximumf %add3A_17, %max3A_18 : vector<1024xf32>
    %div3A = arith.constant 1.000000e+00 : f32
    %div3A_20 = vector.broadcast %div3A : f32 to vector<1024xf32>
    %div3A_21 = arith.divf %div3A_20, %max3A_19 : vector<1024xf32>
    %broadcast_in_dim3A = vector.shape_cast %div3A_21 : vector<1024xf32> to vector<1024x1xf32>
    %mul3A = vector.broadcast %broadcast_in_dim3A : vector<1024x1xf32> to vector<1024x128xf32>
    %mul3A_22 = arith.mulf %add3A, %mul3A : vector<1024x128xf32>
    %get3A_23 = arith.constant 0 : index
    %get3A_24 = arith.constant 0 : index
    %get3A_25 = vector.load %arg4[%get3A_23, %get3A_24] : memref<128x128xf32, #tpu.memory_space<vmem>>, vector<128x128xf32>
    %dot_general3A = arith.constant dense<0.000000e+00> : vector<1024x128xf32>
    %dot_general3A_26 = tpu.matmul %mul3A_22, %get3A_25, %dot_general3A {dimension_numbers = #tpu.dot_dimension_numbers<[1], [0], [0], [1], [0, 0, 1, 1], [], []>, transpose_lhs_hint = false} : vector<1024x128xf32>, vector<128x128xf32>, vector<1024x128xf32> -> vector<1024x128xf32>
    %get3A_27 = arith.constant 0 : index
    %get3A_28 = arith.constant 0 : index
    %get3A_29 = vector.load %arg3[%get3A_27, %get3A_28] : memref<1024x128xf32, #tpu.memory_space<vmem>>, vector<1024x128xf32>
    %get3A_30 = arith.constant 0 : index
    %get3A_31 = arith.constant 0 : index
    %get3A_32 = vector.load %arg5[%get3A_30, %get3A_31] : memref<128x128xf32, #tpu.memory_space<vmem>>, vector<128x128xf32>
    %dot_general3A_33 = arith.constant dense<0.000000e+00> : vector<1024x128xf32>
    %dot_general3A_34 = tpu.matmul %get3A_29, %get3A_32, %dot_general3A_33 {dimension_numbers = #tpu.dot_dimension_numbers<[1], [0], [0], [1], [0, 0, 1, 1], [], []>, transpose_lhs_hint = false} : vector<1024x128xf32>, vector<128x128xf32>, vector<1024x128xf32> -> vector<1024x128xf32>
    %add3A_35 = arith.addf %dot_general3A_26, %dot_general3A_34 : vector<1024x128xf32>
    %get3A_36 = arith.constant 0 : index
    %get3A_37 = arith.constant 0 : index
    %get3A_38 = vector.load %arg6[%get3A_36, %get3A_37] : memref<1x128xf32, #tpu.memory_space<vmem>>, vector<1x128xf32>
    %add3A_39 = vector.broadcast %get3A_38 : vector<1x128xf32> to vector<1024x128xf32>
    %add3A_40 = arith.addf %add3A_35, %add3A_39 : vector<1024x128xf32>
    %max3A_41 = arith.constant 0.000000e+00 : f32
    %max3A_42 = vector.broadcast %max3A_41 : f32 to vector<1024x128xf32>
    %max3A_43 = arith.maximumf %add3A_40, %max3A_42 : vector<1024x128xf32>
    %swap3A = arith.constant 0 : index
    %swap3A_44 = arith.constant 0 : index
    %swap3A_45 = vector.load %arg10[%swap3A, %swap3A_44] : memref<1024x128xf32, #tpu.memory_space<vmem>>, vector<1024x128xf32>
    tpu.vector_store %arg10[%swap3A, %swap3A_44], %max3A_43 {strides = array<i32>} : memref<1024x128xf32, #tpu.memory_space<vmem>>, vector<1024x128xf32>,
    %get3A_46 = arith.constant 0 : index
    %get3A_47 = arith.constant 0 : index
    %get3A_48 = vector.load %arg7[%get3A_46, %get3A_47] : memref<128x16xf32, #tpu.memory_space<vmem>>, vector<128x16xf32>
    %dot_general3A_49 = arith.constant dense<0.000000e+00> : vector<1024x16xf32>
    %dot_general3A_50 = tpu.matmul %max3A_43, %get3A_48, %dot_general3A_49 {dimension_numbers = #tpu.dot_dimension_numbers<[1], [0], [0], [1], [0, 0, 1, 1], [], []>, transpose_lhs_hint = false} : vector<1024x128xf32>, vector<128x16xf32>, vector<1024x16xf32> -> vector<1024x16xf32>
    %swap3A_51 = arith.constant 0 : index
    %swap3A_52 = arith.constant 0 : index
    %swap3A_53 = vector.load %arg11[%swap3A_51, %swap3A_52] : memref<1024x16xf32, #tpu.memory_space<vmem>>, vector<1024x16xf32>
    tpu.vector_store %arg11[%swap3A_51, %swap3A_52], %dot_general3A_50 {strides = array<i32>} : memref<1024x16xf32, #tpu.memory_space<vmem>>, vector<1024x16xf32>,
    %get3A_54 = arith.constant 0 : index
    %get3A_55 = arith.constant 0 : index
    %get3A_56 = vector.load %arg8[%get3A_54, %get3A_55] : memref<128x16xf32, #tpu.memory_space<vmem>>, vector<128x16xf32>
    %dot_general3A_57 = arith.constant dense<0.000000e+00> : vector<1024x16xf32>
    %dot_general3A_58 = tpu.matmul %max3A_43, %get3A_56, %dot_general3A_57 {dimension_numbers = #tpu.dot_dimension_numbers<[1], [0], [0], [1], [0, 0, 1, 1], [], []>, transpose_lhs_hint = false} : vector<1024x128xf32>, vector<128x16xf32>, vector<1024x16xf32> -> vector<1024x16xf32>
    %get3A_59 = arith.constant 0 : index
    %get3A_60 = arith.constant 0 : index
    %get3A_61 = vector.load %arg9[%get3A_59, %get3A_60] : memref<1x16xf32, #tpu.memory_space<vmem>>, vector<1x16xf32>
    %add3A_62 = vector.broadcast %get3A_61 : vector<1x16xf32> to vector<1024x16xf32>
    %add3A_63 = arith.addf %dot_general3A_58, %add3A_62 : vector<1024x16xf32>
    %swap3A_64 = arith.constant 0 : index
    %swap3A_65 = arith.constant 0 : index
    %swap3A_66 = vector.load %arg12[%swap3A_64, %swap3A_65] : memref<1024x16xf32, #tpu.memory_space<vmem>>, vector<1024x16xf32>
    tpu.vector_store %arg12[%swap3A_64, %swap3A_65], %add3A_63 {strides = array<i32>} : memref<1024x16xf32, #tpu.memory_space<vmem>>, vector<1024x16xf32>,
    return
  }
  func.func @transform_0(%arg0: i32) -> (i32, i32, i32) {
    %c0_i32 = arith.constant 0 : i32
    %c0_i32_0 = arith.constant 0 : i32
    %c0_i32_1 = arith.constant 0 : i32
    return %c0_i32, %arg0, %c0_i32_0 : i32, i32, i32
  }
  func.func @transform_1(%arg0: i32) -> (i32, i32) {
    %c0_i32 = arith.constant 0 : i32
    %c0_i32_0 = arith.constant 0 : i32
    return %arg0, %c0_i32 : i32, i32
  }
  func.func @transform_2(%arg0: i32) -> (i32, i32) {
    %c0_i32 = arith.constant 0 : i32
    %c0_i32_0 = arith.constant 0 : i32
    return %arg0, %c0_i32 : i32, i32
  }
  func.func @transform_3(%arg0: i32) -> (i32, i32) {
    %c0_i32 = arith.constant 0 : i32
    %c0_i32_0 = arith.constant 0 : i32
    %c0_i32_1 = arith.constant 0 : i32
    return %c0_i32, %c0_i32_0 : i32, i32
  }
  func.func @transform_4(%arg0: i32) -> (i32, i32) {
    %c0_i32 = arith.constant 0 : i32
    %c0_i32_0 = arith.constant 0 : i32
    %c0_i32_1 = arith.constant 0 : i32
    return %c0_i32, %c0_i32_0 : i32, i32
  }
  func.func @transform_5(%arg0: i32) -> (i32, i32) {
    %c0_i32 = arith.constant 0 : i32
    %c0_i32_0 = arith.constant 0 : i32
    %c0_i32_1 = arith.constant 0 : i32
    return %c0_i32, %c0_i32_0 : i32, i32
  }
  func.func @transform_6(%arg0: i32) -> (i32, i32) {
    %c0_i32 = arith.constant 0 : i32
    %c0_i32_0 = arith.constant 0 : i32
    %c0_i32_1 = arith.constant 0 : i32
    return %c0_i32, %c0_i32_0 : i32, i32
  }
  func.func @transform_7(%arg0: i32) -> (i32, i32) {
    %c0_i32 = arith.constant 0 : i32
    %c0_i32_0 = arith.constant 0 : i32
    %c0_i32_1 = arith.constant 0 : i32
    return %c0_i32, %c0_i32_0 : i32, i32
  }
  func.func @transform_8(%arg0: i32) -> (i32, i32) {
    %c0_i32 = arith.constant 0 : i32
    %c0_i32_0 = arith.constant 0 : i32
    %c0_i32_1 = arith.constant 0 : i32
    return %c0_i32, %c0_i32_0 : i32, i32
  }
  func.func @transform_9(%arg0: i32) -> (i32, i32) {
    %c0_i32 = arith.constant 0 : i32
    %c0_i32_0 = arith.constant 0 : i32
    return %arg0, %c0_i32 : i32, i32
  }
  func.func @transform_10(%arg0: i32) -> (i32, i32) {
    %c0_i32 = arith.constant 0 : i32
    %c0_i32_0 = arith.constant 0 : i32
    return %arg0, %c0_i32 : i32, i32
  }
  func.func @transform_11(%arg0: i32) -> (i32, i32) {
    %c0_i32 = arith.constant 0 : i32
    %c0_i32_0 = arith.constant 0 : i32
    return %arg0, %c0_i32 : i32, i32
  }
}

module attributes {stable_mosaic.version = 14 : i64} {
  func.func @_tc2_body(%arg0: memref<2x10240x16xf32, #tpu.memory_space<vmem>>, %arg1: memref<10240x2xf32, #tpu.memory_space<vmem>>, %arg2: memref<10240x16xf32, #tpu.memory_space<vmem>>, %arg3: memref<10000x16xf32, #tpu.memory_space<vmem>>) attributes {dimension_semantics = [], scalar_prefetch = 0 : i64, scratch_operands = 0 : i64, tpu.core_type = #tpu.core_type<tc>} {
    %get3A = arith.constant 0 : index
    %get3A_0 = arith.constant 0 : index
    %get3A_1 = arith.constant 0 : index
    %get3A_2 = vector.load %arg0[%get3A, %get3A_0, %get3A_1] : memref<2x10240x16xf32, #tpu.memory_space<vmem>>, vector<1x10240x16xf32>
    %get3A_3 = vector.shape_cast %get3A_2 : vector<1x10240x16xf32> to vector<10240x16xf32>
    %get3A_4 = arith.constant 1 : index
    %get3A_5 = arith.constant 0 : index
    %get3A_6 = arith.constant 0 : index
    %get3A_7 = vector.load %arg0[%get3A_4, %get3A_5, %get3A_6] : memref<2x10240x16xf32, #tpu.memory_space<vmem>>, vector<1x10240x16xf32>
    %get3A_8 = vector.shape_cast %get3A_7 : vector<1x10240x16xf32> to vector<10240x16xf32>
    %add3A = arith.addf %get3A_3, %get3A_8 : vector<10240x16xf32>
    %get3A_9 = arith.constant 0 : index
    %get3A_10 = arith.constant 0 : index
    %get3A_11 = vector.load %arg1[%get3A_9, %get3A_10] : memref<10240x2xf32, #tpu.memory_space<vmem>>, vector<10240x1xf32>
    %get3A_12 = vector.shape_cast %get3A_11 : vector<10240x1xf32> to vector<10240xf32>
    %get3A_13 = arith.constant 0 : index
    %get3A_14 = arith.constant 1 : index
    %get3A_15 = vector.load %arg1[%get3A_13, %get3A_14] : memref<10240x2xf32, #tpu.memory_space<vmem>>, vector<10240x1xf32>
    %get3A_16 = vector.shape_cast %get3A_15 : vector<10240x1xf32> to vector<10240xf32>
    %add3A_17 = arith.addf %get3A_12, %get3A_16 : vector<10240xf32>
    %max3A = arith.constant 1.000000e+00 : f32
    %max3A_18 = vector.broadcast %max3A : f32 to vector<10240xf32>
    %max3A_19 = arith.maximumf %add3A_17, %max3A_18 : vector<10240xf32>
    %div3A = arith.constant 1.000000e+00 : f32
    %div3A_20 = vector.broadcast %div3A : f32 to vector<10240xf32>
    %div3A_21 = arith.divf %div3A_20, %max3A_19 : vector<10240xf32>
    %broadcast_in_dim3A = vector.shape_cast %div3A_21 : vector<10240xf32> to vector<10240x1xf32>
    %mul3A = vector.broadcast %broadcast_in_dim3A : vector<10240x1xf32> to vector<10240x16xf32>
    %mul3A_22 = arith.mulf %add3A, %mul3A : vector<10240x16xf32>
    %get3A_23 = arith.constant 0 : index
    %get3A_24 = arith.constant 0 : index
    %get3A_25 = vector.load %arg2[%get3A_23, %get3A_24] : memref<10240x16xf32, #tpu.memory_space<vmem>>, vector<10240x16xf32>
    %add3A_26 = arith.addf %mul3A_22, %get3A_25 : vector<10240x16xf32>
    %slice3A = vector.extract_strided_slice %add3A_26 {offsets = [0, 0], sizes = [10000, 16], strides = [1, 1]} : vector<10240x16xf32> to vector<10000x16xf32>
    %swap3A = arith.constant 0 : index
    %swap3A_27 = arith.constant 0 : index
    %swap3A_28 = vector.load %arg3[%swap3A, %swap3A_27] : memref<10000x16xf32, #tpu.memory_space<vmem>>, vector<10000x16xf32>
    tpu.vector_store %arg3[%swap3A, %swap3A_27], %slice3A {strides = array<i32>} : memref<10000x16xf32, #tpu.memory_space<vmem>>, vector<10000x16xf32>,
    return
  }
}

</mosaic_0001>

<sc_bundles>
// kernel: kernel.6.cloned.1.call-start
scs
__scs_entry_jumppad:
0x0: {  	(pc) =	sbr.rel $0x88, $3  }
0x1: {  	(tag) =	ssettag $0x0;
	lr =	simm.s32 $0x1  }
0x2: {  	[smem:$0x3F99] =	sst lr;
	_ =	strace $0xD0000000  }
0x3: {  	_ = 	snop  }
0x4: {  	_ = 	snop  }
0x5: {  	_ = 	snop  }
0x6: {  	_ = 	snop  }
0x7: {  	_ = 	snop  }
__scs_overlays_trampoline_lowered:
0x8: {  	[smem:$0x3FA8] =	sst s0  }
0x9: {  	[smem:$0x3FA9] =	sst s1  }
0xa: {  	[smem:$0x3FAA] =	sst s2  }
0xb: {  	[smem:$0x3FAB] =	sst s3  }
0xc: {  	[smem:$0x3FAC] =	sst s4  }
0xd: {  	[smem:$0x3FAD] =	sst s5  }
0xe: {  	[smem:$0x3FAE] =	sst s6  }
0xf: {  	[smem:$0x3FAF] =	sst s7  }
0x10: {  	[smem:$0x3FB0] =	sst s8  }
0x11: {  	[smem:$0x3FB1] =	sst s9;
	s0 =	simm.s32 @!p0 $0x0  }
0x12: {  	s1 =	sld [smem:$0x3F97];
	s0 =	simm.s32 @p0 $0x1  }
0x13: {  	[smem:$0x3FB2] =	sst s0;
	s0 =	simm.s32 @!p1 $0x0  }
0x14: {  	s2 =	sld [smem:$0x3F96];
	s0 =	simm.s32 @p1 $0x1  }
0x15: {  	[smem:$0x3FB3] =	sst s0;
	s0 =	simm.s32 @!p2 $0x0  }
0x16: {  	s3 =	sld [smem:$0x3FDB];
	s0 =	simm.s32 @p2 $0x1  }
0x17: {  	s4 =	simm.s32 $0x1BF5;
	[smem:$0x3FB5] =	sst s0  }
0x18: {  	s0 =	sld [smem:$0x3F98];
	_ =	swait.ge [sflag:s4], $0x0  }
0x19: {  	s7 =	sld [smem:$0x3F99]  }
0x1a: {  	s8 =	sadd.s32 $0xFFFFE003, lr  }
0x1b: {  	s9 =	sadd.s32 $0xFFFFFEF7, lr;
	s5 =	simm.s32 $0xFFFFFFFF;
	p2 =	slt.u32 s8, $0xFFFFF086  }
0x1c: {  	p1 =	slt.u32 s9, $0xF7A;
	s5 =	simm.s32 @!p2 $0x0  }
0x1d: {  	s5 =	simm.s32 @p1 $0x1;
	p0 =	seq.s32 s7, s2  }
0x1e: {  	s7 =	smul.u32 @!p0 $0xF7A, s2;
	p2 =	seq.s32 @!p0 s5, $0x0  }
0x1f: {  	s9 =	smul.u32 $0xF7A, s1;
	s8 =	simm.s32 @!p0 $0x1BF5;
	p2 =	por !p2, p0  }
0x20: {  	[sflag:s8] =	ssyncset.s32 @!p0 $0xFFFFF086;
	s6 =	sadd.s32 @!p0 s3, s7;
	s7 =	simm.s32 @!p0 $0x108  }
0x21: {  	s3 =	sadd.s32 s3, s9;
	s6 =	sadd.s32 @!p0 $0x88, s6;
	s7 =	simm.s32 @p2 $0x1082  }
0x22: {  	[simem:s7], [sflag:s8] =	dma.local @!p0 [hbm:s6], $0xF7A  }
0x23: {  	s9 =	sor.u32 $0xD0000000, s2;
	s6 =	simm.s32 $0x108;
	_ =	swait.ge @!p0 [sflag:s8], $0x0  }
0x24: {  	s3 =	sadd.s32 $0x88, s3;
	s6 =	simm.s32 @!p1 $0x1082;
	[sflag:s4] =	ssyncset.s32 $0xFFFFF086  }
0x25: {  	[simem:s6], [sflag:s4] =	dma.local [hbm:s3], $0xF7A  }
0x26: {  	[smem:$0x3F99] =	sst s1;
	(tag) =	ssettag s2;
	_ =	strace s9  }
0x27: {  	s1 =	sld [smem:$0x3FA9]  }
0x28: {  	s2 =	sld [smem:$0x3FAA]  }
0x29: {  	s4 =	sld [smem:$0x3FAC]  }
0x2a: {  	p0 =	seq.s32 s5, $0x0;
	s5 =	sld [smem:$0x3FAD]  }
0x2b: {  	s6 =	sld [smem:$0x3FAE]  }
0x2c: {  	s7 =	sld [smem:$0x3FAF]  }
0x2d: {  	s3 =	simm.s32 $0x108;
	s8 =	sld [smem:$0x3FB0]  }
0x2e: {  	s3 =	simm.s32 @!p0 $0x1082;
	s9 =	sld [smem:$0x3FB1]  }
0x2f: {  	lr =	sadd.s32 s0, s3;
	s0 =	sld [smem:$0x3FA8]  }
0x30: {  	s3 =	sld [smem:$0x3FAB]  }
0x31: {  	[smem:$0x3FB4] =	sst s10  }
0x32: {  	s10 =	sld [smem:$0x3FB2];
	_ =	sdelay $0x3  }
0x33: {  	p0 =	seq.s32 s10, $0x1;
	s10 =	sld [smem:$0x3FB4];
	_ =	sdelay $0x3  }
0x34: {  	[smem:$0x3FB4] =	sst s10  }
0x35: {  	s10 =	sld [smem:$0x3FB3];
	_ =	sdelay $0x3  }
0x36: {  	p1 =	seq.s32 s10, $0x1;
	s10 =	sld [smem:$0x3FB4];
	_ =	sdelay $0x3  }
0x37: {  	[smem:$0x3FB4] =	sst s10  }
0x38: {  	s10 =	sld [smem:$0x3FB5]  }
0x39: {  	_ = 	snop;
	(pc) =	sbr.ind lr, $3  }
0x3a: {  	_ = 	snop  }
0x3b: {  	_ = 	snop  }
0x3c: {  	p2 =	seq.s32 s10, $0x1;
	s10 =	sld [smem:$0x3FB4]  }
0x3d: {  	_ =	shalt  }
0x3e: {  	_ =	shalt  }
0x3f: {  	_ =	shalt  }
0x40: {  	_ =	shalt  }
0x41: {  	_ =	shalt  }
0x42: {  	_ =	shalt  }
0x43: {  	_ =	shalt  }
0x44: {  	_ =	shalt  }
0x45: {  	_ =	shalt  }
0x46: {  	_ =	shalt  }
0x47: {  	_ =	shalt  }
0x48: {  	_ =	shalt  }
0x49: {  	_ =	shalt  }
0x4a: {  	_ =	shalt  }
0x4b: {  	_ =	shalt  }
0x4c: {  	_ =	shalt  }
0x4d: {  	_ =	shalt  }
0x4e: {  	_ =	shalt  }
0x4f: {  	_ =	shalt  }
0x50: {  	_ =	shalt  }
0x51: {  	_ =	shalt  }
0x52: {  	_ =	shalt  }
0x53: {  	_ =	shalt  }
0x54: {  	_ =	shalt  }
0x55: {  	_ =	shalt  }
0x56: {  	_ =	shalt  }
0x57: {  	_ =	shalt  }
0x58: {  	_ =	shalt  }
0x59: {  	_ =	shalt  }
0x5a: {  	_ =	shalt  }
0x5b: {  	_ =	shalt  }
0x5c: {  	_ =	shalt  }
0x5d: {  	_ =	shalt  }
0x5e: {  	_ =	shalt  }
0x5f: {  	_ =	shalt  }
0x60: {  	_ =	shalt  }
0x61: {  	_ =	shalt  }
0x62: {  	_ =	shalt  }
0x63: {  	_ =	shalt  }
0x64: {  	_ =	shalt  }
0x65: {  	_ =	shalt  }
0x66: {  	_ =	shalt  }
0x67: {  	_ =	shalt  }
0x68: {  	_ =	shalt  }
0x69: {  	_ =	shalt  }
0x6a: {  	_ =	shalt  }
0x6b: {  	_ =	shalt  }
0x6c: {  	_ =	shalt  }
0x6d: {  	_ =	shalt  }
0x6e: {  	_ =	shalt  }
0x6f: {  	_ =	shalt  }
0x70: {  	_ =	shalt  }
0x71: {  	_ =	shalt  }
0x72: {  	_ =	shalt  }
0x73: {  	_ =	shalt  }
0x74: {  	_ =	shalt  }
0x75: {  	_ =	shalt  }
0x76: {  	_ =	shalt  }
0x77: {  	_ =	shalt  }
0x78: {  	_ =	shalt  }
0x79: {  	_ =	shalt  }
0x7a: {  	_ =	shalt  }
0x7b: {  	_ =	shalt  }
0x7c: {  	_ =	shalt  }
0x7d: {  	_ =	shalt  }
0x7e: {  	_ =	shalt  }
0x7f: {  	_ =	shalt  }
0x80: {  	_ =	shalt  }
0x81: {  	_ =	shalt  }
0x82: {  	_ =	shalt  }
0x83: {  	_ =	shalt  }
0x84: {  	_ =	shalt  }
0x85: {  	_ =	shalt  }
0x86: {  	_ =	shalt  }
0x87: {  	_ =	shalt  }
.Lfunc_end0:
.L_simem_size_0:
called_computation_lowered:
.L_overlay_start_0:
0x88: {  	s2 =	sld [smem:$0x3FD9]  }
0x89: {  	s3 =	sld [smem:$0x3FFE];
	_ =	sdelay $0x1  }
0x8a: {  	s1 =	srdreg.scid  }
0x8b: {  	s0 =	sand.u32 $0x1, s1  }
0x8c: {  	s17 =	sshll.u32 s0, $0xA;
	s2 =	sadd.s32 s3, s2  }
0x8d: {  	s2 =	sadd.s32 s2, s17  }
0x8e: {  	[smem:$0x3FC0] =	sst s2  }
0x8f: {  	_ = 	snop  }
0x90: {  	s2 =	sld [smem:$0x3FC9]  }
0x91: {  	s18 =	sld [smem:$0x3FD0];
	(tm) =	ssettm $0x1  }
0x92: {  	s4 =	sld [smem:$0x3FFB];
	_ =	sdelay $0x3  }
0x93: {  	_ =	strace s4  }
0x94: {  	s4 =	sld [smem:$0x3FFC];
	_ =	sdelay $0x3  }
0x95: {  	_ =	strace s4  }
0x96: {  	s4 =	sld [smem:$0x3FFD];
	_ =	sdelay $0x3  }
0x97: {  	_ =	strace s4  }
0x98: {  	_ =	strace $0x8FFFFFFF  }
0x99: {  	s19 =	sld [smem:$0x3FDB];
	_ =	sdelay $0x1  }
0x9a: {  	s5 =	simm.s32 $_scs_section_size  }
0x9b: {  	s6 =	simm.s32 $_size__tile_overlayer_lowered;
	s7 =	simm.s32 $_tile_overlayer_lowered  }
0x9c: {  	s22 =	simm.s32 $0x1BFF;
	s21 =	sshll.u32 s7, $0x1;
	s4 =	sadd.s32 s5, s19  }
0x9d: {  	s8 =	simm.s32 $0x0;
	s20 =	sshll.u32 s6, $0x1;
	s6 =	sadd.s32 s21, s4  }
0x9e: {  	[timem:s8], [sflag:s22] =	dma.local [hbm:s6], s20  }
0x9f: {  	_ =	swait.ge [sflag:s22], s20  }
0xa0: {  	s5 =	ssub.s32 $0x0, s20;
	[sflag:s22] =	ssyncset.done $0x0  }
0xa1: {  	[sflag:s22] =	ssyncadd.s32 s5;
	_ =	sdelay $0x1  }
0xa2: {  	s23 =	simm.s32 $0x1B8B  }
0xa3: {  	_ =	swait.ge [sflag:s23], $0x1  }
0xa4: {  	[sflag:s23] =	ssyncset.done $0x0  }
0xa5: {  	s25 =	simm.s32 $0x1B8E;
	s24 =	sld [smem:$0x3FFE];
	[sflag:s23] =	ssyncadd.s32 $0xFFFFFFFF  }
0xa6: {  	s26 =	simm.s32 $execute0_lowered;
	[smem:$0x3FD2] =	sst s25  }
0xa7: {  	s6 =	sshll.u32 s26, $0x1;
	_ =	strace $0x80000046;
	[dreg:$0x1] =	wrdreg $0xFFFFFFFF  }
0xa8: {  	s28 =	simm.s32 $_size_execute0_lowered;
	s4 =	sadd.s32 s4, s6;
	[dreg:$0x0] =	wrdreg $0x0  }
0xa9: {  	s6 =	sshll.u32 s28, $0x1;
	[dreg:$0x2] =	wrdreg s4  }
0xaa: {  	[dreg:$0x3] =	wrdreg s6  }
0xab: {  	[dreg:$0x4] =	wrdreg $0xC0  }
0xac: {  	_ =	task [dreg:s8], $0x5FFFF  }
0xad: {  	[dreg:$0x1] =	wrdreg $0xFFFFFFFF  }
0xae: {  	[dreg:$0x0] =	wrdreg $0x60  }
0xaf: {  	[dreg:$0x2] =	wrdreg s2  }
0xb0: {  	[dreg:$0x3] =	wrdreg s24  }
0xb1: {  	[dreg:$0x4] =	wrdreg s18  }
0xb2: {  	[dreg:$0x5] =	wrdreg $0x9C000  }
0xb3: {  	[dreg:$0x6] =	wrdreg $0x1DEB00  }
0xb4: {  	[dreg:$0x7] =	wrdreg $0x9  }
0xb5: {  	_ =	task.clear_ibuf [dreg:s8], $0x8FFFF;
	_ =	strace $0x90000046  }
0xb6: {  	s29 =	simm.s32 $0x9;
	_ =	strace $0x80000048  }
0xb7: {  	_ =	swait.ge [sflag:s29], $0x1  }
0xb8: {  	[sflag:s29] =	ssyncadd.s32 $0xFFFFFFFF  }
0xb9: {  	_ =	strace $0x90000048  }
0xba: {  	_ =	sfence  }
0xbb: {  	s30 =	sld [smem:$0x0];
	_ =	sdelay $0x2  }
0xbc: {  	s31 =	sshll.u32 s1, $0xD;
	s1 =	sshrl.u32 s1, $0x2  }
0xbd: {  	s3 =	sand.u32 $0x4000, s31;
	s1 =	sadd.s32 s1, s30  }
0xbe: {  	s0 =	sor.u32 s3, s0;
	s1 =	sshll.u32 s1, $0x11  }
0xbf: {  	s0 =	sor.u32 s1, s0  }
0xc0: {  	s0 =	sadd.s32 $0x8F2B, s0  }
0xc1: {  	[sflag:s0] =	ssyncadd.remote.s32 $0x1  }
0xc2: {  	_ =	sfence.sel $0xFFFF  }
0xc3: {  	[dreg:$0x0] =	wrdreg $0xFFFFFFFF;
	(pc) =	sbr.abs _section_cstart, $3  }
0xc4: {  	[dreg:$0x1] =	wrdreg $0xFFFFFFFF  }
0xc5: {  	_ =	task.clear_ibuf [dreg:s8], $0x2FFFF;
	_ =	strace $0x9FFFFFFF  }
0xc6: {  	(tm) =	ssettm $0x7FFFFFFF  }
0xc7: {  	_ =	shalt  }
tec
execute0_lowered:
.L_overlay_start_1:
0x0: {  	(tag) =	ssettag $0x1  }
0x1: {  	s1 =	rddreg [dreg:$0x0]  }
0x2: {  	s8 =	rddreg [dreg:$0x1]  }
0x3: {  	s16 =	stileid.u32;
	s9 =	rddreg [dreg:$0x2]  }
0x4: {  	s0 =	srdreg.scid;
	s4 =	rddreg [dreg:$0x3]  }
0x5: {  	s6 =	simm.s32 $0x0;
	s29 =	simm.s32 $0x4;
	s2 =	smul.u32 $0x68, s16  }
0x6: {  	s31 =	simm.s32 $0xB;
	s28 =	simm.s32 $0x5400;
	s5 =	smul.u32 $0x13C, s16  }
0x7: {  	s30 =	simm.s32 $0x4;
	s0 =	sand.u32 $0x1, s0;
	s10 =	smul.u32 $0x14000, s16  }
0x8: {  	[smem:$0x7FF] =	sst s6;
	s15 =	smul.u32 $0x50000, s16;
	p0 =	seq.s32 s0, $0x0  }
0x9: {  	s11 =	smul.u32 $0x140000, s0;
	s13 =	ssub.s32 $0x2, s0;
	s3 =	sadd.s32 $0x13C0, s2  }
0xa: {  	s14 =	sshrl.u32 s13, $0x1;
	s26 =	sshrl.u32 s15, $0x2;
	s3 =	smov.u32 @p0 s5  }
0xb: {  	s5 =	rddreg [dreg:$0x4];
	s11 =	sadd.s32 s10, s11;
	s10 =	sadd.s32 s10, s4  }
0xc: {  	_ =	strace $0x80000047;
	[dreg:$0x8] =	wrdreg s10;
	s10 =	sadd.s32 s26, s4  }
0xd: {  	s7 =	sadd.s32 $0xBE00, s8;
	s13 =	ssub.s32 s13, s14;
	s15 =	sadd.s32 $0x3000, s10  }
0xe: {  	s14 =	smul.u32 $0x280, s16;
	s16 =	sadd.s32 $0x4800, s10;
	[dreg:$0xa] =	wrdreg s15  }
0xf: {  	s0 =	smul.u32 $0x2800, s0;
	s17 =	sadd.s32 $0x6000, s10;
	[dreg:$0xb] =	wrdreg s16  }
0x10: {  	s2 =	smul.u32 $0x6, s3;
	s19 =	sadd.s32 $0x7800, s10;
	[dreg:$0xc] =	wrdreg s17  }
0x11: {  	s11 =	sshrl.u32 s11, $0x3;
	s20 =	sadd.s32 $0x9000, s10;
	[dreg:$0xd] =	wrdreg s19  }
0x12: {  	s21 =	smul.u32 $0x30, s3;
	s22 =	sadd.s32 $0xA800, s10;
	[dreg:$0xe] =	wrdreg s20  }
0x13: {  	s11 =	sadd.s32 s11, s8;
	s24 =	sadd.s32 $0xC000, s10;
	[dreg:$0x10] =	wrdreg s22  }
0x14: {  	s0 =	sadd.s32 s14, s0;
	s26 =	sadd.s32 $0xD800, s10;
	[dreg:$0x11] =	wrdreg s24  }
0x15: {  	s12 =	sadd.s32 s2, s8;
	[dreg:$0x12] =	wrdreg s26;
	s15 =	sadd.s32 $0x10800, s10  }
0x16: {  	s8 =	simm.s32 $0x13C;
	s16 =	sadd.s32 $0x12000, s10;
	[dreg:$0x14] =	wrdreg s15  }
0x17: {  	s0 =	sshrl.u32 s0, $0x3;
	s17 =	sadd.s32 $0x13800, s10;
	[dreg:$0x15] =	wrdreg s16  }
0x18: {  	s25 =	sshrl.u32 s21, $0x3;
	s24 =	sadd.s32 $0x16200, s11;
	[dreg:$0x16] =	wrdreg s17  }
0x19: {  	s2 =	sadd.s32 s7, s2;
	s11 =	simm.s32 $0x7;
	[dreg:$0x1f] =	wrdreg s24  }
0x1a: {  	s8 =	simm.s32 @!p0 $0x68;
	s12 =	sadd.s32 $0x1A00, s12;
	[dreg:$0x18] =	wrdreg s2  }
0x1b: {  	s0 =	sadd.s32 s9, s0;
	s26 =	sadd.s32 $0x6, s2;
	[dreg:$0x7] =	wrdreg s12  }
0x1c: {  	s15 =	simm.s32 $0xC0;
	s17 =	simm.s32 $0xE;
	[dreg:$0xf] =	wrdreg s0  }
0x1d: {  	s12 =	sadd.s32 $0x1800, s10;
	s18 =	sshrl.u32 s8, $0x2;
	[smem:$0x7FD] =	sst s26  }
0x1e: {  	s0 =	sadd.s32 s7, s25;
	s25 =	smax.u32 s13, $0x1;
	[dreg:$0x9] =	wrdreg s12  }
0x1f: {  	s12 =	smul.u32 $0x300, s18;
	s18 =	sadd.s32 s14, s5;
	[smem:$0x7FC] =	sst s25  }
0x20: {  	s16 =	simm.s32 $0x30;
	s19 =	sadd.s32 $0xC, s0;
	[dreg:$0x17] =	wrdreg s18  }
0x21: {  	s2 =	simm.s32 $0x1;
	s20 =	sadd.s32 $0x12, s0;
	[dreg:$0x19] =	wrdreg s19  }
0x22: {  	s24 =	simm.s32 $0x1DC00;
	s21 =	sadd.s32 $0x18, s0;
	[dreg:$0x1a] =	wrdreg s20  }
0x23: {  	s9 =	simm.s32 $0xC;
	s22 =	sadd.s32 $0x1E, s0;
	[dreg:$0x1b] =	wrdreg s21  }
0x24: {  	s13 =	simm.s32 $0xD;
	s26 =	simm.s32 $0x9;
	[dreg:$0x1c] =	wrdreg s22  }
0x25: {  	s19 =	simm.s32 $0x2;
	s20 =	simm.s32 $0x3;
	s23 =	sadd.s32 $0xFFFFFD00, s12  }
0x26: {  	s22 =	simm.s32 $0x5;
	s12 =	sadd.s32 $0xF000, s10;
	[dreg:$0x6] =	wrdreg s23  }
0x27: {  	s21 =	simm.s32 $0x90;
	[dreg:$0x13] =	wrdreg s12;
	s23 =	sadd.s32 $0x24, s0  }
0x28: {  	s0 =	sadd.s32 $0x2A, s0;
	s12 =	simm.s32 $0x8;
	[dreg:$0x1d] =	wrdreg s23  }
0x29: {  	v0 =	vimm.f32 $0.0e+00;
	v1 =	vimm.f32 $1.000000000e+00;
	[dreg:$0x1e] =	wrdreg s0;
	s0 =	simm.s32 $0x0;
	s23 =	simm.s32 $0x3  }
.LBB2_1:
0x2a: {  	[smem:$0x7FB] =	sst s0  }
0x2b: {  	s10 =	rddreg [dreg:$0x7]  }
0x2c: {  	[tilespmem:s15], [sflag:$0xE] =	stream.linear.gather [hbm4b:s10+s6], $0x3B40, $0x38;
	[tilespmem:$0x1E130] =	vst v63  }
0x2d: {  	s25 =	sand.u32 $0x7E00, s6;
	s14 =	sand.u32 $0x70, s6;
	_ =	swait.ge [sflag:s17], $0x3B40  }
0x2e: {  	s25 =	sshrl.u32 s25, $0x2;
	s10 =	simm.s32 $0x40;
	[sflag:s17] =	ssyncset.done $0x0  }
0x2f: {  	s25 =	sor.u32 s14, s25;
	s14 =	simm.s32 $0x0;
	[sflag:s17] =	ssyncadd.s32 $0xFFFFC4C0  }
.LBB2_2:
0x30: {  	p0 =	sne.s32 s10, $0x5FC0  }
0x31: {  	[tilespmem:s25+$0x3C00] =	vst v0;
	s14 =	sadd.s32 $0x10, s14;
	s25 =	smov.u32 s10;
	s10 =	sadd.s32 $0x40, s10  }
.Ltmp0:
0x32: {  	(pc) =	sbr.rel @p0 .LBB2_2-.Ltmp0, $4  }
0x33: {  	_ = 	snop  }
0x34: {  	s25 =	sand.u32 $0x7E00, s25  }
0x35: {  	s17 =	sand.u32 $0x70, s14;
	s25 =	sshrl.u32 s25, $0x2  }
0x36: {  	s25 =	sor.u32 s17, s25  }
0x37: {  	[tilespmem:s25+$0x3C00] =	vst v0;
	s10 =	rddreg [dreg:$0x8];
	s17 =	simm.s32 $0x3C00;
	s14 =	simm.s32 $0xE  }
0x38: {  	[spmem:s10] =	stream.linear.scatter [tilespmem:s17], [sflag:$0xE], $0x1800, $0x38;
	[tilespmem:$0x1E130] =	vst v63  }
0x39: {  	_ =	swait.ge [sflag:s14], $0x1800  }
0x3a: {  	[sflag:s14] =	ssyncset.done $0x0  }
0x3b: {  	s18 =	rddreg [dreg:$0x9];
	[sflag:s14] =	ssyncadd.s32 $0xFFFFE800  }
0x3c: {  	[spmem:s18] =	stream.linear.scatter [tilespmem:s17], [sflag:$0xE], $0x1800, $0x38;
	[tilespmem:$0x1E130] =	vst v63  }
0x3d: {  	_ =	swait.ge [sflag:s14], $0x1800  }
0x3e: {  	[sflag:s14] =	ssyncset.done $0x0  }
0x3f: {  	s25 =	rddreg [dreg:$0xa];
	[sflag:s14] =	ssyncadd.s32 $0xFFFFE800  }
0x40: {  	[spmem:s25] =	stream.linear.scatter [tilespmem:s17], [sflag:$0xE], $0x1800, $0x38;
	[tilespmem:$0x1E130] =	vst v63  }
0x41: {  	_ =	swait.ge [sflag:s14], $0x1800  }
0x42: {  	[sflag:s14] =	ssyncset.done $0x0  }
0x43: {  	s0 =	rddreg [dreg:$0xb];
	[sflag:s14] =	ssyncadd.s32 $0xFFFFE800  }
0x44: {  	[spmem:s0] =	stream.linear.scatter [tilespmem:s17], [sflag:$0xE], $0x1800, $0x38;
	[tilespmem:$0x1E130] =	vst v63  }
0x45: {  	_ =	swait.ge [sflag:s14], $0x1800  }
0x46: {  	[sflag:s14] =	ssyncset.done $0x0  }
0x47: {  	s18 =	rddreg [dreg:$0xc];
	[sflag:s14] =	ssyncadd.s32 $0xFFFFE800  }
0x48: {  	[spmem:s18] =	stream.linear.scatter [tilespmem:s17], [sflag:$0xE], $0x1800, $0x38;
	[tilespmem:$0x1E130] =	vst v63  }
0x49: {  	_ =	swait.ge [sflag:s14], $0x1800  }
0x4a: {  	[sflag:s14] =	ssyncset.done $0x0  }
0x4b: {  	s25 =	rddreg [dreg:$0xd];
	[sflag:s14] =	ssyncadd.s32 $0xFFFFE800  }
0x4c: {  	[spmem:s25] =	stream.linear.scatter [tilespmem:s17], [sflag:$0xE], $0x1800, $0x38;
	[tilespmem:$0x1E130] =	vst v63  }
0x4d: {  	_ =	swait.ge [sflag:s14], $0x1800  }
0x4e: {  	[sflag:s14] =	ssyncset.done $0x0  }
0x4f: {  	s0 =	rddreg [dreg:$0xe];
	[sflag:s14] =	ssyncadd.s32 $0xFFFFE800  }
0x50: {  	[spmem:s0] =	stream.linear.scatter [tilespmem:s17], [sflag:$0xE], $0x1800, $0x38;
	[tilespmem:$0x1E130] =	vst v63  }
0x51: {  	_ =	swait.ge [sflag:s14], $0x1800  }
0x52: {  	[sflag:s14] =	ssyncset.done $0x0  }
0x53: {  	s18 =	rddreg [dreg:$0x10];
	[sflag:s14] =	ssyncadd.s32 $0xFFFFE800  }
0x54: {  	[spmem:s18] =	stream.linear.scatter [tilespmem:s17], [sflag:$0xE], $0x1800, $0x38;
	[tilespmem:$0x1E130] =	vst v63  }
0x55: {  	_ =	swait.ge [sflag:s14], $0x1800  }
0x56: {  	[sflag:s14] =	ssyncset.done $0x0  }
0x57: {  	s25 =	rddreg [dreg:$0x11];
	[sflag:s14] =	ssyncadd.s32 $0xFFFFE800  }
0x58: {  	[spmem:s25] =	stream.linear.scatter [tilespmem:s17], [sflag:$0xE], $0x1800, $0x38;
	[tilespmem:$0x1E130] =	vst v63  }
0x59: {  	_ =	swait.ge [sflag:s14], $0x1800  }
0x5a: {  	[sflag:s14] =	ssyncset.done $0x0  }
0x5b: {  	s0 =	rddreg [dreg:$0x12];
	[sflag:s14] =	ssyncadd.s32 $0xFFFFE800  }
0x5c: {  	[spmem:s0] =	stream.linear.scatter [tilespmem:s17], [sflag:$0xE], $0x1800, $0x38;
	[tilespmem:$0x1E130] =	vst v63  }
0x5d: {  	_ =	swait.ge [sflag:s14], $0x1800  }
0x5e: {  	[sflag:s14] =	ssyncset.done $0x0  }
0x5f: {  	s18 =	rddreg [dreg:$0x13];
	[sflag:s14] =	ssyncadd.s32 $0xFFFFE800  }
0x60: {  	[spmem:s18] =	stream.linear.scatter [tilespmem:s17], [sflag:$0xE], $0x1800, $0x38;
	[tilespmem:$0x1E130] =	vst v63  }
0x61: {  	_ =	swait.ge [sflag:s14], $0x1800  }
0x62: {  	[sflag:s14] =	ssyncset.done $0x0  }
0x63: {  	s25 =	rddreg [dreg:$0x14];
	[sflag:s14] =	ssyncadd.s32 $0xFFFFE800  }
0x64: {  	[spmem:s25] =	stream.linear.scatter [tilespmem:s17], [sflag:$0xE], $0x1800, $0x38;
	[tilespmem:$0x1E130] =	vst v63  }
0x65: {  	_ =	swait.ge [sflag:s14], $0x1800  }
0x66: {  	[sflag:s14] =	ssyncset.done $0x0  }
0x67: {  	s0 =	rddreg [dreg:$0x15];
	[sflag:s14] =	ssyncadd.s32 $0xFFFFE800  }
0x68: {  	[spmem:s0] =	stream.linear.scatter [tilespmem:s17], [sflag:$0xE], $0x1800, $0x38;
	[tilespmem:$0x1E130] =	vst v63  }
0x69: {  	_ =	swait.ge [sflag:s14], $0x1800  }
0x6a: {  	[sflag:s14] =	ssyncset.done $0x0  }
0x6b: {  	s18 =	rddreg [dreg:$0x16];
	[sflag:s14] =	ssyncadd.s32 $0xFFFFE800  }
0x6c: {  	[spmem:s18] =	stream.linear.scatter [tilespmem:s17], [sflag:$0xE], $0x800, $0x38;
	[tilespmem:$0x1E130] =	vst v63  }
0x6d: {  	_ =	swait.ge [sflag:s14], $0x800  }
0x6e: {  	[sflag:s14] =	ssyncset.done $0x0  }
0x6f: {  	[sflag:s14] =	ssyncadd.s32 $0xFFFFF800  }
0x70: {  	[tilespmem:$0x1DC00] =	vst v1  }
0x71: {  	[tilespmem:$0x1DC10] =	vst v1  }
0x72: {  	[tilespmem:$0x1DC20] =	vst v1  }
0x73: {  	[tilespmem:$0x1DC30] =	vst v0  }
0x74: {  	[tilespmem:$0x1DC40] =	vst v0  }
0x75: {  	[tilespmem:$0x1DC50] =	vst v0  }
0x76: {  	[tilespmem:$0x1DC60] =	vst v0  }
0x77: {  	[tilespmem:$0x1DC70] =	vst v0  }
0x78: {  	[tilespmem:$0x1DC80] =	vst v0  }
0x79: {  	[tilespmem:$0x1DC90] =	vst v0  }
0x7a: {  	[tilespmem:$0x1DCA0] =	vst v0  }
0x7b: {  	[tilespmem:$0x1DCB0] =	vst v0  }
0x7c: {  	[tilespmem:$0x1DCC0] =	vst v0  }
0x7d: {  	[tilespmem:$0x1DCD0] =	vst v0  }
0x7e: {  	[tilespmem:$0x1DCE0] =	vst v0  }
0x7f: {  	[tilespmem:$0x1DCF0] =	vst v0  }
0x80: {  	[tilespmem:$0x1DD00] =	vst v0  }
0x81: {  	[tilespmem:$0x1DD10] =	vst v0  }
0x82: {  	[tilespmem:$0x1DD20] =	vst v0  }
0x83: {  	[tilespmem:$0x1DD30] =	vst v0  }
0x84: {  	[tilespmem:$0x1DD40] =	vst v0  }
0x85: {  	[tilespmem:$0x1DD50] =	vst v0  }
0x86: {  	[tilespmem:$0x1DD60] =	vst v0  }
0x87: {  	[tilespmem:$0x1DD70] =	vst v0  }
0x88: {  	[tilespmem:$0x1DD80] =	vst v0  }
0x89: {  	[tilespmem:$0x1DD90] =	vst v0  }
0x8a: {  	[tilespmem:$0x1DDA0] =	vst v0  }
0x8b: {  	[tilespmem:$0x1DDB0] =	vst v0  }
0x8c: {  	[tilespmem:$0x1DDC0] =	vst v0  }
0x8d: {  	[tilespmem:$0x1DDD0] =	vst v0  }
0x8e: {  	[tilespmem:$0x1DDE0] =	vst v0  }
0x8f: {  	[tilespmem:$0x1DDF0] =	vst v0  }
0x90: {  	[tilespmem:$0x1DE00] =	vst v0  }
0x91: {  	[tilespmem:$0x1DE10] =	vst v0  }
0x92: {  	[tilespmem:$0x1DE20] =	vst v0  }
0x93: {  	[tilespmem:$0x1DE30] =	vst v0  }
0x94: {  	[tilespmem:$0x1DE40] =	vst v0  }
0x95: {  	[tilespmem:$0x1DE50] =	vst v0  }
0x96: {  	[tilespmem:$0x1DE60] =	vst v0  }
0x97: {  	[tilespmem:$0x1DE70] =	vst v0  }
0x98: {  	[tilespmem:$0x1DE80] =	vst v0  }
0x99: {  	[tilespmem:$0x1DE90] =	vst v0  }
0x9a: {  	s18 =	simm.s32 $0x1DC30;
	s25 =	rddreg [dreg:$0x17];
	[tilespmem:$0x1DEA0] =	vst v0  }
0x9b: {  	[spmem:s25] =	stream.linear.scatter [tilespmem:s18], [sflag:$0xE], $0x280, $0x38;
	[tilespmem:$0x1E130] =	vst v63  }
0x9c: {  	_ =	swait.ge [sflag:s14], $0x280  }
0x9d: {  	[sflag:s14] =	ssyncset.done $0x0  }
0x9e: {  	[sflag:s14] =	ssyncadd.s32 $0xFFFFFD80  }
0x9f: {  	[bflag:$0x0] =	sbarrier.arrive $0xFFFF  }
0xa0: {  	s0 =	rddreg [dreg:$0x18]  }
0xa1: {  	s10 =	simm.s32 $0x0;
	s18 =	sld [smem:$0x7FD]  }
0xa2: {  	[tilespmem:s10], [sflag:$0x1] =	stream.linear.gather [hbm4b:s0+s10], $0x30, $0x38;
	[tilespmem:$0x1E130] =	vst v63  }
0xa3: {  	_ = 	snop  }
0xa4: {  	[tilespmem:s16], [sflag:$0x2] =	stream.linear.gather [hbm4b:s18+s10], $0x30, $0x38;
	[tilespmem:$0x1E130] =	vst v63  }
0xa5: {  	s25 =	rddreg [dreg:$0x19];
	s18 =	simm.s32 $0x60  }
0xa6: {  	[tilespmem:s18], [sflag:$0x3] =	stream.linear.gather [hbm4b:s25+s10], $0x30, $0x38;
	[tilespmem:$0x1E130] =	vst v63  }
0xa7: {  	s0 =	rddreg [dreg:$0x1a]  }
0xa8: {  	[tilespmem:s21], [sflag:$0x4] =	stream.linear.gather [hbm4b:s0+s10], $0x30, $0x38;
	[tilespmem:$0x1E130] =	vst v63  }
0xa9: {  	_ =	swait.ge [sflag:s2], $0x30  }
0xaa: {  	[sflag:s2] =	ssyncset.done $0x0  }
0xab: {  	[sflag:s2] =	ssyncadd.s32 $0xFFFFFFD0  }
0xac: {  	[tilespmem:s17], [sflag:$0x5] =	stream.indirect.gather [hbm4b:s1+s16], $0x80, s10, s16, $0xb8;
	[tilespmem:$0x1E130] =	vst v63  }
0xad: {  	_ =	swait.ge [sflag:s19], $0x30  }
0xae: {  	[sflag:s19] =	ssyncset.done $0x0  }
0xaf: {  	[sflag:s19] =	ssyncadd.s32 $0xFFFFFFD0  }
0xb0: {  	[tilespmem:s28], [sflag:$0x6] =	stream.indirect.gather [hbm4b:s1+s16], $0x80, s16, s16, $0xb8;
	[tilespmem:$0x1E130] =	vst v63  }
0xb1: {  	_ =	swait.ge [sflag:s20], $0x30  }
0xb2: {  	[sflag:s20] =	ssyncset.done $0x0  }
0xb3: {  	[sflag:s20] =	ssyncadd.s32 $0xFFFFFFD0  }
0xb4: {  	_ =	swait.ge [sflag:s22], $0x1800  }
0xb5: {  	[sflag:s22] =	ssyncset.done $0x0  }
0xb6: {  	[sflag:s22] =	ssyncadd.s32 $0xFFFFE800  }
0xb7: {  	[spmem:s4] =	stream.indirect.scatter.add.f32 [tilespmem:s17], [sflag:$0x9], $0x80, s15, s16, $0xb8;
	[tilespmem:$0x1E130] =	vst v63  }
0xb8: {  	_ = 	snop  }
0xb9: {  	[spmem:s5] =	stream.indirect.scatter.add.f32 [tilespmem:s24], [sflag:$0xD], $0x1, s15, s16, $0xb8;
	[tilespmem:$0x1E130] =	vst v63  }
0xba: {  	s2 =	simm.s32 $0x6C00  }
0xbb: {  	[tilespmem:s2], [sflag:$0x7] =	stream.indirect.gather [hbm4b:s1+s16], $0x80, s18, s16, $0xb8;
	[tilespmem:$0x1E130] =	vst v63  }
0xbc: {  	s22 =	rddreg [dreg:$0x1b]  }
0xbd: {  	[tilespmem:s10], [sflag:$0x1] =	stream.linear.gather [hbm4b:s22+s10], $0x30, $0x38;
	[tilespmem:$0x1E130] =	vst v63  }
0xbe: {  	_ =	swait.ge [sflag:s29], $0x30  }
0xbf: {  	[sflag:s29] =	ssyncset.done $0x0  }
0xc0: {  	s0 =	simm.s32 $0x6;
	[sflag:s29] =	ssyncadd.s32 $0xFFFFFFD0  }
0xc1: {  	_ =	swait.ge [sflag:s0], $0x1800  }
0xc2: {  	[sflag:s0] =	ssyncset.done $0x0  }
0xc3: {  	s25 =	simm.s32 $0xF0;
	[sflag:s0] =	ssyncadd.s32 $0xFFFFE800  }
0xc4: {  	[spmem:s4] =	stream.indirect.scatter.add.f32 [tilespmem:s28], [sflag:$0xA], $0x80, s25, s16, $0xb8;
	[tilespmem:$0x1E130] =	vst v63  }
0xc5: {  	_ = 	snop  }
0xc6: {  	[spmem:s5] =	stream.indirect.scatter.add.f32 [tilespmem:s24], [sflag:$0xD], $0x1, s25, s16, $0xb8;
	[tilespmem:$0x1E130] =	vst v63  }
0xc7: {  	s19 =	simm.s32 $0x8400  }
0xc8: {  	[tilespmem:s19], [sflag:$0x8] =	stream.indirect.gather [hbm4b:s1+s16], $0x80, s21, s16, $0xb8;
	[tilespmem:$0x1E130] =	vst v63  }
0xc9: {  	s20 =	simm.s32 $0x1;
	s15 =	rddreg [dreg:$0x1c]  }
0xca: {  	[tilespmem:s16], [sflag:$0x2] =	stream.linear.gather [hbm4b:s15+s10], $0x30, $0x38;
	[tilespmem:$0x1E130] =	vst v63  }
0xcb: {  	_ =	swait.ge [sflag:s20], $0x30  }
0xcc: {  	[sflag:s20] =	ssyncset.done $0x0  }
0xcd: {  	[sflag:s20] =	ssyncadd.s32 $0xFFFFFFD0  }
0xce: {  	_ =	swait.ge [sflag:s11], $0x1800  }
0xcf: {  	[sflag:s11] =	ssyncset.done $0x0  }
0xd0: {  	s25 =	simm.s32 $0x120;
	[sflag:s11] =	ssyncadd.s32 $0xFFFFE800  }
0xd1: {  	[spmem:s4] =	stream.indirect.scatter.add.f32 [tilespmem:s2], [sflag:$0xB], $0x80, s25, s16, $0xb8;
	[tilespmem:$0x1E130] =	vst v63  }
0xd2: {  	_ = 	snop  }
0xd3: {  	[spmem:s5] =	stream.indirect.scatter.add.f32 [tilespmem:s24], [sflag:$0xD], $0x1, s25, s16, $0xb8;
	[tilespmem:$0x1E130] =	vst v63  }
0xd4: {  	_ =	swait.ge [sflag:s26], $0x1800  }
0xd5: {  	[sflag:s26] =	ssyncset.done $0x0  }
0xd6: {  	[sflag:s26] =	ssyncadd.s32 $0xFFFFE800  }
0xd7: {  	[tilespmem:s17], [sflag:$0x5] =	stream.indirect.gather [hbm4b:s1+s16], $0x80, s10, s16, $0xb8;
	[tilespmem:$0x1E130] =	vst v63  }
0xd8: {  	s22 =	simm.s32 $0x2;
	s15 =	rddreg [dreg:$0x1d]  }
0xd9: {  	[tilespmem:s18], [sflag:$0x3] =	stream.linear.gather [hbm4b:s15+s10], $0x30, $0x38;
	[tilespmem:$0x1E130] =	vst v63  }
0xda: {  	_ =	swait.ge [sflag:s22], $0x30  }
0xdb: {  	[sflag:s22] =	ssyncset.done $0x0  }
0xdc: {  	s14 =	simm.s32 $0x8;
	[sflag:s22] =	ssyncadd.s32 $0xFFFFFFD0  }
0xdd: {  	_ =	swait.ge [sflag:s14], $0x1800  }
0xde: {  	[sflag:s14] =	ssyncset.done $0x0  }
0xdf: {  	s17 =	simm.s32 $0x150;
	[sflag:s14] =	ssyncadd.s32 $0xFFFFE800  }
0xe0: {  	[spmem:s4] =	stream.indirect.scatter.add.f32 [tilespmem:s19], [sflag:$0xC], $0x80, s17, s16, $0xb8;
	[tilespmem:$0x1E130] =	vst v63  }
0xe1: {  	_ = 	snop  }
0xe2: {  	[spmem:s5] =	stream.indirect.scatter.add.f32 [tilespmem:s24], [sflag:$0xD], $0x1, s17, s16, $0xb8;
	[tilespmem:$0x1E130] =	vst v63  }
0xe3: {  	s17 =	simm.s32 $0xA  }
0xe4: {  	_ =	swait.ge [sflag:s17], $0x1800  }
0xe5: {  	[sflag:s17] =	ssyncset.done $0x0  }
0xe6: {  	[sflag:s17] =	ssyncadd.s32 $0xFFFFE800  }
0xe7: {  	[tilespmem:s28], [sflag:$0x6] =	stream.indirect.gather [hbm4b:s1+s16], $0x80, s16, s16, $0xb8;
	[tilespmem:$0x1E130] =	vst v63  }
0xe8: {  	s25 =	rddreg [dreg:$0x1e]  }
0xe9: {  	[tilespmem:s21], [sflag:$0x4] =	stream.linear.gather [hbm4b:s25+s10], $0x30, $0x38;
	[tilespmem:$0x1E130] =	vst v63  }
0xea: {  	_ =	swait.ge [sflag:s23], $0x30  }
0xeb: {  	(drf) =	srem.u32 s14, s8;
	[sflag:s23] =	ssyncset.done $0x0  }
0xec: {  	s29 =	simm.s32 $0x5;
	[sflag:s23] =	ssyncadd.s32 $0xFFFFFFD0  }
0xed: {  	_ =	swait.ge [sflag:s29], $0x1800  }
0xee: {  	[sflag:s29] =	ssyncset.done $0x0  }
0xef: {  	s15 =	simm.s32 $0x3C00;
	s14 =	simm.s32 $0x180;
	[sflag:s29] =	ssyncadd.s32 $0xFFFFE800  }
0xf0: {  	[spmem:s4] =	stream.indirect.scatter.add.f32 [tilespmem:s15], [sflag:$0x9], $0x80, s14, s16, $0xb8;
	[tilespmem:$0x1E130] =	vst v63  }
0xf1: {  	_ = 	snop  }
0xf2: {  	[spmem:s5] =	stream.indirect.scatter.add.f32 [tilespmem:s24], [sflag:$0xD], $0x1, s14, s16, $0xb8;
	[tilespmem:$0x1E130] =	vst v63  }
0xf3: {  	_ =	swait.ge [sflag:s31], $0x1800  }
0xf4: {  	s25 =	spop (drf)  }
0xf5: {  	[sflag:s31] =	ssyncset.done $0x0;
	s10 =	sadd.s32 s3, s25  }
0xf6: {  	[sflag:s31] =	ssyncadd.s32 $0xFFFFE800;
	s10 =	smul.u32 $0x6, s10  }
0xf7: {  	[tilespmem:s2], [sflag:$0x7] =	stream.indirect.gather [hbm4b:s1+s16], $0x80, s18, s16, $0xb8;
	[tilespmem:$0x1E130] =	vst v63  }
0xf8: {  	s10 =	sadd.s32 s7, s10  }
0xf9: {  	[tilespmem:s6], [sflag:$0x1] =	stream.linear.gather [hbm4b:s10+s6], $0x30, $0x38;
	[tilespmem:$0x1E130] =	vst v63  }
0xfa: {  	s14 =	simm.s32 $0x9;
	_ =	swait.ge [sflag:s30], $0x30  }
0xfb: {  	(drf) =	srem.u32 s14, s8;
	[sflag:s30] =	ssyncset.done $0x0  }
0xfc: {  	[sflag:s30] =	ssyncadd.s32 $0xFFFFFFD0  }
0xfd: {  	_ =	swait.ge [sflag:s0], $0x1800  }
0xfe: {  	[sflag:s0] =	ssyncset.done $0x0  }
0xff: {  	s25 =	simm.s32 $0x1B0;
	[sflag:s0] =	ssyncadd.s32 $0xFFFFE800  }
0x100: {  	[spmem:s4] =	stream.indirect.scatter.add.f32 [tilespmem:s28], [sflag:$0xA], $0x80, s25, s16, $0xb8;
	[tilespmem:$0x1E130] =	vst v63  }
0x101: {  	_ = 	snop  }
0x102: {  	[spmem:s5] =	stream.indirect.scatter.add.f32 [tilespmem:s24], [sflag:$0xD], $0x1, s25, s16, $0xb8;
	[tilespmem:$0x1E130] =	vst v63  }
0x103: {  	_ =	swait.ge [sflag:s9], $0x1800  }
0x104: {  	s14 =	spop (drf)  }
0x105: {  	[sflag:s9] =	ssyncset.done $0x0;
	s10 =	sadd.s32 s3, s14  }
0x106: {  	[sflag:s9] =	ssyncadd.s32 $0xFFFFE800;
	s10 =	smul.u32 $0x6, s10  }
0x107: {  	[tilespmem:s19], [sflag:$0x8] =	stream.indirect.gather [hbm4b:s1+s16], $0x80, s21, s16, $0xb8;
	[tilespmem:$0x1E130] =	vst v63  }
0x108: {  	s10 =	sadd.s32 s7, s10  }
0x109: {  	[tilespmem:s16], [sflag:$0x2] =	stream.linear.gather [hbm4b:s10+s6], $0x30, $0x38;
	[tilespmem:$0x1E130] =	vst v63  }
0x10a: {  	s25 =	simm.s32 $0xA;
	_ =	swait.ge [sflag:s20], $0x30  }
0x10b: {  	(drf) =	srem.u32 s25, s8;
	[sflag:s20] =	ssyncset.done $0x0  }
0x10c: {  	[sflag:s20] =	ssyncadd.s32 $0xFFFFFFD0  }
0x10d: {  	_ =	swait.ge [sflag:s11], $0x1800  }
0x10e: {  	[sflag:s11] =	ssyncset.done $0x0  }
0x10f: {  	s14 =	simm.s32 $0x1E0;
	[sflag:s11] =	ssyncadd.s32 $0xFFFFE800  }
0x110: {  	[spmem:s4] =	stream.indirect.scatter.add.f32 [tilespmem:s2], [sflag:$0xB], $0x80, s14, s16, $0xb8;
	[tilespmem:$0x1E130] =	vst v63  }
0x111: {  	_ = 	snop  }
0x112: {  	[spmem:s5] =	stream.indirect.scatter.add.f32 [tilespmem:s24], [sflag:$0xD], $0x1, s14, s16, $0xb8;
	[tilespmem:$0x1E130] =	vst v63  }
0x113: {  	_ =	swait.ge [sflag:s26], $0x1800  }
0x114: {  	s25 =	spop (drf)  }
0x115: {  	[sflag:s26] =	ssyncset.done $0x0;
	s10 =	sadd.s32 s3, s25  }
0x116: {  	[sflag:s26] =	ssyncadd.s32 $0xFFFFE800;
	s10 =	smul.u32 $0x6, s10  }
0x117: {  	[tilespmem:s15], [sflag:$0x5] =	stream.indirect.gather [hbm4b:s1+s16], $0x80, s6, s16, $0xb8;
	[tilespmem:$0x1E130] =	vst v63  }
0x118: {  	s10 =	sadd.s32 s7, s10  }
0x119: {  	[tilespmem:s18], [sflag:$0x3] =	stream.linear.gather [hbm4b:s10+s6], $0x30, $0x38;
	[tilespmem:$0x1E130] =	vst v63  }
0x11a: {  	_ =	swait.ge [sflag:s22], $0x30  }
0x11b: {  	s14 =	simm.s32 $0xB;
	[sflag:s22] =	ssyncset.done $0x0  }
0x11c: {  	(drf) =	srem.u32 s14, s8;
	[sflag:s22] =	ssyncadd.s32 $0xFFFFFFD0  }
0x11d: {  	_ =	swait.ge [sflag:s12], $0x1800  }
0x11e: {  	[sflag:s12] =	ssyncset.done $0x0  }
0x11f: {  	s25 =	simm.s32 $0x210;
	[sflag:s12] =	ssyncadd.s32 $0xFFFFE800  }
0x120: {  	[spmem:s4] =	stream.indirect.scatter.add.f32 [tilespmem:s19], [sflag:$0xC], $0x80, s25, s16, $0xb8;
	[tilespmem:$0x1E130] =	vst v63  }
0x121: {  	_ = 	snop  }
0x122: {  	[spmem:s5] =	stream.indirect.scatter.add.f32 [tilespmem:s24], [sflag:$0xD], $0x1, s25, s16, $0xb8;
	[tilespmem:$0x1E130] =	vst v63  }
0x123: {  	_ =	swait.ge [sflag:s17], $0x1800  }
0x124: {  	s25 =	rddreg [dreg:$0x6]  }
0x125: {  	p0 =	sne.s32 s25, $0x300  }
.Ltmp1:
0x126: {  	s14 =	spop (drf);
	(pc) =	sbr.rel @!p0 .LBB2_5-.Ltmp1, $4  }
0x127: {  	[sflag:s17] =	ssyncset.done $0x0;
	s10 =	sadd.s32 s3, s14  }
0x128: {  	[sflag:s17] =	ssyncadd.s32 $0xFFFFE800;
	s10 =	smul.u32 $0x6, s10  }
0x129: {  	[tilespmem:s28], [sflag:$0x6] =	stream.indirect.gather [hbm4b:s1+s16], $0x80, s16, s16, $0xb8;
	[tilespmem:$0x1E130] =	vst v63  }
0x12a: {  	s25 =	simm.s32 $0x300;
	s14 =	sadd.s32 s7, s10;
	s10 =	simm.s32 $0xC  }
.LBB2_4:
0x12b: {  	[tilespmem:s21], [sflag:$0x4] =	stream.linear.gather [hbm4b:s14+s6], $0x30, $0x38;
	[tilespmem:$0x1E130] =	vst v63  }
0x12c: {  	_ =	swait.ge [sflag:s23], $0x30  }
0x12d: {  	(drf) =	srem.u32 s10, s8;
	[sflag:s23] =	ssyncset.done $0x0  }
0x12e: {  	[sflag:s23] =	ssyncadd.s32 $0xFFFFFFD0  }
0x12f: {  	s17 =	smov.u32 s25;
	_ =	swait.ge [sflag:s29], $0x1800  }
0x130: {  	s14 =	sshra.s32 s17, $0x2;
	[sflag:s29] =	ssyncset.done $0x0  }
0x131: {  	s17 =	sadd.s32 $0x180, s14;
	[sflag:s29] =	ssyncadd.s32 $0xFFFFE800  }
0x132: {  	[spmem:s4] =	stream.indirect.scatter.add.f32 [tilespmem:s15], [sflag:$0x9], $0x80, s17, s16, $0xb8;
	[tilespmem:$0x1E130] =	vst v63  }
0x133: {  	_ = 	snop  }
0x134: {  	[spmem:s5] =	stream.indirect.scatter.add.f32 [tilespmem:s24], [sflag:$0xD], $0x1, s17, s16, $0xb8;
	[tilespmem:$0x1E130] =	vst v63  }
0x135: {  	_ =	swait.ge [sflag:s31], $0x1800  }
0x136: {  	s15 =	spop (drf)  }
0x137: {  	[sflag:s31] =	ssyncset.done $0x0;
	s17 =	sadd.s32 s3, s15  }
0x138: {  	[sflag:s31] =	ssyncadd.s32 $0xFFFFE800;
	s17 =	smul.u32 $0x6, s17  }
0x139: {  	[tilespmem:s2], [sflag:$0x7] =	stream.indirect.gather [hbm4b:s1+s16], $0x80, s18, s16, $0xb8;
	[tilespmem:$0x1E130] =	vst v63  }
0x13a: {  	s17 =	sadd.s32 s7, s17  }
0x13b: {  	[tilespmem:s6], [sflag:$0x1] =	stream.linear.gather [hbm4b:s17+s6], $0x30, $0x38;
	[tilespmem:$0x1E130] =	vst v63  }
0x13c: {  	s15 =	sadd.s32 $0x1, s10;
	_ =	swait.ge [sflag:s30], $0x30  }
0x13d: {  	(drf) =	srem.u32 s15, s8;
	[sflag:s30] =	ssyncset.done $0x0  }
0x13e: {  	[sflag:s30] =	ssyncadd.s32 $0xFFFFFFD0  }
0x13f: {  	_ =	swait.ge [sflag:s0], $0x1800  }
0x140: {  	[sflag:s0] =	ssyncset.done $0x0  }
0x141: {  	s17 =	sadd.s32 $0x1B0, s14;
	[sflag:s0] =	ssyncadd.s32 $0xFFFFE800  }
0x142: {  	[spmem:s4] =	stream.indirect.scatter.add.f32 [tilespmem:s28], [sflag:$0xA], $0x80, s17, s16, $0xb8;
	[tilespmem:$0x1E130] =	vst v63  }
0x143: {  	_ = 	snop  }
0x144: {  	[spmem:s5] =	stream.indirect.scatter.add.f32 [tilespmem:s24], [sflag:$0xD], $0x1, s17, s16, $0xb8;
	[tilespmem:$0x1E130] =	vst v63  }
0x145: {  	_ =	swait.ge [sflag:s9], $0x1800  }
0x146: {  	s17 =	spop (drf)  }
0x147: {  	[sflag:s9] =	ssyncset.done $0x0;
	s15 =	sadd.s32 s3, s17  }
0x148: {  	[sflag:s9] =	ssyncadd.s32 $0xFFFFE800;
	s15 =	smul.u32 $0x6, s15  }
0x149: {  	[tilespmem:s19], [sflag:$0x8] =	stream.indirect.gather [hbm4b:s1+s16], $0x80, s21, s16, $0xb8;
	[tilespmem:$0x1E130] =	vst v63  }
0x14a: {  	s15 =	sadd.s32 s7, s15  }
0x14b: {  	[tilespmem:s16], [sflag:$0x2] =	stream.linear.gather [hbm4b:s15+s6], $0x30, $0x38;
	[tilespmem:$0x1E130] =	vst v63  }
0x14c: {  	s17 =	sadd.s32 $0x2, s10;
	_ =	swait.ge [sflag:s20], $0x30  }
0x14d: {  	(drf) =	srem.u32 s17, s8;
	[sflag:s20] =	ssyncset.done $0x0  }
0x14e: {  	[sflag:s20] =	ssyncadd.s32 $0xFFFFFFD0  }
0x14f: {  	_ =	swait.ge [sflag:s11], $0x1800  }
0x150: {  	[sflag:s11] =	ssyncset.done $0x0  }
0x151: {  	s17 =	sadd.s32 $0x1E0, s14;
	[sflag:s11] =	ssyncadd.s32 $0xFFFFE800  }
0x152: {  	[spmem:s4] =	stream.indirect.scatter.add.f32 [tilespmem:s2], [sflag:$0xB], $0x80, s17, s16, $0xb8;
	[tilespmem:$0x1E130] =	vst v63  }
0x153: {  	_ = 	snop  }
0x154: {  	[spmem:s5] =	stream.indirect.scatter.add.f32 [tilespmem:s24], [sflag:$0xD], $0x1, s17, s16, $0xb8;
	[tilespmem:$0x1E130] =	vst v63  }
0x155: {  	_ =	swait.ge [sflag:s26], $0x1800  }
0x156: {  	s17 =	spop (drf)  }
0x157: {  	[sflag:s26] =	ssyncset.done $0x0;
	s15 =	sadd.s32 s3, s17  }
0x158: {  	s18 =	simm.s32 $0x3C00;
	[sflag:s26] =	ssyncadd.s32 $0xFFFFE800;
	s15 =	smul.u32 $0x6, s15  }
0x159: {  	[tilespmem:s18], [sflag:$0x5] =	stream.indirect.gather [hbm4b:s1+s16], $0x80, s6, s16, $0xb8;
	[tilespmem:$0x1E130] =	vst v63  }
0x15a: {  	s18 =	simm.s32 $0x60;
	s15 =	sadd.s32 s7, s15  }
0x15b: {  	[tilespmem:s18], [sflag:$0x3] =	stream.linear.gather [hbm4b:s15+s6], $0x30, $0x38;
	[tilespmem:$0x1E130] =	vst v63  }
0x15c: {  	s17 =	sadd.s32 $0x3, s10;
	_ =	swait.ge [sflag:s22], $0x30  }
0x15d: {  	(drf) =	srem.u32 s17, s8;
	[sflag:s22] =	ssyncset.done $0x0  }
0x15e: {  	[sflag:s22] =	ssyncadd.s32 $0xFFFFFFD0  }
0x15f: {  	_ =	swait.ge [sflag:s12], $0x1800  }
0x160: {  	[sflag:s12] =	ssyncset.done $0x0  }
0x161: {  	s14 =	sadd.s32 $0x210, s14;
	[sflag:s12] =	ssyncadd.s32 $0xFFFFE800  }
0x162: {  	[spmem:s4] =	stream.indirect.scatter.add.f32 [tilespmem:s19], [sflag:$0xC], $0x80, s14, s16, $0xb8;
	[tilespmem:$0x1E130] =	vst v63  }
0x163: {  	s17 =	simm.s32 $0xA  }
0x164: {  	[spmem:s5] =	stream.indirect.scatter.add.f32 [tilespmem:s24], [sflag:$0xD], $0x1, s14, s16, $0xb8;
	[tilespmem:$0x1E130] =	vst v63  }
0x165: {  	_ =	swait.ge [sflag:s17], $0x1800  }
0x166: {  	s15 =	spop (drf)  }
0x167: {  	s25 =	sadd.s32 $0x300, s25;
	s14 =	sadd.s32 s3, s15;
	s15 =	rddreg [dreg:$0x6]  }
0x168: {  	p0 =	sne.s32 s15, s25  }
.Ltmp2:
0x169: {  	_ = 	snop;
	(pc) =	sbr.rel @p0 .LBB2_4-.Ltmp2, $4  }
0x16a: {  	[sflag:s17] =	ssyncset.done $0x0  }
0x16b: {  	[sflag:s17] =	ssyncadd.s32 $0xFFFFE800;
	s14 =	smul.u32 $0x6, s14  }
0x16c: {  	[tilespmem:s28], [sflag:$0x6] =	stream.indirect.gather [hbm4b:s1+s16], $0x80, s16, s16, $0xb8;
	[tilespmem:$0x1E130] =	vst v63  }
0x16d: {  	s10 =	sadd.s32 $0x4, s10;
	s15 =	simm.s32 $0x3C00;
	s14 =	sadd.s32 s7, s14  }
.LBB2_5:
0x16e: {  	[tilespmem:s21], [sflag:$0x4] =	stream.linear.gather [hbm4b:s14+s6], $0x30, $0x38;
	[tilespmem:$0x1E130] =	vst v63  }
0x16f: {  	_ =	swait.ge [sflag:s29], $0x1800  }
0x170: {  	[sflag:s29] =	ssyncset.done $0x0  }
0x171: {  	[sflag:s29] =	ssyncadd.s32 $0xFFFFE800  }
0x172: {  	_ =	swait.ge [sflag:s0], $0x1800  }
0x173: {  	[sflag:s0] =	ssyncset.done $0x0  }
0x174: {  	[sflag:s0] =	ssyncadd.s32 $0xFFFFE800  }
0x175: {  	_ =	swait.ge [sflag:s31], $0x1800  }
0x176: {  	[sflag:s31] =	ssyncset.done $0x0  }
0x177: {  	[sflag:s31] =	ssyncadd.s32 $0xFFFFE800  }
0x178: {  	_ =	swait.ge [sflag:s9], $0x1800  }
0x179: {  	[sflag:s9] =	ssyncset.done $0x0  }
0x17a: {  	[sflag:s9] =	ssyncadd.s32 $0xFFFFE800  }
0x17b: {  	_ =	swait.ge [sflag:s23], $0x30  }
0x17c: {  	[sflag:s23] =	ssyncset.done $0x0  }
0x17d: {  	p0 =	sne.s32 s8, $0x1;
	[sflag:s23] =	ssyncadd.s32 $0xFFFFFFD0  }
.Ltmp3:
0x17e: {  	_ =	swait.ge [sflag:s30], $0x30;
	(pc) =	sbr.rel @!p0 .LBB2_7-.Ltmp3, $4  }
0x17f: {  	[sflag:s30] =	ssyncset.done $0x0  }
0x180: {  	[sflag:s30] =	ssyncadd.s32 $0xFFFFFFD0  }
0x181: {  	s10 =	sadd.s32 $0xFFFFFFFF, s8;
	s20 =	simm.s32 $0x3;
	_ =	swait.ge [sflag:s13], $0x30  }
0x182: {  	s22 =	simm.s32 $0x5;
	s29 =	simm.s32 $0x4;
	[sflag:s13] =	ssyncset.done $0x0  }
.LBB2_6:
0x183: {  	p0 =	sne.s32 s10, $0x1;
	s10 =	sadd.s32 $0xFFFFFFFF, s10;
	[sflag:s13] =	ssyncadd.s32 $0xFFFFFFD0  }
.Ltmp4:
0x184: {  	(pc) =	sbr.rel @p0 .LBB2_6-.Ltmp4, $3  }
0x185: {  	_ =	sdelay $0x1  }
0x186: {  	_ =	swait.ge [sflag:s13], $0x30  }
0x187: {  	[sflag:s13] =	ssyncset.done $0x0  }
.LBB2_7:
0x188: {  	[sflag:s13] =	ssyncadd.s32 $0xFFFFFFD0  }
0x189: {  	s10 =	stileid.u32;
	[bflag:$0x0] =	sbarrier.arrive $0xFFFF  }
0x18a: {  	s17 =	simm.s32 $0xE;
	s10 =	sshll.u32 s10, $0x6;
	s14 =	rddreg [dreg:$0x8]  }
0x18b: {  	s10 =	sor.u32 $0x1C0E, s10;
	s15 =	rddreg [dreg:$0x1f];
	s14 =	sshrl.u32 s14, $0x3  }
0x18c: {  	[hbm:s15], [sflag:s10] =	dma.local [spmem:s14], $0x2800  }
0x18d: {  	_ =	swait.ge [sflag:s17], $0x2800  }
0x18e: {  	[sflag:s17] =	ssyncset.done $0x0;
	s18 =	rddreg [dreg:$0x17]  }
0x18f: {  	s19 =	rddreg [dreg:$0xf];
	[sflag:s17] =	ssyncadd.s32 $0xFFFFD800;
	s14 =	sshrl.u32 s18, $0x3  }
0x190: {  	[hbm:s19], [sflag:s10] =	dma.local [spmem:s14], $0x50  }
0x191: {  	_ =	swait.ge [sflag:s17], $0x50  }
0x192: {  	s0 =	sld [smem:$0x7FB]  }
0x193: {  	s25 =	sld [smem:$0x7FC];
	_ =	sdelay $0x1  }
0x194: {  	s0 =	sadd.s32 $0x1, s0  }
0x195: {  	p0 =	sne.s32 s0, s25  }
.Ltmp5:
0x196: {  	_ = 	snop;
	(pc) =	sbr.rel @p0 .LBB2_1-.Ltmp5, $3  }
0x197: {  	_ =	sdelay $0x1  }
0x198: {  	s2 =	simm.s32 $0x1;
	[sflag:s17] =	ssyncset.done $0x0  }
0x199: {  	s15 =	simm.s32 $0xC0;
	s19 =	simm.s32 $0x2;
	[sflag:s17] =	ssyncadd.s32 $0xFFFFFFB0  }
0x19a: {  	_ =	sfence.sel $0x180000  }
0x19b: {  	[bflag:$0x0] =	sbarrier.arrive $0xFFFF  }
0x19c: {  	_ =	strace $0x90000047  }
0x19d: {  	s0 =	stileid.u32;
	[bflag:$0x2] =	sbarrier.arrive $0xFFFF  }
0x19e: {  	p0 =	sne.s32 s0, $0x0;
	s0 =	rddreg [dreg:$0x5]  }
0x19f: {  	s0 =	sadd.s32 @!p0 $0x100000, s0  }
0x1a0: {  	[sflag:s0] =	ssyncadd.tile.s32 @!p0 $0x1;
	_ =	shalt  }
.Lfunc_end2:
_tile_overlayer_lowered:
.L_overlay_start_2:
0x1a1: {  	(tag) =	ssettag $0x2  }
0x1a2: {  	s0 =	rddreg [dreg:$0x0];
	s2 =	stileid.u32  }
0x1a3: {  	s1 =	rddreg [dreg:$0x1];
	p0 =	sne.s32 s2, $0x0  }
0x1a4: {  	s3 =	rddreg [dreg:$0x2];
	[bflag:$0x3] =	sbarrier.arrive $0xFFFF;
	s2 =	simm.s32 @!p0 $0x1C0E  }
0x1a5: {  	[timem:s3], [sflag:s2] =	dma.local @!p0 [hbm:s0], s1  }
0x1a6: {  	s0 =	simm.s32 @!p0 $0xE  }
0x1a7: {  	_ =	swait.ge @!p0 [sflag:s0], s1  }
0x1a8: {  	s1 =	ssub.s32 @!p0 $0x0, s1;
	[sflag:s0] =	ssyncset.done @!p0 $0x0  }
0x1a9: {  	[sflag:s0] =	ssyncadd.s32 @!p0 s1  }
0x1aa: {  	[bflag:$0x3] =	sbarrier.arrive $0xFFFF  }
0x1ab: {  	_ =	shalt  }

// kernel: kernel.9.cloned.1.call-start
scs
__scs_entry_jumppad:
0x0: {  	(pc) =	sbr.rel $0x88, $3  }
0x1: {  	(tag) =	ssettag $0x0;
	lr =	simm.s32 $0x1  }
0x2: {  	[smem:$0x3F99] =	sst lr;
	_ =	strace $0xD0000000  }
0x3: {  	_ = 	snop  }
0x4: {  	_ = 	snop  }
0x5: {  	_ = 	snop  }
0x6: {  	_ = 	snop  }
0x7: {  	_ = 	snop  }
__scs_overlays_trampoline_lowered:
0x8: {  	[smem:$0x3FA8] =	sst s0  }
0x9: {  	[smem:$0x3FA9] =	sst s1  }
0xa: {  	[smem:$0x3FAA] =	sst s2  }
0xb: {  	[smem:$0x3FAB] =	sst s3  }
0xc: {  	[smem:$0x3FAC] =	sst s4  }
0xd: {  	[smem:$0x3FAD] =	sst s5  }
0xe: {  	[smem:$0x3FAE] =	sst s6  }
0xf: {  	[smem:$0x3FAF] =	sst s7  }
0x10: {  	[smem:$0x3FB0] =	sst s8  }
0x11: {  	[smem:$0x3FB1] =	sst s9;
	s0 =	simm.s32 @!p0 $0x0  }
0x12: {  	s1 =	sld [smem:$0x3F97];
	s0 =	simm.s32 @p0 $0x1  }
0x13: {  	[smem:$0x3FB2] =	sst s0;
	s0 =	simm.s32 @!p1 $0x0  }
0x14: {  	s2 =	sld [smem:$0x3F96];
	s0 =	simm.s32 @p1 $0x1  }
0x15: {  	[smem:$0x3FB3] =	sst s0;
	s0 =	simm.s32 @!p2 $0x0  }
0x16: {  	s3 =	sld [smem:$0x3FDB];
	s0 =	simm.s32 @p2 $0x1  }
0x17: {  	s4 =	simm.s32 $0x1BF5;
	[smem:$0x3FB5] =	sst s0  }
0x18: {  	s0 =	sld [smem:$0x3F98];
	_ =	swait.ge [sflag:s4], $0x0  }
0x19: {  	s7 =	sld [smem:$0x3F99]  }
0x1a: {  	s8 =	sadd.s32 $0xFFFFE003, lr  }
0x1b: {  	s9 =	sadd.s32 $0xFFFFFEF7, lr;
	s5 =	simm.s32 $0xFFFFFFFF;
	p2 =	slt.u32 s8, $0xFFFFF086  }
0x1c: {  	p1 =	slt.u32 s9, $0xF7A;
	s5 =	simm.s32 @!p2 $0x0  }
0x1d: {  	s5 =	simm.s32 @p1 $0x1;
	p0 =	seq.s32 s7, s2  }
0x1e: {  	s7 =	smul.u32 @!p0 $0xF7A, s2;
	p2 =	seq.s32 @!p0 s5, $0x0  }
0x1f: {  	s9 =	smul.u32 $0xF7A, s1;
	s8 =	simm.s32 @!p0 $0x1BF5;
	p2 =	por !p2, p0  }
0x20: {  	[sflag:s8] =	ssyncset.s32 @!p0 $0xFFFFF086;
	s6 =	sadd.s32 @!p0 s3, s7;
	s7 =	simm.s32 @!p0 $0x108  }
0x21: {  	s3 =	sadd.s32 s3, s9;
	s6 =	sadd.s32 @!p0 $0x88, s6;
	s7 =	simm.s32 @p2 $0x1082  }
0x22: {  	[simem:s7], [sflag:s8] =	dma.local @!p0 [hbm:s6], $0xF7A  }
0x23: {  	s9 =	sor.u32 $0xD0000000, s2;
	s6 =	simm.s32 $0x108;
	_ =	swait.ge @!p0 [sflag:s8], $0x0  }
0x24: {  	s3 =	sadd.s32 $0x88, s3;
	s6 =	simm.s32 @!p1 $0x1082;
	[sflag:s4] =	ssyncset.s32 $0xFFFFF086  }
0x25: {  	[simem:s6], [sflag:s4] =	dma.local [hbm:s3], $0xF7A  }
0x26: {  	[smem:$0x3F99] =	sst s1;
	(tag) =	ssettag s2;
	_ =	strace s9  }
0x27: {  	s1 =	sld [smem:$0x3FA9]  }
0x28: {  	s2 =	sld [smem:$0x3FAA]  }
0x29: {  	s4 =	sld [smem:$0x3FAC]  }
0x2a: {  	p0 =	seq.s32 s5, $0x0;
	s5 =	sld [smem:$0x3FAD]  }
0x2b: {  	s6 =	sld [smem:$0x3FAE]  }
0x2c: {  	s7 =	sld [smem:$0x3FAF]  }
0x2d: {  	s3 =	simm.s32 $0x108;
	s8 =	sld [smem:$0x3FB0]  }
0x2e: {  	s3 =	simm.s32 @!p0 $0x1082;
	s9 =	sld [smem:$0x3FB1]  }
0x2f: {  	lr =	sadd.s32 s0, s3;
	s0 =	sld [smem:$0x3FA8]  }
0x30: {  	s3 =	sld [smem:$0x3FAB]  }
0x31: {  	[smem:$0x3FB4] =	sst s10  }
0x32: {  	s10 =	sld [smem:$0x3FB2];
	_ =	sdelay $0x3  }
0x33: {  	p0 =	seq.s32 s10, $0x1;
	s10 =	sld [smem:$0x3FB4];
	_ =	sdelay $0x3  }
0x34: {  	[smem:$0x3FB4] =	sst s10  }
0x35: {  	s10 =	sld [smem:$0x3FB3];
	_ =	sdelay $0x3  }
0x36: {  	p1 =	seq.s32 s10, $0x1;
	s10 =	sld [smem:$0x3FB4];
	_ =	sdelay $0x3  }
0x37: {  	[smem:$0x3FB4] =	sst s10  }
0x38: {  	s10 =	sld [smem:$0x3FB5]  }
0x39: {  	_ = 	snop;
	(pc) =	sbr.ind lr, $3  }
0x3a: {  	_ = 	snop  }
0x3b: {  	_ = 	snop  }
0x3c: {  	p2 =	seq.s32 s10, $0x1;
	s10 =	sld [smem:$0x3FB4]  }
0x3d: {  	_ =	shalt  }
0x3e: {  	_ =	shalt  }
0x3f: {  	_ =	shalt  }
0x40: {  	_ =	shalt  }
0x41: {  	_ =	shalt  }
0x42: {  	_ =	shalt  }
0x43: {  	_ =	shalt  }
0x44: {  	_ =	shalt  }
0x45: {  	_ =	shalt  }
0x46: {  	_ =	shalt  }
0x47: {  	_ =	shalt  }
0x48: {  	_ =	shalt  }
0x49: {  	_ =	shalt  }
0x4a: {  	_ =	shalt  }
0x4b: {  	_ =	shalt  }
0x4c: {  	_ =	shalt  }
0x4d: {  	_ =	shalt  }
0x4e: {  	_ =	shalt  }
0x4f: {  	_ =	shalt  }
0x50: {  	_ =	shalt  }
0x51: {  	_ =	shalt  }
0x52: {  	_ =	shalt  }
0x53: {  	_ =	shalt  }
0x54: {  	_ =	shalt  }
0x55: {  	_ =	shalt  }
0x56: {  	_ =	shalt  }
0x57: {  	_ =	shalt  }
0x58: {  	_ =	shalt  }
0x59: {  	_ =	shalt  }
0x5a: {  	_ =	shalt  }
0x5b: {  	_ =	shalt  }
0x5c: {  	_ =	shalt  }
0x5d: {  	_ =	shalt  }
0x5e: {  	_ =	shalt  }
0x5f: {  	_ =	shalt  }
0x60: {  	_ =	shalt  }
0x61: {  	_ =	shalt  }
0x62: {  	_ =	shalt  }
0x63: {  	_ =	shalt  }
0x64: {  	_ =	shalt  }
0x65: {  	_ =	shalt  }
0x66: {  	_ =	shalt  }
0x67: {  	_ =	shalt  }
0x68: {  	_ =	shalt  }
0x69: {  	_ =	shalt  }
0x6a: {  	_ =	shalt  }
0x6b: {  	_ =	shalt  }
0x6c: {  	_ =	shalt  }
0x6d: {  	_ =	shalt  }
0x6e: {  	_ =	shalt  }
0x6f: {  	_ =	shalt  }
0x70: {  	_ =	shalt  }
0x71: {  	_ =	shalt  }
0x72: {  	_ =	shalt  }
0x73: {  	_ =	shalt  }
0x74: {  	_ =	shalt  }
0x75: {  	_ =	shalt  }
0x76: {  	_ =	shalt  }
0x77: {  	_ =	shalt  }
0x78: {  	_ =	shalt  }
0x79: {  	_ =	shalt  }
0x7a: {  	_ =	shalt  }
0x7b: {  	_ =	shalt  }
0x7c: {  	_ =	shalt  }
0x7d: {  	_ =	shalt  }
0x7e: {  	_ =	shalt  }
0x7f: {  	_ =	shalt  }
0x80: {  	_ =	shalt  }
0x81: {  	_ =	shalt  }
0x82: {  	_ =	shalt  }
0x83: {  	_ =	shalt  }
0x84: {  	_ =	shalt  }
0x85: {  	_ =	shalt  }
0x86: {  	_ =	shalt  }
0x87: {  	_ =	shalt  }
.Lfunc_end0:
.L_simem_size_0:
called_computation.1_lowered:
.L_overlay_start_0:
0x88: {  	s2 =	sld [smem:$0x3FD9]  }
0x89: {  	s3 =	sld [smem:$0x3FFE];
	_ =	sdelay $0x1  }
0x8a: {  	s1 =	srdreg.scid  }
0x8b: {  	s0 =	sand.u32 $0x1, s1  }
0x8c: {  	s16 =	sshll.u32 s0, $0xA;
	s2 =	sadd.s32 s3, s2  }
0x8d: {  	s2 =	sadd.s32 s2, s16  }
0x8e: {  	[smem:$0x3FC0] =	sst s2  }
0x8f: {  	_ = 	snop  }
0x90: {  	(tm) =	ssettm $0x1  }
0x91: {  	s17 =	sld [smem:$0x3FFB];
	_ =	sdelay $0x3  }
0x92: {  	_ =	strace s17  }
0x93: {  	s2 =	sld [smem:$0x3FFC];
	_ =	sdelay $0x3  }
0x94: {  	_ =	strace s2  }
0x95: {  	s2 =	sld [smem:$0x3FFD];
	_ =	sdelay $0x3  }
0x96: {  	_ =	strace s2  }
0x97: {  	_ =	strace $0x8FFFFFFF  }
0x98: {  	s18 =	sld [smem:$0x3FDB];
	_ =	sdelay $0x1  }
0x99: {  	s19 =	simm.s32 $_scs_section_size  }
0x9a: {  	s4 =	simm.s32 $_size__tile_overlayer_lowered;
	s5 =	simm.s32 $_tile_overlayer_lowered  }
0x9b: {  	s22 =	simm.s32 $0x1BFF;
	s21 =	sshll.u32 s5, $0x1;
	s2 =	sadd.s32 s19, s18  }
0x9c: {  	s6 =	simm.s32 $0x0;
	s20 =	sshll.u32 s4, $0x1;
	s4 =	sadd.s32 s21, s2  }
0x9d: {  	[timem:s6], [sflag:s22] =	dma.local [hbm:s4], s20  }
0x9e: {  	_ =	swait.ge [sflag:s22], s20  }
0x9f: {  	s3 =	ssub.s32 $0x0, s20;
	[sflag:s22] =	ssyncset.done $0x0  }
0xa0: {  	[sflag:s22] =	ssyncadd.s32 s3;
	_ =	sdelay $0x1  }
0xa1: {  	s23 =	simm.s32 $0x1B8B  }
0xa2: {  	_ =	swait.ge [sflag:s23], $0x1  }
0xa3: {  	[sflag:s23] =	ssyncset.done $0x0  }
0xa4: {  	s25 =	simm.s32 $0x1B8E;
	s24 =	sld [smem:$0x3FFE];
	[sflag:s23] =	ssyncadd.s32 $0xFFFFFFFF  }
0xa5: {  	s26 =	simm.s32 $execute0_lowered;
	[smem:$0x3FD2] =	sst s25  }
0xa6: {  	s4 =	sshll.u32 s26, $0x1;
	_ =	strace $0x80000049;
	[dreg:$0x1] =	wrdreg $0xFFFFFFFF  }
0xa7: {  	s28 =	simm.s32 $_size_execute0_lowered;
	s2 =	sadd.s32 s2, s4;
	[dreg:$0x0] =	wrdreg $0x0  }
0xa8: {  	s4 =	sshll.u32 s28, $0x1;
	[dreg:$0x2] =	wrdreg s2  }
0xa9: {  	[dreg:$0x3] =	wrdreg s4  }
0xaa: {  	[dreg:$0x4] =	wrdreg $0xC0  }
0xab: {  	_ =	task [dreg:s6], $0x5FFFF  }
0xac: {  	[dreg:$0x1] =	wrdreg $0xFFFFFFFF  }
0xad: {  	[dreg:$0x0] =	wrdreg $0x60  }
0xae: {  	[dreg:$0x2] =	wrdreg s24  }
0xaf: {  	[dreg:$0x3] =	wrdreg $0x56000  }
0xb0: {  	[dreg:$0x4] =	wrdreg $0x9  }
0xb1: {  	_ =	task.clear_ibuf [dreg:s6], $0x5FFFF;
	_ =	strace $0x90000049  }
0xb2: {  	s29 =	simm.s32 $0x9;
	_ =	strace $0x8000004B  }
0xb3: {  	_ =	swait.ge [sflag:s29], $0x1  }
0xb4: {  	[sflag:s29] =	ssyncadd.s32 $0xFFFFFFFF  }
0xb5: {  	_ =	strace $0x9000004B  }
0xb6: {  	_ =	sfence  }
0xb7: {  	s30 =	sld [smem:$0x0];
	_ =	sdelay $0x2  }
0xb8: {  	s31 =	sshll.u32 s1, $0xD;
	s1 =	sshrl.u32 s1, $0x2  }
0xb9: {  	s3 =	sand.u32 $0x4000, s31;
	s1 =	sadd.s32 s1, s30  }
0xba: {  	s0 =	sor.u32 s3, s0;
	s1 =	sshll.u32 s1, $0x11  }
0xbb: {  	s0 =	sor.u32 s1, s0  }
0xbc: {  	s0 =	sadd.s32 $0x8F2B, s0  }
0xbd: {  	[sflag:s0] =	ssyncadd.remote.s32 $0x1  }
0xbe: {  	_ =	sfence.sel $0xFFFF  }
0xbf: {  	[dreg:$0x0] =	wrdreg $0xFFFFFFFF;
	(pc) =	sbr.abs _section_cstart, $3  }
0xc0: {  	[dreg:$0x1] =	wrdreg $0xFFFFFFFF  }
0xc1: {  	_ =	task.clear_ibuf [dreg:s6], $0x2FFFF;
	_ =	strace $0x9FFFFFFF  }
0xc2: {  	(tm) =	ssettm $0x7FFFFFFF  }
0xc3: {  	_ =	shalt  }
tec
execute0_lowered:
.L_overlay_start_1:
0x0: {  	(tag) =	ssettag $0x1  }
0x1: {  	s0 =	rddreg [dreg:$0x0]  }
0x2: {  	s2 =	rddreg [dreg:$0x1];
	s11 =	stileid.u32  }
0x3: {  	s3 =	simm.s32 $0x0;
	s1 =	srdreg.scid;
	s28 =	simm.s32 $0x80  }
0x4: {  	s29 =	simm.s32 $0x100;
	s30 =	simm.s32 $0x180;
	s4 =	smul.u32 $0x38, s11  }
0x5: {  	s31 =	simm.s32 $0x1;
	s13 =	simm.s32 $0x4;
	s5 =	smul.u32 $0x68, s11  }
0x6: {  	[smem:$0x7FF] =	sst s3;
	s1 =	sand.u32 $0x1, s1;
	s8 =	smul.u32 $0x2800, s11  }
0x7: {  	s6 =	sadd.s32 $0xBE00, s0;
	s11 =	smul.u32 $0xA000, s11;
	p0 =	seq.s32 s1, $0x0  }
0x8: {  	s7 =	smul.u32 $0x28000, s1;
	_ =	strace $0x8000004A;
	s1 =	ssub.s32 $0x2, s1  }
0x9: {  	s4 =	sadd.s32 $0x680, s4;
	s12 =	sshrl.u32 s1, $0x1;
	s11 =	sshrl.u32 s11, $0x2  }
0xa: {  	s4 =	smov.u32 @p0 s5;
	s5 =	sadd.s32 $0x16200, s0;
	s7 =	sadd.s32 s8, s7  }
0xb: {  	s1 =	ssub.s32 s1, s12;
	s8 =	sadd.s32 s8, s2;
	s14 =	sadd.s32 s11, s2  }
0xc: {  	s12 =	simm.s32 $0x200;
	s11 =	simm.s32 $0x4600;
	s10 =	sshll.u32 s4, $0x4  }
0xd: {  	s7 =	sshrl.u32 s7, $0x3;
	[dreg:$0x5] =	wrdreg s8;
	s15 =	sadd.s32 $0x800, s14  }
0xe: {  	s16 =	sadd.s32 $0x1000, s14;
	s18 =	sadd.s32 $0x1800, s14;
	[dreg:$0x6] =	wrdreg s15  }
0xf: {  	s8 =	sadd.s32 $0x2000, s14;
	s1 =	smax.u32 s1, $0x1;
	[dreg:$0x7] =	wrdreg s16  }
0x10: {  	s14 =	simm.s32 $0x6;
	s9 =	sadd.s32 s10, s0;
	[dreg:$0x9] =	wrdreg s18  }
0x11: {  	s0 =	sadd.s32 s7, s0;
	s7 =	simm.s32 $0x68;
	[dreg:$0xa] =	wrdreg s8  }
0x12: {  	s17 =	sadd.s32 s6, s10;
	[dreg:$0x13] =	wrdreg s1;
	s1 =	simm.s32 $0x3E00  }
0x13: {  	s8 =	simm.s32 $0x3;
	s9 =	sadd.s32 $0x1A00, s9;
	[dreg:$0x8] =	wrdreg s17  }
0x14: {  	s10 =	simm.s32 $0x5;
	s19 =	sadd.s32 $0x10, s17;
	[dreg:$0x4] =	wrdreg s9  }
0x15: {  	s15 =	simm.s32 $0x4E00;
	s20 =	sadd.s32 $0x20, s17;
	[dreg:$0xb] =	wrdreg s19  }
0x16: {  	s16 =	simm.s32 $0x7;
	s21 =	sadd.s32 $0x30, s17;
	[dreg:$0xc] =	wrdreg s20  }
0x17: {  	s18 =	simm.s32 $0xA;
	s22 =	sadd.s32 $0x40, s17;
	[dreg:$0xd] =	wrdreg s21  }
0x18: {  	s7 =	simm.s32 @!p0 $0x38;
	s23 =	sadd.s32 $0x50, s17;
	[dreg:$0xe] =	wrdreg s22  }
0x19: {  	s24 =	sadd.s32 $0x60, s17;
	s0 =	sadd.s32 $0x1B200, s0;
	[dreg:$0xf] =	wrdreg s23  }
0x1a: {  	[dreg:$0x10] =	wrdreg s24;
	s25 =	sshll.u32 s7, $0x9;
	s9 =	sadd.s32 $0x70, s17  }
0x1b: {  	[dreg:$0x12] =	wrdreg s0;
	s0 =	simm.s32 $0x2;
	s17 =	simm.s32 $0x9  }
0x1c: {  	s19 =	simm.s32 $0xB;
	s20 =	simm.s32 $0xC;
	s21 =	simm.s32 $0x8  }
0x1d: {  	s24 =	simm.s32 $0x0;
	[dreg:$0x11] =	wrdreg s9;
	s26 =	sadd.s32 $0xFFFFF800, s25  }
0x1e: {  	v0 =	vimm.f32 $0.0e+00;
	s25 =	simm.s32 $0xD;
	[dreg:$0x3] =	wrdreg s26;
	s26 =	simm.s32 $0x3600  }
.LBB2_1:
0x1f: {  	s9 =	rddreg [dreg:$0x4]  }
0x20: {  	[tilespmem:s12], [sflag:$0xD] =	stream.linear.gather [hbm4b:s9+s3], $0x3400, $0x38;
	[tilespmem:$0x7E00] =	vst v63  }
0x21: {  	_ =	swait.ge [sflag:s25], $0x3400  }
0x22: {  	[sflag:s25] =	ssyncset.done $0x0  }
0x23: {  	s22 =	simm.s32 $0x40;
	s23 =	simm.s32 $0x0;
	[sflag:s25] =	ssyncadd.s32 $0xFFFFCC00  }
.LBB2_2:
0x24: {  	p0 =	sne.s32 s22, $0x1FC0;
	[tilespmem:s23+$0x3600] =	vst v0;
	s23 =	smov.u32 s22;
	s22 =	sadd.s32 $0x40, s22  }
.Ltmp0:
0x25: {  	(pc) =	sbr.rel @p0 .LBB2_2-.Ltmp0, $2  }
0x26: {  	_ =	sdelay $0x2  }
0x27: {  	s23 =	sshra.s32 s23, $0x2  }
0x28: {  	[tilespmem:s23+$0x3600] =	vst v0;
	s9 =	rddreg [dreg:$0x5]  }
0x29: {  	[spmem:s9] =	stream.linear.scatter [tilespmem:s26], [sflag:$0xD], $0x800, $0x38;
	[tilespmem:$0x7E00] =	vst v63  }
0x2a: {  	_ =	swait.ge [sflag:s25], $0x800  }
0x2b: {  	[sflag:s25] =	ssyncset.done $0x0  }
0x2c: {  	s23 =	rddreg [dreg:$0x6];
	[sflag:s25] =	ssyncadd.s32 $0xFFFFF800  }
0x2d: {  	[spmem:s23] =	stream.linear.scatter [tilespmem:s26], [sflag:$0xD], $0x800, $0x38;
	[tilespmem:$0x7E00] =	vst v63  }
0x2e: {  	_ =	swait.ge [sflag:s25], $0x800  }
0x2f: {  	[sflag:s25] =	ssyncset.done $0x0  }
0x30: {  	s22 =	rddreg [dreg:$0x7];
	[sflag:s25] =	ssyncadd.s32 $0xFFFFF800  }
0x31: {  	[spmem:s22] =	stream.linear.scatter [tilespmem:s26], [sflag:$0xD], $0x800, $0x38;
	[tilespmem:$0x7E00] =	vst v63  }
0x32: {  	_ =	swait.ge [sflag:s25], $0x800  }
0x33: {  	[sflag:s25] =	ssyncset.done $0x0  }
0x34: {  	s23 =	rddreg [dreg:$0x9];
	[sflag:s25] =	ssyncadd.s32 $0xFFFFF800  }
0x35: {  	[spmem:s23] =	stream.linear.scatter [tilespmem:s26], [sflag:$0xD], $0x800, $0x38;
	[tilespmem:$0x7E00] =	vst v63  }
0x36: {  	_ =	swait.ge [sflag:s25], $0x800  }
0x37: {  	[sflag:s25] =	ssyncset.done $0x0  }
0x38: {  	s22 =	rddreg [dreg:$0xa];
	[sflag:s25] =	ssyncadd.s32 $0xFFFFF800  }
0x39: {  	[spmem:s22] =	stream.linear.scatter [tilespmem:s26], [sflag:$0xD], $0x800, $0x38;
	[tilespmem:$0x7E00] =	vst v63  }
0x3a: {  	_ =	swait.ge [sflag:s25], $0x800  }
0x3b: {  	[sflag:s25] =	ssyncset.done $0x0  }
0x3c: {  	[sflag:s25] =	ssyncadd.s32 $0xFFFFF800  }
0x3d: {  	[bflag:$0x0] =	sbarrier.arrive $0xFFFF  }
0x3e: {  	s22 =	simm.s32 $0x0;
	s23 =	rddreg [dreg:$0x8]  }
0x3f: {  	[tilespmem:s22], [sflag:$0x1] =	stream.linear.gather [hbm4b:s23+s22], $0x80, $0x38;
	[tilespmem:$0x7E00] =	vst v63  }
0x40: {  	s23 =	rddreg [dreg:$0xb]  }
0x41: {  	[tilespmem:s28], [sflag:$0x2] =	stream.linear.gather [hbm4b:s23+s22], $0x80, $0x38;
	[tilespmem:$0x7E00] =	vst v63  }
0x42: {  	s23 =	rddreg [dreg:$0xc]  }
0x43: {  	[tilespmem:s29], [sflag:$0x3] =	stream.linear.gather [hbm4b:s23+s22], $0x80, $0x38;
	[tilespmem:$0x7E00] =	vst v63  }
0x44: {  	s23 =	rddreg [dreg:$0xd]  }
0x45: {  	[tilespmem:s30], [sflag:$0x4] =	stream.linear.gather [hbm4b:s23+s22], $0x80, $0x38;
	[tilespmem:$0x7E00] =	vst v63  }
0x46: {  	_ =	swait.ge [sflag:s31], $0x80  }
0x47: {  	[sflag:s31] =	ssyncset.done $0x0  }
0x48: {  	[sflag:s31] =	ssyncadd.s32 $0xFFFFFF80  }
0x49: {  	[tilespmem:s26], [sflag:$0x5] =	stream.indirect.gather [hbm4b:s5+s28], $0x10, s22, s28, $0xb8;
	[tilespmem:$0x7E00] =	vst v63  }
0x4a: {  	_ =	swait.ge [sflag:s0], $0x80  }
0x4b: {  	[sflag:s0] =	ssyncset.done $0x0  }
0x4c: {  	[sflag:s0] =	ssyncadd.s32 $0xFFFFFF80  }
0x4d: {  	[tilespmem:s1], [sflag:$0x6] =	stream.indirect.gather [hbm4b:s5+s28], $0x10, s28, s28, $0xb8;
	[tilespmem:$0x7E00] =	vst v63  }
0x4e: {  	_ =	swait.ge [sflag:s8], $0x80  }
0x4f: {  	[sflag:s8] =	ssyncset.done $0x0  }
0x50: {  	[sflag:s8] =	ssyncadd.s32 $0xFFFFFF80  }
0x51: {  	_ =	swait.ge [sflag:s10], $0x800  }
0x52: {  	[sflag:s10] =	ssyncset.done $0x0  }
0x53: {  	[sflag:s10] =	ssyncadd.s32 $0xFFFFF800  }
0x54: {  	[spmem:s2] =	stream.indirect.scatter.add.f32 [tilespmem:s26], [sflag:$0x9], $0x10, s12, s28, $0xb8;
	[tilespmem:$0x7E00] =	vst v63  }
0x55: {  	_ = 	snop  }
0x56: {  	[tilespmem:s11], [sflag:$0x7] =	stream.indirect.gather [hbm4b:s5+s28], $0x10, s29, s28, $0xb8;
	[tilespmem:$0x7E00] =	vst v63  }
0x57: {  	s23 =	rddreg [dreg:$0xe]  }
0x58: {  	[tilespmem:s22], [sflag:$0x1] =	stream.linear.gather [hbm4b:s23+s22], $0x80, $0x38;
	[tilespmem:$0x7E00] =	vst v63  }
0x59: {  	_ =	swait.ge [sflag:s13], $0x80  }
0x5a: {  	[sflag:s13] =	ssyncset.done $0x0  }
0x5b: {  	[sflag:s13] =	ssyncadd.s32 $0xFFFFFF80  }
0x5c: {  	_ =	swait.ge [sflag:s14], $0x800  }
0x5d: {  	[sflag:s14] =	ssyncset.done $0x0  }
0x5e: {  	s12 =	simm.s32 $0x280;
	[sflag:s14] =	ssyncadd.s32 $0xFFFFF800  }
0x5f: {  	[spmem:s2] =	stream.indirect.scatter.add.f32 [tilespmem:s1], [sflag:$0xA], $0x10, s12, s28, $0xb8;
	[tilespmem:$0x7E00] =	vst v63  }
0x60: {  	_ = 	snop  }
0x61: {  	[tilespmem:s15], [sflag:$0x8] =	stream.indirect.gather [hbm4b:s5+s28], $0x10, s30, s28, $0xb8;
	[tilespmem:$0x7E00] =	vst v63  }
0x62: {  	s23 =	rddreg [dreg:$0xf]  }
0x63: {  	[tilespmem:s28], [sflag:$0x2] =	stream.linear.gather [hbm4b:s23+s22], $0x80, $0x38;
	[tilespmem:$0x7E00] =	vst v63  }
0x64: {  	_ =	swait.ge [sflag:s31], $0x80  }
0x65: {  	[sflag:s31] =	ssyncset.done $0x0  }
0x66: {  	[sflag:s31] =	ssyncadd.s32 $0xFFFFFF80  }
0x67: {  	_ =	swait.ge [sflag:s16], $0x800  }
0x68: {  	[sflag:s16] =	ssyncset.done $0x0  }
0x69: {  	s12 =	simm.s32 $0x300;
	[sflag:s16] =	ssyncadd.s32 $0xFFFFF800  }
0x6a: {  	[spmem:s2] =	stream.indirect.scatter.add.f32 [tilespmem:s11], [sflag:$0xB], $0x10, s12, s28, $0xb8;
	[tilespmem:$0x7E00] =	vst v63  }
0x6b: {  	_ =	swait.ge [sflag:s17], $0x800  }
0x6c: {  	[sflag:s17] =	ssyncset.done $0x0  }
0x6d: {  	[sflag:s17] =	ssyncadd.s32 $0xFFFFF800  }
0x6e: {  	[tilespmem:s26], [sflag:$0x5] =	stream.indirect.gather [hbm4b:s5+s28], $0x10, s22, s28, $0xb8;
	[tilespmem:$0x7E00] =	vst v63  }
0x6f: {  	s23 =	rddreg [dreg:$0x10]  }
0x70: {  	[tilespmem:s29], [sflag:$0x3] =	stream.linear.gather [hbm4b:s23+s22], $0x80, $0x38;
	[tilespmem:$0x7E00] =	vst v63  }
0x71: {  	_ =	swait.ge [sflag:s0], $0x80  }
0x72: {  	[sflag:s0] =	ssyncset.done $0x0  }
0x73: {  	s23 =	simm.s32 $0x8;
	[sflag:s0] =	ssyncadd.s32 $0xFFFFFF80  }
0x74: {  	_ =	swait.ge [sflag:s23], $0x800  }
0x75: {  	[sflag:s23] =	ssyncset.done $0x0  }
0x76: {  	s12 =	simm.s32 $0x380;
	[sflag:s23] =	ssyncadd.s32 $0xFFFFF800  }
0x77: {  	[spmem:s2] =	stream.indirect.scatter.add.f32 [tilespmem:s15], [sflag:$0xC], $0x10, s12, s28, $0xb8;
	[tilespmem:$0x7E00] =	vst v63  }
0x78: {  	_ =	swait.ge [sflag:s18], $0x800  }
0x79: {  	[sflag:s18] =	ssyncset.done $0x0  }
0x7a: {  	[sflag:s18] =	ssyncadd.s32 $0xFFFFF800  }
0x7b: {  	[tilespmem:s1], [sflag:$0x6] =	stream.indirect.gather [hbm4b:s5+s28], $0x10, s28, s28, $0xb8;
	[tilespmem:$0x7E00] =	vst v63  }
0x7c: {  	s12 =	rddreg [dreg:$0x11]  }
0x7d: {  	[tilespmem:s30], [sflag:$0x4] =	stream.linear.gather [hbm4b:s12+s22], $0x80, $0x38;
	[tilespmem:$0x7E00] =	vst v63  }
.LBB2_4:
0x7e: {  	_ =	swait.ge [sflag:s8], $0x80  }
0x7f: {  	[sflag:s8] =	ssyncset.done $0x0  }
0x80: {  	[sflag:s8] =	ssyncadd.s32 $0xFFFFFF80  }
0x81: {  	_ =	swait.ge [sflag:s10], $0x800  }
0x82: {  	s12 =	sshra.s32 s22, $0x2;
	[sflag:s10] =	ssyncset.done $0x0  }
0x83: {  	s9 =	sadd.s32 $0x400, s12;
	[sflag:s10] =	ssyncadd.s32 $0xFFFFF800  }
0x84: {  	[spmem:s2] =	stream.indirect.scatter.add.f32 [tilespmem:s26], [sflag:$0x9], $0x10, s9, s28, $0xb8;
	[tilespmem:$0x7E00] =	vst v63  }
0x85: {  	_ =	swait.ge [sflag:s19], $0x800  }
0x86: {  	(drf) =	srem.u32 s23, s7;
	_ =	sdelay $0x5  }
0x87: {  	[sflag:s19] =	ssyncset.done $0x0  }
0x88: {  	[sflag:s19] =	ssyncadd.s32 $0xFFFFF800  }
0x89: {  	[tilespmem:s11], [sflag:$0x7] =	stream.indirect.gather [hbm4b:s5+s28], $0x10, s29, s28, $0xb8;
	[tilespmem:$0x7E00] =	vst v63  }
0x8a: {  	s9 =	spop (drf)  }
0x8b: {  	s9 =	sadd.s32 s4, s9  }
0x8c: {  	s9 =	sshll.u32 s9, $0x4  }
0x8d: {  	s9 =	sand.u32 $0x1FFC0, s9  }
0x8e: {  	s9 =	sadd.s32 s6, s9  }
0x8f: {  	[tilespmem:s3], [sflag:$0x1] =	stream.linear.gather [hbm4b:s9+s3], $0x80, $0x38;
	[tilespmem:$0x7E00] =	vst v63  }
0x90: {  	_ =	swait.ge [sflag:s13], $0x80  }
0x91: {  	[sflag:s13] =	ssyncset.done $0x0  }
0x92: {  	[sflag:s13] =	ssyncadd.s32 $0xFFFFFF80  }
0x93: {  	_ =	swait.ge [sflag:s14], $0x800  }
0x94: {  	[sflag:s14] =	ssyncset.done $0x0  }
0x95: {  	s9 =	sadd.s32 $0x480, s12;
	[sflag:s14] =	ssyncadd.s32 $0xFFFFF800  }
0x96: {  	[spmem:s2] =	stream.indirect.scatter.add.f32 [tilespmem:s1], [sflag:$0xA], $0x10, s9, s28, $0xb8;
	[tilespmem:$0x7E00] =	vst v63  }
0x97: {  	s9 =	sadd.s32 $0x1, s23;
	_ =	swait.ge [sflag:s20], $0x800  }
0x98: {  	(drf) =	srem.u32 s9, s7;
	_ =	sdelay $0x5  }
0x99: {  	[sflag:s20] =	ssyncset.done $0x0  }
0x9a: {  	[sflag:s20] =	ssyncadd.s32 $0xFFFFF800  }
0x9b: {  	[tilespmem:s15], [sflag:$0x8] =	stream.indirect.gather [hbm4b:s5+s28], $0x10, s30, s28, $0xb8;
	[tilespmem:$0x7E00] =	vst v63  }
0x9c: {  	s9 =	spop (drf)  }
0x9d: {  	s9 =	sadd.s32 s4, s9  }
0x9e: {  	s9 =	sshll.u32 s9, $0x4  }
0x9f: {  	s9 =	sand.u32 $0x1FFD0, s9  }
0xa0: {  	s9 =	sadd.s32 s6, s9  }
0xa1: {  	[tilespmem:s28], [sflag:$0x2] =	stream.linear.gather [hbm4b:s9+s3], $0x80, $0x38;
	[tilespmem:$0x7E00] =	vst v63  }
0xa2: {  	_ =	swait.ge [sflag:s31], $0x80  }
0xa3: {  	[sflag:s31] =	ssyncset.done $0x0  }
0xa4: {  	[sflag:s31] =	ssyncadd.s32 $0xFFFFFF80  }
0xa5: {  	_ =	swait.ge [sflag:s16], $0x800  }
0xa6: {  	[sflag:s16] =	ssyncset.done $0x0  }
0xa7: {  	s9 =	sadd.s32 $0x500, s12;
	[sflag:s16] =	ssyncadd.s32 $0xFFFFF800  }
0xa8: {  	[spmem:s2] =	stream.indirect.scatter.add.f32 [tilespmem:s11], [sflag:$0xB], $0x10, s9, s28, $0xb8;
	[tilespmem:$0x7E00] =	vst v63  }
0xa9: {  	s9 =	sadd.s32 $0x2, s23;
	_ =	swait.ge [sflag:s17], $0x800  }
0xaa: {  	(drf) =	srem.u32 s9, s7;
	_ =	sdelay $0x5  }
0xab: {  	[sflag:s17] =	ssyncset.done $0x0  }
0xac: {  	[sflag:s17] =	ssyncadd.s32 $0xFFFFF800  }
0xad: {  	[tilespmem:s26], [sflag:$0x5] =	stream.indirect.gather [hbm4b:s5+s28], $0x10, s3, s28, $0xb8;
	[tilespmem:$0x7E00] =	vst v63  }
0xae: {  	s9 =	spop (drf)  }
0xaf: {  	s9 =	sadd.s32 s4, s9  }
0xb0: {  	s9 =	sshll.u32 s9, $0x4  }
0xb1: {  	s9 =	sand.u32 $0x1FFE0, s9  }
0xb2: {  	s9 =	sadd.s32 s6, s9  }
0xb3: {  	[tilespmem:s29], [sflag:$0x3] =	stream.linear.gather [hbm4b:s9+s3], $0x80, $0x38;
	[tilespmem:$0x7E00] =	vst v63  }
0xb4: {  	_ =	swait.ge [sflag:s0], $0x80  }
0xb5: {  	[sflag:s0] =	ssyncset.done $0x0  }
0xb6: {  	[sflag:s0] =	ssyncadd.s32 $0xFFFFFF80  }
0xb7: {  	_ =	swait.ge [sflag:s21], $0x800  }
0xb8: {  	[sflag:s21] =	ssyncset.done $0x0  }
0xb9: {  	s12 =	sadd.s32 $0x580, s12;
	[sflag:s21] =	ssyncadd.s32 $0xFFFFF800  }
0xba: {  	[spmem:s2] =	stream.indirect.scatter.add.f32 [tilespmem:s15], [sflag:$0xC], $0x10, s12, s28, $0xb8;
	[tilespmem:$0x7E00] =	vst v63  }
0xbb: {  	s12 =	sadd.s32 $0x3, s23;
	_ =	swait.ge [sflag:s18], $0x800  }
0xbc: {  	(drf) =	srem.u32 s12, s7;
	_ =	sdelay $0x5  }
0xbd: {  	s22 =	sadd.s32 $0x800, s22;
	[sflag:s18] =	ssyncset.done $0x0;
	s12 =	rddreg [dreg:$0x3]  }
0xbe: {  	[sflag:s18] =	ssyncadd.s32 $0xFFFFF800;
	p0 =	sne.s32 s12, s22  }
0xbf: {  	[tilespmem:s1], [sflag:$0x6] =	stream.indirect.gather [hbm4b:s5+s28], $0x10, s28, s28, $0xb8;
	[tilespmem:$0x7E00] =	vst v63  }
.Ltmp1:
0xc0: {  	s9 =	spop (drf);
	(pc) =	sbr.rel @p0 .LBB2_4-.Ltmp1, $4  }
0xc1: {  	s9 =	sadd.s32 s4, s9  }
0xc2: {  	s9 =	sshll.u32 s9, $0x4  }
0xc3: {  	s23 =	sadd.s32 $0x4, s23;
	s9 =	sadd.s32 s6, s9  }
0xc4: {  	[tilespmem:s30], [sflag:$0x4] =	stream.linear.gather [hbm4b:s9+s3], $0x80, $0x38;
	[tilespmem:$0x7E00] =	vst v63  }
0xc5: {  	_ =	swait.ge [sflag:s10], $0x800  }
0xc6: {  	[sflag:s10] =	ssyncset.done $0x0  }
0xc7: {  	[sflag:s10] =	ssyncadd.s32 $0xFFFFF800  }
0xc8: {  	_ =	swait.ge [sflag:s14], $0x800  }
0xc9: {  	[sflag:s14] =	ssyncset.done $0x0  }
0xca: {  	[sflag:s14] =	ssyncadd.s32 $0xFFFFF800  }
0xcb: {  	_ =	swait.ge [sflag:s19], $0x800  }
0xcc: {  	[sflag:s19] =	ssyncset.done $0x0  }
0xcd: {  	[sflag:s19] =	ssyncadd.s32 $0xFFFFF800  }
0xce: {  	_ =	swait.ge [sflag:s20], $0x800  }
0xcf: {  	[sflag:s20] =	ssyncset.done $0x0  }
0xd0: {  	[sflag:s20] =	ssyncadd.s32 $0xFFFFF800  }
0xd1: {  	_ =	swait.ge [sflag:s8], $0x80  }
0xd2: {  	[sflag:s8] =	ssyncset.done $0x0  }
0xd3: {  	[sflag:s8] =	ssyncadd.s32 $0xFFFFFF80  }
0xd4: {  	_ =	swait.ge [sflag:s13], $0x80  }
0xd5: {  	[sflag:s13] =	ssyncset.done $0x0  }
0xd6: {  	[sflag:s13] =	ssyncadd.s32 $0xFFFFFF80  }
0xd7: {  	s9 =	stileid.u32;
	[bflag:$0x0] =	sbarrier.arrive $0xFFFF  }
0xd8: {  	s9 =	sshll.u32 s9, $0x6;
	s12 =	rddreg [dreg:$0x5]  }
0xd9: {  	s9 =	sor.u32 $0x1C0D, s9;
	s22 =	rddreg [dreg:$0x12];
	s12 =	sshrl.u32 s12, $0x3  }
0xda: {  	[hbm:s22], [sflag:s9] =	dma.local [spmem:s12], $0x500  }
0xdb: {  	_ =	swait.ge [sflag:s25], $0x500  }
0xdc: {  	s24 =	sadd.s32 $0x1, s24;
	s23 =	rddreg [dreg:$0x13]  }
0xdd: {  	p0 =	sne.s32 s24, s23  }
.Ltmp2:
0xde: {  	_ = 	snop;
	(pc) =	sbr.rel @p0 .LBB2_1-.Ltmp2, $3  }
0xdf: {  	_ =	sdelay $0x1  }
0xe0: {  	[sflag:s25] =	ssyncset.done $0x0  }
0xe1: {  	s12 =	simm.s32 $0x200;
	[sflag:s25] =	ssyncadd.s32 $0xFFFFFB00  }
0xe2: {  	_ =	sfence.sel $0x180000  }
0xe3: {  	[bflag:$0x0] =	sbarrier.arrive $0xFFFF  }
0xe4: {  	_ =	strace $0x9000004A  }
0xe5: {  	s0 =	stileid.u32;
	[bflag:$0x2] =	sbarrier.arrive $0xFFFF  }
0xe6: {  	p0 =	sne.s32 s0, $0x0;
	s0 =	rddreg [dreg:$0x2]  }
0xe7: {  	s0 =	sadd.s32 @!p0 $0x100000, s0  }
0xe8: {  	[sflag:s0] =	ssyncadd.tile.s32 @!p0 $0x1;
	_ =	shalt  }
.Lfunc_end2:
_tile_overlayer_lowered:
.L_overlay_start_2:
0xe9: {  	(tag) =	ssettag $0x2  }
0xea: {  	s0 =	rddreg [dreg:$0x0];
	s2 =	stileid.u32  }
0xeb: {  	s1 =	rddreg [dreg:$0x1];
	p0 =	sne.s32 s2, $0x0  }
0xec: {  	s3 =	rddreg [dreg:$0x2];
	[bflag:$0x3] =	sbarrier.arrive $0xFFFF;
	s2 =	simm.s32 @!p0 $0x1C0D  }
0xed: {  	[timem:s3], [sflag:s2] =	dma.local @!p0 [hbm:s0], s1  }
0xee: {  	s0 =	simm.s32 @!p0 $0xD  }
0xef: {  	_ =	swait.ge @!p0 [sflag:s0], s1  }
0xf0: {  	s1 =	ssub.s32 @!p0 $0x0, s1;
	[sflag:s0] =	ssyncset.done @!p0 $0x0  }
0xf1: {  	[sflag:s0] =	ssyncadd.s32 @!p0 s1  }
0xf2: {  	[bflag:$0x3] =	sbarrier.arrive $0xFFFF  }
0xf3: {  	_ =	shalt  }

</sc_bundles>
